<compile_context>
chip_gen: v7x
topology: tpu7x:2x2x1
jax: 0.10.2.dev20260603
libtpu: 0.0.44.dev20260713+nightly
codegen_flags: <defaults>
</compile_context>

<pallas_src>
import jax
import jax.numpy as jnp
from jax import lax
from jax.experimental import pallas as pl
from jax.experimental.pallas import tpu as pltpu
from jax.experimental.pallas import tpu_sc as plsc

B = 16384
S = 200
V = 1000000
D = 64
C = 16

NC, NS = 2, 16
NW = NC * NS
RPW = B // NW
TS = 50
NSLAB = S // TS

MBLK = 16384
NBLK = (V + MBLK - 1) // MBLK
VP = NBLK * MBLK


def _mm_body(t_ref, w_ref, o_ref):
    res = lax.dot_general(t_ref[...].astype(jnp.bfloat16),
                          w_ref[...].astype(jnp.bfloat16),
                          (((0,), (0,)), ((), ())),
                          preferred_element_type=jnp.float32)
    for j in range(8):
        o_ref[:, j * C:(j + 1) * C] = res[j * (MBLK // 8):(j + 1) * (MBLK // 8), :]


def _project_table(table_t, w_t):
    return pl.pallas_call(
        _mm_body,
        grid=(NBLK,),
        in_specs=[
            pl.BlockSpec((D, MBLK), lambda i: (0, i)),
            pl.BlockSpec((D, C), lambda i: (0, 0)),
        ],
        out_specs=pl.BlockSpec((MBLK // 8, 8 * C), lambda i: (i, 0)),
        out_shape=jax.ShapeDtypeStruct((VP // 8, 8 * C), jnp.float32),
    )(table_t, w_t)


def _sc_body(y_hbm, len_hbm, p_hbm, b_hbm, out_hbm,
             xv0, xv1, rb0, rb1, accv, outv, lenv, biasv,
             sr0, sr1, sx0, sx1):
    xvs = (xv0, xv1)
    rbufs = (rb0, rb1)
    sems = (sr0, sr1)
    xsems = (sx0, sx1)
    wid = lax.axis_index("c") * NS + lax.axis_index("s")
    base = wid * RPW

    pltpu.sync_copy(b_hbm, biasv)
    pltpu.sync_copy(len_hbm.at[pl.ds(base, RPW)], lenv)
    bias = biasv[...]

    def zbody(i, _):
        z = jnp.zeros((16,), jnp.float32)
        for u in range(4):
            accv[i * 4 + u, :] = z
        return 0

    lax.fori_loop(0, RPW // 4, zbody, 0)

    NP = TS // 2

    def stage(sc, xq):
        for h in range(2):
            pltpu.async_copy(
                y_hbm.at[pl.ds(sc * NP, NP), pl.ds(h * B + base, RPW)],
                xvs[xq].at[:, pl.ds(h * RPW, RPW)],
                xsems[xq])

    def wait_x(xq):
        for h in range(2):
            pltpu.make_async_copy(
                y_hbm.at[pl.ds(0, NP), pl.ds(h * B + base, RPW)],
                xvs[xq].at[:, pl.ds(h * RPW, RPW)], xsems[xq]).wait()

    def issue(xq, prow, q):
        pltpu.async_copy(p_hbm.at[xvs[xq].at[prow]], rbufs[q], sems[q])

    def drain(q):
        pltpu.make_async_copy(p_hbm.at[xv0.at[0]], rbufs[q], sems[q]).wait()

    def accumulate(q):
        buf = rbufs[q]

        def abody(i, _):
            for u in range(16):
                r = i * 16 + u
                plsc.addupdate(accv.at[r], buf[r, :] + buf[RPW + r, :])
            return 0

        lax.fori_loop(0, RPW // 16, abody, 0)

    stage(0, 0)
    wait_x(0)
    issue(0, 0, 0)
    issue(0, 1, 1)
    stage(1, 1)

    def slab_pair(p_, _):
        for half in range(2):
            sc = p_ * 2 + half
            xq, nxq = half, 1 - half
            par = half

            def mbody(kk, _):
                for i01 in range(2):
                    p = kk * 2 + i01
                    q = (i01 + par) % 2
                    drain(q)
                    accumulate(q)
                    issue(xq, p + 2, q)
                return 0

            lax.fori_loop(0, (NP - 3) // 2, mbody, 0)

            q22 = (22 + par) % 2
            drain(q22)
            accumulate(q22)
            issue(xq, 24, q22)

            for pp in (23, 24):
                q = (pp + par) % 2
                drain(q)
                accumulate(q)

                @pl.when(sc + 1 < NSLAB)
                def _(q=q, nxq=nxq, pp=pp):
                    if pp == 23:
                        wait_x(nxq)
                    issue(nxq, pp - 23, q)

            @pl.when(sc + 2 < NSLAB)
            def _(sc=sc, xq=xq):
                stage(sc + 2, xq)
        return 0

    lax.fori_loop(0, NSLAB // 2, slab_pair, 0)

    def ebody(i, _):
        for u in range(4):
            r = i * 4 + u
            outv[r, :] = accv[r, :] / lenv[r, :] + bias
        return 0

    lax.fori_loop(0, RPW // 4, ebody, 0)
    pltpu.sync_copy(outv, out_hbm.at[pl.ds(base, RPW)])


def _pooled_logits(y, len_bcast, p, b):
    mesh = plsc.VectorSubcoreMesh(core_axis_name="c", subcore_axis_name="s")
    call = pl.kernel(
        _sc_body,
        out_type=jax.ShapeDtypeStruct((B, C), jnp.float32),
        mesh=mesh,
        scratch_types=[
            pltpu.VMEM((TS // 2, 2 * RPW), jnp.int32),
            pltpu.VMEM((TS // 2, 2 * RPW), jnp.int32),
            pltpu.VMEM((2 * RPW, C), jnp.float32),
            pltpu.VMEM((2 * RPW, C), jnp.float32),
            pltpu.VMEM((RPW, C), jnp.float32),
            pltpu.VMEM((RPW, C), jnp.float32),
            pltpu.VMEM((RPW, C), jnp.float32),
            pltpu.VMEM((C,), jnp.float32),
            pltpu.SemaphoreType.DMA,
            pltpu.SemaphoreType.DMA,
            pltpu.SemaphoreType.DMA,
            pltpu.SemaphoreType.DMA,
        ],
        compiler_params=pltpu.CompilerParams(use_tc_tiling_on_sc=False),
    )
    return call(y, len_bcast, p, b)


def kernel(x, lengths, table, W, b):
    p = _project_table(table.T, W.T).reshape(VP, C)
    lg = MBLK.bit_length() - 1
    q = MBLK // 8
    x_lin = ((x >> lg) << lg) | ((x & (q - 1)) << 3) | ((x >> (lg - 3)) & 7)
    y = x_lin.T.reshape(S // 2, 2 * B)
    lb2d = lax.optimization_barrier(jnp.broadcast_to(
        lengths.astype(jnp.float32).reshape(B // 8, 8, 1),
        (B // 8, 8, C)).reshape(B // 8, 8 * C))
    len_bcast = lb2d.reshape(B, C)
    return _pooled_logits(y, len_bcast, p, b)

# --- scband reference (transcript-rebuilt; emitter-appended) ---
"""Pipeline reference for scband-baseline-dnn-45518063403345 (READ-ONLY COPY).

The authoritative reference and input builder live on the scoring server;
editing this copy changes nothing except your own understanding.
"""

import jax, jax.numpy as jnp
import numpy as np

BATCH = 16384
SEQ = 200
VOCAB = 1000000
EMB_DIM = 64
NUM_CLASSES = 16


def setup_inputs(seed: int = 0) -> dict:
    key = jax.random.key(seed)
    k1, k2, k3, k4 = jax.random.split(key, 4)
    x = jax.random.randint(k1, (BATCH, SEQ), 0, VOCAB, dtype=jnp.int32)
    # lengths must be >= 1 to avoid division by zero
    lengths = jax.random.randint(k2, (BATCH,), 1, SEQ + 1, dtype=jnp.int32)
    table = (jax.random.normal(k3, (VOCAB, EMB_DIM), dtype=jnp.float32) * 0.02)
    W = jax.random.normal(k4, (NUM_CLASSES, EMB_DIM), dtype=jnp.float32) * 0.05
    b = jnp.zeros((NUM_CLASSES,), dtype=jnp.float32)
    return {"x": x, "lengths": lengths, "table": table, "W": W, "b": b}


def reference(x, lengths, table, W, b):
    # embedding lookup (gather)
    embeddings = jnp.take(table, x, axis=0)  # [B, S, D]
    # sum over sequence dim, then divide by lengths (mean over valid tokens)
    dimension_sums = jnp.sum(embeddings, axis=1)  # [B, D]
    l = lengths[:, None].astype(jnp.float32)  # [B, 1] broadcast
    representation = dimension_sums / l
    # faithful to original: relu output is computed but NOT used for logits
    representations = jax.nn.relu(representation)
    logits = representation @ W.T + b
    return logits

if __name__ == "__main__":
    import jax
    _d = setup_inputs()
    print(jax.jit(kernel)(*tuple(_d.values())))

</pallas_src>

<mosaic_0001>
#map = affine_map<(d0, d1) -> (0, 0)>
#map1 = affine_map<(d0, d1) -> (0)>
module attributes {stable_mosaic.version = 14 : i64} {
  func.func @_sc_body(%arg0: i32, %arg1: i32, %arg2: memref<100x32768xi32, #tpu.memory_space<hbm>>, %arg3: memref<16384x16xf32, #tpu.memory_space<hbm>>, %arg4: memref<1015808x16xf32, #tpu.memory_space<hbm>>, %arg5: memref<16xf32, #tpu.memory_space<hbm>>, %arg6: memref<16384x16xf32, #tpu.memory_space<hbm>>, %arg7: memref<25x1024xi32, #tpu.memory_space<vmem>>, %arg8: memref<25x1024xi32, #tpu.memory_space<vmem>>, %arg9: memref<1024x16xf32, #tpu.memory_space<vmem>>, %arg10: memref<1024x16xf32, #tpu.memory_space<vmem>>, %arg11: memref<512x16xf32, #tpu.memory_space<vmem>>, %arg12: memref<512x16xf32, #tpu.memory_space<vmem>>, %arg13: memref<512x16xf32, #tpu.memory_space<vmem>>, %arg14: memref<16xf32, #tpu.memory_space<vmem>>, %arg15: memref<!tpu.dma_semaphore, #tpu.memory_space<semaphore_mem>>, %arg16: memref<!tpu.dma_semaphore, #tpu.memory_space<semaphore_mem>>, %arg17: memref<!tpu.dma_semaphore, #tpu.memory_space<semaphore_mem>>, %arg18: memref<!tpu.dma_semaphore, #tpu.memory_space<semaphore_mem>>) attributes {dimension_semantics = [#tpu.dimension_semantics<core_parallel>, #tpu.dimension_semantics<subcore_parallel>], iteration_bounds = array<i64: 2, 16>, scalar_prefetch = 0 : i64, scratch_operands = 12 : i64, tpu.core_type = #tpu.core_type<sc_vector_subcore>, window_params = [{transform_indices = #map}, {transform_indices = #map}, {transform_indices = #map}, {transform_indices = #map1}, {transform_indices = #map}]} {
    %mul3A = arith.constant 16 : i32
    %mul3A_0 = arith.muli %arg0, %mul3A : i32
    %add3A = arith.addi %mul3A_0, %arg1 : i32
    %mul3A_1 = arith.constant 512 : i32
    %mul3A_2 = arith.muli %add3A, %mul3A_1 : i32
    "tpu.region"() ({
      %run_scoped3A = tpu.sem_alloc : memref<!tpu.dma_semaphore, #tpu.memory_space<semaphore_mem>>
      tpu.enqueue_dma source(%arg5 : memref<16xf32, #tpu.memory_space<hbm>>) target(%arg14 : memref<16xf32, #tpu.memory_space<vmem>>) target_semaphore(%run_scoped3A : memref<!tpu.dma_semaphore, #tpu.memory_space<semaphore_mem>>)
      tpu.wait_dma2 semaphore(%run_scoped3A : memref<!tpu.dma_semaphore, #tpu.memory_space<semaphore_mem>>) src(%arg5 : memref<16xf32, #tpu.memory_space<hbm>>) dst(%arg14 : memref<16xf32, #tpu.memory_space<vmem>>)
      tpu.yield
    }) : () -> ()
    "tpu.region"() ({
      %run_scoped3A = tpu.sem_alloc : memref<!tpu.dma_semaphore, #tpu.memory_space<semaphore_mem>>
      %dma_start3A_109 = arith.constant 0 : i32
      %dma_start3A_110 = tpu.memref_slice %arg3[%mul3A_2, %dma_start3A_109] : memref<16384x16xf32, #tpu.memory_space<hbm>> -> memref<512x16xf32, #tpu.memory_space<hbm>>
      %dma_start3A_111 = arith.constant 0 : i32
      %dma_start3A_112 = tpu.memref_slice %arg3[%mul3A_2, %dma_start3A_111] : memref<16384x16xf32, #tpu.memory_space<hbm>> -> memref<512x16xf32, #tpu.memory_space<hbm>>
      tpu.enqueue_dma source(%dma_start3A_112 : memref<512x16xf32, #tpu.memory_space<hbm>>) target(%arg13 : memref<512x16xf32, #tpu.memory_space<vmem>>) target_semaphore(%run_scoped3A : memref<!tpu.dma_semaphore, #tpu.memory_space<semaphore_mem>>)
      %dma_wait3A_113 = arith.constant 0 : i32
      %dma_wait3A_114 = tpu.memref_slice %arg3[%mul3A_2, %dma_wait3A_113] : memref<16384x16xf32, #tpu.memory_space<hbm>> -> memref<512x16xf32, #tpu.memory_space<hbm>>
      %dma_wait3A_115 = arith.constant 0 : i32
      %dma_wait3A_116 = tpu.memref_slice %arg3[%mul3A_2, %dma_wait3A_115] : memref<16384x16xf32, #tpu.memory_space<hbm>> -> memref<512x16xf32, #tpu.memory_space<hbm>>
      tpu.wait_dma2 semaphore(%run_scoped3A : memref<!tpu.dma_semaphore, #tpu.memory_space<semaphore_mem>>) src(%dma_wait3A_116 : memref<512x16xf32, #tpu.memory_space<hbm>>) dst(%arg13 : memref<512x16xf32, #tpu.memory_space<vmem>>)
      tpu.yield
    }) : () -> ()
    %get3A = arith.constant 0 : index
    %get3A_3 = tpu.vector_load %arg14[%get3A] {strides = array<i32>} : memref<16xf32, #tpu.memory_space<vmem>>, vector<16xf32>,
    %get3A_4 = vector.shape_cast %get3A_3 : vector<16xf32> to vector<16xf32>
    %scan3A = arith.constant 0 : i32
    %scan3A_5 = arith.constant 0 : i32
    %scan3A_6 = arith.constant 128 : i32
    %scan3A_7 = arith.addi %scan3A_5, %scan3A_6 : i32
    %scan3A_8 = arith.constant 1 : i32
    %scan3A_9 = scf.for %scan3A_109 = %scan3A_5 to %scan3A_7 step %scan3A_8 iter_args(%scan3A_110 = %scan3A) -> (i32)  : i32 {
      %broadcast_in_dim3A = arith.constant 0.000000e+00 : f32
      %broadcast_in_dim3A_111 = vector.broadcast %broadcast_in_dim3A : f32 to vector<16xf32>
      %mul3A_112 = arith.constant 4 : i32
      %mul3A_113 = arith.muli %scan3A_109, %mul3A_112 : i32
      %add3A_114 = arith.constant 0 : i32
      %add3A_115 = arith.addi %mul3A_113, %add3A_114 : i32
      %swap3A = arith.index_cast %add3A_115 : i32 to index
      %swap3A_116 = arith.constant 0 : index
      %swap3A_117 = tpu.vector_load %arg11[%swap3A, %swap3A_116] {strides = array<i32>} : memref<512x16xf32, #tpu.memory_space<vmem>>, vector<1x16xf32>,
      %swap3A_118 = vector.shape_cast %swap3A_117 : vector<1x16xf32> to vector<16xf32>
      %swap3A_119 = vector.shape_cast %broadcast_in_dim3A_111 : vector<16xf32> to vector<1x16xf32>
      tpu.vector_store %arg11[%swap3A, %swap3A_116], %swap3A_119 {strides = array<i32>} : memref<512x16xf32, #tpu.memory_space<vmem>>, vector<1x16xf32>,
      %mul3A_120 = arith.constant 4 : i32
      %mul3A_121 = arith.muli %scan3A_109, %mul3A_120 : i32
      %add3A_122 = arith.constant 1 : i32
      %add3A_123 = arith.addi %mul3A_121, %add3A_122 : i32
      %swap3A_124 = arith.index_cast %add3A_123 : i32 to index
      %swap3A_125 = arith.constant 0 : index
      %swap3A_126 = tpu.vector_load %arg11[%swap3A_124, %swap3A_125] {strides = array<i32>} : memref<512x16xf32, #tpu.memory_space<vmem>>, vector<1x16xf32>,
      %swap3A_127 = vector.shape_cast %swap3A_126 : vector<1x16xf32> to vector<16xf32>
      %swap3A_128 = vector.shape_cast %broadcast_in_dim3A_111 : vector<16xf32> to vector<1x16xf32>
      tpu.vector_store %arg11[%swap3A_124, %swap3A_125], %swap3A_128 {strides = array<i32>} : memref<512x16xf32, #tpu.memory_space<vmem>>, vector<1x16xf32>,
      %mul3A_129 = arith.constant 4 : i32
      %mul3A_130 = arith.muli %scan3A_109, %mul3A_129 : i32
      %add3A_131 = arith.constant 2 : i32
      %add3A_132 = arith.addi %mul3A_130, %add3A_131 : i32
      %swap3A_133 = arith.index_cast %add3A_132 : i32 to index
      %swap3A_134 = arith.constant 0 : index
      %swap3A_135 = tpu.vector_load %arg11[%swap3A_133, %swap3A_134] {strides = array<i32>} : memref<512x16xf32, #tpu.memory_space<vmem>>, vector<1x16xf32>,
      %swap3A_136 = vector.shape_cast %swap3A_135 : vector<1x16xf32> to vector<16xf32>
      %swap3A_137 = vector.shape_cast %broadcast_in_dim3A_111 : vector<16xf32> to vector<1x16xf32>
      tpu.vector_store %arg11[%swap3A_133, %swap3A_134], %swap3A_137 {strides = array<i32>} : memref<512x16xf32, #tpu.memory_space<vmem>>, vector<1x16xf32>,
      %mul3A_138 = arith.constant 4 : i32
      %mul3A_139 = arith.muli %scan3A_109, %mul3A_138 : i32
      %add3A_140 = arith.constant 3 : i32
      %add3A_141 = arith.addi %mul3A_139, %add3A_140 : i32
      %swap3A_142 = arith.index_cast %add3A_141 : i32 to index
      %swap3A_143 = arith.constant 0 : index
      %swap3A_144 = tpu.vector_load %arg11[%swap3A_142, %swap3A_143] {strides = array<i32>} : memref<512x16xf32, #tpu.memory_space<vmem>>, vector<1x16xf32>,
      %swap3A_145 = vector.shape_cast %swap3A_144 : vector<1x16xf32> to vector<16xf32>
      %swap3A_146 = vector.shape_cast %broadcast_in_dim3A_111 : vector<16xf32> to vector<1x16xf32>
      tpu.vector_store %arg11[%swap3A_142, %swap3A_143], %swap3A_146 {strides = array<i32>} : memref<512x16xf32, #tpu.memory_space<vmem>>, vector<1x16xf32>,
      %scan3A_147 = arith.constant 0 : i32
      scf.yield %scan3A_147 : i32
    }
    %scan3A_10 = arith.constant 128 : i32
    %add3A_11 = arith.constant 0 : i32
    %add3A_12 = arith.addi %add3A_11, %mul3A_2 : i32
    %dma_start3A = arith.constant 0 : i32
    %dma_start3A_13 = arith.constant 0 : i32
    %dma_start3A_14 = tpu.memref_slice %arg7[%dma_start3A, %dma_start3A_13] : memref<25x1024xi32, #tpu.memory_space<vmem>> -> memref<25x512xi32, #tpu.memory_space<vmem>>
    %dma_start3A_15 = arith.constant 0 : i32
    %dma_start3A_16 = tpu.memref_slice %arg2[%dma_start3A_15, %add3A_12] : memref<100x32768xi32, #tpu.memory_space<hbm>> -> memref<25x512xi32, #tpu.memory_space<hbm>>
    %dma_start3A_17 = arith.constant 0 : i32
    %dma_start3A_18 = arith.constant 0 : i32
    %dma_start3A_19 = tpu.memref_slice %arg7[%dma_start3A_17, %dma_start3A_18] : memref<25x1024xi32, #tpu.memory_space<vmem>> -> memref<25x512xi32, #tpu.memory_space<vmem>>
    %dma_start3A_20 = arith.constant 0 : i32
    %dma_start3A_21 = tpu.memref_slice %arg2[%dma_start3A_20, %add3A_12] : memref<100x32768xi32, #tpu.memory_space<hbm>> -> memref<25x512xi32, #tpu.memory_space<hbm>>
    tpu.enqueue_dma source(%dma_start3A_21 : memref<25x512xi32, #tpu.memory_space<hbm>>) target(%dma_start3A_19 : memref<25x512xi32, #tpu.memory_space<vmem>>) target_semaphore(%arg17 : memref<!tpu.dma_semaphore, #tpu.memory_space<semaphore_mem>>)
    %add3A_22 = arith.constant 16384 : i32
    %add3A_23 = arith.addi %add3A_22, %mul3A_2 : i32
    %dma_start3A_24 = arith.constant 0 : i32
    %dma_start3A_25 = arith.constant 512 : i32
    %dma_start3A_26 = tpu.memref_slice %arg7[%dma_start3A_24, %dma_start3A_25] : memref<25x1024xi32, #tpu.memory_space<vmem>> -> memref<25x512xi32, #tpu.memory_space<vmem>>
    %dma_start3A_27 = arith.constant 0 : i32
    %dma_start3A_28 = tpu.memref_slice %arg2[%dma_start3A_27, %add3A_23] : memref<100x32768xi32, #tpu.memory_space<hbm>> -> memref<25x512xi32, #tpu.memory_space<hbm>>
    %dma_start3A_29 = arith.constant 0 : i32
    %dma_start3A_30 = arith.constant 512 : i32
    %dma_start3A_31 = tpu.memref_slice %arg7[%dma_start3A_29, %dma_start3A_30] : memref<25x1024xi32, #tpu.memory_space<vmem>> -> memref<25x512xi32, #tpu.memory_space<vmem>>
    %dma_start3A_32 = arith.constant 0 : i32
    %dma_start3A_33 = tpu.memref_slice %arg2[%dma_start3A_32, %add3A_23] : memref<100x32768xi32, #tpu.memory_space<hbm>> -> memref<25x512xi32, #tpu.memory_space<hbm>>
    tpu.enqueue_dma source(%dma_start3A_33 : memref<25x512xi32, #tpu.memory_space<hbm>>) target(%dma_start3A_31 : memref<25x512xi32, #tpu.memory_space<vmem>>) target_semaphore(%arg17 : memref<!tpu.dma_semaphore, #tpu.memory_space<semaphore_mem>>)
    %add3A_34 = arith.constant 0 : i32
    %add3A_35 = arith.addi %add3A_34, %mul3A_2 : i32
    %dma_wait3A = arith.constant 0 : i32
    %dma_wait3A_36 = arith.constant 0 : i32
    %dma_wait3A_37 = tpu.memref_slice %arg7[%dma_wait3A, %dma_wait3A_36] : memref<25x1024xi32, #tpu.memory_space<vmem>> -> memref<25x512xi32, #tpu.memory_space<vmem>>
    %dma_wait3A_38 = arith.constant 0 : i32
    %dma_wait3A_39 = tpu.memref_slice %arg2[%dma_wait3A_38, %add3A_35] : memref<100x32768xi32, #tpu.memory_space<hbm>> -> memref<25x512xi32, #tpu.memory_space<hbm>>
    %dma_wait3A_40 = arith.constant 0 : i32
    %dma_wait3A_41 = arith.constant 0 : i32
    %dma_wait3A_42 = tpu.memref_slice %arg7[%dma_wait3A_40, %dma_wait3A_41] : memref<25x1024xi32, #tpu.memory_space<vmem>> -> memref<25x512xi32, #tpu.memory_space<vmem>>
    %dma_wait3A_43 = arith.constant 0 : i32
    %dma_wait3A_44 = tpu.memref_slice %arg2[%dma_wait3A_43, %add3A_35] : memref<100x32768xi32, #tpu.memory_space<hbm>> -> memref<25x512xi32, #tpu.memory_space<hbm>>
    tpu.wait_dma2 semaphore(%arg17 : memref<!tpu.dma_semaphore, #tpu.memory_space<semaphore_mem>>) src(%dma_wait3A_44 : memref<25x512xi32, #tpu.memory_space<hbm>>) dst(%dma_wait3A_42 : memref<25x512xi32, #tpu.memory_space<vmem>>)
    %add3A_45 = arith.constant 16384 : i32
    %add3A_46 = arith.addi %add3A_45, %mul3A_2 : i32
    %dma_wait3A_47 = arith.constant 0 : i32
    %dma_wait3A_48 = arith.constant 512 : i32
    %dma_wait3A_49 = tpu.memref_slice %arg7[%dma_wait3A_47, %dma_wait3A_48] : memref<25x1024xi32, #tpu.memory_space<vmem>> -> memref<25x512xi32, #tpu.memory_space<vmem>>
    %dma_wait3A_50 = arith.constant 0 : i32
    %dma_wait3A_51 = tpu.memref_slice %arg2[%dma_wait3A_50, %add3A_46] : memref<100x32768xi32, #tpu.memory_space<hbm>> -> memref<25x512xi32, #tpu.memory_space<hbm>>
    %dma_wait3A_52 = arith.constant 0 : i32
    %dma_wait3A_53 = arith.constant 512 : i32
    %dma_wait3A_54 = tpu.memref_slice %arg7[%dma_wait3A_52, %dma_wait3A_53] : memref<25x1024xi32, #tpu.memory_space<vmem>> -> memref<25x512xi32, #tpu.memory_space<vmem>>
    %dma_wait3A_55 = arith.constant 0 : i32
    %dma_wait3A_56 = tpu.memref_slice %arg2[%dma_wait3A_55, %add3A_46] : memref<100x32768xi32, #tpu.memory_space<hbm>> -> memref<25x512xi32, #tpu.memory_space<hbm>>
    tpu.wait_dma2 semaphore(%arg17 : memref<!tpu.dma_semaphore, #tpu.memory_space<semaphore_mem>>) src(%dma_wait3A_56 : memref<25x512xi32, #tpu.memory_space<hbm>>) dst(%dma_wait3A_54 : memref<25x512xi32, #tpu.memory_space<vmem>>)
    %dma_start3A_57 = arith.constant 0 : i32
    %dma_start3A_58 = arith.constant 0 : i32
    %dma_start3A_59 = tpu.memref_slice %arg7[%dma_start3A_57, %dma_start3A_58] : memref<25x1024xi32, #tpu.memory_space<vmem>> -> memref<1x1024xi32, #tpu.memory_space<vmem>>
    %dma_start3A_60 = tpu.memref_squeeze %dma_start3A_59 : memref<1x1024xi32, #tpu.memory_space<vmem>> -> memref<1024xi32, #tpu.memory_space<vmem>>
    %dma_start3A_61 = arith.constant 0 : i32
    %dma_start3A_62 = arith.constant 0 : i32
    %dma_start3A_63 = tpu.memref_slice %arg4[%dma_start3A_61, %dma_start3A_62] : memref<1015808x16xf32, #tpu.memory_space<hbm>> -> memref<1015808x16xf32, #tpu.memory_space<hbm>>
    tpu.enqueue_indirect_dma source(%dma_start3A_63 : memref<1015808x16xf32, #tpu.memory_space<hbm>>) target(%arg9 : memref<1024x16xf32, #tpu.memory_space<vmem>>) offsets(%dma_start3A_60 : memref<1024xi32, #tpu.memory_space<vmem>>) semaphore(%arg15 : memref<!tpu.dma_semaphore, #tpu.memory_space<semaphore_mem>>)
    %dma_start3A_64 = arith.constant 1 : i32
    %dma_start3A_65 = arith.constant 0 : i32
    %dma_start3A_66 = tpu.memref_slice %arg7[%dma_start3A_64, %dma_start3A_65] : memref<25x1024xi32, #tpu.memory_space<vmem>> -> memref<1x1024xi32, #tpu.memory_space<vmem>>
    %dma_start3A_67 = tpu.memref_squeeze %dma_start3A_66 : memref<1x1024xi32, #tpu.memory_space<vmem>> -> memref<1024xi32, #tpu.memory_space<vmem>>
    %dma_start3A_68 = arith.constant 0 : i32
    %dma_start3A_69 = arith.constant 0 : i32
    %dma_start3A_70 = tpu.memref_slice %arg4[%dma_start3A_68, %dma_start3A_69] : memref<1015808x16xf32, #tpu.memory_space<hbm>> -> memref<1015808x16xf32, #tpu.memory_space<hbm>>
    tpu.enqueue_indirect_dma source(%dma_start3A_70 : memref<1015808x16xf32, #tpu.memory_space<hbm>>) target(%arg10 : memref<1024x16xf32, #tpu.memory_space<vmem>>) offsets(%dma_start3A_67 : memref<1024xi32, #tpu.memory_space<vmem>>) semaphore(%arg16 : memref<!tpu.dma_semaphore, #tpu.memory_space<semaphore_mem>>)
    %add3A_71 = arith.constant 0 : i32
    %add3A_72 = arith.addi %add3A_71, %mul3A_2 : i32
    %dma_start3A_73 = arith.constant 0 : i32
    %dma_start3A_74 = arith.constant 0 : i32
    %dma_start3A_75 = tpu.memref_slice %arg8[%dma_start3A_73, %dma_start3A_74] : memref<25x1024xi32, #tpu.memory_space<vmem>> -> memref<25x512xi32, #tpu.memory_space<vmem>>
    %dma_start3A_76 = arith.constant 25 : i32
    %dma_start3A_77 = tpu.memref_slice %arg2[%dma_start3A_76, %add3A_72] : memref<100x32768xi32, #tpu.memory_space<hbm>> -> memref<25x512xi32, #tpu.memory_space<hbm>>
    %dma_start3A_78 = arith.constant 0 : i32
    %dma_start3A_79 = arith.constant 0 : i32
    %dma_start3A_80 = tpu.memref_slice %arg8[%dma_start3A_78, %dma_start3A_79] : memref<25x1024xi32, #tpu.memory_space<vmem>> -> memref<25x512xi32, #tpu.memory_space<vmem>>
    %dma_start3A_81 = arith.constant 25 : i32
    %dma_start3A_82 = tpu.memref_slice %arg2[%dma_start3A_81, %add3A_72] : memref<100x32768xi32, #tpu.memory_space<hbm>> -> memref<25x512xi32, #tpu.memory_space<hbm>>
    tpu.enqueue_dma source(%dma_start3A_82 : memref<25x512xi32, #tpu.memory_space<hbm>>) target(%dma_start3A_80 : memref<25x512xi32, #tpu.memory_space<vmem>>) target_semaphore(%arg18 : memref<!tpu.dma_semaphore, #tpu.memory_space<semaphore_mem>>)
    %add3A_83 = arith.constant 16384 : i32
    %add3A_84 = arith.addi %add3A_83, %mul3A_2 : i32
    %dma_start3A_85 = arith.constant 0 : i32
    %dma_start3A_86 = arith.constant 512 : i32
    %dma_start3A_87 = tpu.memref_slice %arg8[%dma_start3A_85, %dma_start3A_86] : memref<25x1024xi32, #tpu.memory_space<vmem>> -> memref<25x512xi32, #tpu.memory_space<vmem>>
    %dma_start3A_88 = arith.constant 25 : i32
    %dma_start3A_89 = tpu.memref_slice %arg2[%dma_start3A_88, %add3A_84] : memref<100x32768xi32, #tpu.memory_space<hbm>> -> memref<25x512xi32, #tpu.memory_space<hbm>>
    %dma_start3A_90 = arith.constant 0 : i32
    %dma_start3A_91 = arith.constant 512 : i32
    %dma_start3A_92 = tpu.memref_slice %arg8[%dma_start3A_90, %dma_start3A_91] : memref<25x1024xi32, #tpu.memory_space<vmem>> -> memref<25x512xi32, #tpu.memory_space<vmem>>
    %dma_start3A_93 = arith.constant 25 : i32
    %dma_start3A_94 = tpu.memref_slice %arg2[%dma_start3A_93, %add3A_84] : memref<100x32768xi32, #tpu.memory_space<hbm>> -> memref<25x512xi32, #tpu.memory_space<hbm>>
    tpu.enqueue_dma source(%dma_start3A_94 : memref<25x512xi32, #tpu.memory_space<hbm>>) target(%dma_start3A_92 : memref<25x512xi32, #tpu.memory_space<vmem>>) target_semaphore(%arg18 : memref<!tpu.dma_semaphore, #tpu.memory_space<semaphore_mem>>)
    %scan3A_95 = arith.constant 0 : i32
    %scan3A_96 = arith.constant 0 : i32
    %scan3A_97 = arith.constant 2 : i32
    %scan3A_98 = arith.addi %scan3A_96, %scan3A_97 : i32
    %scan3A_99 = arith.constant 1 : i32
    %scan3A_100 = scf.for %scan3A_109 = %scan3A_96 to %scan3A_98 step %scan3A_99 iter_args(%scan3A_110 = %scan3A_95) -> (i32)  : i32 {
      %mul3A_111 = arith.constant 2 : i32
      %mul3A_112 = arith.muli %scan3A_109, %mul3A_111 : i32
      %add3A_113 = arith.constant 0 : i32
      %add3A_114 = arith.addi %mul3A_112, %add3A_113 : i32
      %scan3A_115 = arith.constant 0 : i32
      %scan3A_116 = arith.constant 0 : i32
      %scan3A_117 = arith.constant 11 : i32
      %scan3A_118 = arith.addi %scan3A_116, %scan3A_117 : i32
      %scan3A_119 = arith.constant 1 : i32
      %scan3A_120 = scf.for %scan3A_271 = %scan3A_116 to %scan3A_118 step %scan3A_119 iter_args(%scan3A_272 = %scan3A_115) -> (i32)  : i32 {
        %mul3A_273 = arith.constant 2 : i32
        %mul3A_274 = arith.muli %scan3A_271, %mul3A_273 : i32
        %add3A_275 = arith.constant 0 : i32
        %add3A_276 = arith.addi %mul3A_274, %add3A_275 : i32
        %dma_wait3A_277 = arith.constant 0 : i32
        %dma_wait3A_278 = arith.constant 0 : i32
        %dma_wait3A_279 = tpu.memref_slice %arg7[%dma_wait3A_277, %dma_wait3A_278] : memref<25x1024xi32, #tpu.memory_space<vmem>> -> memref<1x1024xi32, #tpu.memory_space<vmem>>
        %dma_wait3A_280 = tpu.memref_squeeze %dma_wait3A_279 : memref<1x1024xi32, #tpu.memory_space<vmem>> -> memref<1024xi32, #tpu.memory_space<vmem>>
        %dma_wait3A_281 = arith.constant 0 : i32
        %dma_wait3A_282 = arith.constant 0 : i32
        %dma_wait3A_283 = tpu.memref_slice %arg4[%dma_wait3A_281, %dma_wait3A_282] : memref<1015808x16xf32, #tpu.memory_space<hbm>> -> memref<1015808x16xf32, #tpu.memory_space<hbm>>
        tpu.wait_indirect_dma semaphore(%arg15 : memref<!tpu.dma_semaphore, #tpu.memory_space<semaphore_mem>>) src(%dma_wait3A_283 : memref<1015808x16xf32, #tpu.memory_space<hbm>>) dst(%arg9 : memref<1024x16xf32, #tpu.memory_space<vmem>>)
        %scan3A_284 = arith.constant 0 : i32
        %scan3A_285 = arith.constant 0 : i32
        %scan3A_286 = arith.constant 32 : i32
        %scan3A_287 = arith.addi %scan3A_285, %scan3A_286 : i32
        %scan3A_288 = arith.constant 1 : i32
        %scan3A_289 = scf.for %scan3A_326 = %scan3A_285 to %scan3A_287 step %scan3A_288 iter_args(%scan3A_327 = %scan3A_284) -> (i32)  : i32 {
          %mul3A_328 = arith.constant 16 : i32
          %mul3A_329 = arith.muli %scan3A_326, %mul3A_328 : i32
          %add3A_330 = arith.constant 0 : i32
          %add3A_331 = arith.addi %mul3A_329, %add3A_330 : i32
          %get3A_332 = arith.index_cast %add3A_331 : i32 to index
          %get3A_333 = arith.constant 0 : index
          %get3A_334 = tpu.vector_load %arg9[%get3A_332, %get3A_333] {strides = array<i32>} : memref<1024x16xf32, #tpu.memory_space<vmem>>, vector<1x16xf32>,
          %get3A_335 = vector.shape_cast %get3A_334 : vector<1x16xf32> to vector<16xf32>
          %add3A_336 = arith.constant 512 : i32
          %add3A_337 = arith.addi %add3A_336, %add3A_331 : i32
          %get3A_338 = arith.index_cast %add3A_337 : i32 to index
          %get3A_339 = arith.constant 0 : index
          %get3A_340 = tpu.vector_load %arg9[%get3A_338, %get3A_339] {strides = array<i32>} : memref<1024x16xf32, #tpu.memory_space<vmem>>, vector<1x16xf32>,
          %get3A_341 = vector.shape_cast %get3A_340 : vector<1x16xf32> to vector<16xf32>
          %add3A_342 = arith.addf %get3A_335, %get3A_341 : vector<16xf32>
          %swap3A = arith.index_cast %add3A_331 : i32 to index
          %swap3A_343 = arith.constant 0 : index
          %swap3A_344 = tpu.vector_load %arg11[%swap3A, %swap3A_343] {strides = array<i32>} : memref<512x16xf32, #tpu.memory_space<vmem>>, vector<1x16xf32>,
          %swap3A_345 = vector.shape_cast %swap3A_344 : vector<1x16xf32> to vector<16xf32>
          %swap3A_346 = vector.shape_cast %add3A_342 : vector<16xf32> to vector<1x16xf32>
          tpu.vector_store %arg11[%swap3A, %swap3A_343], %swap3A_346 {add = true, strides = array<i32>} : memref<512x16xf32, #tpu.memory_space<vmem>>, vector<1x16xf32>,
          %mul3A_347 = arith.constant 16 : i32
          %mul3A_348 = arith.muli %scan3A_326, %mul3A_347 : i32
          %add3A_349 = arith.constant 1 : i32
          %add3A_350 = arith.addi %mul3A_348, %add3A_349 : i32
          %get3A_351 = arith.index_cast %add3A_350 : i32 to index
          %get3A_352 = arith.constant 0 : index
          %get3A_353 = tpu.vector_load %arg9[%get3A_351, %get3A_352] {strides = array<i32>} : memref<1024x16xf32, #tpu.memory_space<vmem>>, vector<1x16xf32>,
          %get3A_354 = vector.shape_cast %get3A_353 : vector<1x16xf32> to vector<16xf32>
          %add3A_355 = arith.constant 512 : i32
          %add3A_356 = arith.addi %add3A_355, %add3A_350 : i32
          %get3A_357 = arith.index_cast %add3A_356 : i32 to index
          %get3A_358 = arith.constant 0 : index
          %get3A_359 = tpu.vector_load %arg9[%get3A_357, %get3A_358] {strides = array<i32>} : memref<1024x16xf32, #tpu.memory_space<vmem>>, vector<1x16xf32>,
          %get3A_360 = vector.shape_cast %get3A_359 : vector<1x16xf32> to vector<16xf32>
          %add3A_361 = arith.addf %get3A_354, %get3A_360 : vector<16xf32>
          %swap3A_362 = arith.index_cast %add3A_350 : i32 to index
          %swap3A_363 = arith.constant 0 : index
          %swap3A_364 = tpu.vector_load %arg11[%swap3A_362, %swap3A_363] {strides = array<i32>} : memref<512x16xf32, #tpu.memory_space<vmem>>, vector<1x16xf32>,
          %swap3A_365 = vector.shape_cast %swap3A_364 : vector<1x16xf32> to vector<16xf32>
          %swap3A_366 = vector.shape_cast %add3A_361 : vector<16xf32> to vector<1x16xf32>
          tpu.vector_store %arg11[%swap3A_362, %swap3A_363], %swap3A_366 {add = true, strides = array<i32>} : memref<512x16xf32, #tpu.memory_space<vmem>>, vector<1x16xf32>,
          %mul3A_367 = arith.constant 16 : i32
          %mul3A_368 = arith.muli %scan3A_326, %mul3A_367 : i32
          %add3A_369 = arith.constant 2 : i32
          %add3A_370 = arith.addi %mul3A_368, %add3A_369 : i32
          %get3A_371 = arith.index_cast %add3A_370 : i32 to index
          %get3A_372 = arith.constant 0 : index
          %get3A_373 = tpu.vector_load %arg9[%get3A_371, %get3A_372] {strides = array<i32>} : memref<1024x16xf32, #tpu.memory_space<vmem>>, vector<1x16xf32>,
          %get3A_374 = vector.shape_cast %get3A_373 : vector<1x16xf32> to vector<16xf32>
          %add3A_375 = arith.constant 512 : i32
          %add3A_376 = arith.addi %add3A_375, %add3A_370 : i32
          %get3A_377 = arith.index_cast %add3A_376 : i32 to index
          %get3A_378 = arith.constant 0 : index
          %get3A_379 = tpu.vector_load %arg9[%get3A_377, %get3A_378] {strides = array<i32>} : memref<1024x16xf32, #tpu.memory_space<vmem>>, vector<1x16xf32>,
          %get3A_380 = vector.shape_cast %get3A_379 : vector<1x16xf32> to vector<16xf32>
          %add3A_381 = arith.addf %get3A_374, %get3A_380 : vector<16xf32>
          %swap3A_382 = arith.index_cast %add3A_370 : i32 to index
          %swap3A_383 = arith.constant 0 : index
          %swap3A_384 = tpu.vector_load %arg11[%swap3A_382, %swap3A_383] {strides = array<i32>} : memref<512x16xf32, #tpu.memory_space<vmem>>, vector<1x16xf32>,
          %swap3A_385 = vector.shape_cast %swap3A_384 : vector<1x16xf32> to vector<16xf32>
          %swap3A_386 = vector.shape_cast %add3A_381 : vector<16xf32> to vector<1x16xf32>
          tpu.vector_store %arg11[%swap3A_382, %swap3A_383], %swap3A_386 {add = true, strides = array<i32>} : memref<512x16xf32, #tpu.memory_space<vmem>>, vector<1x16xf32>,
          %mul3A_387 = arith.constant 16 : i32
          %mul3A_388 = arith.muli %scan3A_326, %mul3A_387 : i32
          %add3A_389 = arith.constant 3 : i32
          %add3A_390 = arith.addi %mul3A_388, %add3A_389 : i32
          %get3A_391 = arith.index_cast %add3A_390 : i32 to index
          %get3A_392 = arith.constant 0 : index
          %get3A_393 = tpu.vector_load %arg9[%get3A_391, %get3A_392] {strides = array<i32>} : memref<1024x16xf32, #tpu.memory_space<vmem>>, vector<1x16xf32>,
          %get3A_394 = vector.shape_cast %get3A_393 : vector<1x16xf32> to vector<16xf32>
          %add3A_395 = arith.constant 512 : i32
          %add3A_396 = arith.addi %add3A_395, %add3A_390 : i32
          %get3A_397 = arith.index_cast %add3A_396 : i32 to index
          %get3A_398 = arith.constant 0 : index
          %get3A_399 = tpu.vector_load %arg9[%get3A_397, %get3A_398] {strides = array<i32>} : memref<1024x16xf32, #tpu.memory_space<vmem>>, vector<1x16xf32>,
          %get3A_400 = vector.shape_cast %get3A_399 : vector<1x16xf32> to vector<16xf32>
          %add3A_401 = arith.addf %get3A_394, %get3A_400 : vector<16xf32>
          %swap3A_402 = arith.index_cast %add3A_390 : i32 to index
          %swap3A_403 = arith.constant 0 : index
          %swap3A_404 = tpu.vector_load %arg11[%swap3A_402, %swap3A_403] {strides = array<i32>} : memref<512x16xf32, #tpu.memory_space<vmem>>, vector<1x16xf32>,
          %swap3A_405 = vector.shape_cast %swap3A_404 : vector<1x16xf32> to vector<16xf32>
          %swap3A_406 = vector.shape_cast %add3A_401 : vector<16xf32> to vector<1x16xf32>
          tpu.vector_store %arg11[%swap3A_402, %swap3A_403], %swap3A_406 {add = true, strides = array<i32>} : memref<512x16xf32, #tpu.memory_space<vmem>>, vector<1x16xf32>,
          %mul3A_407 = arith.constant 16 : i32
          %mul3A_408 = arith.muli %scan3A_326, %mul3A_407 : i32
          %add3A_409 = arith.constant 4 : i32
          %add3A_410 = arith.addi %mul3A_408, %add3A_409 : i32
          %get3A_411 = arith.index_cast %add3A_410 : i32 to index
          %get3A_412 = arith.constant 0 : index
          %get3A_413 = tpu.vector_load %arg9[%get3A_411, %get3A_412] {strides = array<i32>} : memref<1024x16xf32, #tpu.memory_space<vmem>>, vector<1x16xf32>,
          %get3A_414 = vector.shape_cast %get3A_413 : vector<1x16xf32> to vector<16xf32>
          %add3A_415 = arith.constant 512 : i32
          %add3A_416 = arith.addi %add3A_415, %add3A_410 : i32
          %get3A_417 = arith.index_cast %add3A_416 : i32 to index
          %get3A_418 = arith.constant 0 : index
          %get3A_419 = tpu.vector_load %arg9[%get3A_417, %get3A_418] {strides = array<i32>} : memref<1024x16xf32, #tpu.memory_space<vmem>>, vector<1x16xf32>,
          %get3A_420 = vector.shape_cast %get3A_419 : vector<1x16xf32> to vector<16xf32>
          %add3A_421 = arith.addf %get3A_414, %get3A_420 : vector<16xf32>
          %swap3A_422 = arith.index_cast %add3A_410 : i32 to index
          %swap3A_423 = arith.constant 0 : index
          %swap3A_424 = tpu.vector_load %arg11[%swap3A_422, %swap3A_423] {strides = array<i32>} : memref<512x16xf32, #tpu.memory_space<vmem>>, vector<1x16xf32>,
          %swap3A_425 = vector.shape_cast %swap3A_424 : vector<1x16xf32> to vector<16xf32>
          %swap3A_426 = vector.shape_cast %add3A_421 : vector<16xf32> to vector<1x16xf32>
          tpu.vector_store %arg11[%swap3A_422, %swap3A_423], %swap3A_426 {add = true, strides = array<i32>} : memref<512x16xf32, #tpu.memory_space<vmem>>, vector<1x16xf32>,
          %mul3A_427 = arith.constant 16 : i32
          %mul3A_428 = arith.muli %scan3A_326, %mul3A_427 : i32
          %add3A_429 = arith.constant 5 : i32
          %add3A_430 = arith.addi %mul3A_428, %add3A_429 : i32
          %get3A_431 = arith.index_cast %add3A_430 : i32 to index
          %get3A_432 = arith.constant 0 : index
          %get3A_433 = tpu.vector_load %arg9[%get3A_431, %get3A_432] {strides = array<i32>} : memref<1024x16xf32, #tpu.memory_space<vmem>>, vector<1x16xf32>,
          %get3A_434 = vector.shape_cast %get3A_433 : vector<1x16xf32> to vector<16xf32>
          %add3A_435 = arith.constant 512 : i32
          %add3A_436 = arith.addi %add3A_435, %add3A_430 : i32
          %get3A_437 = arith.index_cast %add3A_436 : i32 to index
          %get3A_438 = arith.constant 0 : index
          %get3A_439 = tpu.vector_load %arg9[%get3A_437, %get3A_438] {strides = array<i32>} : memref<1024x16xf32, #tpu.memory_space<vmem>>, vector<1x16xf32>,
          %get3A_440 = vector.shape_cast %get3A_439 : vector<1x16xf32> to vector<16xf32>
          %add3A_441 = arith.addf %get3A_434, %get3A_440 : vector<16xf32>
          %swap3A_442 = arith.index_cast %add3A_430 : i32 to index
          %swap3A_443 = arith.constant 0 : index
          %swap3A_444 = tpu.vector_load %arg11[%swap3A_442, %swap3A_443] {strides = array<i32>} : memref<512x16xf32, #tpu.memory_space<vmem>>, vector<1x16xf32>,
          %swap3A_445 = vector.shape_cast %swap3A_444 : vector<1x16xf32> to vector<16xf32>
          %swap3A_446 = vector.shape_cast %add3A_441 : vector<16xf32> to vector<1x16xf32>
          tpu.vector_store %arg11[%swap3A_442, %swap3A_443], %swap3A_446 {add = true, strides = array<i32>} : memref<512x16xf32, #tpu.memory_space<vmem>>, vector<1x16xf32>,
          %mul3A_447 = arith.constant 16 : i32
          %mul3A_448 = arith.muli %scan3A_326, %mul3A_447 : i32
          %add3A_449 = arith.constant 6 : i32
          %add3A_450 = arith.addi %mul3A_448, %add3A_449 : i32
          %get3A_451 = arith.index_cast %add3A_450 : i32 to index
          %get3A_452 = arith.constant 0 : index
          %get3A_453 = tpu.vector_load %arg9[%get3A_451, %get3A_452] {strides = array<i32>} : memref<1024x16xf32, #tpu.memory_space<vmem>>, vector<1x16xf32>,
          %get3A_454 = vector.shape_cast %get3A_453 : vector<1x16xf32> to vector<16xf32>
          %add3A_455 = arith.constant 512 : i32
          %add3A_456 = arith.addi %add3A_455, %add3A_450 : i32
          %get3A_457 = arith.index_cast %add3A_456 : i32 to index
          %get3A_458 = arith.constant 0 : index
          %get3A_459 = tpu.vector_load %arg9[%get3A_457, %get3A_458] {strides = array<i32>} : memref<1024x16xf32, #tpu.memory_space<vmem>>, vector<1x16xf32>,
          %get3A_460 = vector.shape_cast %get3A_459 : vector<1x16xf32> to vector<16xf32>
          %add3A_461 = arith.addf %get3A_454, %get3A_460 : vector<16xf32>
          %swap3A_462 = arith.index_cast %add3A_450 : i32 to index
          %swap3A_463 = arith.constant 0 : index
          %swap3A_464 = tpu.vector_load %arg11[%swap3A_462, %swap3A_463] {strides = array<i32>} : memref<512x16xf32, #tpu.memory_space<vmem>>, vector<1x16xf32>,
          %swap3A_465 = vector.shape_cast %swap3A_464 : vector<1x16xf32> to vector<16xf32>
          %swap3A_466 = vector.shape_cast %add3A_461 : vector<16xf32> to vector<1x16xf32>
          tpu.vector_store %arg11[%swap3A_462, %swap3A_463], %swap3A_466 {add = true, strides = array<i32>} : memref<512x16xf32, #tpu.memory_space<vmem>>, vector<1x16xf32>,
          %mul3A_467 = arith.constant 16 : i32
          %mul3A_468 = arith.muli %scan3A_326, %mul3A_467 : i32
          %add3A_469 = arith.constant 7 : i32
          %add3A_470 = arith.addi %mul3A_468, %add3A_469 : i32
          %get3A_471 = arith.index_cast %add3A_470 : i32 to index
          %get3A_472 = arith.constant 0 : index
          %get3A_473 = tpu.vector_load %arg9[%get3A_471, %get3A_472] {strides = array<i32>} : memref<1024x16xf32, #tpu.memory_space<vmem>>, vector<1x16xf32>,
          %get3A_474 = vector.shape_cast %get3A_473 : vector<1x16xf32> to vector<16xf32>
          %add3A_475 = arith.constant 512 : i32
          %add3A_476 = arith.addi %add3A_475, %add3A_470 : i32
          %get3A_477 = arith.index_cast %add3A_476 : i32 to index
          %get3A_478 = arith.constant 0 : index
          %get3A_479 = tpu.vector_load %arg9[%get3A_477, %get3A_478] {strides = array<i32>} : memref<1024x16xf32, #tpu.memory_space<vmem>>, vector<1x16xf32>,
          %get3A_480 = vector.shape_cast %get3A_479 : vector<1x16xf32> to vector<16xf32>
          %add3A_481 = arith.addf %get3A_474, %get3A_480 : vector<16xf32>
          %swap3A_482 = arith.index_cast %add3A_470 : i32 to index
          %swap3A_483 = arith.constant 0 : index
          %swap3A_484 = tpu.vector_load %arg11[%swap3A_482, %swap3A_483] {strides = array<i32>} : memref<512x16xf32, #tpu.memory_space<vmem>>, vector<1x16xf32>,
          %swap3A_485 = vector.shape_cast %swap3A_484 : vector<1x16xf32> to vector<16xf32>
          %swap3A_486 = vector.shape_cast %add3A_481 : vector<16xf32> to vector<1x16xf32>
          tpu.vector_store %arg11[%swap3A_482, %swap3A_483], %swap3A_486 {add = true, strides = array<i32>} : memref<512x16xf32, #tpu.memory_space<vmem>>, vector<1x16xf32>,
          %mul3A_487 = arith.constant 16 : i32
          %mul3A_488 = arith.muli %scan3A_326, %mul3A_487 : i32
          %add3A_489 = arith.constant 8 : i32
          %add3A_490 = arith.addi %mul3A_488, %add3A_489 : i32
          %get3A_491 = arith.index_cast %add3A_490 : i32 to index
          %get3A_492 = arith.constant 0 : index
          %get3A_493 = tpu.vector_load %arg9[%get3A_491, %get3A_492] {strides = array<i32>} : memref<1024x16xf32, #tpu.memory_space<vmem>>, vector<1x16xf32>,
          %get3A_494 = vector.shape_cast %get3A_493 : vector<1x16xf32> to vector<16xf32>
          %add3A_495 = arith.constant 512 : i32
          %add3A_496 = arith.addi %add3A_495, %add3A_490 : i32
          %get3A_497 = arith.index_cast %add3A_496 : i32 to index
          %get3A_498 = arith.constant 0 : index
          %get3A_499 = tpu.vector_load %arg9[%get3A_497, %get3A_498] {strides = array<i32>} : memref<1024x16xf32, #tpu.memory_space<vmem>>, vector<1x16xf32>,
          %get3A_500 = vector.shape_cast %get3A_499 : vector<1x16xf32> to vector<16xf32>
          %add3A_501 = arith.addf %get3A_494, %get3A_500 : vector<16xf32>
          %swap3A_502 = arith.index_cast %add3A_490 : i32 to index
          %swap3A_503 = arith.constant 0 : index
          %swap3A_504 = tpu.vector_load %arg11[%swap3A_502, %swap3A_503] {strides = array<i32>} : memref<512x16xf32, #tpu.memory_space<vmem>>, vector<1x16xf32>,
          %swap3A_505 = vector.shape_cast %swap3A_504 : vector<1x16xf32> to vector<16xf32>
          %swap3A_506 = vector.shape_cast %add3A_501 : vector<16xf32> to vector<1x16xf32>
          tpu.vector_store %arg11[%swap3A_502, %swap3A_503], %swap3A_506 {add = true, strides = array<i32>} : memref<512x16xf32, #tpu.memory_space<vmem>>, vector<1x16xf32>,
          %mul3A_507 = arith.constant 16 : i32
          %mul3A_508 = arith.muli %scan3A_326, %mul3A_507 : i32
          %add3A_509 = arith.constant 9 : i32
          %add3A_510 = arith.addi %mul3A_508, %add3A_509 : i32
          %get3A_511 = arith.index_cast %add3A_510 : i32 to index
          %get3A_512 = arith.constant 0 : index
          %get3A_513 = tpu.vector_load %arg9[%get3A_511, %get3A_512] {strides = array<i32>} : memref<1024x16xf32, #tpu.memory_space<vmem>>, vector<1x16xf32>,
          %get3A_514 = vector.shape_cast %get3A_513 : vector<1x16xf32> to vector<16xf32>
          %add3A_515 = arith.constant 512 : i32
          %add3A_516 = arith.addi %add3A_515, %add3A_510 : i32
          %get3A_517 = arith.index_cast %add3A_516 : i32 to index
          %get3A_518 = arith.constant 0 : index
          %get3A_519 = tpu.vector_load %arg9[%get3A_517, %get3A_518] {strides = array<i32>} : memref<1024x16xf32, #tpu.memory_space<vmem>>, vector<1x16xf32>,
          %get3A_520 = vector.shape_cast %get3A_519 : vector<1x16xf32> to vector<16xf32>
          %add3A_521 = arith.addf %get3A_514, %get3A_520 : vector<16xf32>
          %swap3A_522 = arith.index_cast %add3A_510 : i32 to index
          %swap3A_523 = arith.constant 0 : index
          %swap3A_524 = tpu.vector_load %arg11[%swap3A_522, %swap3A_523] {strides = array<i32>} : memref<512x16xf32, #tpu.memory_space<vmem>>, vector<1x16xf32>,
          %swap3A_525 = vector.shape_cast %swap3A_524 : vector<1x16xf32> to vector<16xf32>
          %swap3A_526 = vector.shape_cast %add3A_521 : vector<16xf32> to vector<1x16xf32>
          tpu.vector_store %arg11[%swap3A_522, %swap3A_523], %swap3A_526 {add = true, strides = array<i32>} : memref<512x16xf32, #tpu.memory_space<vmem>>, vector<1x16xf32>,
          %mul3A_527 = arith.constant 16 : i32
          %mul3A_528 = arith.muli %scan3A_326, %mul3A_527 : i32
          %add3A_529 = arith.constant 10 : i32
          %add3A_530 = arith.addi %mul3A_528, %add3A_529 : i32
          %get3A_531 = arith.index_cast %add3A_530 : i32 to index
          %get3A_532 = arith.constant 0 : index
          %get3A_533 = tpu.vector_load %arg9[%get3A_531, %get3A_532] {strides = array<i32>} : memref<1024x16xf32, #tpu.memory_space<vmem>>, vector<1x16xf32>,
          %get3A_534 = vector.shape_cast %get3A_533 : vector<1x16xf32> to vector<16xf32>
          %add3A_535 = arith.constant 512 : i32
          %add3A_536 = arith.addi %add3A_535, %add3A_530 : i32
          %get3A_537 = arith.index_cast %add3A_536 : i32 to index
          %get3A_538 = arith.constant 0 : index
          %get3A_539 = tpu.vector_load %arg9[%get3A_537, %get3A_538] {strides = array<i32>} : memref<1024x16xf32, #tpu.memory_space<vmem>>, vector<1x16xf32>,
          %get3A_540 = vector.shape_cast %get3A_539 : vector<1x16xf32> to vector<16xf32>
          %add3A_541 = arith.addf %get3A_534, %get3A_540 : vector<16xf32>
          %swap3A_542 = arith.index_cast %add3A_530 : i32 to index
          %swap3A_543 = arith.constant 0 : index
          %swap3A_544 = tpu.vector_load %arg11[%swap3A_542, %swap3A_543] {strides = array<i32>} : memref<512x16xf32, #tpu.memory_space<vmem>>, vector<1x16xf32>,
          %swap3A_545 = vector.shape_cast %swap3A_544 : vector<1x16xf32> to vector<16xf32>
          %swap3A_546 = vector.shape_cast %add3A_541 : vector<16xf32> to vector<1x16xf32>
          tpu.vector_store %arg11[%swap3A_542, %swap3A_543], %swap3A_546 {add = true, strides = array<i32>} : memref<512x16xf32, #tpu.memory_space<vmem>>, vector<1x16xf32>,
          %mul3A_547 = arith.constant 16 : i32
          %mul3A_548 = arith.muli %scan3A_326, %mul3A_547 : i32
          %add3A_549 = arith.constant 11 : i32
          %add3A_550 = arith.addi %mul3A_548, %add3A_549 : i32
          %get3A_551 = arith.index_cast %add3A_550 : i32 to index
          %get3A_552 = arith.constant 0 : index
          %get3A_553 = tpu.vector_load %arg9[%get3A_551, %get3A_552] {strides = array<i32>} : memref<1024x16xf32, #tpu.memory_space<vmem>>, vector<1x16xf32>,
          %get3A_554 = vector.shape_cast %get3A_553 : vector<1x16xf32> to vector<16xf32>
          %add3A_555 = arith.constant 512 : i32
          %add3A_556 = arith.addi %add3A_555, %add3A_550 : i32
          %get3A_557 = arith.index_cast %add3A_556 : i32 to index
          %get3A_558 = arith.constant 0 : index
          %get3A_559 = tpu.vector_load %arg9[%get3A_557, %get3A_558] {strides = array<i32>} : memref<1024x16xf32, #tpu.memory_space<vmem>>, vector<1x16xf32>,
          %get3A_560 = vector.shape_cast %get3A_559 : vector<1x16xf32> to vector<16xf32>
          %add3A_561 = arith.addf %get3A_554, %get3A_560 : vector<16xf32>
          %swap3A_562 = arith.index_cast %add3A_550 : i32 to index
          %swap3A_563 = arith.constant 0 : index
          %swap3A_564 = tpu.vector_load %arg11[%swap3A_562, %swap3A_563] {strides = array<i32>} : memref<512x16xf32, #tpu.memory_space<vmem>>, vector<1x16xf32>,
          %swap3A_565 = vector.shape_cast %swap3A_564 : vector<1x16xf32> to vector<16xf32>
          %swap3A_566 = vector.shape_cast %add3A_561 : vector<16xf32> to vector<1x16xf32>
          tpu.vector_store %arg11[%swap3A_562, %swap3A_563], %swap3A_566 {add = true, strides = array<i32>} : memref<512x16xf32, #tpu.memory_space<vmem>>, vector<1x16xf32>,
          %mul3A_567 = arith.constant 16 : i32
          %mul3A_568 = arith.muli %scan3A_326, %mul3A_567 : i32
          %add3A_569 = arith.constant 12 : i32
          %add3A_570 = arith.addi %mul3A_568, %add3A_569 : i32
          %get3A_571 = arith.index_cast %add3A_570 : i32 to index
          %get3A_572 = arith.constant 0 : index
          %get3A_573 = tpu.vector_load %arg9[%get3A_571, %get3A_572] {strides = array<i32>} : memref<1024x16xf32, #tpu.memory_space<vmem>>, vector<1x16xf32>,
          %get3A_574 = vector.shape_cast %get3A_573 : vector<1x16xf32> to vector<16xf32>
          %add3A_575 = arith.constant 512 : i32
          %add3A_576 = arith.addi %add3A_575, %add3A_570 : i32
          %get3A_577 = arith.index_cast %add3A_576 : i32 to index
          %get3A_578 = arith.constant 0 : index
          %get3A_579 = tpu.vector_load %arg9[%get3A_577, %get3A_578] {strides = array<i32>} : memref<1024x16xf32, #tpu.memory_space<vmem>>, vector<1x16xf32>,
          %get3A_580 = vector.shape_cast %get3A_579 : vector<1x16xf32> to vector<16xf32>
          %add3A_581 = arith.addf %get3A_574, %get3A_580 : vector<16xf32>
          %swap3A_582 = arith.index_cast %add3A_570 : i32 to index
          %swap3A_583 = arith.constant 0 : index
          %swap3A_584 = tpu.vector_load %arg11[%swap3A_582, %swap3A_583] {strides = array<i32>} : memref<512x16xf32, #tpu.memory_space<vmem>>, vector<1x16xf32>,
          %swap3A_585 = vector.shape_cast %swap3A_584 : vector<1x16xf32> to vector<16xf32>
          %swap3A_586 = vector.shape_cast %add3A_581 : vector<16xf32> to vector<1x16xf32>
          tpu.vector_store %arg11[%swap3A_582, %swap3A_583], %swap3A_586 {add = true, strides = array<i32>} : memref<512x16xf32, #tpu.memory_space<vmem>>, vector<1x16xf32>,
          %mul3A_587 = arith.constant 16 : i32
          %mul3A_588 = arith.muli %scan3A_326, %mul3A_587 : i32
          %add3A_589 = arith.constant 13 : i32
          %add3A_590 = arith.addi %mul3A_588, %add3A_589 : i32
          %get3A_591 = arith.index_cast %add3A_590 : i32 to index
          %get3A_592 = arith.constant 0 : index
          %get3A_593 = tpu.vector_load %arg9[%get3A_591, %get3A_592] {strides = array<i32>} : memref<1024x16xf32, #tpu.memory_space<vmem>>, vector<1x16xf32>,
          %get3A_594 = vector.shape_cast %get3A_593 : vector<1x16xf32> to vector<16xf32>
          %add3A_595 = arith.constant 512 : i32
          %add3A_596 = arith.addi %add3A_595, %add3A_590 : i32
          %get3A_597 = arith.index_cast %add3A_596 : i32 to index
          %get3A_598 = arith.constant 0 : index
          %get3A_599 = tpu.vector_load %arg9[%get3A_597, %get3A_598] {strides = array<i32>} : memref<1024x16xf32, #tpu.memory_space<vmem>>, vector<1x16xf32>,
          %get3A_600 = vector.shape_cast %get3A_599 : vector<1x16xf32> to vector<16xf32>
          %add3A_601 = arith.addf %get3A_594, %get3A_600 : vector<16xf32>
          %swap3A_602 = arith.index_cast %add3A_590 : i32 to index
          %swap3A_603 = arith.constant 0 : index
          %swap3A_604 = tpu.vector_load %arg11[%swap3A_602, %swap3A_603] {strides = array<i32>} : memref<512x16xf32, #tpu.memory_space<vmem>>, vector<1x16xf32>,
          %swap3A_605 = vector.shape_cast %swap3A_604 : vector<1x16xf32> to vector<16xf32>
          %swap3A_606 = vector.shape_cast %add3A_601 : vector<16xf32> to vector<1x16xf32>
          tpu.vector_store %arg11[%swap3A_602, %swap3A_603], %swap3A_606 {add = true, strides = array<i32>} : memref<512x16xf32, #tpu.memory_space<vmem>>, vector<1x16xf32>,
          %mul3A_607 = arith.constant 16 : i32
          %mul3A_608 = arith.muli %scan3A_326, %mul3A_607 : i32
          %add3A_609 = arith.constant 14 : i32
          %add3A_610 = arith.addi %mul3A_608, %add3A_609 : i32
          %get3A_611 = arith.index_cast %add3A_610 : i32 to index
          %get3A_612 = arith.constant 0 : index
          %get3A_613 = tpu.vector_load %arg9[%get3A_611, %get3A_612] {strides = array<i32>} : memref<1024x16xf32, #tpu.memory_space<vmem>>, vector<1x16xf32>,
          %get3A_614 = vector.shape_cast %get3A_613 : vector<1x16xf32> to vector<16xf32>
          %add3A_615 = arith.constant 512 : i32
          %add3A_616 = arith.addi %add3A_615, %add3A_610 : i32
          %get3A_617 = arith.index_cast %add3A_616 : i32 to index
          %get3A_618 = arith.constant 0 : index
          %get3A_619 = tpu.vector_load %arg9[%get3A_617, %get3A_618] {strides = array<i32>} : memref<1024x16xf32, #tpu.memory_space<vmem>>, vector<1x16xf32>,
          %get3A_620 = vector.shape_cast %get3A_619 : vector<1x16xf32> to vector<16xf32>
          %add3A_621 = arith.addf %get3A_614, %get3A_620 : vector<16xf32>
          %swap3A_622 = arith.index_cast %add3A_610 : i32 to index
          %swap3A_623 = arith.constant 0 : index
          %swap3A_624 = tpu.vector_load %arg11[%swap3A_622, %swap3A_623] {strides = array<i32>} : memref<512x16xf32, #tpu.memory_space<vmem>>, vector<1x16xf32>,
          %swap3A_625 = vector.shape_cast %swap3A_624 : vector<1x16xf32> to vector<16xf32>
          %swap3A_626 = vector.shape_cast %add3A_621 : vector<16xf32> to vector<1x16xf32>
          tpu.vector_store %arg11[%swap3A_622, %swap3A_623], %swap3A_626 {add = true, strides = array<i32>} : memref<512x16xf32, #tpu.memory_space<vmem>>, vector<1x16xf32>,
          %mul3A_627 = arith.constant 16 : i32
          %mul3A_628 = arith.muli %scan3A_326, %mul3A_627 : i32
          %add3A_629 = arith.constant 15 : i32
          %add3A_630 = arith.addi %mul3A_628, %add3A_629 : i32
          %get3A_631 = arith.index_cast %add3A_630 : i32 to index
          %get3A_632 = arith.constant 0 : index
          %get3A_633 = tpu.vector_load %arg9[%get3A_631, %get3A_632] {strides = array<i32>} : memref<1024x16xf32, #tpu.memory_space<vmem>>, vector<1x16xf32>,
          %get3A_634 = vector.shape_cast %get3A_633 : vector<1x16xf32> to vector<16xf32>
          %add3A_635 = arith.constant 512 : i32
          %add3A_636 = arith.addi %add3A_635, %add3A_630 : i32
          %get3A_637 = arith.index_cast %add3A_636 : i32 to index
          %get3A_638 = arith.constant 0 : index
          %get3A_639 = tpu.vector_load %arg9[%get3A_637, %get3A_638] {strides = array<i32>} : memref<1024x16xf32, #tpu.memory_space<vmem>>, vector<1x16xf32>,
          %get3A_640 = vector.shape_cast %get3A_639 : vector<1x16xf32> to vector<16xf32>
          %add3A_641 = arith.addf %get3A_634, %get3A_640 : vector<16xf32>
          %swap3A_642 = arith.index_cast %add3A_630 : i32 to index
          %swap3A_643 = arith.constant 0 : index
          %swap3A_644 = tpu.vector_load %arg11[%swap3A_642, %swap3A_643] {strides = array<i32>} : memref<512x16xf32, #tpu.memory_space<vmem>>, vector<1x16xf32>,
          %swap3A_645 = vector.shape_cast %swap3A_644 : vector<1x16xf32> to vector<16xf32>
          %swap3A_646 = vector.shape_cast %add3A_641 : vector<16xf32> to vector<1x16xf32>
          tpu.vector_store %arg11[%swap3A_642, %swap3A_643], %swap3A_646 {add = true, strides = array<i32>} : memref<512x16xf32, #tpu.memory_space<vmem>>, vector<1x16xf32>,
          %scan3A_647 = arith.constant 0 : i32
          scf.yield %scan3A_647 : i32
        }
        %scan3A_290 = arith.constant 32 : i32
        %add3A_291 = arith.constant 2 : i32
        %add3A_292 = arith.addi %add3A_276, %add3A_291 : i32
        %dma_start3A_293 = arith.constant 0 : i32
        %dma_start3A_294 = tpu.memref_slice %arg7[%add3A_292, %dma_start3A_293] : memref<25x1024xi32, #tpu.memory_space<vmem>> -> memref<1x1024xi32, #tpu.memory_space<vmem>>
        %dma_start3A_295 = tpu.memref_squeeze %dma_start3A_294 : memref<1x1024xi32, #tpu.memory_space<vmem>> -> memref<1024xi32, #tpu.memory_space<vmem>>
        %dma_start3A_296 = arith.constant 0 : i32
        %dma_start3A_297 = arith.constant 0 : i32
        %dma_start3A_298 = tpu.memref_slice %arg4[%dma_start3A_296, %dma_start3A_297] : memref<1015808x16xf32, #tpu.memory_space<hbm>> -> memref<1015808x16xf32, #tpu.memory_space<hbm>>
        tpu.enqueue_indirect_dma source(%dma_start3A_298 : memref<1015808x16xf32, #tpu.memory_space<hbm>>) target(%arg9 : memref<1024x16xf32, #tpu.memory_space<vmem>>) offsets(%dma_start3A_295 : memref<1024xi32, #tpu.memory_space<vmem>>) semaphore(%arg15 : memref<!tpu.dma_semaphore, #tpu.memory_space<semaphore_mem>>)
        %mul3A_299 = arith.constant 2 : i32
        %mul3A_300 = arith.muli %scan3A_271, %mul3A_299 : i32
        %add3A_301 = arith.constant 1 : i32
        %add3A_302 = arith.addi %mul3A_300, %add3A_301 : i32
        %dma_wait3A_303 = arith.constant 0 : i32
        %dma_wait3A_304 = arith.constant 0 : i32
        %dma_wait3A_305 = tpu.memref_slice %arg7[%dma_wait3A_303, %dma_wait3A_304] : memref<25x1024xi32, #tpu.memory_space<vmem>> -> memref<1x1024xi32, #tpu.memory_space<vmem>>
        %dma_wait3A_306 = tpu.memref_squeeze %dma_wait3A_305 : memref<1x1024xi32, #tpu.memory_space<vmem>> -> memref<1024xi32, #tpu.memory_space<vmem>>
        %dma_wait3A_307 = arith.constant 0 : i32
        %dma_wait3A_308 = arith.constant 0 : i32
        %dma_wait3A_309 = tpu.memref_slice %arg4[%dma_wait3A_307, %dma_wait3A_308] : memref<1015808x16xf32, #tpu.memory_space<hbm>> -> memref<1015808x16xf32, #tpu.memory_space<hbm>>
        tpu.wait_indirect_dma semaphore(%arg16 : memref<!tpu.dma_semaphore, #tpu.memory_space<semaphore_mem>>) src(%dma_wait3A_309 : memref<1015808x16xf32, #tpu.memory_space<hbm>>) dst(%arg10 : memref<1024x16xf32, #tpu.memory_space<vmem>>)
        %scan3A_310 = arith.constant 0 : i32
        %scan3A_311 = arith.constant 0 : i32
        %scan3A_312 = arith.constant 32 : i32
        %scan3A_313 = arith.addi %scan3A_311, %scan3A_312 : i32
        %scan3A_314 = arith.constant 1 : i32
        %scan3A_315 = scf.for %scan3A_326 = %scan3A_311 to %scan3A_313 step %scan3A_314 iter_args(%scan3A_327 = %scan3A_310) -> (i32)  : i32 {
          %mul3A_328 = arith.constant 16 : i32
          %mul3A_329 = arith.muli %scan3A_326, %mul3A_328 : i32
          %add3A_330 = arith.constant 0 : i32
          %add3A_331 = arith.addi %mul3A_329, %add3A_330 : i32
          %get3A_332 = arith.index_cast %add3A_331 : i32 to index
          %get3A_333 = arith.constant 0 : index
          %get3A_334 = tpu.vector_load %arg10[%get3A_332, %get3A_333] {strides = array<i32>} : memref<1024x16xf32, #tpu.memory_space<vmem>>, vector<1x16xf32>,
          %get3A_335 = vector.shape_cast %get3A_334 : vector<1x16xf32> to vector<16xf32>
          %add3A_336 = arith.constant 512 : i32
          %add3A_337 = arith.addi %add3A_336, %add3A_331 : i32
          %get3A_338 = arith.index_cast %add3A_337 : i32 to index
          %get3A_339 = arith.constant 0 : index
          %get3A_340 = tpu.vector_load %arg10[%get3A_338, %get3A_339] {strides = array<i32>} : memref<1024x16xf32, #tpu.memory_space<vmem>>, vector<1x16xf32>,
          %get3A_341 = vector.shape_cast %get3A_340 : vector<1x16xf32> to vector<16xf32>
          %add3A_342 = arith.addf %get3A_335, %get3A_341 : vector<16xf32>
          %swap3A = arith.index_cast %add3A_331 : i32 to index
          %swap3A_343 = arith.constant 0 : index
          %swap3A_344 = tpu.vector_load %arg11[%swap3A, %swap3A_343] {strides = array<i32>} : memref<512x16xf32, #tpu.memory_space<vmem>>, vector<1x16xf32>,
          %swap3A_345 = vector.shape_cast %swap3A_344 : vector<1x16xf32> to vector<16xf32>
          %swap3A_346 = vector.shape_cast %add3A_342 : vector<16xf32> to vector<1x16xf32>
          tpu.vector_store %arg11[%swap3A, %swap3A_343], %swap3A_346 {add = true, strides = array<i32>} : memref<512x16xf32, #tpu.memory_space<vmem>>, vector<1x16xf32>,
          %mul3A_347 = arith.constant 16 : i32
          %mul3A_348 = arith.muli %scan3A_326, %mul3A_347 : i32
          %add3A_349 = arith.constant 1 : i32
          %add3A_350 = arith.addi %mul3A_348, %add3A_349 : i32
          %get3A_351 = arith.index_cast %add3A_350 : i32 to index
          %get3A_352 = arith.constant 0 : index
          %get3A_353 = tpu.vector_load %arg10[%get3A_351, %get3A_352] {strides = array<i32>} : memref<1024x16xf32, #tpu.memory_space<vmem>>, vector<1x16xf32>,
          %get3A_354 = vector.shape_cast %get3A_353 : vector<1x16xf32> to vector<16xf32>
          %add3A_355 = arith.constant 512 : i32
          %add3A_356 = arith.addi %add3A_355, %add3A_350 : i32
          %get3A_357 = arith.index_cast %add3A_356 : i32 to index
          %get3A_358 = arith.constant 0 : index
          %get3A_359 = tpu.vector_load %arg10[%get3A_357, %get3A_358] {strides = array<i32>} : memref<1024x16xf32, #tpu.memory_space<vmem>>, vector<1x16xf32>,
          %get3A_360 = vector.shape_cast %get3A_359 : vector<1x16xf32> to vector<16xf32>
          %add3A_361 = arith.addf %get3A_354, %get3A_360 : vector<16xf32>
          %swap3A_362 = arith.index_cast %add3A_350 : i32 to index
          %swap3A_363 = arith.constant 0 : index
          %swap3A_364 = tpu.vector_load %arg11[%swap3A_362, %swap3A_363] {strides = array<i32>} : memref<512x16xf32, #tpu.memory_space<vmem>>, vector<1x16xf32>,
          %swap3A_365 = vector.shape_cast %swap3A_364 : vector<1x16xf32> to vector<16xf32>
          %swap3A_366 = vector.shape_cast %add3A_361 : vector<16xf32> to vector<1x16xf32>
          tpu.vector_store %arg11[%swap3A_362, %swap3A_363], %swap3A_366 {add = true, strides = array<i32>} : memref<512x16xf32, #tpu.memory_space<vmem>>, vector<1x16xf32>,
          %mul3A_367 = arith.constant 16 : i32
          %mul3A_368 = arith.muli %scan3A_326, %mul3A_367 : i32
          %add3A_369 = arith.constant 2 : i32
          %add3A_370 = arith.addi %mul3A_368, %add3A_369 : i32
          %get3A_371 = arith.index_cast %add3A_370 : i32 to index
          %get3A_372 = arith.constant 0 : index
          %get3A_373 = tpu.vector_load %arg10[%get3A_371, %get3A_372] {strides = array<i32>} : memref<1024x16xf32, #tpu.memory_space<vmem>>, vector<1x16xf32>,
          %get3A_374 = vector.shape_cast %get3A_373 : vector<1x16xf32> to vector<16xf32>
          %add3A_375 = arith.constant 512 : i32
          %add3A_376 = arith.addi %add3A_375, %add3A_370 : i32
          %get3A_377 = arith.index_cast %add3A_376 : i32 to index
          %get3A_378 = arith.constant 0 : index
          %get3A_379 = tpu.vector_load %arg10[%get3A_377, %get3A_378] {strides = array<i32>} : memref<1024x16xf32, #tpu.memory_space<vmem>>, vector<1x16xf32>,
          %get3A_380 = vector.shape_cast %get3A_379 : vector<1x16xf32> to vector<16xf32>
          %add3A_381 = arith.addf %get3A_374, %get3A_380 : vector<16xf32>
          %swap3A_382 = arith.index_cast %add3A_370 : i32 to index
          %swap3A_383 = arith.constant 0 : index
          %swap3A_384 = tpu.vector_load %arg11[%swap3A_382, %swap3A_383] {strides = array<i32>} : memref<512x16xf32, #tpu.memory_space<vmem>>, vector<1x16xf32>,
          %swap3A_385 = vector.shape_cast %swap3A_384 : vector<1x16xf32> to vector<16xf32>
          %swap3A_386 = vector.shape_cast %add3A_381 : vector<16xf32> to vector<1x16xf32>
          tpu.vector_store %arg11[%swap3A_382, %swap3A_383], %swap3A_386 {add = true, strides = array<i32>} : memref<512x16xf32, #tpu.memory_space<vmem>>, vector<1x16xf32>,
          %mul3A_387 = arith.constant 16 : i32
          %mul3A_388 = arith.muli %scan3A_326, %mul3A_387 : i32
          %add3A_389 = arith.constant 3 : i32
          %add3A_390 = arith.addi %mul3A_388, %add3A_389 : i32
          %get3A_391 = arith.index_cast %add3A_390 : i32 to index
          %get3A_392 = arith.constant 0 : index
          %get3A_393 = tpu.vector_load %arg10[%get3A_391, %get3A_392] {strides = array<i32>} : memref<1024x16xf32, #tpu.memory_space<vmem>>, vector<1x16xf32>,
          %get3A_394 = vector.shape_cast %get3A_393 : vector<1x16xf32> to vector<16xf32>
          %add3A_395 = arith.constant 512 : i32
          %add3A_396 = arith.addi %add3A_395, %add3A_390 : i32
          %get3A_397 = arith.index_cast %add3A_396 : i32 to index
          %get3A_398 = arith.constant 0 : index
          %get3A_399 = tpu.vector_load %arg10[%get3A_397, %get3A_398] {strides = array<i32>} : memref<1024x16xf32, #tpu.memory_space<vmem>>, vector<1x16xf32>,
          %get3A_400 = vector.shape_cast %get3A_399 : vector<1x16xf32> to vector<16xf32>
          %add3A_401 = arith.addf %get3A_394, %get3A_400 : vector<16xf32>
          %swap3A_402 = arith.index_cast %add3A_390 : i32 to index
          %swap3A_403 = arith.constant 0 : index
          %swap3A_404 = tpu.vector_load %arg11[%swap3A_402, %swap3A_403] {strides = array<i32>} : memref<512x16xf32, #tpu.memory_space<vmem>>, vector<1x16xf32>,
          %swap3A_405 = vector.shape_cast %swap3A_404 : vector<1x16xf32> to vector<16xf32>
          %swap3A_406 = vector.shape_cast %add3A_401 : vector<16xf32> to vector<1x16xf32>
          tpu.vector_store %arg11[%swap3A_402, %swap3A_403], %swap3A_406 {add = true, strides = array<i32>} : memref<512x16xf32, #tpu.memory_space<vmem>>, vector<1x16xf32>,
          %mul3A_407 = arith.constant 16 : i32
          %mul3A_408 = arith.muli %scan3A_326, %mul3A_407 : i32
          %add3A_409 = arith.constant 4 : i32
          %add3A_410 = arith.addi %mul3A_408, %add3A_409 : i32
          %get3A_411 = arith.index_cast %add3A_410 : i32 to index
          %get3A_412 = arith.constant 0 : index
          %get3A_413 = tpu.vector_load %arg10[%get3A_411, %get3A_412] {strides = array<i32>} : memref<1024x16xf32, #tpu.memory_space<vmem>>, vector<1x16xf32>,
          %get3A_414 = vector.shape_cast %get3A_413 : vector<1x16xf32> to vector<16xf32>
          %add3A_415 = arith.constant 512 : i32
          %add3A_416 = arith.addi %add3A_415, %add3A_410 : i32
          %get3A_417 = arith.index_cast %add3A_416 : i32 to index
          %get3A_418 = arith.constant 0 : index
          %get3A_419 = tpu.vector_load %arg10[%get3A_417, %get3A_418] {strides = array<i32>} : memref<1024x16xf32, #tpu.memory_space<vmem>>, vector<1x16xf32>,
          %get3A_420 = vector.shape_cast %get3A_419 : vector<1x16xf32> to vector<16xf32>
          %add3A_421 = arith.addf %get3A_414, %get3A_420 : vector<16xf32>
          %swap3A_422 = arith.index_cast %add3A_410 : i32 to index
          %swap3A_423 = arith.constant 0 : index
          %swap3A_424 = tpu.vector_load %arg11[%swap3A_422, %swap3A_423] {strides = array<i32>} : memref<512x16xf32, #tpu.memory_space<vmem>>, vector<1x16xf32>,
          %swap3A_425 = vector.shape_cast %swap3A_424 : vector<1x16xf32> to vector<16xf32>
          %swap3A_426 = vector.shape_cast %add3A_421 : vector<16xf32> to vector<1x16xf32>
          tpu.vector_store %arg11[%swap3A_422, %swap3A_423], %swap3A_426 {add = true, strides = array<i32>} : memref<512x16xf32, #tpu.memory_space<vmem>>, vector<1x16xf32>,
          %mul3A_427 = arith.constant 16 : i32
          %mul3A_428 = arith.muli %scan3A_326, %mul3A_427 : i32
          %add3A_429 = arith.constant 5 : i32
          %add3A_430 = arith.addi %mul3A_428, %add3A_429 : i32
          %get3A_431 = arith.index_cast %add3A_430 : i32 to index
          %get3A_432 = arith.constant 0 : index
          %get3A_433 = tpu.vector_load %arg10[%get3A_431, %get3A_432] {strides = array<i32>} : memref<1024x16xf32, #tpu.memory_space<vmem>>, vector<1x16xf32>,
          %get3A_434 = vector.shape_cast %get3A_433 : vector<1x16xf32> to vector<16xf32>
          %add3A_435 = arith.constant 512 : i32
          %add3A_436 = arith.addi %add3A_435, %add3A_430 : i32
          %get3A_437 = arith.index_cast %add3A_436 : i32 to index
          %get3A_438 = arith.constant 0 : index
          %get3A_439 = tpu.vector_load %arg10[%get3A_437, %get3A_438] {strides = array<i32>} : memref<1024x16xf32, #tpu.memory_space<vmem>>, vector<1x16xf32>,
          %get3A_440 = vector.shape_cast %get3A_439 : vector<1x16xf32> to vector<16xf32>
          %add3A_441 = arith.addf %get3A_434, %get3A_440 : vector<16xf32>
          %swap3A_442 = arith.index_cast %add3A_430 : i32 to index
          %swap3A_443 = arith.constant 0 : index
          %swap3A_444 = tpu.vector_load %arg11[%swap3A_442, %swap3A_443] {strides = array<i32>} : memref<512x16xf32, #tpu.memory_space<vmem>>, vector<1x16xf32>,
          %swap3A_445 = vector.shape_cast %swap3A_444 : vector<1x16xf32> to vector<16xf32>
          %swap3A_446 = vector.shape_cast %add3A_441 : vector<16xf32> to vector<1x16xf32>
          tpu.vector_store %arg11[%swap3A_442, %swap3A_443], %swap3A_446 {add = true, strides = array<i32>} : memref<512x16xf32, #tpu.memory_space<vmem>>, vector<1x16xf32>,
          %mul3A_447 = arith.constant 16 : i32
          %mul3A_448 = arith.muli %scan3A_326, %mul3A_447 : i32
          %add3A_449 = arith.constant 6 : i32
          %add3A_450 = arith.addi %mul3A_448, %add3A_449 : i32
          %get3A_451 = arith.index_cast %add3A_450 : i32 to index
          %get3A_452 = arith.constant 0 : index
          %get3A_453 = tpu.vector_load %arg10[%get3A_451, %get3A_452] {strides = array<i32>} : memref<1024x16xf32, #tpu.memory_space<vmem>>, vector<1x16xf32>,
          %get3A_454 = vector.shape_cast %get3A_453 : vector<1x16xf32> to vector<16xf32>
          %add3A_455 = arith.constant 512 : i32
          %add3A_456 = arith.addi %add3A_455, %add3A_450 : i32
          %get3A_457 = arith.index_cast %add3A_456 : i32 to index
          %get3A_458 = arith.constant 0 : index
          %get3A_459 = tpu.vector_load %arg10[%get3A_457, %get3A_458] {strides = array<i32>} : memref<1024x16xf32, #tpu.memory_space<vmem>>, vector<1x16xf32>,
          %get3A_460 = vector.shape_cast %get3A_459 : vector<1x16xf32> to vector<16xf32>
          %add3A_461 = arith.addf %get3A_454, %get3A_460 : vector<16xf32>
          %swap3A_462 = arith.index_cast %add3A_450 : i32 to index
          %swap3A_463 = arith.constant 0 : index
          %swap3A_464 = tpu.vector_load %arg11[%swap3A_462, %swap3A_463] {strides = array<i32>} : memref<512x16xf32, #tpu.memory_space<vmem>>, vector<1x16xf32>,
          %swap3A_465 = vector.shape_cast %swap3A_464 : vector<1x16xf32> to vector<16xf32>
          %swap3A_466 = vector.shape_cast %add3A_461 : vector<16xf32> to vector<1x16xf32>
          tpu.vector_store %arg11[%swap3A_462, %swap3A_463], %swap3A_466 {add = true, strides = array<i32>} : memref<512x16xf32, #tpu.memory_space<vmem>>, vector<1x16xf32>,
          %mul3A_467 = arith.constant 16 : i32
          %mul3A_468 = arith.muli %scan3A_326, %mul3A_467 : i32
          %add3A_469 = arith.constant 7 : i32
          %add3A_470 = arith.addi %mul3A_468, %add3A_469 : i32
          %get3A_471 = arith.index_cast %add3A_470 : i32 to index
          %get3A_472 = arith.constant 0 : index
          %get3A_473 = tpu.vector_load %arg10[%get3A_471, %get3A_472] {strides = array<i32>} : memref<1024x16xf32, #tpu.memory_space<vmem>>, vector<1x16xf32>,
          %get3A_474 = vector.shape_cast %get3A_473 : vector<1x16xf32> to vector<16xf32>
          %add3A_475 = arith.constant 512 : i32
          %add3A_476 = arith.addi %add3A_475, %add3A_470 : i32
          %get3A_477 = arith.index_cast %add3A_476 : i32 to index
          %get3A_478 = arith.constant 0 : index
          %get3A_479 = tpu.vector_load %arg10[%get3A_477, %get3A_478] {strides = array<i32>} : memref<1024x16xf32, #tpu.memory_space<vmem>>, vector<1x16xf32>,
          %get3A_480 = vector.shape_cast %get3A_479 : vector<1x16xf32> to vector<16xf32>
          %add3A_481 = arith.addf %get3A_474, %get3A_480 : vector<16xf32>
          %swap3A_482 = arith.index_cast %add3A_470 : i32 to index
          %swap3A_483 = arith.constant 0 : index
          %swap3A_484 = tpu.vector_load %arg11[%swap3A_482, %swap3A_483] {strides = array<i32>} : memref<512x16xf32, #tpu.memory_space<vmem>>, vector<1x16xf32>,
          %swap3A_485 = vector.shape_cast %swap3A_484 : vector<1x16xf32> to vector<16xf32>
          %swap3A_486 = vector.shape_cast %add3A_481 : vector<16xf32> to vector<1x16xf32>
          tpu.vector_store %arg11[%swap3A_482, %swap3A_483], %swap3A_486 {add = true, strides = array<i32>} : memref<512x16xf32, #tpu.memory_space<vmem>>, vector<1x16xf32>,
          %mul3A_487 = arith.constant 16 : i32
          %mul3A_488 = arith.muli %scan3A_326, %mul3A_487 : i32
          %add3A_489 = arith.constant 8 : i32
          %add3A_490 = arith.addi %mul3A_488, %add3A_489 : i32
          %get3A_491 = arith.index_cast %add3A_490 : i32 to index
          %get3A_492 = arith.constant 0 : index
          %get3A_493 = tpu.vector_load %arg10[%get3A_491, %get3A_492] {strides = array<i32>} : memref<1024x16xf32, #tpu.memory_space<vmem>>, vector<1x16xf32>,
          %get3A_494 = vector.shape_cast %get3A_493 : vector<1x16xf32> to vector<16xf32>
          %add3A_495 = arith.constant 512 : i32
          %add3A_496 = arith.addi %add3A_495, %add3A_490 : i32
          %get3A_497 = arith.index_cast %add3A_496 : i32 to index
          %get3A_498 = arith.constant 0 : index
          %get3A_499 = tpu.vector_load %arg10[%get3A_497, %get3A_498] {strides = array<i32>} : memref<1024x16xf32, #tpu.memory_space<vmem>>, vector<1x16xf32>,
          %get3A_500 = vector.shape_cast %get3A_499 : vector<1x16xf32> to vector<16xf32>
          %add3A_501 = arith.addf %get3A_494, %get3A_500 : vector<16xf32>
          %swap3A_502 = arith.index_cast %add3A_490 : i32 to index
          %swap3A_503 = arith.constant 0 : index
          %swap3A_504 = tpu.vector_load %arg11[%swap3A_502, %swap3A_503] {strides = array<i32>} : memref<512x16xf32, #tpu.memory_space<vmem>>, vector<1x16xf32>,
          %swap3A_505 = vector.shape_cast %swap3A_504 : vector<1x16xf32> to vector<16xf32>
          %swap3A_506 = vector.shape_cast %add3A_501 : vector<16xf32> to vector<1x16xf32>
          tpu.vector_store %arg11[%swap3A_502, %swap3A_503], %swap3A_506 {add = true, strides = array<i32>} : memref<512x16xf32, #tpu.memory_space<vmem>>, vector<1x16xf32>,
          %mul3A_507 = arith.constant 16 : i32
          %mul3A_508 = arith.muli %scan3A_326, %mul3A_507 : i32
          %add3A_509 = arith.constant 9 : i32
          %add3A_510 = arith.addi %mul3A_508, %add3A_509 : i32
          %get3A_511 = arith.index_cast %add3A_510 : i32 to index
          %get3A_512 = arith.constant 0 : index
          %get3A_513 = tpu.vector_load %arg10[%get3A_511, %get3A_512] {strides = array<i32>} : memref<1024x16xf32, #tpu.memory_space<vmem>>, vector<1x16xf32>,
          %get3A_514 = vector.shape_cast %get3A_513 : vector<1x16xf32> to vector<16xf32>
          %add3A_515 = arith.constant 512 : i32
          %add3A_516 = arith.addi %add3A_515, %add3A_510 : i32
          %get3A_517 = arith.index_cast %add3A_516 : i32 to index
          %get3A_518 = arith.constant 0 : index
          %get3A_519 = tpu.vector_load %arg10[%get3A_517, %get3A_518] {strides = array<i32>} : memref<1024x16xf32, #tpu.memory_space<vmem>>, vector<1x16xf32>,
          %get3A_520 = vector.shape_cast %get3A_519 : vector<1x16xf32> to vector<16xf32>
          %add3A_521 = arith.addf %get3A_514, %get3A_520 : vector<16xf32>
          %swap3A_522 = arith.index_cast %add3A_510 : i32 to index
          %swap3A_523 = arith.constant 0 : index
          %swap3A_524 = tpu.vector_load %arg11[%swap3A_522, %swap3A_523] {strides = array<i32>} : memref<512x16xf32, #tpu.memory_space<vmem>>, vector<1x16xf32>,
          %swap3A_525 = vector.shape_cast %swap3A_524 : vector<1x16xf32> to vector<16xf32>
          %swap3A_526 = vector.shape_cast %add3A_521 : vector<16xf32> to vector<1x16xf32>
          tpu.vector_store %arg11[%swap3A_522, %swap3A_523], %swap3A_526 {add = true, strides = array<i32>} : memref<512x16xf32, #tpu.memory_space<vmem>>, vector<1x16xf32>,
          %mul3A_527 = arith.constant 16 : i32
          %mul3A_528 = arith.muli %scan3A_326, %mul3A_527 : i32
          %add3A_529 = arith.constant 10 : i32
          %add3A_530 = arith.addi %mul3A_528, %add3A_529 : i32
          %get3A_531 = arith.index_cast %add3A_530 : i32 to index
          %get3A_532 = arith.constant 0 : index
          %get3A_533 = tpu.vector_load %arg10[%get3A_531, %get3A_532] {strides = array<i32>} : memref<1024x16xf32, #tpu.memory_space<vmem>>, vector<1x16xf32>,
          %get3A_534 = vector.shape_cast %get3A_533 : vector<1x16xf32> to vector<16xf32>
          %add3A_535 = arith.constant 512 : i32
          %add3A_536 = arith.addi %add3A_535, %add3A_530 : i32
          %get3A_537 = arith.index_cast %add3A_536 : i32 to index
          %get3A_538 = arith.constant 0 : index
          %get3A_539 = tpu.vector_load %arg10[%get3A_537, %get3A_538] {strides = array<i32>} : memref<1024x16xf32, #tpu.memory_space<vmem>>, vector<1x16xf32>,
          %get3A_540 = vector.shape_cast %get3A_539 : vector<1x16xf32> to vector<16xf32>
          %add3A_541 = arith.addf %get3A_534, %get3A_540 : vector<16xf32>
          %swap3A_542 = arith.index_cast %add3A_530 : i32 to index
          %swap3A_543 = arith.constant 0 : index
          %swap3A_544 = tpu.vector_load %arg11[%swap3A_542, %swap3A_543] {strides = array<i32>} : memref<512x16xf32, #tpu.memory_space<vmem>>, vector<1x16xf32>,
          %swap3A_545 = vector.shape_cast %swap3A_544 : vector<1x16xf32> to vector<16xf32>
          %swap3A_546 = vector.shape_cast %add3A_541 : vector<16xf32> to vector<1x16xf32>
          tpu.vector_store %arg11[%swap3A_542, %swap3A_543], %swap3A_546 {add = true, strides = array<i32>} : memref<512x16xf32, #tpu.memory_space<vmem>>, vector<1x16xf32>,
          %mul3A_547 = arith.constant 16 : i32
          %mul3A_548 = arith.muli %scan3A_326, %mul3A_547 : i32
          %add3A_549 = arith.constant 11 : i32
          %add3A_550 = arith.addi %mul3A_548, %add3A_549 : i32
          %get3A_551 = arith.index_cast %add3A_550 : i32 to index
          %get3A_552 = arith.constant 0 : index
          %get3A_553 = tpu.vector_load %arg10[%get3A_551, %get3A_552] {strides = array<i32>} : memref<1024x16xf32, #tpu.memory_space<vmem>>, vector<1x16xf32>,
          %get3A_554 = vector.shape_cast %get3A_553 : vector<1x16xf32> to vector<16xf32>
          %add3A_555 = arith.constant 512 : i32
          %add3A_556 = arith.addi %add3A_555, %add3A_550 : i32
          %get3A_557 = arith.index_cast %add3A_556 : i32 to index
          %get3A_558 = arith.constant 0 : index
          %get3A_559 = tpu.vector_load %arg10[%get3A_557, %get3A_558] {strides = array<i32>} : memref<1024x16xf32, #tpu.memory_space<vmem>>, vector<1x16xf32>,
          %get3A_560 = vector.shape_cast %get3A_559 : vector<1x16xf32> to vector<16xf32>
          %add3A_561 = arith.addf %get3A_554, %get3A_560 : vector<16xf32>
          %swap3A_562 = arith.index_cast %add3A_550 : i32 to index
          %swap3A_563 = arith.constant 0 : index
          %swap3A_564 = tpu.vector_load %arg11[%swap3A_562, %swap3A_563] {strides = array<i32>} : memref<512x16xf32, #tpu.memory_space<vmem>>, vector<1x16xf32>,
          %swap3A_565 = vector.shape_cast %swap3A_564 : vector<1x16xf32> to vector<16xf32>
          %swap3A_566 = vector.shape_cast %add3A_561 : vector<16xf32> to vector<1x16xf32>
          tpu.vector_store %arg11[%swap3A_562, %swap3A_563], %swap3A_566 {add = true, strides = array<i32>} : memref<512x16xf32, #tpu.memory_space<vmem>>, vector<1x16xf32>,
          %mul3A_567 = arith.constant 16 : i32
          %mul3A_568 = arith.muli %scan3A_326, %mul3A_567 : i32
          %add3A_569 = arith.constant 12 : i32
          %add3A_570 = arith.addi %mul3A_568, %add3A_569 : i32
          %get3A_571 = arith.index_cast %add3A_570 : i32 to index
          %get3A_572 = arith.constant 0 : index
          %get3A_573 = tpu.vector_load %arg10[%get3A_571, %get3A_572] {strides = array<i32>} : memref<1024x16xf32, #tpu.memory_space<vmem>>, vector<1x16xf32>,
          %get3A_574 = vector.shape_cast %get3A_573 : vector<1x16xf32> to vector<16xf32>
          %add3A_575 = arith.constant 512 : i32
          %add3A_576 = arith.addi %add3A_575, %add3A_570 : i32
          %get3A_577 = arith.index_cast %add3A_576 : i32 to index
          %get3A_578 = arith.constant 0 : index
          %get3A_579 = tpu.vector_load %arg10[%get3A_577, %get3A_578] {strides = array<i32>} : memref<1024x16xf32, #tpu.memory_space<vmem>>, vector<1x16xf32>,
          %get3A_580 = vector.shape_cast %get3A_579 : vector<1x16xf32> to vector<16xf32>
          %add3A_581 = arith.addf %get3A_574, %get3A_580 : vector<16xf32>
          %swap3A_582 = arith.index_cast %add3A_570 : i32 to index
          %swap3A_583 = arith.constant 0 : index
          %swap3A_584 = tpu.vector_load %arg11[%swap3A_582, %swap3A_583] {strides = array<i32>} : memref<512x16xf32, #tpu.memory_space<vmem>>, vector<1x16xf32>,
          %swap3A_585 = vector.shape_cast %swap3A_584 : vector<1x16xf32> to vector<16xf32>
          %swap3A_586 = vector.shape_cast %add3A_581 : vector<16xf32> to vector<1x16xf32>
          tpu.vector_store %arg11[%swap3A_582, %swap3A_583], %swap3A_586 {add = true, strides = array<i32>} : memref<512x16xf32, #tpu.memory_space<vmem>>, vector<1x16xf32>,
          %mul3A_587 = arith.constant 16 : i32
          %mul3A_588 = arith.muli %scan3A_326, %mul3A_587 : i32
          %add3A_589 = arith.constant 13 : i32
          %add3A_590 = arith.addi %mul3A_588, %add3A_589 : i32
          %get3A_591 = arith.index_cast %add3A_590 : i32 to index
          %get3A_592 = arith.constant 0 : index
          %get3A_593 = tpu.vector_load %arg10[%get3A_591, %get3A_592] {strides = array<i32>} : memref<1024x16xf32, #tpu.memory_space<vmem>>, vector<1x16xf32>,
          %get3A_594 = vector.shape_cast %get3A_593 : vector<1x16xf32> to vector<16xf32>
          %add3A_595 = arith.constant 512 : i32
          %add3A_596 = arith.addi %add3A_595, %add3A_590 : i32
          %get3A_597 = arith.index_cast %add3A_596 : i32 to index
          %get3A_598 = arith.constant 0 : index
          %get3A_599 = tpu.vector_load %arg10[%get3A_597, %get3A_598] {strides = array<i32>} : memref<1024x16xf32, #tpu.memory_space<vmem>>, vector<1x16xf32>,
          %get3A_600 = vector.shape_cast %get3A_599 : vector<1x16xf32> to vector<16xf32>
          %add3A_601 = arith.addf %get3A_594, %get3A_600 : vector<16xf32>
          %swap3A_602 = arith.index_cast %add3A_590 : i32 to index
          %swap3A_603 = arith.constant 0 : index
          %swap3A_604 = tpu.vector_load %arg11[%swap3A_602, %swap3A_603] {strides = array<i32>} : memref<512x16xf32, #tpu.memory_space<vmem>>, vector<1x16xf32>,
          %swap3A_605 = vector.shape_cast %swap3A_604 : vector<1x16xf32> to vector<16xf32>
          %swap3A_606 = vector.shape_cast %add3A_601 : vector<16xf32> to vector<1x16xf32>
          tpu.vector_store %arg11[%swap3A_602, %swap3A_603], %swap3A_606 {add = true, strides = array<i32>} : memref<512x16xf32, #tpu.memory_space<vmem>>, vector<1x16xf32>,
          %mul3A_607 = arith.constant 16 : i32
          %mul3A_608 = arith.muli %scan3A_326, %mul3A_607 : i32
          %add3A_609 = arith.constant 14 : i32
          %add3A_610 = arith.addi %mul3A_608, %add3A_609 : i32
          %get3A_611 = arith.index_cast %add3A_610 : i32 to index
          %get3A_612 = arith.constant 0 : index
          %get3A_613 = tpu.vector_load %arg10[%get3A_611, %get3A_612] {strides = array<i32>} : memref<1024x16xf32, #tpu.memory_space<vmem>>, vector<1x16xf32>,
          %get3A_614 = vector.shape_cast %get3A_613 : vector<1x16xf32> to vector<16xf32>
          %add3A_615 = arith.constant 512 : i32
          %add3A_616 = arith.addi %add3A_615, %add3A_610 : i32
          %get3A_617 = arith.index_cast %add3A_616 : i32 to index
          %get3A_618 = arith.constant 0 : index
          %get3A_619 = tpu.vector_load %arg10[%get3A_617, %get3A_618] {strides = array<i32>} : memref<1024x16xf32, #tpu.memory_space<vmem>>, vector<1x16xf32>,
          %get3A_620 = vector.shape_cast %get3A_619 : vector<1x16xf32> to vector<16xf32>
          %add3A_621 = arith.addf %get3A_614, %get3A_620 : vector<16xf32>
          %swap3A_622 = arith.index_cast %add3A_610 : i32 to index
          %swap3A_623 = arith.constant 0 : index
          %swap3A_624 = tpu.vector_load %arg11[%swap3A_622, %swap3A_623] {strides = array<i32>} : memref<512x16xf32, #tpu.memory_space<vmem>>, vector<1x16xf32>,
          %swap3A_625 = vector.shape_cast %swap3A_624 : vector<1x16xf32> to vector<16xf32>
          %swap3A_626 = vector.shape_cast %add3A_621 : vector<16xf32> to vector<1x16xf32>
          tpu.vector_store %arg11[%swap3A_622, %swap3A_623], %swap3A_626 {add = true, strides = array<i32>} : memref<512x16xf32, #tpu.memory_space<vmem>>, vector<1x16xf32>,
          %mul3A_627 = arith.constant 16 : i32
          %mul3A_628 = arith.muli %scan3A_326, %mul3A_627 : i32
          %add3A_629 = arith.constant 15 : i32
          %add3A_630 = arith.addi %mul3A_628, %add3A_629 : i32
          %get3A_631 = arith.index_cast %add3A_630 : i32 to index
          %get3A_632 = arith.constant 0 : index
          %get3A_633 = tpu.vector_load %arg10[%get3A_631, %get3A_632] {strides = array<i32>} : memref<1024x16xf32, #tpu.memory_space<vmem>>, vector<1x16xf32>,
          %get3A_634 = vector.shape_cast %get3A_633 : vector<1x16xf32> to vector<16xf32>
          %add3A_635 = arith.constant 512 : i32
          %add3A_636 = arith.addi %add3A_635, %add3A_630 : i32
          %get3A_637 = arith.index_cast %add3A_636 : i32 to index
          %get3A_638 = arith.constant 0 : index
          %get3A_639 = tpu.vector_load %arg10[%get3A_637, %get3A_638] {strides = array<i32>} : memref<1024x16xf32, #tpu.memory_space<vmem>>, vector<1x16xf32>,
          %get3A_640 = vector.shape_cast %get3A_639 : vector<1x16xf32> to vector<16xf32>
          %add3A_641 = arith.addf %get3A_634, %get3A_640 : vector<16xf32>
          %swap3A_642 = arith.index_cast %add3A_630 : i32 to index
          %swap3A_643 = arith.constant 0 : index
          %swap3A_644 = tpu.vector_load %arg11[%swap3A_642, %swap3A_643] {strides = array<i32>} : memref<512x16xf32, #tpu.memory_space<vmem>>, vector<1x16xf32>,
          %swap3A_645 = vector.shape_cast %swap3A_644 : vector<1x16xf32> to vector<16xf32>
          %swap3A_646 = vector.shape_cast %add3A_641 : vector<16xf32> to vector<1x16xf32>
          tpu.vector_store %arg11[%swap3A_642, %swap3A_643], %swap3A_646 {add = true, strides = array<i32>} : memref<512x16xf32, #tpu.memory_space<vmem>>, vector<1x16xf32>,
          %scan3A_647 = arith.constant 0 : i32
          scf.yield %scan3A_647 : i32
        }
        %scan3A_316 = arith.constant 32 : i32
        %add3A_317 = arith.constant 2 : i32
        %add3A_318 = arith.addi %add3A_302, %add3A_317 : i32
        %dma_start3A_319 = arith.constant 0 : i32
        %dma_start3A_320 = tpu.memref_slice %arg7[%add3A_318, %dma_start3A_319] : memref<25x1024xi32, #tpu.memory_space<vmem>> -> memref<1x1024xi32, #tpu.memory_space<vmem>>
        %dma_start3A_321 = tpu.memref_squeeze %dma_start3A_320 : memref<1x1024xi32, #tpu.memory_space<vmem>> -> memref<1024xi32, #tpu.memory_space<vmem>>
        %dma_start3A_322 = arith.constant 0 : i32
        %dma_start3A_323 = arith.constant 0 : i32
        %dma_start3A_324 = tpu.memref_slice %arg4[%dma_start3A_322, %dma_start3A_323] : memref<1015808x16xf32, #tpu.memory_space<hbm>> -> memref<1015808x16xf32, #tpu.memory_space<hbm>>
        tpu.enqueue_indirect_dma source(%dma_start3A_324 : memref<1015808x16xf32, #tpu.memory_space<hbm>>) target(%arg10 : memref<1024x16xf32, #tpu.memory_space<vmem>>) offsets(%dma_start3A_321 : memref<1024xi32, #tpu.memory_space<vmem>>) semaphore(%arg16 : memref<!tpu.dma_semaphore, #tpu.memory_space<semaphore_mem>>)
        %scan3A_325 = arith.constant 0 : i32
        scf.yield %scan3A_325 : i32
      }
      %scan3A_121 = arith.constant 11 : i32
      %dma_wait3A_122 = arith.constant 0 : i32
      %dma_wait3A_123 = arith.constant 0 : i32
      %dma_wait3A_124 = tpu.memref_slice %arg7[%dma_wait3A_122, %dma_wait3A_123] : memref<25x1024xi32, #tpu.memory_space<vmem>> -> memref<1x1024xi32, #tpu.memory_space<vmem>>
      %dma_wait3A_125 = tpu.memref_squeeze %dma_wait3A_124 : memref<1x1024xi32, #tpu.memory_space<vmem>> -> memref<1024xi32, #tpu.memory_space<vmem>>
      %dma_wait3A_126 = arith.constant 0 : i32
      %dma_wait3A_127 = arith.constant 0 : i32
      %dma_wait3A_128 = tpu.memref_slice %arg4[%dma_wait3A_126, %dma_wait3A_127] : memref<1015808x16xf32, #tpu.memory_space<hbm>> -> memref<1015808x16xf32, #tpu.memory_space<hbm>>
      tpu.wait_indirect_dma semaphore(%arg15 : memref<!tpu.dma_semaphore, #tpu.memory_space<semaphore_mem>>) src(%dma_wait3A_128 : memref<1015808x16xf32, #tpu.memory_space<hbm>>) dst(%arg9 : memref<1024x16xf32, #tpu.memory_space<vmem>>)
      %scan3A_129 = arith.constant 0 : i32
      %scan3A_130 = arith.constant 0 : i32
      %scan3A_131 = arith.constant 32 : i32
      %scan3A_132 = arith.addi %scan3A_130, %scan3A_131 : i32
      %scan3A_133 = arith.constant 1 : i32
      %scan3A_134 = scf.for %scan3A_271 = %scan3A_130 to %scan3A_132 step %scan3A_133 iter_args(%scan3A_272 = %scan3A_129) -> (i32)  : i32 {
        %mul3A_273 = arith.constant 16 : i32
        %mul3A_274 = arith.muli %scan3A_271, %mul3A_273 : i32
        %add3A_275 = arith.constant 0 : i32
        %add3A_276 = arith.addi %mul3A_274, %add3A_275 : i32
        %get3A_277 = arith.index_cast %add3A_276 : i32 to index
        %get3A_278 = arith.constant 0 : index
        %get3A_279 = tpu.vector_load %arg9[%get3A_277, %get3A_278] {strides = array<i32>} : memref<1024x16xf32, #tpu.memory_space<vmem>>, vector<1x16xf32>,
        %get3A_280 = vector.shape_cast %get3A_279 : vector<1x16xf32> to vector<16xf32>
        %add3A_281 = arith.constant 512 : i32
        %add3A_282 = arith.addi %add3A_281, %add3A_276 : i32
        %get3A_283 = arith.index_cast %add3A_282 : i32 to index
        %get3A_284 = arith.constant 0 : index
        %get3A_285 = tpu.vector_load %arg9[%get3A_283, %get3A_284] {strides = array<i32>} : memref<1024x16xf32, #tpu.memory_space<vmem>>, vector<1x16xf32>,
        %get3A_286 = vector.shape_cast %get3A_285 : vector<1x16xf32> to vector<16xf32>
        %add3A_287 = arith.addf %get3A_280, %get3A_286 : vector<16xf32>
        %swap3A = arith.index_cast %add3A_276 : i32 to index
        %swap3A_288 = arith.constant 0 : index
        %swap3A_289 = tpu.vector_load %arg11[%swap3A, %swap3A_288] {strides = array<i32>} : memref<512x16xf32, #tpu.memory_space<vmem>>, vector<1x16xf32>,
        %swap3A_290 = vector.shape_cast %swap3A_289 : vector<1x16xf32> to vector<16xf32>
        %swap3A_291 = vector.shape_cast %add3A_287 : vector<16xf32> to vector<1x16xf32>
        tpu.vector_store %arg11[%swap3A, %swap3A_288], %swap3A_291 {add = true, strides = array<i32>} : memref<512x16xf32, #tpu.memory_space<vmem>>, vector<1x16xf32>,
        %mul3A_292 = arith.constant 16 : i32
        %mul3A_293 = arith.muli %scan3A_271, %mul3A_292 : i32
        %add3A_294 = arith.constant 1 : i32
        %add3A_295 = arith.addi %mul3A_293, %add3A_294 : i32
        %get3A_296 = arith.index_cast %add3A_295 : i32 to index
        %get3A_297 = arith.constant 0 : index
        %get3A_298 = tpu.vector_load %arg9[%get3A_296, %get3A_297] {strides = array<i32>} : memref<1024x16xf32, #tpu.memory_space<vmem>>, vector<1x16xf32>,
        %get3A_299 = vector.shape_cast %get3A_298 : vector<1x16xf32> to vector<16xf32>
        %add3A_300 = arith.constant 512 : i32
        %add3A_301 = arith.addi %add3A_300, %add3A_295 : i32
        %get3A_302 = arith.index_cast %add3A_301 : i32 to index
        %get3A_303 = arith.constant 0 : index
        %get3A_304 = tpu.vector_load %arg9[%get3A_302, %get3A_303] {strides = array<i32>} : memref<1024x16xf32, #tpu.memory_space<vmem>>, vector<1x16xf32>,
        %get3A_305 = vector.shape_cast %get3A_304 : vector<1x16xf32> to vector<16xf32>
        %add3A_306 = arith.addf %get3A_299, %get3A_305 : vector<16xf32>
        %swap3A_307 = arith.index_cast %add3A_295 : i32 to index
        %swap3A_308 = arith.constant 0 : index
        %swap3A_309 = tpu.vector_load %arg11[%swap3A_307, %swap3A_308] {strides = array<i32>} : memref<512x16xf32, #tpu.memory_space<vmem>>, vector<1x16xf32>,
        %swap3A_310 = vector.shape_cast %swap3A_309 : vector<1x16xf32> to vector<16xf32>
        %swap3A_311 = vector.shape_cast %add3A_306 : vector<16xf32> to vector<1x16xf32>
        tpu.vector_store %arg11[%swap3A_307, %swap3A_308], %swap3A_311 {add = true, strides = array<i32>} : memref<512x16xf32, #tpu.memory_space<vmem>>, vector<1x16xf32>,
        %mul3A_312 = arith.constant 16 : i32
        %mul3A_313 = arith.muli %scan3A_271, %mul3A_312 : i32
        %add3A_314 = arith.constant 2 : i32
        %add3A_315 = arith.addi %mul3A_313, %add3A_314 : i32
        %get3A_316 = arith.index_cast %add3A_315 : i32 to index
        %get3A_317 = arith.constant 0 : index
        %get3A_318 = tpu.vector_load %arg9[%get3A_316, %get3A_317] {strides = array<i32>} : memref<1024x16xf32, #tpu.memory_space<vmem>>, vector<1x16xf32>,
        %get3A_319 = vector.shape_cast %get3A_318 : vector<1x16xf32> to vector<16xf32>
        %add3A_320 = arith.constant 512 : i32
        %add3A_321 = arith.addi %add3A_320, %add3A_315 : i32
        %get3A_322 = arith.index_cast %add3A_321 : i32 to index
        %get3A_323 = arith.constant 0 : index
        %get3A_324 = tpu.vector_load %arg9[%get3A_322, %get3A_323] {strides = array<i32>} : memref<1024x16xf32, #tpu.memory_space<vmem>>, vector<1x16xf32>,
        %get3A_325 = vector.shape_cast %get3A_324 : vector<1x16xf32> to vector<16xf32>
        %add3A_326 = arith.addf %get3A_319, %get3A_325 : vector<16xf32>
        %swap3A_327 = arith.index_cast %add3A_315 : i32 to index
        %swap3A_328 = arith.constant 0 : index
        %swap3A_329 = tpu.vector_load %arg11[%swap3A_327, %swap3A_328] {strides = array<i32>} : memref<512x16xf32, #tpu.memory_space<vmem>>, vector<1x16xf32>,
        %swap3A_330 = vector.shape_cast %swap3A_329 : vector<1x16xf32> to vector<16xf32>
        %swap3A_331 = vector.shape_cast %add3A_326 : vector<16xf32> to vector<1x16xf32>
        tpu.vector_store %arg11[%swap3A_327, %swap3A_328], %swap3A_331 {add = true, strides = array<i32>} : memref<512x16xf32, #tpu.memory_space<vmem>>, vector<1x16xf32>,
        %mul3A_332 = arith.constant 16 : i32
        %mul3A_333 = arith.muli %scan3A_271, %mul3A_332 : i32
        %add3A_334 = arith.constant 3 : i32
        %add3A_335 = arith.addi %mul3A_333, %add3A_334 : i32
        %get3A_336 = arith.index_cast %add3A_335 : i32 to index
        %get3A_337 = arith.constant 0 : index
        %get3A_338 = tpu.vector_load %arg9[%get3A_336, %get3A_337] {strides = array<i32>} : memref<1024x16xf32, #tpu.memory_space<vmem>>, vector<1x16xf32>,
        %get3A_339 = vector.shape_cast %get3A_338 : vector<1x16xf32> to vector<16xf32>
        %add3A_340 = arith.constant 512 : i32
        %add3A_341 = arith.addi %add3A_340, %add3A_335 : i32
        %get3A_342 = arith.index_cast %add3A_341 : i32 to index
        %get3A_343 = arith.constant 0 : index
        %get3A_344 = tpu.vector_load %arg9[%get3A_342, %get3A_343] {strides = array<i32>} : memref<1024x16xf32, #tpu.memory_space<vmem>>, vector<1x16xf32>,
        %get3A_345 = vector.shape_cast %get3A_344 : vector<1x16xf32> to vector<16xf32>
        %add3A_346 = arith.addf %get3A_339, %get3A_345 : vector<16xf32>
        %swap3A_347 = arith.index_cast %add3A_335 : i32 to index
        %swap3A_348 = arith.constant 0 : index
        %swap3A_349 = tpu.vector_load %arg11[%swap3A_347, %swap3A_348] {strides = array<i32>} : memref<512x16xf32, #tpu.memory_space<vmem>>, vector<1x16xf32>,
        %swap3A_350 = vector.shape_cast %swap3A_349 : vector<1x16xf32> to vector<16xf32>
        %swap3A_351 = vector.shape_cast %add3A_346 : vector<16xf32> to vector<1x16xf32>
        tpu.vector_store %arg11[%swap3A_347, %swap3A_348], %swap3A_351 {add = true, strides = array<i32>} : memref<512x16xf32, #tpu.memory_space<vmem>>, vector<1x16xf32>,
        %mul3A_352 = arith.constant 16 : i32
        %mul3A_353 = arith.muli %scan3A_271, %mul3A_352 : i32
        %add3A_354 = arith.constant 4 : i32
        %add3A_355 = arith.addi %mul3A_353, %add3A_354 : i32
        %get3A_356 = arith.index_cast %add3A_355 : i32 to index
        %get3A_357 = arith.constant 0 : index
        %get3A_358 = tpu.vector_load %arg9[%get3A_356, %get3A_357] {strides = array<i32>} : memref<1024x16xf32, #tpu.memory_space<vmem>>, vector<1x16xf32>,
        %get3A_359 = vector.shape_cast %get3A_358 : vector<1x16xf32> to vector<16xf32>
        %add3A_360 = arith.constant 512 : i32
        %add3A_361 = arith.addi %add3A_360, %add3A_355 : i32
        %get3A_362 = arith.index_cast %add3A_361 : i32 to index
        %get3A_363 = arith.constant 0 : index
        %get3A_364 = tpu.vector_load %arg9[%get3A_362, %get3A_363] {strides = array<i32>} : memref<1024x16xf32, #tpu.memory_space<vmem>>, vector<1x16xf32>,
        %get3A_365 = vector.shape_cast %get3A_364 : vector<1x16xf32> to vector<16xf32>
        %add3A_366 = arith.addf %get3A_359, %get3A_365 : vector<16xf32>
        %swap3A_367 = arith.index_cast %add3A_355 : i32 to index
        %swap3A_368 = arith.constant 0 : index
        %swap3A_369 = tpu.vector_load %arg11[%swap3A_367, %swap3A_368] {strides = array<i32>} : memref<512x16xf32, #tpu.memory_space<vmem>>, vector<1x16xf32>,
        %swap3A_370 = vector.shape_cast %swap3A_369 : vector<1x16xf32> to vector<16xf32>
        %swap3A_371 = vector.shape_cast %add3A_366 : vector<16xf32> to vector<1x16xf32>
        tpu.vector_store %arg11[%swap3A_367, %swap3A_368], %swap3A_371 {add = true, strides = array<i32>} : memref<512x16xf32, #tpu.memory_space<vmem>>, vector<1x16xf32>,
        %mul3A_372 = arith.constant 16 : i32
        %mul3A_373 = arith.muli %scan3A_271, %mul3A_372 : i32
        %add3A_374 = arith.constant 5 : i32
        %add3A_375 = arith.addi %mul3A_373, %add3A_374 : i32
        %get3A_376 = arith.index_cast %add3A_375 : i32 to index
        %get3A_377 = arith.constant 0 : index
        %get3A_378 = tpu.vector_load %arg9[%get3A_376, %get3A_377] {strides = array<i32>} : memref<1024x16xf32, #tpu.memory_space<vmem>>, vector<1x16xf32>,
        %get3A_379 = vector.shape_cast %get3A_378 : vector<1x16xf32> to vector<16xf32>
        %add3A_380 = arith.constant 512 : i32
        %add3A_381 = arith.addi %add3A_380, %add3A_375 : i32
        %get3A_382 = arith.index_cast %add3A_381 : i32 to index
        %get3A_383 = arith.constant 0 : index
        %get3A_384 = tpu.vector_load %arg9[%get3A_382, %get3A_383] {strides = array<i32>} : memref<1024x16xf32, #tpu.memory_space<vmem>>, vector<1x16xf32>,
        %get3A_385 = vector.shape_cast %get3A_384 : vector<1x16xf32> to vector<16xf32>
        %add3A_386 = arith.addf %get3A_379, %get3A_385 : vector<16xf32>
        %swap3A_387 = arith.index_cast %add3A_375 : i32 to index
        %swap3A_388 = arith.constant 0 : index
        %swap3A_389 = tpu.vector_load %arg11[%swap3A_387, %swap3A_388] {strides = array<i32>} : memref<512x16xf32, #tpu.memory_space<vmem>>, vector<1x16xf32>,
        %swap3A_390 = vector.shape_cast %swap3A_389 : vector<1x16xf32> to vector<16xf32>
        %swap3A_391 = vector.shape_cast %add3A_386 : vector<16xf32> to vector<1x16xf32>
        tpu.vector_store %arg11[%swap3A_387, %swap3A_388], %swap3A_391 {add = true, strides = array<i32>} : memref<512x16xf32, #tpu.memory_space<vmem>>, vector<1x16xf32>,
        %mul3A_392 = arith.constant 16 : i32
        %mul3A_393 = arith.muli %scan3A_271, %mul3A_392 : i32
        %add3A_394 = arith.constant 6 : i32
        %add3A_395 = arith.addi %mul3A_393, %add3A_394 : i32
        %get3A_396 = arith.index_cast %add3A_395 : i32 to index
        %get3A_397 = arith.constant 0 : index
        %get3A_398 = tpu.vector_load %arg9[%get3A_396, %get3A_397] {strides = array<i32>} : memref<1024x16xf32, #tpu.memory_space<vmem>>, vector<1x16xf32>,
        %get3A_399 = vector.shape_cast %get3A_398 : vector<1x16xf32> to vector<16xf32>
        %add3A_400 = arith.constant 512 : i32
        %add3A_401 = arith.addi %add3A_400, %add3A_395 : i32
        %get3A_402 = arith.index_cast %add3A_401 : i32 to index
        %get3A_403 = arith.constant 0 : index
        %get3A_404 = tpu.vector_load %arg9[%get3A_402, %get3A_403] {strides = array<i32>} : memref<1024x16xf32, #tpu.memory_space<vmem>>, vector<1x16xf32>,
        %get3A_405 = vector.shape_cast %get3A_404 : vector<1x16xf32> to vector<16xf32>
        %add3A_406 = arith.addf %get3A_399, %get3A_405 : vector<16xf32>
        %swap3A_407 = arith.index_cast %add3A_395 : i32 to index
        %swap3A_408 = arith.constant 0 : index
        %swap3A_409 = tpu.vector_load %arg11[%swap3A_407, %swap3A_408] {strides = array<i32>} : memref<512x16xf32, #tpu.memory_space<vmem>>, vector<1x16xf32>,
        %swap3A_410 = vector.shape_cast %swap3A_409 : vector<1x16xf32> to vector<16xf32>
        %swap3A_411 = vector.shape_cast %add3A_406 : vector<16xf32> to vector<1x16xf32>
        tpu.vector_store %arg11[%swap3A_407, %swap3A_408], %swap3A_411 {add = true, strides = array<i32>} : memref<512x16xf32, #tpu.memory_space<vmem>>, vector<1x16xf32>,
        %mul3A_412 = arith.constant 16 : i32
        %mul3A_413 = arith.muli %scan3A_271, %mul3A_412 : i32
        %add3A_414 = arith.constant 7 : i32
        %add3A_415 = arith.addi %mul3A_413, %add3A_414 : i32
        %get3A_416 = arith.index_cast %add3A_415 : i32 to index
        %get3A_417 = arith.constant 0 : index
        %get3A_418 = tpu.vector_load %arg9[%get3A_416, %get3A_417] {strides = array<i32>} : memref<1024x16xf32, #tpu.memory_space<vmem>>, vector<1x16xf32>,
        %get3A_419 = vector.shape_cast %get3A_418 : vector<1x16xf32> to vector<16xf32>
        %add3A_420 = arith.constant 512 : i32
        %add3A_421 = arith.addi %add3A_420, %add3A_415 : i32
        %get3A_422 = arith.index_cast %add3A_421 : i32 to index
        %get3A_423 = arith.constant 0 : index
        %get3A_424 = tpu.vector_load %arg9[%get3A_422, %get3A_423] {strides = array<i32>} : memref<1024x16xf32, #tpu.memory_space<vmem>>, vector<1x16xf32>,
        %get3A_425 = vector.shape_cast %get3A_424 : vector<1x16xf32> to vector<16xf32>
        %add3A_426 = arith.addf %get3A_419, %get3A_425 : vector<16xf32>
        %swap3A_427 = arith.index_cast %add3A_415 : i32 to index
        %swap3A_428 = arith.constant 0 : index
        %swap3A_429 = tpu.vector_load %arg11[%swap3A_427, %swap3A_428] {strides = array<i32>} : memref<512x16xf32, #tpu.memory_space<vmem>>, vector<1x16xf32>,
        %swap3A_430 = vector.shape_cast %swap3A_429 : vector<1x16xf32> to vector<16xf32>
        %swap3A_431 = vector.shape_cast %add3A_426 : vector<16xf32> to vector<1x16xf32>
        tpu.vector_store %arg11[%swap3A_427, %swap3A_428], %swap3A_431 {add = true, strides = array<i32>} : memref<512x16xf32, #tpu.memory_space<vmem>>, vector<1x16xf32>,
        %mul3A_432 = arith.constant 16 : i32
        %mul3A_433 = arith.muli %scan3A_271, %mul3A_432 : i32
        %add3A_434 = arith.constant 8 : i32
        %add3A_435 = arith.addi %mul3A_433, %add3A_434 : i32
        %get3A_436 = arith.index_cast %add3A_435 : i32 to index
        %get3A_437 = arith.constant 0 : index
        %get3A_438 = tpu.vector_load %arg9[%get3A_436, %get3A_437] {strides = array<i32>} : memref<1024x16xf32, #tpu.memory_space<vmem>>, vector<1x16xf32>,
        %get3A_439 = vector.shape_cast %get3A_438 : vector<1x16xf32> to vector<16xf32>
        %add3A_440 = arith.constant 512 : i32
        %add3A_441 = arith.addi %add3A_440, %add3A_435 : i32
        %get3A_442 = arith.index_cast %add3A_441 : i32 to index
        %get3A_443 = arith.constant 0 : index
        %get3A_444 = tpu.vector_load %arg9[%get3A_442, %get3A_443] {strides = array<i32>} : memref<1024x16xf32, #tpu.memory_space<vmem>>, vector<1x16xf32>,
        %get3A_445 = vector.shape_cast %get3A_444 : vector<1x16xf32> to vector<16xf32>
        %add3A_446 = arith.addf %get3A_439, %get3A_445 : vector<16xf32>
        %swap3A_447 = arith.index_cast %add3A_435 : i32 to index
        %swap3A_448 = arith.constant 0 : index
        %swap3A_449 = tpu.vector_load %arg11[%swap3A_447, %swap3A_448] {strides = array<i32>} : memref<512x16xf32, #tpu.memory_space<vmem>>, vector<1x16xf32>,
        %swap3A_450 = vector.shape_cast %swap3A_449 : vector<1x16xf32> to vector<16xf32>
        %swap3A_451 = vector.shape_cast %add3A_446 : vector<16xf32> to vector<1x16xf32>
        tpu.vector_store %arg11[%swap3A_447, %swap3A_448], %swap3A_451 {add = true, strides = array<i32>} : memref<512x16xf32, #tpu.memory_space<vmem>>, vector<1x16xf32>,
        %mul3A_452 = arith.constant 16 : i32
        %mul3A_453 = arith.muli %scan3A_271, %mul3A_452 : i32
        %add3A_454 = arith.constant 9 : i32
        %add3A_455 = arith.addi %mul3A_453, %add3A_454 : i32
        %get3A_456 = arith.index_cast %add3A_455 : i32 to index
        %get3A_457 = arith.constant 0 : index
        %get3A_458 = tpu.vector_load %arg9[%get3A_456, %get3A_457] {strides = array<i32>} : memref<1024x16xf32, #tpu.memory_space<vmem>>, vector<1x16xf32>,
        %get3A_459 = vector.shape_cast %get3A_458 : vector<1x16xf32> to vector<16xf32>
        %add3A_460 = arith.constant 512 : i32
        %add3A_461 = arith.addi %add3A_460, %add3A_455 : i32
        %get3A_462 = arith.index_cast %add3A_461 : i32 to index
        %get3A_463 = arith.constant 0 : index
        %get3A_464 = tpu.vector_load %arg9[%get3A_462, %get3A_463] {strides = array<i32>} : memref<1024x16xf32, #tpu.memory_space<vmem>>, vector<1x16xf32>,
        %get3A_465 = vector.shape_cast %get3A_464 : vector<1x16xf32> to vector<16xf32>
        %add3A_466 = arith.addf %get3A_459, %get3A_465 : vector<16xf32>
        %swap3A_467 = arith.index_cast %add3A_455 : i32 to index
        %swap3A_468 = arith.constant 0 : index
        %swap3A_469 = tpu.vector_load %arg11[%swap3A_467, %swap3A_468] {strides = array<i32>} : memref<512x16xf32, #tpu.memory_space<vmem>>, vector<1x16xf32>,
        %swap3A_470 = vector.shape_cast %swap3A_469 : vector<1x16xf32> to vector<16xf32>
        %swap3A_471 = vector.shape_cast %add3A_466 : vector<16xf32> to vector<1x16xf32>
        tpu.vector_store %arg11[%swap3A_467, %swap3A_468], %swap3A_471 {add = true, strides = array<i32>} : memref<512x16xf32, #tpu.memory_space<vmem>>, vector<1x16xf32>,
        %mul3A_472 = arith.constant 16 : i32
        %mul3A_473 = arith.muli %scan3A_271, %mul3A_472 : i32
        %add3A_474 = arith.constant 10 : i32
        %add3A_475 = arith.addi %mul3A_473, %add3A_474 : i32
        %get3A_476 = arith.index_cast %add3A_475 : i32 to index
        %get3A_477 = arith.constant 0 : index
        %get3A_478 = tpu.vector_load %arg9[%get3A_476, %get3A_477] {strides = array<i32>} : memref<1024x16xf32, #tpu.memory_space<vmem>>, vector<1x16xf32>,
        %get3A_479 = vector.shape_cast %get3A_478 : vector<1x16xf32> to vector<16xf32>
        %add3A_480 = arith.constant 512 : i32
        %add3A_481 = arith.addi %add3A_480, %add3A_475 : i32
        %get3A_482 = arith.index_cast %add3A_481 : i32 to index
        %get3A_483 = arith.constant 0 : index
        %get3A_484 = tpu.vector_load %arg9[%get3A_482, %get3A_483] {strides = array<i32>} : memref<1024x16xf32, #tpu.memory_space<vmem>>, vector<1x16xf32>,
        %get3A_485 = vector.shape_cast %get3A_484 : vector<1x16xf32> to vector<16xf32>
        %add3A_486 = arith.addf %get3A_479, %get3A_485 : vector<16xf32>
        %swap3A_487 = arith.index_cast %add3A_475 : i32 to index
        %swap3A_488 = arith.constant 0 : index
        %swap3A_489 = tpu.vector_load %arg11[%swap3A_487, %swap3A_488] {strides = array<i32>} : memref<512x16xf32, #tpu.memory_space<vmem>>, vector<1x16xf32>,
        %swap3A_490 = vector.shape_cast %swap3A_489 : vector<1x16xf32> to vector<16xf32>
        %swap3A_491 = vector.shape_cast %add3A_486 : vector<16xf32> to vector<1x16xf32>
        tpu.vector_store %arg11[%swap3A_487, %swap3A_488], %swap3A_491 {add = true, strides = array<i32>} : memref<512x16xf32, #tpu.memory_space<vmem>>, vector<1x16xf32>,
        %mul3A_492 = arith.constant 16 : i32
        %mul3A_493 = arith.muli %scan3A_271, %mul3A_492 : i32
        %add3A_494 = arith.constant 11 : i32
        %add3A_495 = arith.addi %mul3A_493, %add3A_494 : i32
        %get3A_496 = arith.index_cast %add3A_495 : i32 to index
        %get3A_497 = arith.constant 0 : index
        %get3A_498 = tpu.vector_load %arg9[%get3A_496, %get3A_497] {strides = array<i32>} : memref<1024x16xf32, #tpu.memory_space<vmem>>, vector<1x16xf32>,
        %get3A_499 = vector.shape_cast %get3A_498 : vector<1x16xf32> to vector<16xf32>
        %add3A_500 = arith.constant 512 : i32
        %add3A_501 = arith.addi %add3A_500, %add3A_495 : i32
        %get3A_502 = arith.index_cast %add3A_501 : i32 to index
        %get3A_503 = arith.constant 0 : index
        %get3A_504 = tpu.vector_load %arg9[%get3A_502, %get3A_503] {strides = array<i32>} : memref<1024x16xf32, #tpu.memory_space<vmem>>, vector<1x16xf32>,
        %get3A_505 = vector.shape_cast %get3A_504 : vector<1x16xf32> to vector<16xf32>
        %add3A_506 = arith.addf %get3A_499, %get3A_505 : vector<16xf32>
        %swap3A_507 = arith.index_cast %add3A_495 : i32 to index
        %swap3A_508 = arith.constant 0 : index
        %swap3A_509 = tpu.vector_load %arg11[%swap3A_507, %swap3A_508] {strides = array<i32>} : memref<512x16xf32, #tpu.memory_space<vmem>>, vector<1x16xf32>,
        %swap3A_510 = vector.shape_cast %swap3A_509 : vector<1x16xf32> to vector<16xf32>
        %swap3A_511 = vector.shape_cast %add3A_506 : vector<16xf32> to vector<1x16xf32>
        tpu.vector_store %arg11[%swap3A_507, %swap3A_508], %swap3A_511 {add = true, strides = array<i32>} : memref<512x16xf32, #tpu.memory_space<vmem>>, vector<1x16xf32>,
        %mul3A_512 = arith.constant 16 : i32
        %mul3A_513 = arith.muli %scan3A_271, %mul3A_512 : i32
        %add3A_514 = arith.constant 12 : i32
        %add3A_515 = arith.addi %mul3A_513, %add3A_514 : i32
        %get3A_516 = arith.index_cast %add3A_515 : i32 to index
        %get3A_517 = arith.constant 0 : index
        %get3A_518 = tpu.vector_load %arg9[%get3A_516, %get3A_517] {strides = array<i32>} : memref<1024x16xf32, #tpu.memory_space<vmem>>, vector<1x16xf32>,
        %get3A_519 = vector.shape_cast %get3A_518 : vector<1x16xf32> to vector<16xf32>
        %add3A_520 = arith.constant 512 : i32
        %add3A_521 = arith.addi %add3A_520, %add3A_515 : i32
        %get3A_522 = arith.index_cast %add3A_521 : i32 to index
        %get3A_523 = arith.constant 0 : index
        %get3A_524 = tpu.vector_load %arg9[%get3A_522, %get3A_523] {strides = array<i32>} : memref<1024x16xf32, #tpu.memory_space<vmem>>, vector<1x16xf32>,
        %get3A_525 = vector.shape_cast %get3A_524 : vector<1x16xf32> to vector<16xf32>
        %add3A_526 = arith.addf %get3A_519, %get3A_525 : vector<16xf32>
        %swap3A_527 = arith.index_cast %add3A_515 : i32 to index
        %swap3A_528 = arith.constant 0 : index
        %swap3A_529 = tpu.vector_load %arg11[%swap3A_527, %swap3A_528] {strides = array<i32>} : memref<512x16xf32, #tpu.memory_space<vmem>>, vector<1x16xf32>,
        %swap3A_530 = vector.shape_cast %swap3A_529 : vector<1x16xf32> to vector<16xf32>
        %swap3A_531 = vector.shape_cast %add3A_526 : vector<16xf32> to vector<1x16xf32>
        tpu.vector_store %arg11[%swap3A_527, %swap3A_528], %swap3A_531 {add = true, strides = array<i32>} : memref<512x16xf32, #tpu.memory_space<vmem>>, vector<1x16xf32>,
        %mul3A_532 = arith.constant 16 : i32
        %mul3A_533 = arith.muli %scan3A_271, %mul3A_532 : i32
        %add3A_534 = arith.constant 13 : i32
        %add3A_535 = arith.addi %mul3A_533, %add3A_534 : i32
        %get3A_536 = arith.index_cast %add3A_535 : i32 to index
        %get3A_537 = arith.constant 0 : index
        %get3A_538 = tpu.vector_load %arg9[%get3A_536, %get3A_537] {strides = array<i32>} : memref<1024x16xf32, #tpu.memory_space<vmem>>, vector<1x16xf32>,
        %get3A_539 = vector.shape_cast %get3A_538 : vector<1x16xf32> to vector<16xf32>
        %add3A_540 = arith.constant 512 : i32
        %add3A_541 = arith.addi %add3A_540, %add3A_535 : i32
        %get3A_542 = arith.index_cast %add3A_541 : i32 to index
        %get3A_543 = arith.constant 0 : index
        %get3A_544 = tpu.vector_load %arg9[%get3A_542, %get3A_543] {strides = array<i32>} : memref<1024x16xf32, #tpu.memory_space<vmem>>, vector<1x16xf32>,
        %get3A_545 = vector.shape_cast %get3A_544 : vector<1x16xf32> to vector<16xf32>
        %add3A_546 = arith.addf %get3A_539, %get3A_545 : vector<16xf32>
        %swap3A_547 = arith.index_cast %add3A_535 : i32 to index
        %swap3A_548 = arith.constant 0 : index
        %swap3A_549 = tpu.vector_load %arg11[%swap3A_547, %swap3A_548] {strides = array<i32>} : memref<512x16xf32, #tpu.memory_space<vmem>>, vector<1x16xf32>,
        %swap3A_550 = vector.shape_cast %swap3A_549 : vector<1x16xf32> to vector<16xf32>
        %swap3A_551 = vector.shape_cast %add3A_546 : vector<16xf32> to vector<1x16xf32>
        tpu.vector_store %arg11[%swap3A_547, %swap3A_548], %swap3A_551 {add = true, strides = array<i32>} : memref<512x16xf32, #tpu.memory_space<vmem>>, vector<1x16xf32>,
        %mul3A_552 = arith.constant 16 : i32
        %mul3A_553 = arith.muli %scan3A_271, %mul3A_552 : i32
        %add3A_554 = arith.constant 14 : i32
        %add3A_555 = arith.addi %mul3A_553, %add3A_554 : i32
        %get3A_556 = arith.index_cast %add3A_555 : i32 to index
        %get3A_557 = arith.constant 0 : index
        %get3A_558 = tpu.vector_load %arg9[%get3A_556, %get3A_557] {strides = array<i32>} : memref<1024x16xf32, #tpu.memory_space<vmem>>, vector<1x16xf32>,
        %get3A_559 = vector.shape_cast %get3A_558 : vector<1x16xf32> to vector<16xf32>
        %add3A_560 = arith.constant 512 : i32
        %add3A_561 = arith.addi %add3A_560, %add3A_555 : i32
        %get3A_562 = arith.index_cast %add3A_561 : i32 to index
        %get3A_563 = arith.constant 0 : index
        %get3A_564 = tpu.vector_load %arg9[%get3A_562, %get3A_563] {strides = array<i32>} : memref<1024x16xf32, #tpu.memory_space<vmem>>, vector<1x16xf32>,
        %get3A_565 = vector.shape_cast %get3A_564 : vector<1x16xf32> to vector<16xf32>
        %add3A_566 = arith.addf %get3A_559, %get3A_565 : vector<16xf32>
        %swap3A_567 = arith.index_cast %add3A_555 : i32 to index
        %swap3A_568 = arith.constant 0 : index
        %swap3A_569 = tpu.vector_load %arg11[%swap3A_567, %swap3A_568] {strides = array<i32>} : memref<512x16xf32, #tpu.memory_space<vmem>>, vector<1x16xf32>,
        %swap3A_570 = vector.shape_cast %swap3A_569 : vector<1x16xf32> to vector<16xf32>
        %swap3A_571 = vector.shape_cast %add3A_566 : vector<16xf32> to vector<1x16xf32>
        tpu.vector_store %arg11[%swap3A_567, %swap3A_568], %swap3A_571 {add = true, strides = array<i32>} : memref<512x16xf32, #tpu.memory_space<vmem>>, vector<1x16xf32>,
        %mul3A_572 = arith.constant 16 : i32
        %mul3A_573 = arith.muli %scan3A_271, %mul3A_572 : i32
        %add3A_574 = arith.constant 15 : i32
        %add3A_575 = arith.addi %mul3A_573, %add3A_574 : i32
        %get3A_576 = arith.index_cast %add3A_575 : i32 to index
        %get3A_577 = arith.constant 0 : index
        %get3A_578 = tpu.vector_load %arg9[%get3A_576, %get3A_577] {strides = array<i32>} : memref<1024x16xf32, #tpu.memory_space<vmem>>, vector<1x16xf32>,
        %get3A_579 = vector.shape_cast %get3A_578 : vector<1x16xf32> to vector<16xf32>
        %add3A_580 = arith.constant 512 : i32
        %add3A_581 = arith.addi %add3A_580, %add3A_575 : i32
        %get3A_582 = arith.index_cast %add3A_581 : i32 to index
        %get3A_583 = arith.constant 0 : index
        %get3A_584 = tpu.vector_load %arg9[%get3A_582, %get3A_583] {strides = array<i32>} : memref<1024x16xf32, #tpu.memory_space<vmem>>, vector<1x16xf32>,
        %get3A_585 = vector.shape_cast %get3A_584 : vector<1x16xf32> to vector<16xf32>
        %add3A_586 = arith.addf %get3A_579, %get3A_585 : vector<16xf32>
        %swap3A_587 = arith.index_cast %add3A_575 : i32 to index
        %swap3A_588 = arith.constant 0 : index
        %swap3A_589 = tpu.vector_load %arg11[%swap3A_587, %swap3A_588] {strides = array<i32>} : memref<512x16xf32, #tpu.memory_space<vmem>>, vector<1x16xf32>,
        %swap3A_590 = vector.shape_cast %swap3A_589 : vector<1x16xf32> to vector<16xf32>
        %swap3A_591 = vector.shape_cast %add3A_586 : vector<16xf32> to vector<1x16xf32>
        tpu.vector_store %arg11[%swap3A_587, %swap3A_588], %swap3A_591 {add = true, strides = array<i32>} : memref<512x16xf32, #tpu.memory_space<vmem>>, vector<1x16xf32>,
        %scan3A_592 = arith.constant 0 : i32
        scf.yield %scan3A_592 : i32
      }
      %scan3A_135 = arith.constant 32 : i32
      %dma_start3A_136 = arith.constant 24 : i32
      %dma_start3A_137 = arith.constant 0 : i32
      %dma_start3A_138 = tpu.memref_slice %arg7[%dma_start3A_136, %dma_start3A_137] : memref<25x1024xi32, #tpu.memory_space<vmem>> -> memref<1x1024xi32, #tpu.memory_space<vmem>>
      %dma_start3A_139 = tpu.memref_squeeze %dma_start3A_138 : memref<1x1024xi32, #tpu.memory_space<vmem>> -> memref<1024xi32, #tpu.memory_space<vmem>>
      %dma_start3A_140 = arith.constant 0 : i32
      %dma_start3A_141 = arith.constant 0 : i32
      %dma_start3A_142 = tpu.memref_slice %arg4[%dma_start3A_140, %dma_start3A_141] : memref<1015808x16xf32, #tpu.memory_space<hbm>> -> memref<1015808x16xf32, #tpu.memory_space<hbm>>
      tpu.enqueue_indirect_dma source(%dma_start3A_142 : memref<1015808x16xf32, #tpu.memory_space<hbm>>) target(%arg9 : memref<1024x16xf32, #tpu.memory_space<vmem>>) offsets(%dma_start3A_139 : memref<1024xi32, #tpu.memory_space<vmem>>) semaphore(%arg15 : memref<!tpu.dma_semaphore, #tpu.memory_space<semaphore_mem>>)
      %dma_wait3A_143 = arith.constant 0 : i32
      %dma_wait3A_144 = arith.constant 0 : i32
      %dma_wait3A_145 = tpu.memref_slice %arg7[%dma_wait3A_143, %dma_wait3A_144] : memref<25x1024xi32, #tpu.memory_space<vmem>> -> memref<1x1024xi32, #tpu.memory_space<vmem>>
      %dma_wait3A_146 = tpu.memref_squeeze %dma_wait3A_145 : memref<1x1024xi32, #tpu.memory_space<vmem>> -> memref<1024xi32, #tpu.memory_space<vmem>>
      %dma_wait3A_147 = arith.constant 0 : i32
      %dma_wait3A_148 = arith.constant 0 : i32
      %dma_wait3A_149 = tpu.memref_slice %arg4[%dma_wait3A_147, %dma_wait3A_148] : memref<1015808x16xf32, #tpu.memory_space<hbm>> -> memref<1015808x16xf32, #tpu.memory_space<hbm>>
      tpu.wait_indirect_dma semaphore(%arg16 : memref<!tpu.dma_semaphore, #tpu.memory_space<semaphore_mem>>) src(%dma_wait3A_149 : memref<1015808x16xf32, #tpu.memory_space<hbm>>) dst(%arg10 : memref<1024x16xf32, #tpu.memory_space<vmem>>)
      %scan3A_150 = arith.constant 0 : i32
      %scan3A_151 = arith.constant 0 : i32
      %scan3A_152 = arith.constant 32 : i32
      %scan3A_153 = arith.addi %scan3A_151, %scan3A_152 : i32
      %scan3A_154 = arith.constant 1 : i32
      %scan3A_155 = scf.for %scan3A_271 = %scan3A_151 to %scan3A_153 step %scan3A_154 iter_args(%scan3A_272 = %scan3A_150) -> (i32)  : i32 {
        %mul3A_273 = arith.constant 16 : i32
        %mul3A_274 = arith.muli %scan3A_271, %mul3A_273 : i32
        %add3A_275 = arith.constant 0 : i32
        %add3A_276 = arith.addi %mul3A_274, %add3A_275 : i32
        %get3A_277 = arith.index_cast %add3A_276 : i32 to index
        %get3A_278 = arith.constant 0 : index
        %get3A_279 = tpu.vector_load %arg10[%get3A_277, %get3A_278] {strides = array<i32>} : memref<1024x16xf32, #tpu.memory_space<vmem>>, vector<1x16xf32>,
        %get3A_280 = vector.shape_cast %get3A_279 : vector<1x16xf32> to vector<16xf32>
        %add3A_281 = arith.constant 512 : i32
        %add3A_282 = arith.addi %add3A_281, %add3A_276 : i32
        %get3A_283 = arith.index_cast %add3A_282 : i32 to index
        %get3A_284 = arith.constant 0 : index
        %get3A_285 = tpu.vector_load %arg10[%get3A_283, %get3A_284] {strides = array<i32>} : memref<1024x16xf32, #tpu.memory_space<vmem>>, vector<1x16xf32>,
        %get3A_286 = vector.shape_cast %get3A_285 : vector<1x16xf32> to vector<16xf32>
        %add3A_287 = arith.addf %get3A_280, %get3A_286 : vector<16xf32>
        %swap3A = arith.index_cast %add3A_276 : i32 to index
        %swap3A_288 = arith.constant 0 : index
        %swap3A_289 = tpu.vector_load %arg11[%swap3A, %swap3A_288] {strides = array<i32>} : memref<512x16xf32, #tpu.memory_space<vmem>>, vector<1x16xf32>,
        %swap3A_290 = vector.shape_cast %swap3A_289 : vector<1x16xf32> to vector<16xf32>
        %swap3A_291 = vector.shape_cast %add3A_287 : vector<16xf32> to vector<1x16xf32>
        tpu.vector_store %arg11[%swap3A, %swap3A_288], %swap3A_291 {add = true, strides = array<i32>} : memref<512x16xf32, #tpu.memory_space<vmem>>, vector<1x16xf32>,
        %mul3A_292 = arith.constant 16 : i32
        %mul3A_293 = arith.muli %scan3A_271, %mul3A_292 : i32
        %add3A_294 = arith.constant 1 : i32
        %add3A_295 = arith.addi %mul3A_293, %add3A_294 : i32
        %get3A_296 = arith.index_cast %add3A_295 : i32 to index
        %get3A_297 = arith.constant 0 : index
        %get3A_298 = tpu.vector_load %arg10[%get3A_296, %get3A_297] {strides = array<i32>} : memref<1024x16xf32, #tpu.memory_space<vmem>>, vector<1x16xf32>,
        %get3A_299 = vector.shape_cast %get3A_298 : vector<1x16xf32> to vector<16xf32>
        %add3A_300 = arith.constant 512 : i32
        %add3A_301 = arith.addi %add3A_300, %add3A_295 : i32
        %get3A_302 = arith.index_cast %add3A_301 : i32 to index
        %get3A_303 = arith.constant 0 : index
        %get3A_304 = tpu.vector_load %arg10[%get3A_302, %get3A_303] {strides = array<i32>} : memref<1024x16xf32, #tpu.memory_space<vmem>>, vector<1x16xf32>,
        %get3A_305 = vector.shape_cast %get3A_304 : vector<1x16xf32> to vector<16xf32>
        %add3A_306 = arith.addf %get3A_299, %get3A_305 : vector<16xf32>
        %swap3A_307 = arith.index_cast %add3A_295 : i32 to index
        %swap3A_308 = arith.constant 0 : index
        %swap3A_309 = tpu.vector_load %arg11[%swap3A_307, %swap3A_308] {strides = array<i32>} : memref<512x16xf32, #tpu.memory_space<vmem>>, vector<1x16xf32>,
        %swap3A_310 = vector.shape_cast %swap3A_309 : vector<1x16xf32> to vector<16xf32>
        %swap3A_311 = vector.shape_cast %add3A_306 : vector<16xf32> to vector<1x16xf32>
        tpu.vector_store %arg11[%swap3A_307, %swap3A_308], %swap3A_311 {add = true, strides = array<i32>} : memref<512x16xf32, #tpu.memory_space<vmem>>, vector<1x16xf32>,
        %mul3A_312 = arith.constant 16 : i32
        %mul3A_313 = arith.muli %scan3A_271, %mul3A_312 : i32
        %add3A_314 = arith.constant 2 : i32
        %add3A_315 = arith.addi %mul3A_313, %add3A_314 : i32
        %get3A_316 = arith.index_cast %add3A_315 : i32 to index
        %get3A_317 = arith.constant 0 : index
        %get3A_318 = tpu.vector_load %arg10[%get3A_316, %get3A_317] {strides = array<i32>} : memref<1024x16xf32, #tpu.memory_space<vmem>>, vector<1x16xf32>,
        %get3A_319 = vector.shape_cast %get3A_318 : vector<1x16xf32> to vector<16xf32>
        %add3A_320 = arith.constant 512 : i32
        %add3A_321 = arith.addi %add3A_320, %add3A_315 : i32
        %get3A_322 = arith.index_cast %add3A_321 : i32 to index
        %get3A_323 = arith.constant 0 : index
        %get3A_324 = tpu.vector_load %arg10[%get3A_322, %get3A_323] {strides = array<i32>} : memref<1024x16xf32, #tpu.memory_space<vmem>>, vector<1x16xf32>,
        %get3A_325 = vector.shape_cast %get3A_324 : vector<1x16xf32> to vector<16xf32>
        %add3A_326 = arith.addf %get3A_319, %get3A_325 : vector<16xf32>
        %swap3A_327 = arith.index_cast %add3A_315 : i32 to index
        %swap3A_328 = arith.constant 0 : index
        %swap3A_329 = tpu.vector_load %arg11[%swap3A_327, %swap3A_328] {strides = array<i32>} : memref<512x16xf32, #tpu.memory_space<vmem>>, vector<1x16xf32>,
        %swap3A_330 = vector.shape_cast %swap3A_329 : vector<1x16xf32> to vector<16xf32>
        %swap3A_331 = vector.shape_cast %add3A_326 : vector<16xf32> to vector<1x16xf32>
        tpu.vector_store %arg11[%swap3A_327, %swap3A_328], %swap3A_331 {add = true, strides = array<i32>} : memref<512x16xf32, #tpu.memory_space<vmem>>, vector<1x16xf32>,
        %mul3A_332 = arith.constant 16 : i32
        %mul3A_333 = arith.muli %scan3A_271, %mul3A_332 : i32
        %add3A_334 = arith.constant 3 : i32
        %add3A_335 = arith.addi %mul3A_333, %add3A_334 : i32
        %get3A_336 = arith.index_cast %add3A_335 : i32 to index
        %get3A_337 = arith.constant 0 : index
        %get3A_338 = tpu.vector_load %arg10[%get3A_336, %get3A_337] {strides = array<i32>} : memref<1024x16xf32, #tpu.memory_space<vmem>>, vector<1x16xf32>,
        %get3A_339 = vector.shape_cast %get3A_338 : vector<1x16xf32> to vector<16xf32>
        %add3A_340 = arith.constant 512 : i32
        %add3A_341 = arith.addi %add3A_340, %add3A_335 : i32
        %get3A_342 = arith.index_cast %add3A_341 : i32 to index
        %get3A_343 = arith.constant 0 : index
        %get3A_344 = tpu.vector_load %arg10[%get3A_342, %get3A_343] {strides = array<i32>} : memref<1024x16xf32, #tpu.memory_space<vmem>>, vector<1x16xf32>,
        %get3A_345 = vector.shape_cast %get3A_344 : vector<1x16xf32> to vector<16xf32>
        %add3A_346 = arith.addf %get3A_339, %get3A_345 : vector<16xf32>
        %swap3A_347 = arith.index_cast %add3A_335 : i32 to index
        %swap3A_348 = arith.constant 0 : index
        %swap3A_349 = tpu.vector_load %arg11[%swap3A_347, %swap3A_348] {strides = array<i32>} : memref<512x16xf32, #tpu.memory_space<vmem>>, vector<1x16xf32>,
        %swap3A_350 = vector.shape_cast %swap3A_349 : vector<1x16xf32> to vector<16xf32>
        %swap3A_351 = vector.shape_cast %add3A_346 : vector<16xf32> to vector<1x16xf32>
        tpu.vector_store %arg11[%swap3A_347, %swap3A_348], %swap3A_351 {add = true, strides = array<i32>} : memref<512x16xf32, #tpu.memory_space<vmem>>, vector<1x16xf32>,
        %mul3A_352 = arith.constant 16 : i32
        %mul3A_353 = arith.muli %scan3A_271, %mul3A_352 : i32
        %add3A_354 = arith.constant 4 : i32
        %add3A_355 = arith.addi %mul3A_353, %add3A_354 : i32
        %get3A_356 = arith.index_cast %add3A_355 : i32 to index
        %get3A_357 = arith.constant 0 : index
        %get3A_358 = tpu.vector_load %arg10[%get3A_356, %get3A_357] {strides = array<i32>} : memref<1024x16xf32, #tpu.memory_space<vmem>>, vector<1x16xf32>,
        %get3A_359 = vector.shape_cast %get3A_358 : vector<1x16xf32> to vector<16xf32>
        %add3A_360 = arith.constant 512 : i32
        %add3A_361 = arith.addi %add3A_360, %add3A_355 : i32
        %get3A_362 = arith.index_cast %add3A_361 : i32 to index
        %get3A_363 = arith.constant 0 : index
        %get3A_364 = tpu.vector_load %arg10[%get3A_362, %get3A_363] {strides = array<i32>} : memref<1024x16xf32, #tpu.memory_space<vmem>>, vector<1x16xf32>,
        %get3A_365 = vector.shape_cast %get3A_364 : vector<1x16xf32> to vector<16xf32>
        %add3A_366 = arith.addf %get3A_359, %get3A_365 : vector<16xf32>
        %swap3A_367 = arith.index_cast %add3A_355 : i32 to index
        %swap3A_368 = arith.constant 0 : index
        %swap3A_369 = tpu.vector_load %arg11[%swap3A_367, %swap3A_368] {strides = array<i32>} : memref<512x16xf32, #tpu.memory_space<vmem>>, vector<1x16xf32>,
        %swap3A_370 = vector.shape_cast %swap3A_369 : vector<1x16xf32> to vector<16xf32>
        %swap3A_371 = vector.shape_cast %add3A_366 : vector<16xf32> to vector<1x16xf32>
        tpu.vector_store %arg11[%swap3A_367, %swap3A_368], %swap3A_371 {add = true, strides = array<i32>} : memref<512x16xf32, #tpu.memory_space<vmem>>, vector<1x16xf32>,
        %mul3A_372 = arith.constant 16 : i32
        %mul3A_373 = arith.muli %scan3A_271, %mul3A_372 : i32
        %add3A_374 = arith.constant 5 : i32
        %add3A_375 = arith.addi %mul3A_373, %add3A_374 : i32
        %get3A_376 = arith.index_cast %add3A_375 : i32 to index
        %get3A_377 = arith.constant 0 : index
        %get3A_378 = tpu.vector_load %arg10[%get3A_376, %get3A_377] {strides = array<i32>} : memref<1024x16xf32, #tpu.memory_space<vmem>>, vector<1x16xf32>,
        %get3A_379 = vector.shape_cast %get3A_378 : vector<1x16xf32> to vector<16xf32>
        %add3A_380 = arith.constant 512 : i32
        %add3A_381 = arith.addi %add3A_380, %add3A_375 : i32
        %get3A_382 = arith.index_cast %add3A_381 : i32 to index
        %get3A_383 = arith.constant 0 : index
        %get3A_384 = tpu.vector_load %arg10[%get3A_382, %get3A_383] {strides = array<i32>} : memref<1024x16xf32, #tpu.memory_space<vmem>>, vector<1x16xf32>,
        %get3A_385 = vector.shape_cast %get3A_384 : vector<1x16xf32> to vector<16xf32>
        %add3A_386 = arith.addf %get3A_379, %get3A_385 : vector<16xf32>
        %swap3A_387 = arith.index_cast %add3A_375 : i32 to index
        %swap3A_388 = arith.constant 0 : index
        %swap3A_389 = tpu.vector_load %arg11[%swap3A_387, %swap3A_388] {strides = array<i32>} : memref<512x16xf32, #tpu.memory_space<vmem>>, vector<1x16xf32>,
        %swap3A_390 = vector.shape_cast %swap3A_389 : vector<1x16xf32> to vector<16xf32>
        %swap3A_391 = vector.shape_cast %add3A_386 : vector<16xf32> to vector<1x16xf32>
        tpu.vector_store %arg11[%swap3A_387, %swap3A_388], %swap3A_391 {add = true, strides = array<i32>} : memref<512x16xf32, #tpu.memory_space<vmem>>, vector<1x16xf32>,
        %mul3A_392 = arith.constant 16 : i32
        %mul3A_393 = arith.muli %scan3A_271, %mul3A_392 : i32
        %add3A_394 = arith.constant 6 : i32
        %add3A_395 = arith.addi %mul3A_393, %add3A_394 : i32
        %get3A_396 = arith.index_cast %add3A_395 : i32 to index
        %get3A_397 = arith.constant 0 : index
        %get3A_398 = tpu.vector_load %arg10[%get3A_396, %get3A_397] {strides = array<i32>} : memref<1024x16xf32, #tpu.memory_space<vmem>>, vector<1x16xf32>,
        %get3A_399 = vector.shape_cast %get3A_398 : vector<1x16xf32> to vector<16xf32>
        %add3A_400 = arith.constant 512 : i32
        %add3A_401 = arith.addi %add3A_400, %add3A_395 : i32
        %get3A_402 = arith.index_cast %add3A_401 : i32 to index
        %get3A_403 = arith.constant 0 : index
        %get3A_404 = tpu.vector_load %arg10[%get3A_402, %get3A_403] {strides = array<i32>} : memref<1024x16xf32, #tpu.memory_space<vmem>>, vector<1x16xf32>,
        %get3A_405 = vector.shape_cast %get3A_404 : vector<1x16xf32> to vector<16xf32>
        %add3A_406 = arith.addf %get3A_399, %get3A_405 : vector<16xf32>
        %swap3A_407 = arith.index_cast %add3A_395 : i32 to index
        %swap3A_408 = arith.constant 0 : index
        %swap3A_409 = tpu.vector_load %arg11[%swap3A_407, %swap3A_408] {strides = array<i32>} : memref<512x16xf32, #tpu.memory_space<vmem>>, vector<1x16xf32>,
        %swap3A_410 = vector.shape_cast %swap3A_409 : vector<1x16xf32> to vector<16xf32>
        %swap3A_411 = vector.shape_cast %add3A_406 : vector<16xf32> to vector<1x16xf32>
        tpu.vector_store %arg11[%swap3A_407, %swap3A_408], %swap3A_411 {add = true, strides = array<i32>} : memref<512x16xf32, #tpu.memory_space<vmem>>, vector<1x16xf32>,
        %mul3A_412 = arith.constant 16 : i32
        %mul3A_413 = arith.muli %scan3A_271, %mul3A_412 : i32
        %add3A_414 = arith.constant 7 : i32
        %add3A_415 = arith.addi %mul3A_413, %add3A_414 : i32
        %get3A_416 = arith.index_cast %add3A_415 : i32 to index
        %get3A_417 = arith.constant 0 : index
        %get3A_418 = tpu.vector_load %arg10[%get3A_416, %get3A_417] {strides = array<i32>} : memref<1024x16xf32, #tpu.memory_space<vmem>>, vector<1x16xf32>,
        %get3A_419 = vector.shape_cast %get3A_418 : vector<1x16xf32> to vector<16xf32>
        %add3A_420 = arith.constant 512 : i32
        %add3A_421 = arith.addi %add3A_420, %add3A_415 : i32
        %get3A_422 = arith.index_cast %add3A_421 : i32 to index
        %get3A_423 = arith.constant 0 : index
        %get3A_424 = tpu.vector_load %arg10[%get3A_422, %get3A_423] {strides = array<i32>} : memref<1024x16xf32, #tpu.memory_space<vmem>>, vector<1x16xf32>,
        %get3A_425 = vector.shape_cast %get3A_424 : vector<1x16xf32> to vector<16xf32>
        %add3A_426 = arith.addf %get3A_419, %get3A_425 : vector<16xf32>
        %swap3A_427 = arith.index_cast %add3A_415 : i32 to index
        %swap3A_428 = arith.constant 0 : index
        %swap3A_429 = tpu.vector_load %arg11[%swap3A_427, %swap3A_428] {strides = array<i32>} : memref<512x16xf32, #tpu.memory_space<vmem>>, vector<1x16xf32>,
        %swap3A_430 = vector.shape_cast %swap3A_429 : vector<1x16xf32> to vector<16xf32>
        %swap3A_431 = vector.shape_cast %add3A_426 : vector<16xf32> to vector<1x16xf32>
        tpu.vector_store %arg11[%swap3A_427, %swap3A_428], %swap3A_431 {add = true, strides = array<i32>} : memref<512x16xf32, #tpu.memory_space<vmem>>, vector<1x16xf32>,
        %mul3A_432 = arith.constant 16 : i32
        %mul3A_433 = arith.muli %scan3A_271, %mul3A_432 : i32
        %add3A_434 = arith.constant 8 : i32
        %add3A_435 = arith.addi %mul3A_433, %add3A_434 : i32
        %get3A_436 = arith.index_cast %add3A_435 : i32 to index
        %get3A_437 = arith.constant 0 : index
        %get3A_438 = tpu.vector_load %arg10[%get3A_436, %get3A_437] {strides = array<i32>} : memref<1024x16xf32, #tpu.memory_space<vmem>>, vector<1x16xf32>,
        %get3A_439 = vector.shape_cast %get3A_438 : vector<1x16xf32> to vector<16xf32>
        %add3A_440 = arith.constant 512 : i32
        %add3A_441 = arith.addi %add3A_440, %add3A_435 : i32
        %get3A_442 = arith.index_cast %add3A_441 : i32 to index
        %get3A_443 = arith.constant 0 : index
        %get3A_444 = tpu.vector_load %arg10[%get3A_442, %get3A_443] {strides = array<i32>} : memref<1024x16xf32, #tpu.memory_space<vmem>>, vector<1x16xf32>,
        %get3A_445 = vector.shape_cast %get3A_444 : vector<1x16xf32> to vector<16xf32>
        %add3A_446 = arith.addf %get3A_439, %get3A_445 : vector<16xf32>
        %swap3A_447 = arith.index_cast %add3A_435 : i32 to index
        %swap3A_448 = arith.constant 0 : index
        %swap3A_449 = tpu.vector_load %arg11[%swap3A_447, %swap3A_448] {strides = array<i32>} : memref<512x16xf32, #tpu.memory_space<vmem>>, vector<1x16xf32>,
        %swap3A_450 = vector.shape_cast %swap3A_449 : vector<1x16xf32> to vector<16xf32>
        %swap3A_451 = vector.shape_cast %add3A_446 : vector<16xf32> to vector<1x16xf32>
        tpu.vector_store %arg11[%swap3A_447, %swap3A_448], %swap3A_451 {add = true, strides = array<i32>} : memref<512x16xf32, #tpu.memory_space<vmem>>, vector<1x16xf32>,
        %mul3A_452 = arith.constant 16 : i32
        %mul3A_453 = arith.muli %scan3A_271, %mul3A_452 : i32
        %add3A_454 = arith.constant 9 : i32
        %add3A_455 = arith.addi %mul3A_453, %add3A_454 : i32
        %get3A_456 = arith.index_cast %add3A_455 : i32 to index
        %get3A_457 = arith.constant 0 : index
        %get3A_458 = tpu.vector_load %arg10[%get3A_456, %get3A_457] {strides = array<i32>} : memref<1024x16xf32, #tpu.memory_space<vmem>>, vector<1x16xf32>,
        %get3A_459 = vector.shape_cast %get3A_458 : vector<1x16xf32> to vector<16xf32>
        %add3A_460 = arith.constant 512 : i32
        %add3A_461 = arith.addi %add3A_460, %add3A_455 : i32
        %get3A_462 = arith.index_cast %add3A_461 : i32 to index
        %get3A_463 = arith.constant 0 : index
        %get3A_464 = tpu.vector_load %arg10[%get3A_462, %get3A_463] {strides = array<i32>} : memref<1024x16xf32, #tpu.memory_space<vmem>>, vector<1x16xf32>,
        %get3A_465 = vector.shape_cast %get3A_464 : vector<1x16xf32> to vector<16xf32>
        %add3A_466 = arith.addf %get3A_459, %get3A_465 : vector<16xf32>
        %swap3A_467 = arith.index_cast %add3A_455 : i32 to index
        %swap3A_468 = arith.constant 0 : index
        %swap3A_469 = tpu.vector_load %arg11[%swap3A_467, %swap3A_468] {strides = array<i32>} : memref<512x16xf32, #tpu.memory_space<vmem>>, vector<1x16xf32>,
        %swap3A_470 = vector.shape_cast %swap3A_469 : vector<1x16xf32> to vector<16xf32>
        %swap3A_471 = vector.shape_cast %add3A_466 : vector<16xf32> to vector<1x16xf32>
        tpu.vector_store %arg11[%swap3A_467, %swap3A_468], %swap3A_471 {add = true, strides = array<i32>} : memref<512x16xf32, #tpu.memory_space<vmem>>, vector<1x16xf32>,
        %mul3A_472 = arith.constant 16 : i32
        %mul3A_473 = arith.muli %scan3A_271, %mul3A_472 : i32
        %add3A_474 = arith.constant 10 : i32
        %add3A_475 = arith.addi %mul3A_473, %add3A_474 : i32
        %get3A_476 = arith.index_cast %add3A_475 : i32 to index
        %get3A_477 = arith.constant 0 : index
        %get3A_478 = tpu.vector_load %arg10[%get3A_476, %get3A_477] {strides = array<i32>} : memref<1024x16xf32, #tpu.memory_space<vmem>>, vector<1x16xf32>,
        %get3A_479 = vector.shape_cast %get3A_478 : vector<1x16xf32> to vector<16xf32>
        %add3A_480 = arith.constant 512 : i32
        %add3A_481 = arith.addi %add3A_480, %add3A_475 : i32
        %get3A_482 = arith.index_cast %add3A_481 : i32 to index
        %get3A_483 = arith.constant 0 : index
        %get3A_484 = tpu.vector_load %arg10[%get3A_482, %get3A_483] {strides = array<i32>} : memref<1024x16xf32, #tpu.memory_space<vmem>>, vector<1x16xf32>,
        %get3A_485 = vector.shape_cast %get3A_484 : vector<1x16xf32> to vector<16xf32>
        %add3A_486 = arith.addf %get3A_479, %get3A_485 : vector<16xf32>
        %swap3A_487 = arith.index_cast %add3A_475 : i32 to index
        %swap3A_488 = arith.constant 0 : index
        %swap3A_489 = tpu.vector_load %arg11[%swap3A_487, %swap3A_488] {strides = array<i32>} : memref<512x16xf32, #tpu.memory_space<vmem>>, vector<1x16xf32>,
        %swap3A_490 = vector.shape_cast %swap3A_489 : vector<1x16xf32> to vector<16xf32>
        %swap3A_491 = vector.shape_cast %add3A_486 : vector<16xf32> to vector<1x16xf32>
        tpu.vector_store %arg11[%swap3A_487, %swap3A_488], %swap3A_491 {add = true, strides = array<i32>} : memref<512x16xf32, #tpu.memory_space<vmem>>, vector<1x16xf32>,
        %mul3A_492 = arith.constant 16 : i32
        %mul3A_493 = arith.muli %scan3A_271, %mul3A_492 : i32
        %add3A_494 = arith.constant 11 : i32
        %add3A_495 = arith.addi %mul3A_493, %add3A_494 : i32
        %get3A_496 = arith.index_cast %add3A_495 : i32 to index
        %get3A_497 = arith.constant 0 : index
        %get3A_498 = tpu.vector_load %arg10[%get3A_496, %get3A_497] {strides = array<i32>} : memref<1024x16xf32, #tpu.memory_space<vmem>>, vector<1x16xf32>,
        %get3A_499 = vector.shape_cast %get3A_498 : vector<1x16xf32> to vector<16xf32>
        %add3A_500 = arith.constant 512 : i32
        %add3A_501 = arith.addi %add3A_500, %add3A_495 : i32
        %get3A_502 = arith.index_cast %add3A_501 : i32 to index
        %get3A_503 = arith.constant 0 : index
        %get3A_504 = tpu.vector_load %arg10[%get3A_502, %get3A_503] {strides = array<i32>} : memref<1024x16xf32, #tpu.memory_space<vmem>>, vector<1x16xf32>,
        %get3A_505 = vector.shape_cast %get3A_504 : vector<1x16xf32> to vector<16xf32>
        %add3A_506 = arith.addf %get3A_499, %get3A_505 : vector<16xf32>
        %swap3A_507 = arith.index_cast %add3A_495 : i32 to index
        %swap3A_508 = arith.constant 0 : index
        %swap3A_509 = tpu.vector_load %arg11[%swap3A_507, %swap3A_508] {strides = array<i32>} : memref<512x16xf32, #tpu.memory_space<vmem>>, vector<1x16xf32>,
        %swap3A_510 = vector.shape_cast %swap3A_509 : vector<1x16xf32> to vector<16xf32>
        %swap3A_511 = vector.shape_cast %add3A_506 : vector<16xf32> to vector<1x16xf32>
        tpu.vector_store %arg11[%swap3A_507, %swap3A_508], %swap3A_511 {add = true, strides = array<i32>} : memref<512x16xf32, #tpu.memory_space<vmem>>, vector<1x16xf32>,
        %mul3A_512 = arith.constant 16 : i32
        %mul3A_513 = arith.muli %scan3A_271, %mul3A_512 : i32
        %add3A_514 = arith.constant 12 : i32
        %add3A_515 = arith.addi %mul3A_513, %add3A_514 : i32
        %get3A_516 = arith.index_cast %add3A_515 : i32 to index
        %get3A_517 = arith.constant 0 : index
        %get3A_518 = tpu.vector_load %arg10[%get3A_516, %get3A_517] {strides = array<i32>} : memref<1024x16xf32, #tpu.memory_space<vmem>>, vector<1x16xf32>,
        %get3A_519 = vector.shape_cast %get3A_518 : vector<1x16xf32> to vector<16xf32>
        %add3A_520 = arith.constant 512 : i32
        %add3A_521 = arith.addi %add3A_520, %add3A_515 : i32
        %get3A_522 = arith.index_cast %add3A_521 : i32 to index
        %get3A_523 = arith.constant 0 : index
        %get3A_524 = tpu.vector_load %arg10[%get3A_522, %get3A_523] {strides = array<i32>} : memref<1024x16xf32, #tpu.memory_space<vmem>>, vector<1x16xf32>,
        %get3A_525 = vector.shape_cast %get3A_524 : vector<1x16xf32> to vector<16xf32>
        %add3A_526 = arith.addf %get3A_519, %get3A_525 : vector<16xf32>
        %swap3A_527 = arith.index_cast %add3A_515 : i32 to index
        %swap3A_528 = arith.constant 0 : index
        %swap3A_529 = tpu.vector_load %arg11[%swap3A_527, %swap3A_528] {strides = array<i32>} : memref<512x16xf32, #tpu.memory_space<vmem>>, vector<1x16xf32>,
        %swap3A_530 = vector.shape_cast %swap3A_529 : vector<1x16xf32> to vector<16xf32>
        %swap3A_531 = vector.shape_cast %add3A_526 : vector<16xf32> to vector<1x16xf32>
        tpu.vector_store %arg11[%swap3A_527, %swap3A_528], %swap3A_531 {add = true, strides = array<i32>} : memref<512x16xf32, #tpu.memory_space<vmem>>, vector<1x16xf32>,
        %mul3A_532 = arith.constant 16 : i32
        %mul3A_533 = arith.muli %scan3A_271, %mul3A_532 : i32
        %add3A_534 = arith.constant 13 : i32
        %add3A_535 = arith.addi %mul3A_533, %add3A_534 : i32
        %get3A_536 = arith.index_cast %add3A_535 : i32 to index
        %get3A_537 = arith.constant 0 : index
        %get3A_538 = tpu.vector_load %arg10[%get3A_536, %get3A_537] {strides = array<i32>} : memref<1024x16xf32, #tpu.memory_space<vmem>>, vector<1x16xf32>,
        %get3A_539 = vector.shape_cast %get3A_538 : vector<1x16xf32> to vector<16xf32>
        %add3A_540 = arith.constant 512 : i32
        %add3A_541 = arith.addi %add3A_540, %add3A_535 : i32
        %get3A_542 = arith.index_cast %add3A_541 : i32 to index
        %get3A_543 = arith.constant 0 : index
        %get3A_544 = tpu.vector_load %arg10[%get3A_542, %get3A_543] {strides = array<i32>} : memref<1024x16xf32, #tpu.memory_space<vmem>>, vector<1x16xf32>,
        %get3A_545 = vector.shape_cast %get3A_544 : vector<1x16xf32> to vector<16xf32>
        %add3A_546 = arith.addf %get3A_539, %get3A_545 : vector<16xf32>
        %swap3A_547 = arith.index_cast %add3A_535 : i32 to index
        %swap3A_548 = arith.constant 0 : index
        %swap3A_549 = tpu.vector_load %arg11[%swap3A_547, %swap3A_548] {strides = array<i32>} : memref<512x16xf32, #tpu.memory_space<vmem>>, vector<1x16xf32>,
        %swap3A_550 = vector.shape_cast %swap3A_549 : vector<1x16xf32> to vector<16xf32>
        %swap3A_551 = vector.shape_cast %add3A_546 : vector<16xf32> to vector<1x16xf32>
        tpu.vector_store %arg11[%swap3A_547, %swap3A_548], %swap3A_551 {add = true, strides = array<i32>} : memref<512x16xf32, #tpu.memory_space<vmem>>, vector<1x16xf32>,
        %mul3A_552 = arith.constant 16 : i32
        %mul3A_553 = arith.muli %scan3A_271, %mul3A_552 : i32
        %add3A_554 = arith.constant 14 : i32
        %add3A_555 = arith.addi %mul3A_553, %add3A_554 : i32
        %get3A_556 = arith.index_cast %add3A_555 : i32 to index
        %get3A_557 = arith.constant 0 : index
        %get3A_558 = tpu.vector_load %arg10[%get3A_556, %get3A_557] {strides = array<i32>} : memref<1024x16xf32, #tpu.memory_space<vmem>>, vector<1x16xf32>,
        %get3A_559 = vector.shape_cast %get3A_558 : vector<1x16xf32> to vector<16xf32>
        %add3A_560 = arith.constant 512 : i32
        %add3A_561 = arith.addi %add3A_560, %add3A_555 : i32
        %get3A_562 = arith.index_cast %add3A_561 : i32 to index
        %get3A_563 = arith.constant 0 : index
        %get3A_564 = tpu.vector_load %arg10[%get3A_562, %get3A_563] {strides = array<i32>} : memref<1024x16xf32, #tpu.memory_space<vmem>>, vector<1x16xf32>,
        %get3A_565 = vector.shape_cast %get3A_564 : vector<1x16xf32> to vector<16xf32>
        %add3A_566 = arith.addf %get3A_559, %get3A_565 : vector<16xf32>
        %swap3A_567 = arith.index_cast %add3A_555 : i32 to index
        %swap3A_568 = arith.constant 0 : index
        %swap3A_569 = tpu.vector_load %arg11[%swap3A_567, %swap3A_568] {strides = array<i32>} : memref<512x16xf32, #tpu.memory_space<vmem>>, vector<1x16xf32>,
        %swap3A_570 = vector.shape_cast %swap3A_569 : vector<1x16xf32> to vector<16xf32>
        %swap3A_571 = vector.shape_cast %add3A_566 : vector<16xf32> to vector<1x16xf32>
        tpu.vector_store %arg11[%swap3A_567, %swap3A_568], %swap3A_571 {add = true, strides = array<i32>} : memref<512x16xf32, #tpu.memory_space<vmem>>, vector<1x16xf32>,
        %mul3A_572 = arith.constant 16 : i32
        %mul3A_573 = arith.muli %scan3A_271, %mul3A_572 : i32
        %add3A_574 = arith.constant 15 : i32
        %add3A_575 = arith.addi %mul3A_573, %add3A_574 : i32
        %get3A_576 = arith.index_cast %add3A_575 : i32 to index
        %get3A_577 = arith.constant 0 : index
        %get3A_578 = tpu.vector_load %arg10[%get3A_576, %get3A_577] {strides = array<i32>} : memref<1024x16xf32, #tpu.memory_space<vmem>>, vector<1x16xf32>,
        %get3A_579 = vector.shape_cast %get3A_578 : vector<1x16xf32> to vector<16xf32>
        %add3A_580 = arith.constant 512 : i32
        %add3A_581 = arith.addi %add3A_580, %add3A_575 : i32
        %get3A_582 = arith.index_cast %add3A_581 : i32 to index
        %get3A_583 = arith.constant 0 : index
        %get3A_584 = tpu.vector_load %arg10[%get3A_582, %get3A_583] {strides = array<i32>} : memref<1024x16xf32, #tpu.memory_space<vmem>>, vector<1x16xf32>,
        %get3A_585 = vector.shape_cast %get3A_584 : vector<1x16xf32> to vector<16xf32>
        %add3A_586 = arith.addf %get3A_579, %get3A_585 : vector<16xf32>
        %swap3A_587 = arith.index_cast %add3A_575 : i32 to index
        %swap3A_588 = arith.constant 0 : index
        %swap3A_589 = tpu.vector_load %arg11[%swap3A_587, %swap3A_588] {strides = array<i32>} : memref<512x16xf32, #tpu.memory_space<vmem>>, vector<1x16xf32>,
        %swap3A_590 = vector.shape_cast %swap3A_589 : vector<1x16xf32> to vector<16xf32>
        %swap3A_591 = vector.shape_cast %add3A_586 : vector<16xf32> to vector<1x16xf32>
        tpu.vector_store %arg11[%swap3A_587, %swap3A_588], %swap3A_591 {add = true, strides = array<i32>} : memref<512x16xf32, #tpu.memory_space<vmem>>, vector<1x16xf32>,
        %scan3A_592 = arith.constant 0 : i32
        scf.yield %scan3A_592 : i32
      }
      %scan3A_156 = arith.constant 32 : i32
      %add3A_157 = arith.constant 1 : i32
      %add3A_158 = arith.addi %add3A_114, %add3A_157 : i32
      %lt3A = arith.constant 4 : i32
      %lt3A_159 = arith.cmpi slt, %add3A_158, %lt3A : i32
      %convert_element_type3A = arith.extui %lt3A_159 : i1 to i32
      %cond3A = arith.constant 0 : i32
      %cond3A_160 = arith.cmpi ne, %convert_element_type3A, %cond3A : i32
      scf.if %cond3A_160 {
        %add3A_271 = arith.constant 0 : i32
        %add3A_272 = arith.addi %add3A_271, %mul3A_2 : i32
        %dma_wait3A_273 = arith.constant 0 : i32
        %dma_wait3A_274 = arith.constant 0 : i32
        %dma_wait3A_275 = tpu.memref_slice %arg8[%dma_wait3A_273, %dma_wait3A_274] : memref<25x1024xi32, #tpu.memory_space<vmem>> -> memref<25x512xi32, #tpu.memory_space<vmem>>
        %dma_wait3A_276 = arith.constant 0 : i32
        %dma_wait3A_277 = tpu.memref_slice %arg2[%dma_wait3A_276, %add3A_272] : memref<100x32768xi32, #tpu.memory_space<hbm>> -> memref<25x512xi32, #tpu.memory_space<hbm>>
        %dma_wait3A_278 = arith.constant 0 : i32
        %dma_wait3A_279 = arith.constant 0 : i32
        %dma_wait3A_280 = tpu.memref_slice %arg8[%dma_wait3A_278, %dma_wait3A_279] : memref<25x1024xi32, #tpu.memory_space<vmem>> -> memref<25x512xi32, #tpu.memory_space<vmem>>
        %dma_wait3A_281 = arith.constant 0 : i32
        %dma_wait3A_282 = tpu.memref_slice %arg2[%dma_wait3A_281, %add3A_272] : memref<100x32768xi32, #tpu.memory_space<hbm>> -> memref<25x512xi32, #tpu.memory_space<hbm>>
        tpu.wait_dma2 semaphore(%arg18 : memref<!tpu.dma_semaphore, #tpu.memory_space<semaphore_mem>>) src(%dma_wait3A_282 : memref<25x512xi32, #tpu.memory_space<hbm>>) dst(%dma_wait3A_280 : memref<25x512xi32, #tpu.memory_space<vmem>>)
        %add3A_283 = arith.constant 16384 : i32
        %add3A_284 = arith.addi %add3A_283, %mul3A_2 : i32
        %dma_wait3A_285 = arith.constant 0 : i32
        %dma_wait3A_286 = arith.constant 512 : i32
        %dma_wait3A_287 = tpu.memref_slice %arg8[%dma_wait3A_285, %dma_wait3A_286] : memref<25x1024xi32, #tpu.memory_space<vmem>> -> memref<25x512xi32, #tpu.memory_space<vmem>>
        %dma_wait3A_288 = arith.constant 0 : i32
        %dma_wait3A_289 = tpu.memref_slice %arg2[%dma_wait3A_288, %add3A_284] : memref<100x32768xi32, #tpu.memory_space<hbm>> -> memref<25x512xi32, #tpu.memory_space<hbm>>
        %dma_wait3A_290 = arith.constant 0 : i32
        %dma_wait3A_291 = arith.constant 512 : i32
        %dma_wait3A_292 = tpu.memref_slice %arg8[%dma_wait3A_290, %dma_wait3A_291] : memref<25x1024xi32, #tpu.memory_space<vmem>> -> memref<25x512xi32, #tpu.memory_space<vmem>>
        %dma_wait3A_293 = arith.constant 0 : i32
        %dma_wait3A_294 = tpu.memref_slice %arg2[%dma_wait3A_293, %add3A_284] : memref<100x32768xi32, #tpu.memory_space<hbm>> -> memref<25x512xi32, #tpu.memory_space<hbm>>
        tpu.wait_dma2 semaphore(%arg18 : memref<!tpu.dma_semaphore, #tpu.memory_space<semaphore_mem>>) src(%dma_wait3A_294 : memref<25x512xi32, #tpu.memory_space<hbm>>) dst(%dma_wait3A_292 : memref<25x512xi32, #tpu.memory_space<vmem>>)
        %dma_start3A_295 = arith.constant 0 : i32
        %dma_start3A_296 = arith.constant 0 : i32
        %dma_start3A_297 = tpu.memref_slice %arg8[%dma_start3A_295, %dma_start3A_296] : memref<25x1024xi32, #tpu.memory_space<vmem>> -> memref<1x1024xi32, #tpu.memory_space<vmem>>
        %dma_start3A_298 = tpu.memref_squeeze %dma_start3A_297 : memref<1x1024xi32, #tpu.memory_space<vmem>> -> memref<1024xi32, #tpu.memory_space<vmem>>
        %dma_start3A_299 = arith.constant 0 : i32
        %dma_start3A_300 = arith.constant 0 : i32
        %dma_start3A_301 = tpu.memref_slice %arg4[%dma_start3A_299, %dma_start3A_300] : memref<1015808x16xf32, #tpu.memory_space<hbm>> -> memref<1015808x16xf32, #tpu.memory_space<hbm>>
        tpu.enqueue_indirect_dma source(%dma_start3A_301 : memref<1015808x16xf32, #tpu.memory_space<hbm>>) target(%arg10 : memref<1024x16xf32, #tpu.memory_space<vmem>>) offsets(%dma_start3A_298 : memref<1024xi32, #tpu.memory_space<vmem>>) semaphore(%arg16 : memref<!tpu.dma_semaphore, #tpu.memory_space<semaphore_mem>>)
      } else {
      }
      %dma_wait3A_161 = arith.constant 0 : i32
      %dma_wait3A_162 = arith.constant 0 : i32
      %dma_wait3A_163 = tpu.memref_slice %arg7[%dma_wait3A_161, %dma_wait3A_162] : memref<25x1024xi32, #tpu.memory_space<vmem>> -> memref<1x1024xi32, #tpu.memory_space<vmem>>
      %dma_wait3A_164 = tpu.memref_squeeze %dma_wait3A_163 : memref<1x1024xi32, #tpu.memory_space<vmem>> -> memref<1024xi32, #tpu.memory_space<vmem>>
      %dma_wait3A_165 = arith.constant 0 : i32
      %dma_wait3A_166 = arith.constant 0 : i32
      %dma_wait3A_167 = tpu.memref_slice %arg4[%dma_wait3A_165, %dma_wait3A_166] : memref<1015808x16xf32, #tpu.memory_space<hbm>> -> memref<1015808x16xf32, #tpu.memory_space<hbm>>
      tpu.wait_indirect_dma semaphore(%arg15 : memref<!tpu.dma_semaphore, #tpu.memory_space<semaphore_mem>>) src(%dma_wait3A_167 : memref<1015808x16xf32, #tpu.memory_space<hbm>>) dst(%arg9 : memref<1024x16xf32, #tpu.memory_space<vmem>>)
      %scan3A_168 = arith.constant 0 : i32
      %scan3A_169 = arith.constant 0 : i32
      %scan3A_170 = arith.constant 32 : i32
      %scan3A_171 = arith.addi %scan3A_169, %scan3A_170 : i32
      %scan3A_172 = arith.constant 1 : i32
      %scan3A_173 = scf.for %scan3A_271 = %scan3A_169 to %scan3A_171 step %scan3A_172 iter_args(%scan3A_272 = %scan3A_168) -> (i32)  : i32 {
        %mul3A_273 = arith.constant 16 : i32
        %mul3A_274 = arith.muli %scan3A_271, %mul3A_273 : i32
        %add3A_275 = arith.constant 0 : i32
        %add3A_276 = arith.addi %mul3A_274, %add3A_275 : i32
        %get3A_277 = arith.index_cast %add3A_276 : i32 to index
        %get3A_278 = arith.constant 0 : index
        %get3A_279 = tpu.vector_load %arg9[%get3A_277, %get3A_278] {strides = array<i32>} : memref<1024x16xf32, #tpu.memory_space<vmem>>, vector<1x16xf32>,
        %get3A_280 = vector.shape_cast %get3A_279 : vector<1x16xf32> to vector<16xf32>
        %add3A_281 = arith.constant 512 : i32
        %add3A_282 = arith.addi %add3A_281, %add3A_276 : i32
        %get3A_283 = arith.index_cast %add3A_282 : i32 to index
        %get3A_284 = arith.constant 0 : index
        %get3A_285 = tpu.vector_load %arg9[%get3A_283, %get3A_284] {strides = array<i32>} : memref<1024x16xf32, #tpu.memory_space<vmem>>, vector<1x16xf32>,
        %get3A_286 = vector.shape_cast %get3A_285 : vector<1x16xf32> to vector<16xf32>
        %add3A_287 = arith.addf %get3A_280, %get3A_286 : vector<16xf32>
        %swap3A = arith.index_cast %add3A_276 : i32 to index
        %swap3A_288 = arith.constant 0 : index
        %swap3A_289 = tpu.vector_load %arg11[%swap3A, %swap3A_288] {strides = array<i32>} : memref<512x16xf32, #tpu.memory_space<vmem>>, vector<1x16xf32>,
        %swap3A_290 = vector.shape_cast %swap3A_289 : vector<1x16xf32> to vector<16xf32>
        %swap3A_291 = vector.shape_cast %add3A_287 : vector<16xf32> to vector<1x16xf32>
        tpu.vector_store %arg11[%swap3A, %swap3A_288], %swap3A_291 {add = true, strides = array<i32>} : memref<512x16xf32, #tpu.memory_space<vmem>>, vector<1x16xf32>,
        %mul3A_292 = arith.constant 16 : i32
        %mul3A_293 = arith.muli %scan3A_271, %mul3A_292 : i32
        %add3A_294 = arith.constant 1 : i32
        %add3A_295 = arith.addi %mul3A_293, %add3A_294 : i32
        %get3A_296 = arith.index_cast %add3A_295 : i32 to index
        %get3A_297 = arith.constant 0 : index
        %get3A_298 = tpu.vector_load %arg9[%get3A_296, %get3A_297] {strides = array<i32>} : memref<1024x16xf32, #tpu.memory_space<vmem>>, vector<1x16xf32>,
        %get3A_299 = vector.shape_cast %get3A_298 : vector<1x16xf32> to vector<16xf32>
        %add3A_300 = arith.constant 512 : i32
        %add3A_301 = arith.addi %add3A_300, %add3A_295 : i32
        %get3A_302 = arith.index_cast %add3A_301 : i32 to index
        %get3A_303 = arith.constant 0 : index
        %get3A_304 = tpu.vector_load %arg9[%get3A_302, %get3A_303] {strides = array<i32>} : memref<1024x16xf32, #tpu.memory_space<vmem>>, vector<1x16xf32>,
        %get3A_305 = vector.shape_cast %get3A_304 : vector<1x16xf32> to vector<16xf32>
        %add3A_306 = arith.addf %get3A_299, %get3A_305 : vector<16xf32>
        %swap3A_307 = arith.index_cast %add3A_295 : i32 to index
        %swap3A_308 = arith.constant 0 : index
        %swap3A_309 = tpu.vector_load %arg11[%swap3A_307, %swap3A_308] {strides = array<i32>} : memref<512x16xf32, #tpu.memory_space<vmem>>, vector<1x16xf32>,
        %swap3A_310 = vector.shape_cast %swap3A_309 : vector<1x16xf32> to vector<16xf32>
        %swap3A_311 = vector.shape_cast %add3A_306 : vector<16xf32> to vector<1x16xf32>
        tpu.vector_store %arg11[%swap3A_307, %swap3A_308], %swap3A_311 {add = true, strides = array<i32>} : memref<512x16xf32, #tpu.memory_space<vmem>>, vector<1x16xf32>,
        %mul3A_312 = arith.constant 16 : i32
        %mul3A_313 = arith.muli %scan3A_271, %mul3A_312 : i32
        %add3A_314 = arith.constant 2 : i32
        %add3A_315 = arith.addi %mul3A_313, %add3A_314 : i32
        %get3A_316 = arith.index_cast %add3A_315 : i32 to index
        %get3A_317 = arith.constant 0 : index
        %get3A_318 = tpu.vector_load %arg9[%get3A_316, %get3A_317] {strides = array<i32>} : memref<1024x16xf32, #tpu.memory_space<vmem>>, vector<1x16xf32>,
        %get3A_319 = vector.shape_cast %get3A_318 : vector<1x16xf32> to vector<16xf32>
        %add3A_320 = arith.constant 512 : i32
        %add3A_321 = arith.addi %add3A_320, %add3A_315 : i32
        %get3A_322 = arith.index_cast %add3A_321 : i32 to index
        %get3A_323 = arith.constant 0 : index
        %get3A_324 = tpu.vector_load %arg9[%get3A_322, %get3A_323] {strides = array<i32>} : memref<1024x16xf32, #tpu.memory_space<vmem>>, vector<1x16xf32>,
        %get3A_325 = vector.shape_cast %get3A_324 : vector<1x16xf32> to vector<16xf32>
        %add3A_326 = arith.addf %get3A_319, %get3A_325 : vector<16xf32>
        %swap3A_327 = arith.index_cast %add3A_315 : i32 to index
        %swap3A_328 = arith.constant 0 : index
        %swap3A_329 = tpu.vector_load %arg11[%swap3A_327, %swap3A_328] {strides = array<i32>} : memref<512x16xf32, #tpu.memory_space<vmem>>, vector<1x16xf32>,
        %swap3A_330 = vector.shape_cast %swap3A_329 : vector<1x16xf32> to vector<16xf32>
        %swap3A_331 = vector.shape_cast %add3A_326 : vector<16xf32> to vector<1x16xf32>
        tpu.vector_store %arg11[%swap3A_327, %swap3A_328], %swap3A_331 {add = true, strides = array<i32>} : memref<512x16xf32, #tpu.memory_space<vmem>>, vector<1x16xf32>,
        %mul3A_332 = arith.constant 16 : i32
        %mul3A_333 = arith.muli %scan3A_271, %mul3A_332 : i32
        %add3A_334 = arith.constant 3 : i32
        %add3A_335 = arith.addi %mul3A_333, %add3A_334 : i32
        %get3A_336 = arith.index_cast %add3A_335 : i32 to index
        %get3A_337 = arith.constant 0 : index
        %get3A_338 = tpu.vector_load %arg9[%get3A_336, %get3A_337] {strides = array<i32>} : memref<1024x16xf32, #tpu.memory_space<vmem>>, vector<1x16xf32>,
        %get3A_339 = vector.shape_cast %get3A_338 : vector<1x16xf32> to vector<16xf32>
        %add3A_340 = arith.constant 512 : i32
        %add3A_341 = arith.addi %add3A_340, %add3A_335 : i32
        %get3A_342 = arith.index_cast %add3A_341 : i32 to index
        %get3A_343 = arith.constant 0 : index
        %get3A_344 = tpu.vector_load %arg9[%get3A_342, %get3A_343] {strides = array<i32>} : memref<1024x16xf32, #tpu.memory_space<vmem>>, vector<1x16xf32>,
        %get3A_345 = vector.shape_cast %get3A_344 : vector<1x16xf32> to vector<16xf32>
        %add3A_346 = arith.addf %get3A_339, %get3A_345 : vector<16xf32>
        %swap3A_347 = arith.index_cast %add3A_335 : i32 to index
        %swap3A_348 = arith.constant 0 : index
        %swap3A_349 = tpu.vector_load %arg11[%swap3A_347, %swap3A_348] {strides = array<i32>} : memref<512x16xf32, #tpu.memory_space<vmem>>, vector<1x16xf32>,
        %swap3A_350 = vector.shape_cast %swap3A_349 : vector<1x16xf32> to vector<16xf32>
        %swap3A_351 = vector.shape_cast %add3A_346 : vector<16xf32> to vector<1x16xf32>
        tpu.vector_store %arg11[%swap3A_347, %swap3A_348], %swap3A_351 {add = true, strides = array<i32>} : memref<512x16xf32, #tpu.memory_space<vmem>>, vector<1x16xf32>,
        %mul3A_352 = arith.constant 16 : i32
        %mul3A_353 = arith.muli %scan3A_271, %mul3A_352 : i32
        %add3A_354 = arith.constant 4 : i32
        %add3A_355 = arith.addi %mul3A_353, %add3A_354 : i32
        %get3A_356 = arith.index_cast %add3A_355 : i32 to index
        %get3A_357 = arith.constant 0 : index
        %get3A_358 = tpu.vector_load %arg9[%get3A_356, %get3A_357] {strides = array<i32>} : memref<1024x16xf32, #tpu.memory_space<vmem>>, vector<1x16xf32>,
        %get3A_359 = vector.shape_cast %get3A_358 : vector<1x16xf32> to vector<16xf32>
        %add3A_360 = arith.constant 512 : i32
        %add3A_361 = arith.addi %add3A_360, %add3A_355 : i32
        %get3A_362 = arith.index_cast %add3A_361 : i32 to index
        %get3A_363 = arith.constant 0 : index
        %get3A_364 = tpu.vector_load %arg9[%get3A_362, %get3A_363] {strides = array<i32>} : memref<1024x16xf32, #tpu.memory_space<vmem>>, vector<1x16xf32>,
        %get3A_365 = vector.shape_cast %get3A_364 : vector<1x16xf32> to vector<16xf32>
        %add3A_366 = arith.addf %get3A_359, %get3A_365 : vector<16xf32>
        %swap3A_367 = arith.index_cast %add3A_355 : i32 to index
        %swap3A_368 = arith.constant 0 : index
        %swap3A_369 = tpu.vector_load %arg11[%swap3A_367, %swap3A_368] {strides = array<i32>} : memref<512x16xf32, #tpu.memory_space<vmem>>, vector<1x16xf32>,
        %swap3A_370 = vector.shape_cast %swap3A_369 : vector<1x16xf32> to vector<16xf32>
        %swap3A_371 = vector.shape_cast %add3A_366 : vector<16xf32> to vector<1x16xf32>
        tpu.vector_store %arg11[%swap3A_367, %swap3A_368], %swap3A_371 {add = true, strides = array<i32>} : memref<512x16xf32, #tpu.memory_space<vmem>>, vector<1x16xf32>,
        %mul3A_372 = arith.constant 16 : i32
        %mul3A_373 = arith.muli %scan3A_271, %mul3A_372 : i32
        %add3A_374 = arith.constant 5 : i32
        %add3A_375 = arith.addi %mul3A_373, %add3A_374 : i32
        %get3A_376 = arith.index_cast %add3A_375 : i32 to index
        %get3A_377 = arith.constant 0 : index
        %get3A_378 = tpu.vector_load %arg9[%get3A_376, %get3A_377] {strides = array<i32>} : memref<1024x16xf32, #tpu.memory_space<vmem>>, vector<1x16xf32>,
        %get3A_379 = vector.shape_cast %get3A_378 : vector<1x16xf32> to vector<16xf32>
        %add3A_380 = arith.constant 512 : i32
        %add3A_381 = arith.addi %add3A_380, %add3A_375 : i32
        %get3A_382 = arith.index_cast %add3A_381 : i32 to index
        %get3A_383 = arith.constant 0 : index
        %get3A_384 = tpu.vector_load %arg9[%get3A_382, %get3A_383] {strides = array<i32>} : memref<1024x16xf32, #tpu.memory_space<vmem>>, vector<1x16xf32>,
        %get3A_385 = vector.shape_cast %get3A_384 : vector<1x16xf32> to vector<16xf32>
        %add3A_386 = arith.addf %get3A_379, %get3A_385 : vector<16xf32>
        %swap3A_387 = arith.index_cast %add3A_375 : i32 to index
        %swap3A_388 = arith.constant 0 : index
        %swap3A_389 = tpu.vector_load %arg11[%swap3A_387, %swap3A_388] {strides = array<i32>} : memref<512x16xf32, #tpu.memory_space<vmem>>, vector<1x16xf32>,
        %swap3A_390 = vector.shape_cast %swap3A_389 : vector<1x16xf32> to vector<16xf32>
        %swap3A_391 = vector.shape_cast %add3A_386 : vector<16xf32> to vector<1x16xf32>
        tpu.vector_store %arg11[%swap3A_387, %swap3A_388], %swap3A_391 {add = true, strides = array<i32>} : memref<512x16xf32, #tpu.memory_space<vmem>>, vector<1x16xf32>,
        %mul3A_392 = arith.constant 16 : i32
        %mul3A_393 = arith.muli %scan3A_271, %mul3A_392 : i32
        %add3A_394 = arith.constant 6 : i32
        %add3A_395 = arith.addi %mul3A_393, %add3A_394 : i32
        %get3A_396 = arith.index_cast %add3A_395 : i32 to index
        %get3A_397 = arith.constant 0 : index
        %get3A_398 = tpu.vector_load %arg9[%get3A_396, %get3A_397] {strides = array<i32>} : memref<1024x16xf32, #tpu.memory_space<vmem>>, vector<1x16xf32>,
        %get3A_399 = vector.shape_cast %get3A_398 : vector<1x16xf32> to vector<16xf32>
        %add3A_400 = arith.constant 512 : i32
        %add3A_401 = arith.addi %add3A_400, %add3A_395 : i32
        %get3A_402 = arith.index_cast %add3A_401 : i32 to index
        %get3A_403 = arith.constant 0 : index
        %get3A_404 = tpu.vector_load %arg9[%get3A_402, %get3A_403] {strides = array<i32>} : memref<1024x16xf32, #tpu.memory_space<vmem>>, vector<1x16xf32>,
        %get3A_405 = vector.shape_cast %get3A_404 : vector<1x16xf32> to vector<16xf32>
        %add3A_406 = arith.addf %get3A_399, %get3A_405 : vector<16xf32>
        %swap3A_407 = arith.index_cast %add3A_395 : i32 to index
        %swap3A_408 = arith.constant 0 : index
        %swap3A_409 = tpu.vector_load %arg11[%swap3A_407, %swap3A_408] {strides = array<i32>} : memref<512x16xf32, #tpu.memory_space<vmem>>, vector<1x16xf32>,
        %swap3A_410 = vector.shape_cast %swap3A_409 : vector<1x16xf32> to vector<16xf32>
        %swap3A_411 = vector.shape_cast %add3A_406 : vector<16xf32> to vector<1x16xf32>
        tpu.vector_store %arg11[%swap3A_407, %swap3A_408], %swap3A_411 {add = true, strides = array<i32>} : memref<512x16xf32, #tpu.memory_space<vmem>>, vector<1x16xf32>,
        %mul3A_412 = arith.constant 16 : i32
        %mul3A_413 = arith.muli %scan3A_271, %mul3A_412 : i32
        %add3A_414 = arith.constant 7 : i32
        %add3A_415 = arith.addi %mul3A_413, %add3A_414 : i32
        %get3A_416 = arith.index_cast %add3A_415 : i32 to index
        %get3A_417 = arith.constant 0 : index
        %get3A_418 = tpu.vector_load %arg9[%get3A_416, %get3A_417] {strides = array<i32>} : memref<1024x16xf32, #tpu.memory_space<vmem>>, vector<1x16xf32>,
        %get3A_419 = vector.shape_cast %get3A_418 : vector<1x16xf32> to vector<16xf32>
        %add3A_420 = arith.constant 512 : i32
        %add3A_421 = arith.addi %add3A_420, %add3A_415 : i32
        %get3A_422 = arith.index_cast %add3A_421 : i32 to index
        %get3A_423 = arith.constant 0 : index
        %get3A_424 = tpu.vector_load %arg9[%get3A_422, %get3A_423] {strides = array<i32>} : memref<1024x16xf32, #tpu.memory_space<vmem>>, vector<1x16xf32>,
        %get3A_425 = vector.shape_cast %get3A_424 : vector<1x16xf32> to vector<16xf32>
        %add3A_426 = arith.addf %get3A_419, %get3A_425 : vector<16xf32>
        %swap3A_427 = arith.index_cast %add3A_415 : i32 to index
        %swap3A_428 = arith.constant 0 : index
        %swap3A_429 = tpu.vector_load %arg11[%swap3A_427, %swap3A_428] {strides = array<i32>} : memref<512x16xf32, #tpu.memory_space<vmem>>, vector<1x16xf32>,
        %swap3A_430 = vector.shape_cast %swap3A_429 : vector<1x16xf32> to vector<16xf32>
        %swap3A_431 = vector.shape_cast %add3A_426 : vector<16xf32> to vector<1x16xf32>
        tpu.vector_store %arg11[%swap3A_427, %swap3A_428], %swap3A_431 {add = true, strides = array<i32>} : memref<512x16xf32, #tpu.memory_space<vmem>>, vector<1x16xf32>,
        %mul3A_432 = arith.constant 16 : i32
        %mul3A_433 = arith.muli %scan3A_271, %mul3A_432 : i32
        %add3A_434 = arith.constant 8 : i32
        %add3A_435 = arith.addi %mul3A_433, %add3A_434 : i32
        %get3A_436 = arith.index_cast %add3A_435 : i32 to index
        %get3A_437 = arith.constant 0 : index
        %get3A_438 = tpu.vector_load %arg9[%get3A_436, %get3A_437] {strides = array<i32>} : memref<1024x16xf32, #tpu.memory_space<vmem>>, vector<1x16xf32>,
        %get3A_439 = vector.shape_cast %get3A_438 : vector<1x16xf32> to vector<16xf32>
        %add3A_440 = arith.constant 512 : i32
        %add3A_441 = arith.addi %add3A_440, %add3A_435 : i32
        %get3A_442 = arith.index_cast %add3A_441 : i32 to index
        %get3A_443 = arith.constant 0 : index
        %get3A_444 = tpu.vector_load %arg9[%get3A_442, %get3A_443] {strides = array<i32>} : memref<1024x16xf32, #tpu.memory_space<vmem>>, vector<1x16xf32>,
        %get3A_445 = vector.shape_cast %get3A_444 : vector<1x16xf32> to vector<16xf32>
        %add3A_446 = arith.addf %get3A_439, %get3A_445 : vector<16xf32>
        %swap3A_447 = arith.index_cast %add3A_435 : i32 to index
        %swap3A_448 = arith.constant 0 : index
        %swap3A_449 = tpu.vector_load %arg11[%swap3A_447, %swap3A_448] {strides = array<i32>} : memref<512x16xf32, #tpu.memory_space<vmem>>, vector<1x16xf32>,
        %swap3A_450 = vector.shape_cast %swap3A_449 : vector<1x16xf32> to vector<16xf32>
        %swap3A_451 = vector.shape_cast %add3A_446 : vector<16xf32> to vector<1x16xf32>
        tpu.vector_store %arg11[%swap3A_447, %swap3A_448], %swap3A_451 {add = true, strides = array<i32>} : memref<512x16xf32, #tpu.memory_space<vmem>>, vector<1x16xf32>,
        %mul3A_452 = arith.constant 16 : i32
        %mul3A_453 = arith.muli %scan3A_271, %mul3A_452 : i32
        %add3A_454 = arith.constant 9 : i32
        %add3A_455 = arith.addi %mul3A_453, %add3A_454 : i32
        %get3A_456 = arith.index_cast %add3A_455 : i32 to index
        %get3A_457 = arith.constant 0 : index
        %get3A_458 = tpu.vector_load %arg9[%get3A_456, %get3A_457] {strides = array<i32>} : memref<1024x16xf32, #tpu.memory_space<vmem>>, vector<1x16xf32>,
        %get3A_459 = vector.shape_cast %get3A_458 : vector<1x16xf32> to vector<16xf32>
        %add3A_460 = arith.constant 512 : i32
        %add3A_461 = arith.addi %add3A_460, %add3A_455 : i32
        %get3A_462 = arith.index_cast %add3A_461 : i32 to index
        %get3A_463 = arith.constant 0 : index
        %get3A_464 = tpu.vector_load %arg9[%get3A_462, %get3A_463] {strides = array<i32>} : memref<1024x16xf32, #tpu.memory_space<vmem>>, vector<1x16xf32>,
        %get3A_465 = vector.shape_cast %get3A_464 : vector<1x16xf32> to vector<16xf32>
        %add3A_466 = arith.addf %get3A_459, %get3A_465 : vector<16xf32>
        %swap3A_467 = arith.index_cast %add3A_455 : i32 to index
        %swap3A_468 = arith.constant 0 : index
        %swap3A_469 = tpu.vector_load %arg11[%swap3A_467, %swap3A_468] {strides = array<i32>} : memref<512x16xf32, #tpu.memory_space<vmem>>, vector<1x16xf32>,
        %swap3A_470 = vector.shape_cast %swap3A_469 : vector<1x16xf32> to vector<16xf32>
        %swap3A_471 = vector.shape_cast %add3A_466 : vector<16xf32> to vector<1x16xf32>
        tpu.vector_store %arg11[%swap3A_467, %swap3A_468], %swap3A_471 {add = true, strides = array<i32>} : memref<512x16xf32, #tpu.memory_space<vmem>>, vector<1x16xf32>,
        %mul3A_472 = arith.constant 16 : i32
        %mul3A_473 = arith.muli %scan3A_271, %mul3A_472 : i32
        %add3A_474 = arith.constant 10 : i32
        %add3A_475 = arith.addi %mul3A_473, %add3A_474 : i32
        %get3A_476 = arith.index_cast %add3A_475 : i32 to index
        %get3A_477 = arith.constant 0 : index
        %get3A_478 = tpu.vector_load %arg9[%get3A_476, %get3A_477] {strides = array<i32>} : memref<1024x16xf32, #tpu.memory_space<vmem>>, vector<1x16xf32>,
        %get3A_479 = vector.shape_cast %get3A_478 : vector<1x16xf32> to vector<16xf32>
        %add3A_480 = arith.constant 512 : i32
        %add3A_481 = arith.addi %add3A_480, %add3A_475 : i32
        %get3A_482 = arith.index_cast %add3A_481 : i32 to index
        %get3A_483 = arith.constant 0 : index
        %get3A_484 = tpu.vector_load %arg9[%get3A_482, %get3A_483] {strides = array<i32>} : memref<1024x16xf32, #tpu.memory_space<vmem>>, vector<1x16xf32>,
        %get3A_485 = vector.shape_cast %get3A_484 : vector<1x16xf32> to vector<16xf32>
        %add3A_486 = arith.addf %get3A_479, %get3A_485 : vector<16xf32>
        %swap3A_487 = arith.index_cast %add3A_475 : i32 to index
        %swap3A_488 = arith.constant 0 : index
        %swap3A_489 = tpu.vector_load %arg11[%swap3A_487, %swap3A_488] {strides = array<i32>} : memref<512x16xf32, #tpu.memory_space<vmem>>, vector<1x16xf32>,
        %swap3A_490 = vector.shape_cast %swap3A_489 : vector<1x16xf32> to vector<16xf32>
        %swap3A_491 = vector.shape_cast %add3A_486 : vector<16xf32> to vector<1x16xf32>
        tpu.vector_store %arg11[%swap3A_487, %swap3A_488], %swap3A_491 {add = true, strides = array<i32>} : memref<512x16xf32, #tpu.memory_space<vmem>>, vector<1x16xf32>,
        %mul3A_492 = arith.constant 16 : i32
        %mul3A_493 = arith.muli %scan3A_271, %mul3A_492 : i32
        %add3A_494 = arith.constant 11 : i32
        %add3A_495 = arith.addi %mul3A_493, %add3A_494 : i32
        %get3A_496 = arith.index_cast %add3A_495 : i32 to index
        %get3A_497 = arith.constant 0 : index
        %get3A_498 = tpu.vector_load %arg9[%get3A_496, %get3A_497] {strides = array<i32>} : memref<1024x16xf32, #tpu.memory_space<vmem>>, vector<1x16xf32>,
        %get3A_499 = vector.shape_cast %get3A_498 : vector<1x16xf32> to vector<16xf32>
        %add3A_500 = arith.constant 512 : i32
        %add3A_501 = arith.addi %add3A_500, %add3A_495 : i32
        %get3A_502 = arith.index_cast %add3A_501 : i32 to index
        %get3A_503 = arith.constant 0 : index
        %get3A_504 = tpu.vector_load %arg9[%get3A_502, %get3A_503] {strides = array<i32>} : memref<1024x16xf32, #tpu.memory_space<vmem>>, vector<1x16xf32>,
        %get3A_505 = vector.shape_cast %get3A_504 : vector<1x16xf32> to vector<16xf32>
        %add3A_506 = arith.addf %get3A_499, %get3A_505 : vector<16xf32>
        %swap3A_507 = arith.index_cast %add3A_495 : i32 to index
        %swap3A_508 = arith.constant 0 : index
        %swap3A_509 = tpu.vector_load %arg11[%swap3A_507, %swap3A_508] {strides = array<i32>} : memref<512x16xf32, #tpu.memory_space<vmem>>, vector<1x16xf32>,
        %swap3A_510 = vector.shape_cast %swap3A_509 : vector<1x16xf32> to vector<16xf32>
        %swap3A_511 = vector.shape_cast %add3A_506 : vector<16xf32> to vector<1x16xf32>
        tpu.vector_store %arg11[%swap3A_507, %swap3A_508], %swap3A_511 {add = true, strides = array<i32>} : memref<512x16xf32, #tpu.memory_space<vmem>>, vector<1x16xf32>,
        %mul3A_512 = arith.constant 16 : i32
        %mul3A_513 = arith.muli %scan3A_271, %mul3A_512 : i32
        %add3A_514 = arith.constant 12 : i32
        %add3A_515 = arith.addi %mul3A_513, %add3A_514 : i32
        %get3A_516 = arith.index_cast %add3A_515 : i32 to index
        %get3A_517 = arith.constant 0 : index
        %get3A_518 = tpu.vector_load %arg9[%get3A_516, %get3A_517] {strides = array<i32>} : memref<1024x16xf32, #tpu.memory_space<vmem>>, vector<1x16xf32>,
        %get3A_519 = vector.shape_cast %get3A_518 : vector<1x16xf32> to vector<16xf32>
        %add3A_520 = arith.constant 512 : i32
        %add3A_521 = arith.addi %add3A_520, %add3A_515 : i32
        %get3A_522 = arith.index_cast %add3A_521 : i32 to index
        %get3A_523 = arith.constant 0 : index
        %get3A_524 = tpu.vector_load %arg9[%get3A_522, %get3A_523] {strides = array<i32>} : memref<1024x16xf32, #tpu.memory_space<vmem>>, vector<1x16xf32>,
        %get3A_525 = vector.shape_cast %get3A_524 : vector<1x16xf32> to vector<16xf32>
        %add3A_526 = arith.addf %get3A_519, %get3A_525 : vector<16xf32>
        %swap3A_527 = arith.index_cast %add3A_515 : i32 to index
        %swap3A_528 = arith.constant 0 : index
        %swap3A_529 = tpu.vector_load %arg11[%swap3A_527, %swap3A_528] {strides = array<i32>} : memref<512x16xf32, #tpu.memory_space<vmem>>, vector<1x16xf32>,
        %swap3A_530 = vector.shape_cast %swap3A_529 : vector<1x16xf32> to vector<16xf32>
        %swap3A_531 = vector.shape_cast %add3A_526 : vector<16xf32> to vector<1x16xf32>
        tpu.vector_store %arg11[%swap3A_527, %swap3A_528], %swap3A_531 {add = true, strides = array<i32>} : memref<512x16xf32, #tpu.memory_space<vmem>>, vector<1x16xf32>,
        %mul3A_532 = arith.constant 16 : i32
        %mul3A_533 = arith.muli %scan3A_271, %mul3A_532 : i32
        %add3A_534 = arith.constant 13 : i32
        %add3A_535 = arith.addi %mul3A_533, %add3A_534 : i32
        %get3A_536 = arith.index_cast %add3A_535 : i32 to index
        %get3A_537 = arith.constant 0 : index
        %get3A_538 = tpu.vector_load %arg9[%get3A_536, %get3A_537] {strides = array<i32>} : memref<1024x16xf32, #tpu.memory_space<vmem>>, vector<1x16xf32>,
        %get3A_539 = vector.shape_cast %get3A_538 : vector<1x16xf32> to vector<16xf32>
        %add3A_540 = arith.constant 512 : i32
        %add3A_541 = arith.addi %add3A_540, %add3A_535 : i32
        %get3A_542 = arith.index_cast %add3A_541 : i32 to index
        %get3A_543 = arith.constant 0 : index
        %get3A_544 = tpu.vector_load %arg9[%get3A_542, %get3A_543] {strides = array<i32>} : memref<1024x16xf32, #tpu.memory_space<vmem>>, vector<1x16xf32>,
        %get3A_545 = vector.shape_cast %get3A_544 : vector<1x16xf32> to vector<16xf32>
        %add3A_546 = arith.addf %get3A_539, %get3A_545 : vector<16xf32>
        %swap3A_547 = arith.index_cast %add3A_535 : i32 to index
        %swap3A_548 = arith.constant 0 : index
        %swap3A_549 = tpu.vector_load %arg11[%swap3A_547, %swap3A_548] {strides = array<i32>} : memref<512x16xf32, #tpu.memory_space<vmem>>, vector<1x16xf32>,
        %swap3A_550 = vector.shape_cast %swap3A_549 : vector<1x16xf32> to vector<16xf32>
        %swap3A_551 = vector.shape_cast %add3A_546 : vector<16xf32> to vector<1x16xf32>
        tpu.vector_store %arg11[%swap3A_547, %swap3A_548], %swap3A_551 {add = true, strides = array<i32>} : memref<512x16xf32, #tpu.memory_space<vmem>>, vector<1x16xf32>,
        %mul3A_552 = arith.constant 16 : i32
        %mul3A_553 = arith.muli %scan3A_271, %mul3A_552 : i32
        %add3A_554 = arith.constant 14 : i32
        %add3A_555 = arith.addi %mul3A_553, %add3A_554 : i32
        %get3A_556 = arith.index_cast %add3A_555 : i32 to index
        %get3A_557 = arith.constant 0 : index
        %get3A_558 = tpu.vector_load %arg9[%get3A_556, %get3A_557] {strides = array<i32>} : memref<1024x16xf32, #tpu.memory_space<vmem>>, vector<1x16xf32>,
        %get3A_559 = vector.shape_cast %get3A_558 : vector<1x16xf32> to vector<16xf32>
        %add3A_560 = arith.constant 512 : i32
        %add3A_561 = arith.addi %add3A_560, %add3A_555 : i32
        %get3A_562 = arith.index_cast %add3A_561 : i32 to index
        %get3A_563 = arith.constant 0 : index
        %get3A_564 = tpu.vector_load %arg9[%get3A_562, %get3A_563] {strides = array<i32>} : memref<1024x16xf32, #tpu.memory_space<vmem>>, vector<1x16xf32>,
        %get3A_565 = vector.shape_cast %get3A_564 : vector<1x16xf32> to vector<16xf32>
        %add3A_566 = arith.addf %get3A_559, %get3A_565 : vector<16xf32>
        %swap3A_567 = arith.index_cast %add3A_555 : i32 to index
        %swap3A_568 = arith.constant 0 : index
        %swap3A_569 = tpu.vector_load %arg11[%swap3A_567, %swap3A_568] {strides = array<i32>} : memref<512x16xf32, #tpu.memory_space<vmem>>, vector<1x16xf32>,
        %swap3A_570 = vector.shape_cast %swap3A_569 : vector<1x16xf32> to vector<16xf32>
        %swap3A_571 = vector.shape_cast %add3A_566 : vector<16xf32> to vector<1x16xf32>
        tpu.vector_store %arg11[%swap3A_567, %swap3A_568], %swap3A_571 {add = true, strides = array<i32>} : memref<512x16xf32, #tpu.memory_space<vmem>>, vector<1x16xf32>,
        %mul3A_572 = arith.constant 16 : i32
        %mul3A_573 = arith.muli %scan3A_271, %mul3A_572 : i32
        %add3A_574 = arith.constant 15 : i32
        %add3A_575 = arith.addi %mul3A_573, %add3A_574 : i32
        %get3A_576 = arith.index_cast %add3A_575 : i32 to index
        %get3A_577 = arith.constant 0 : index
        %get3A_578 = tpu.vector_load %arg9[%get3A_576, %get3A_577] {strides = array<i32>} : memref<1024x16xf32, #tpu.memory_space<vmem>>, vector<1x16xf32>,
        %get3A_579 = vector.shape_cast %get3A_578 : vector<1x16xf32> to vector<16xf32>
        %add3A_580 = arith.constant 512 : i32
        %add3A_581 = arith.addi %add3A_580, %add3A_575 : i32
        %get3A_582 = arith.index_cast %add3A_581 : i32 to index
        %get3A_583 = arith.constant 0 : index
        %get3A_584 = tpu.vector_load %arg9[%get3A_582, %get3A_583] {strides = array<i32>} : memref<1024x16xf32, #tpu.memory_space<vmem>>, vector<1x16xf32>,
        %get3A_585 = vector.shape_cast %get3A_584 : vector<1x16xf32> to vector<16xf32>
        %add3A_586 = arith.addf %get3A_579, %get3A_585 : vector<16xf32>
        %swap3A_587 = arith.index_cast %add3A_575 : i32 to index
        %swap3A_588 = arith.constant 0 : index
        %swap3A_589 = tpu.vector_load %arg11[%swap3A_587, %swap3A_588] {strides = array<i32>} : memref<512x16xf32, #tpu.memory_space<vmem>>, vector<1x16xf32>,
        %swap3A_590 = vector.shape_cast %swap3A_589 : vector<1x16xf32> to vector<16xf32>
        %swap3A_591 = vector.shape_cast %add3A_586 : vector<16xf32> to vector<1x16xf32>
        tpu.vector_store %arg11[%swap3A_587, %swap3A_588], %swap3A_591 {add = true, strides = array<i32>} : memref<512x16xf32, #tpu.memory_space<vmem>>, vector<1x16xf32>,
        %scan3A_592 = arith.constant 0 : i32
        scf.yield %scan3A_592 : i32
      }
      %scan3A_174 = arith.constant 32 : i32
      %add3A_175 = arith.constant 1 : i32
      %add3A_176 = arith.addi %add3A_114, %add3A_175 : i32
      %lt3A_177 = arith.constant 4 : i32
      %lt3A_178 = arith.cmpi slt, %add3A_176, %lt3A_177 : i32
      %convert_element_type3A_179 = arith.extui %lt3A_178 : i1 to i32
      %cond3A_180 = arith.constant 0 : i32
      %cond3A_181 = arith.cmpi ne, %convert_element_type3A_179, %cond3A_180 : i32
      scf.if %cond3A_181 {
        %dma_start3A_271 = arith.constant 1 : i32
        %dma_start3A_272 = arith.constant 0 : i32
        %dma_start3A_273 = tpu.memref_slice %arg8[%dma_start3A_271, %dma_start3A_272] : memref<25x1024xi32, #tpu.memory_space<vmem>> -> memref<1x1024xi32, #tpu.memory_space<vmem>>
        %dma_start3A_274 = tpu.memref_squeeze %dma_start3A_273 : memref<1x1024xi32, #tpu.memory_space<vmem>> -> memref<1024xi32, #tpu.memory_space<vmem>>
        %dma_start3A_275 = arith.constant 0 : i32
        %dma_start3A_276 = arith.constant 0 : i32
        %dma_start3A_277 = tpu.memref_slice %arg4[%dma_start3A_275, %dma_start3A_276] : memref<1015808x16xf32, #tpu.memory_space<hbm>> -> memref<1015808x16xf32, #tpu.memory_space<hbm>>
        tpu.enqueue_indirect_dma source(%dma_start3A_277 : memref<1015808x16xf32, #tpu.memory_space<hbm>>) target(%arg9 : memref<1024x16xf32, #tpu.memory_space<vmem>>) offsets(%dma_start3A_274 : memref<1024xi32, #tpu.memory_space<vmem>>) semaphore(%arg15 : memref<!tpu.dma_semaphore, #tpu.memory_space<semaphore_mem>>)
      } else {
      }
      %add3A_182 = arith.constant 2 : i32
      %add3A_183 = arith.addi %add3A_114, %add3A_182 : i32
      %lt3A_184 = arith.constant 4 : i32
      %lt3A_185 = arith.cmpi slt, %add3A_183, %lt3A_184 : i32
      %convert_element_type3A_186 = arith.extui %lt3A_185 : i1 to i32
      %cond3A_187 = arith.constant 0 : i32
      %cond3A_188 = arith.cmpi ne, %convert_element_type3A_186, %cond3A_187 : i32
      scf.if %cond3A_188 {
        %add3A_271 = arith.constant 2 : i32
        %add3A_272 = arith.addi %add3A_114, %add3A_271 : i32
        %mul3A_273 = arith.constant 25 : i32
        %mul3A_274 = arith.muli %add3A_272, %mul3A_273 : i32
        %add3A_275 = arith.constant 0 : i32
        %add3A_276 = arith.addi %add3A_275, %mul3A_2 : i32
        %dma_start3A_277 = arith.constant 0 : i32
        %dma_start3A_278 = arith.constant 0 : i32
        %dma_start3A_279 = tpu.memref_slice %arg7[%dma_start3A_277, %dma_start3A_278] : memref<25x1024xi32, #tpu.memory_space<vmem>> -> memref<25x512xi32, #tpu.memory_space<vmem>>
        %dma_start3A_280 = tpu.memref_slice %arg2[%mul3A_274, %add3A_276] : memref<100x32768xi32, #tpu.memory_space<hbm>> -> memref<25x512xi32, #tpu.memory_space<hbm>>
        %dma_start3A_281 = arith.constant 0 : i32
        %dma_start3A_282 = arith.constant 0 : i32
        %dma_start3A_283 = tpu.memref_slice %arg7[%dma_start3A_281, %dma_start3A_282] : memref<25x1024xi32, #tpu.memory_space<vmem>> -> memref<25x512xi32, #tpu.memory_space<vmem>>
        %dma_start3A_284 = tpu.memref_slice %arg2[%mul3A_274, %add3A_276] : memref<100x32768xi32, #tpu.memory_space<hbm>> -> memref<25x512xi32, #tpu.memory_space<hbm>>
        tpu.enqueue_dma source(%dma_start3A_284 : memref<25x512xi32, #tpu.memory_space<hbm>>) target(%dma_start3A_283 : memref<25x512xi32, #tpu.memory_space<vmem>>) target_semaphore(%arg17 : memref<!tpu.dma_semaphore, #tpu.memory_space<semaphore_mem>>)
        %mul3A_285 = arith.constant 25 : i32
        %mul3A_286 = arith.muli %add3A_272, %mul3A_285 : i32
        %add3A_287 = arith.constant 16384 : i32
        %add3A_288 = arith.addi %add3A_287, %mul3A_2 : i32
        %dma_start3A_289 = arith.constant 0 : i32
        %dma_start3A_290 = arith.constant 512 : i32
        %dma_start3A_291 = tpu.memref_slice %arg7[%dma_start3A_289, %dma_start3A_290] : memref<25x1024xi32, #tpu.memory_space<vmem>> -> memref<25x512xi32, #tpu.memory_space<vmem>>
        %dma_start3A_292 = tpu.memref_slice %arg2[%mul3A_286, %add3A_288] : memref<100x32768xi32, #tpu.memory_space<hbm>> -> memref<25x512xi32, #tpu.memory_space<hbm>>
        %dma_start3A_293 = arith.constant 0 : i32
        %dma_start3A_294 = arith.constant 512 : i32
        %dma_start3A_295 = tpu.memref_slice %arg7[%dma_start3A_293, %dma_start3A_294] : memref<25x1024xi32, #tpu.memory_space<vmem>> -> memref<25x512xi32, #tpu.memory_space<vmem>>
        %dma_start3A_296 = tpu.memref_slice %arg2[%mul3A_286, %add3A_288] : memref<100x32768xi32, #tpu.memory_space<hbm>> -> memref<25x512xi32, #tpu.memory_space<hbm>>
        tpu.enqueue_dma source(%dma_start3A_296 : memref<25x512xi32, #tpu.memory_space<hbm>>) target(%dma_start3A_295 : memref<25x512xi32, #tpu.memory_space<vmem>>) target_semaphore(%arg17 : memref<!tpu.dma_semaphore, #tpu.memory_space<semaphore_mem>>)
      } else {
      }
      %mul3A_189 = arith.constant 2 : i32
      %mul3A_190 = arith.muli %scan3A_109, %mul3A_189 : i32
      %add3A_191 = arith.constant 1 : i32
      %add3A_192 = arith.addi %mul3A_190, %add3A_191 : i32
      %scan3A_193 = arith.constant 0 : i32
      %scan3A_194 = arith.constant 0 : i32
      %scan3A_195 = arith.constant 11 : i32
      %scan3A_196 = arith.addi %scan3A_194, %scan3A_195 : i32
      %scan3A_197 = arith.constant 1 : i32
      %scan3A_198 = scf.for %scan3A_271 = %scan3A_194 to %scan3A_196 step %scan3A_197 iter_args(%scan3A_272 = %scan3A_193) -> (i32)  : i32 {
        %mul3A_273 = arith.constant 2 : i32
        %mul3A_274 = arith.muli %scan3A_271, %mul3A_273 : i32
        %add3A_275 = arith.constant 0 : i32
        %add3A_276 = arith.addi %mul3A_274, %add3A_275 : i32
        %dma_wait3A_277 = arith.constant 0 : i32
        %dma_wait3A_278 = arith.constant 0 : i32
        %dma_wait3A_279 = tpu.memref_slice %arg7[%dma_wait3A_277, %dma_wait3A_278] : memref<25x1024xi32, #tpu.memory_space<vmem>> -> memref<1x1024xi32, #tpu.memory_space<vmem>>
        %dma_wait3A_280 = tpu.memref_squeeze %dma_wait3A_279 : memref<1x1024xi32, #tpu.memory_space<vmem>> -> memref<1024xi32, #tpu.memory_space<vmem>>
        %dma_wait3A_281 = arith.constant 0 : i32
        %dma_wait3A_282 = arith.constant 0 : i32
        %dma_wait3A_283 = tpu.memref_slice %arg4[%dma_wait3A_281, %dma_wait3A_282] : memref<1015808x16xf32, #tpu.memory_space<hbm>> -> memref<1015808x16xf32, #tpu.memory_space<hbm>>
        tpu.wait_indirect_dma semaphore(%arg16 : memref<!tpu.dma_semaphore, #tpu.memory_space<semaphore_mem>>) src(%dma_wait3A_283 : memref<1015808x16xf32, #tpu.memory_space<hbm>>) dst(%arg10 : memref<1024x16xf32, #tpu.memory_space<vmem>>)
        %scan3A_284 = arith.constant 0 : i32
        %scan3A_285 = arith.constant 0 : i32
        %scan3A_286 = arith.constant 32 : i32
        %scan3A_287 = arith.addi %scan3A_285, %scan3A_286 : i32
        %scan3A_288 = arith.constant 1 : i32
        %scan3A_289 = scf.for %scan3A_326 = %scan3A_285 to %scan3A_287 step %scan3A_288 iter_args(%scan3A_327 = %scan3A_284) -> (i32)  : i32 {
          %mul3A_328 = arith.constant 16 : i32
          %mul3A_329 = arith.muli %scan3A_326, %mul3A_328 : i32
          %add3A_330 = arith.constant 0 : i32
          %add3A_331 = arith.addi %mul3A_329, %add3A_330 : i32
          %get3A_332 = arith.index_cast %add3A_331 : i32 to index
          %get3A_333 = arith.constant 0 : index
          %get3A_334 = tpu.vector_load %arg10[%get3A_332, %get3A_333] {strides = array<i32>} : memref<1024x16xf32, #tpu.memory_space<vmem>>, vector<1x16xf32>,
          %get3A_335 = vector.shape_cast %get3A_334 : vector<1x16xf32> to vector<16xf32>
          %add3A_336 = arith.constant 512 : i32
          %add3A_337 = arith.addi %add3A_336, %add3A_331 : i32
          %get3A_338 = arith.index_cast %add3A_337 : i32 to index
          %get3A_339 = arith.constant 0 : index
          %get3A_340 = tpu.vector_load %arg10[%get3A_338, %get3A_339] {strides = array<i32>} : memref<1024x16xf32, #tpu.memory_space<vmem>>, vector<1x16xf32>,
          %get3A_341 = vector.shape_cast %get3A_340 : vector<1x16xf32> to vector<16xf32>
          %add3A_342 = arith.addf %get3A_335, %get3A_341 : vector<16xf32>
          %swap3A = arith.index_cast %add3A_331 : i32 to index
          %swap3A_343 = arith.constant 0 : index
          %swap3A_344 = tpu.vector_load %arg11[%swap3A, %swap3A_343] {strides = array<i32>} : memref<512x16xf32, #tpu.memory_space<vmem>>, vector<1x16xf32>,
          %swap3A_345 = vector.shape_cast %swap3A_344 : vector<1x16xf32> to vector<16xf32>
          %swap3A_346 = vector.shape_cast %add3A_342 : vector<16xf32> to vector<1x16xf32>
          tpu.vector_store %arg11[%swap3A, %swap3A_343], %swap3A_346 {add = true, strides = array<i32>} : memref<512x16xf32, #tpu.memory_space<vmem>>, vector<1x16xf32>,
          %mul3A_347 = arith.constant 16 : i32
          %mul3A_348 = arith.muli %scan3A_326, %mul3A_347 : i32
          %add3A_349 = arith.constant 1 : i32
          %add3A_350 = arith.addi %mul3A_348, %add3A_349 : i32
          %get3A_351 = arith.index_cast %add3A_350 : i32 to index
          %get3A_352 = arith.constant 0 : index
          %get3A_353 = tpu.vector_load %arg10[%get3A_351, %get3A_352] {strides = array<i32>} : memref<1024x16xf32, #tpu.memory_space<vmem>>, vector<1x16xf32>,
          %get3A_354 = vector.shape_cast %get3A_353 : vector<1x16xf32> to vector<16xf32>
          %add3A_355 = arith.constant 512 : i32
          %add3A_356 = arith.addi %add3A_355, %add3A_350 : i32
          %get3A_357 = arith.index_cast %add3A_356 : i32 to index
          %get3A_358 = arith.constant 0 : index
          %get3A_359 = tpu.vector_load %arg10[%get3A_357, %get3A_358] {strides = array<i32>} : memref<1024x16xf32, #tpu.memory_space<vmem>>, vector<1x16xf32>,
          %get3A_360 = vector.shape_cast %get3A_359 : vector<1x16xf32> to vector<16xf32>
          %add3A_361 = arith.addf %get3A_354, %get3A_360 : vector<16xf32>
          %swap3A_362 = arith.index_cast %add3A_350 : i32 to index
          %swap3A_363 = arith.constant 0 : index
          %swap3A_364 = tpu.vector_load %arg11[%swap3A_362, %swap3A_363] {strides = array<i32>} : memref<512x16xf32, #tpu.memory_space<vmem>>, vector<1x16xf32>,
          %swap3A_365 = vector.shape_cast %swap3A_364 : vector<1x16xf32> to vector<16xf32>
          %swap3A_366 = vector.shape_cast %add3A_361 : vector<16xf32> to vector<1x16xf32>
          tpu.vector_store %arg11[%swap3A_362, %swap3A_363], %swap3A_366 {add = true, strides = array<i32>} : memref<512x16xf32, #tpu.memory_space<vmem>>, vector<1x16xf32>,
          %mul3A_367 = arith.constant 16 : i32
          %mul3A_368 = arith.muli %scan3A_326, %mul3A_367 : i32
          %add3A_369 = arith.constant 2 : i32
          %add3A_370 = arith.addi %mul3A_368, %add3A_369 : i32
          %get3A_371 = arith.index_cast %add3A_370 : i32 to index
          %get3A_372 = arith.constant 0 : index
          %get3A_373 = tpu.vector_load %arg10[%get3A_371, %get3A_372] {strides = array<i32>} : memref<1024x16xf32, #tpu.memory_space<vmem>>, vector<1x16xf32>,
          %get3A_374 = vector.shape_cast %get3A_373 : vector<1x16xf32> to vector<16xf32>
          %add3A_375 = arith.constant 512 : i32
          %add3A_376 = arith.addi %add3A_375, %add3A_370 : i32
          %get3A_377 = arith.index_cast %add3A_376 : i32 to index
          %get3A_378 = arith.constant 0 : index
          %get3A_379 = tpu.vector_load %arg10[%get3A_377, %get3A_378] {strides = array<i32>} : memref<1024x16xf32, #tpu.memory_space<vmem>>, vector<1x16xf32>,
          %get3A_380 = vector.shape_cast %get3A_379 : vector<1x16xf32> to vector<16xf32>
          %add3A_381 = arith.addf %get3A_374, %get3A_380 : vector<16xf32>
          %swap3A_382 = arith.index_cast %add3A_370 : i32 to index
          %swap3A_383 = arith.constant 0 : index
          %swap3A_384 = tpu.vector_load %arg11[%swap3A_382, %swap3A_383] {strides = array<i32>} : memref<512x16xf32, #tpu.memory_space<vmem>>, vector<1x16xf32>,
          %swap3A_385 = vector.shape_cast %swap3A_384 : vector<1x16xf32> to vector<16xf32>
          %swap3A_386 = vector.shape_cast %add3A_381 : vector<16xf32> to vector<1x16xf32>
          tpu.vector_store %arg11[%swap3A_382, %swap3A_383], %swap3A_386 {add = true, strides = array<i32>} : memref<512x16xf32, #tpu.memory_space<vmem>>, vector<1x16xf32>,
          %mul3A_387 = arith.constant 16 : i32
          %mul3A_388 = arith.muli %scan3A_326, %mul3A_387 : i32
          %add3A_389 = arith.constant 3 : i32
          %add3A_390 = arith.addi %mul3A_388, %add3A_389 : i32
          %get3A_391 = arith.index_cast %add3A_390 : i32 to index
          %get3A_392 = arith.constant 0 : index
          %get3A_393 = tpu.vector_load %arg10[%get3A_391, %get3A_392] {strides = array<i32>} : memref<1024x16xf32, #tpu.memory_space<vmem>>, vector<1x16xf32>,
          %get3A_394 = vector.shape_cast %get3A_393 : vector<1x16xf32> to vector<16xf32>
          %add3A_395 = arith.constant 512 : i32
          %add3A_396 = arith.addi %add3A_395, %add3A_390 : i32
          %get3A_397 = arith.index_cast %add3A_396 : i32 to index
          %get3A_398 = arith.constant 0 : index
          %get3A_399 = tpu.vector_load %arg10[%get3A_397, %get3A_398] {strides = array<i32>} : memref<1024x16xf32, #tpu.memory_space<vmem>>, vector<1x16xf32>,
          %get3A_400 = vector.shape_cast %get3A_399 : vector<1x16xf32> to vector<16xf32>
          %add3A_401 = arith.addf %get3A_394, %get3A_400 : vector<16xf32>
          %swap3A_402 = arith.index_cast %add3A_390 : i32 to index
          %swap3A_403 = arith.constant 0 : index
          %swap3A_404 = tpu.vector_load %arg11[%swap3A_402, %swap3A_403] {strides = array<i32>} : memref<512x16xf32, #tpu.memory_space<vmem>>, vector<1x16xf32>,
          %swap3A_405 = vector.shape_cast %swap3A_404 : vector<1x16xf32> to vector<16xf32>
          %swap3A_406 = vector.shape_cast %add3A_401 : vector<16xf32> to vector<1x16xf32>
          tpu.vector_store %arg11[%swap3A_402, %swap3A_403], %swap3A_406 {add = true, strides = array<i32>} : memref<512x16xf32, #tpu.memory_space<vmem>>, vector<1x16xf32>,
          %mul3A_407 = arith.constant 16 : i32
          %mul3A_408 = arith.muli %scan3A_326, %mul3A_407 : i32
          %add3A_409 = arith.constant 4 : i32
          %add3A_410 = arith.addi %mul3A_408, %add3A_409 : i32
          %get3A_411 = arith.index_cast %add3A_410 : i32 to index
          %get3A_412 = arith.constant 0 : index
          %get3A_413 = tpu.vector_load %arg10[%get3A_411, %get3A_412] {strides = array<i32>} : memref<1024x16xf32, #tpu.memory_space<vmem>>, vector<1x16xf32>,
          %get3A_414 = vector.shape_cast %get3A_413 : vector<1x16xf32> to vector<16xf32>
          %add3A_415 = arith.constant 512 : i32
          %add3A_416 = arith.addi %add3A_415, %add3A_410 : i32
          %get3A_417 = arith.index_cast %add3A_416 : i32 to index
          %get3A_418 = arith.constant 0 : index
          %get3A_419 = tpu.vector_load %arg10[%get3A_417, %get3A_418] {strides = array<i32>} : memref<1024x16xf32, #tpu.memory_space<vmem>>, vector<1x16xf32>,
          %get3A_420 = vector.shape_cast %get3A_419 : vector<1x16xf32> to vector<16xf32>
          %add3A_421 = arith.addf %get3A_414, %get3A_420 : vector<16xf32>
          %swap3A_422 = arith.index_cast %add3A_410 : i32 to index
          %swap3A_423 = arith.constant 0 : index
          %swap3A_424 = tpu.vector_load %arg11[%swap3A_422, %swap3A_423] {strides = array<i32>} : memref<512x16xf32, #tpu.memory_space<vmem>>, vector<1x16xf32>,
          %swap3A_425 = vector.shape_cast %swap3A_424 : vector<1x16xf32> to vector<16xf32>
          %swap3A_426 = vector.shape_cast %add3A_421 : vector<16xf32> to vector<1x16xf32>
          tpu.vector_store %arg11[%swap3A_422, %swap3A_423], %swap3A_426 {add = true, strides = array<i32>} : memref<512x16xf32, #tpu.memory_space<vmem>>, vector<1x16xf32>,
          %mul3A_427 = arith.constant 16 : i32
          %mul3A_428 = arith.muli %scan3A_326, %mul3A_427 : i32
          %add3A_429 = arith.constant 5 : i32
          %add3A_430 = arith.addi %mul3A_428, %add3A_429 : i32
          %get3A_431 = arith.index_cast %add3A_430 : i32 to index
          %get3A_432 = arith.constant 0 : index
          %get3A_433 = tpu.vector_load %arg10[%get3A_431, %get3A_432] {strides = array<i32>} : memref<1024x16xf32, #tpu.memory_space<vmem>>, vector<1x16xf32>,
          %get3A_434 = vector.shape_cast %get3A_433 : vector<1x16xf32> to vector<16xf32>
          %add3A_435 = arith.constant 512 : i32
          %add3A_436 = arith.addi %add3A_435, %add3A_430 : i32
          %get3A_437 = arith.index_cast %add3A_436 : i32 to index
          %get3A_438 = arith.constant 0 : index
          %get3A_439 = tpu.vector_load %arg10[%get3A_437, %get3A_438] {strides = array<i32>} : memref<1024x16xf32, #tpu.memory_space<vmem>>, vector<1x16xf32>,
          %get3A_440 = vector.shape_cast %get3A_439 : vector<1x16xf32> to vector<16xf32>
          %add3A_441 = arith.addf %get3A_434, %get3A_440 : vector<16xf32>
          %swap3A_442 = arith.index_cast %add3A_430 : i32 to index
          %swap3A_443 = arith.constant 0 : index
          %swap3A_444 = tpu.vector_load %arg11[%swap3A_442, %swap3A_443] {strides = array<i32>} : memref<512x16xf32, #tpu.memory_space<vmem>>, vector<1x16xf32>,
          %swap3A_445 = vector.shape_cast %swap3A_444 : vector<1x16xf32> to vector<16xf32>
          %swap3A_446 = vector.shape_cast %add3A_441 : vector<16xf32> to vector<1x16xf32>
          tpu.vector_store %arg11[%swap3A_442, %swap3A_443], %swap3A_446 {add = true, strides = array<i32>} : memref<512x16xf32, #tpu.memory_space<vmem>>, vector<1x16xf32>,
          %mul3A_447 = arith.constant 16 : i32
          %mul3A_448 = arith.muli %scan3A_326, %mul3A_447 : i32
          %add3A_449 = arith.constant 6 : i32
          %add3A_450 = arith.addi %mul3A_448, %add3A_449 : i32
          %get3A_451 = arith.index_cast %add3A_450 : i32 to index
          %get3A_452 = arith.constant 0 : index
          %get3A_453 = tpu.vector_load %arg10[%get3A_451, %get3A_452] {strides = array<i32>} : memref<1024x16xf32, #tpu.memory_space<vmem>>, vector<1x16xf32>,
          %get3A_454 = vector.shape_cast %get3A_453 : vector<1x16xf32> to vector<16xf32>
          %add3A_455 = arith.constant 512 : i32
          %add3A_456 = arith.addi %add3A_455, %add3A_450 : i32
          %get3A_457 = arith.index_cast %add3A_456 : i32 to index
          %get3A_458 = arith.constant 0 : index
          %get3A_459 = tpu.vector_load %arg10[%get3A_457, %get3A_458] {strides = array<i32>} : memref<1024x16xf32, #tpu.memory_space<vmem>>, vector<1x16xf32>,
          %get3A_460 = vector.shape_cast %get3A_459 : vector<1x16xf32> to vector<16xf32>
          %add3A_461 = arith.addf %get3A_454, %get3A_460 : vector<16xf32>
          %swap3A_462 = arith.index_cast %add3A_450 : i32 to index
          %swap3A_463 = arith.constant 0 : index
          %swap3A_464 = tpu.vector_load %arg11[%swap3A_462, %swap3A_463] {strides = array<i32>} : memref<512x16xf32, #tpu.memory_space<vmem>>, vector<1x16xf32>,
          %swap3A_465 = vector.shape_cast %swap3A_464 : vector<1x16xf32> to vector<16xf32>
          %swap3A_466 = vector.shape_cast %add3A_461 : vector<16xf32> to vector<1x16xf32>
          tpu.vector_store %arg11[%swap3A_462, %swap3A_463], %swap3A_466 {add = true, strides = array<i32>} : memref<512x16xf32, #tpu.memory_space<vmem>>, vector<1x16xf32>,
          %mul3A_467 = arith.constant 16 : i32
          %mul3A_468 = arith.muli %scan3A_326, %mul3A_467 : i32
          %add3A_469 = arith.constant 7 : i32
          %add3A_470 = arith.addi %mul3A_468, %add3A_469 : i32
          %get3A_471 = arith.index_cast %add3A_470 : i32 to index
          %get3A_472 = arith.constant 0 : index
          %get3A_473 = tpu.vector_load %arg10[%get3A_471, %get3A_472] {strides = array<i32>} : memref<1024x16xf32, #tpu.memory_space<vmem>>, vector<1x16xf32>,
          %get3A_474 = vector.shape_cast %get3A_473 : vector<1x16xf32> to vector<16xf32>
          %add3A_475 = arith.constant 512 : i32
          %add3A_476 = arith.addi %add3A_475, %add3A_470 : i32
          %get3A_477 = arith.index_cast %add3A_476 : i32 to index
          %get3A_478 = arith.constant 0 : index
          %get3A_479 = tpu.vector_load %arg10[%get3A_477, %get3A_478] {strides = array<i32>} : memref<1024x16xf32, #tpu.memory_space<vmem>>, vector<1x16xf32>,
          %get3A_480 = vector.shape_cast %get3A_479 : vector<1x16xf32> to vector<16xf32>
          %add3A_481 = arith.addf %get3A_474, %get3A_480 : vector<16xf32>
          %swap3A_482 = arith.index_cast %add3A_470 : i32 to index
          %swap3A_483 = arith.constant 0 : index
          %swap3A_484 = tpu.vector_load %arg11[%swap3A_482, %swap3A_483] {strides = array<i32>} : memref<512x16xf32, #tpu.memory_space<vmem>>, vector<1x16xf32>,
          %swap3A_485 = vector.shape_cast %swap3A_484 : vector<1x16xf32> to vector<16xf32>
          %swap3A_486 = vector.shape_cast %add3A_481 : vector<16xf32> to vector<1x16xf32>
          tpu.vector_store %arg11[%swap3A_482, %swap3A_483], %swap3A_486 {add = true, strides = array<i32>} : memref<512x16xf32, #tpu.memory_space<vmem>>, vector<1x16xf32>,
          %mul3A_487 = arith.constant 16 : i32
          %mul3A_488 = arith.muli %scan3A_326, %mul3A_487 : i32
          %add3A_489 = arith.constant 8 : i32
          %add3A_490 = arith.addi %mul3A_488, %add3A_489 : i32
          %get3A_491 = arith.index_cast %add3A_490 : i32 to index
          %get3A_492 = arith.constant 0 : index
          %get3A_493 = tpu.vector_load %arg10[%get3A_491, %get3A_492] {strides = array<i32>} : memref<1024x16xf32, #tpu.memory_space<vmem>>, vector<1x16xf32>,
          %get3A_494 = vector.shape_cast %get3A_493 : vector<1x16xf32> to vector<16xf32>
          %add3A_495 = arith.constant 512 : i32
          %add3A_496 = arith.addi %add3A_495, %add3A_490 : i32
          %get3A_497 = arith.index_cast %add3A_496 : i32 to index
          %get3A_498 = arith.constant 0 : index
          %get3A_499 = tpu.vector_load %arg10[%get3A_497, %get3A_498] {strides = array<i32>} : memref<1024x16xf32, #tpu.memory_space<vmem>>, vector<1x16xf32>,
          %get3A_500 = vector.shape_cast %get3A_499 : vector<1x16xf32> to vector<16xf32>
          %add3A_501 = arith.addf %get3A_494, %get3A_500 : vector<16xf32>
          %swap3A_502 = arith.index_cast %add3A_490 : i32 to index
          %swap3A_503 = arith.constant 0 : index
          %swap3A_504 = tpu.vector_load %arg11[%swap3A_502, %swap3A_503] {strides = array<i32>} : memref<512x16xf32, #tpu.memory_space<vmem>>, vector<1x16xf32>,
          %swap3A_505 = vector.shape_cast %swap3A_504 : vector<1x16xf32> to vector<16xf32>
          %swap3A_506 = vector.shape_cast %add3A_501 : vector<16xf32> to vector<1x16xf32>
          tpu.vector_store %arg11[%swap3A_502, %swap3A_503], %swap3A_506 {add = true, strides = array<i32>} : memref<512x16xf32, #tpu.memory_space<vmem>>, vector<1x16xf32>,
          %mul3A_507 = arith.constant 16 : i32
          %mul3A_508 = arith.muli %scan3A_326, %mul3A_507 : i32
          %add3A_509 = arith.constant 9 : i32
          %add3A_510 = arith.addi %mul3A_508, %add3A_509 : i32
          %get3A_511 = arith.index_cast %add3A_510 : i32 to index
          %get3A_512 = arith.constant 0 : index
          %get3A_513 = tpu.vector_load %arg10[%get3A_511, %get3A_512] {strides = array<i32>} : memref<1024x16xf32, #tpu.memory_space<vmem>>, vector<1x16xf32>,
          %get3A_514 = vector.shape_cast %get3A_513 : vector<1x16xf32> to vector<16xf32>
          %add3A_515 = arith.constant 512 : i32
          %add3A_516 = arith.addi %add3A_515, %add3A_510 : i32
          %get3A_517 = arith.index_cast %add3A_516 : i32 to index
          %get3A_518 = arith.constant 0 : index
          %get3A_519 = tpu.vector_load %arg10[%get3A_517, %get3A_518] {strides = array<i32>} : memref<1024x16xf32, #tpu.memory_space<vmem>>, vector<1x16xf32>,
          %get3A_520 = vector.shape_cast %get3A_519 : vector<1x16xf32> to vector<16xf32>
          %add3A_521 = arith.addf %get3A_514, %get3A_520 : vector<16xf32>
          %swap3A_522 = arith.index_cast %add3A_510 : i32 to index
          %swap3A_523 = arith.constant 0 : index
          %swap3A_524 = tpu.vector_load %arg11[%swap3A_522, %swap3A_523] {strides = array<i32>} : memref<512x16xf32, #tpu.memory_space<vmem>>, vector<1x16xf32>,
          %swap3A_525 = vector.shape_cast %swap3A_524 : vector<1x16xf32> to vector<16xf32>
          %swap3A_526 = vector.shape_cast %add3A_521 : vector<16xf32> to vector<1x16xf32>
          tpu.vector_store %arg11[%swap3A_522, %swap3A_523], %swap3A_526 {add = true, strides = array<i32>} : memref<512x16xf32, #tpu.memory_space<vmem>>, vector<1x16xf32>,
          %mul3A_527 = arith.constant 16 : i32
          %mul3A_528 = arith.muli %scan3A_326, %mul3A_527 : i32
          %add3A_529 = arith.constant 10 : i32
          %add3A_530 = arith.addi %mul3A_528, %add3A_529 : i32
          %get3A_531 = arith.index_cast %add3A_530 : i32 to index
          %get3A_532 = arith.constant 0 : index
          %get3A_533 = tpu.vector_load %arg10[%get3A_531, %get3A_532] {strides = array<i32>} : memref<1024x16xf32, #tpu.memory_space<vmem>>, vector<1x16xf32>,
          %get3A_534 = vector.shape_cast %get3A_533 : vector<1x16xf32> to vector<16xf32>
          %add3A_535 = arith.constant 512 : i32
          %add3A_536 = arith.addi %add3A_535, %add3A_530 : i32
          %get3A_537 = arith.index_cast %add3A_536 : i32 to index
          %get3A_538 = arith.constant 0 : index
          %get3A_539 = tpu.vector_load %arg10[%get3A_537, %get3A_538] {strides = array<i32>} : memref<1024x16xf32, #tpu.memory_space<vmem>>, vector<1x16xf32>,
          %get3A_540 = vector.shape_cast %get3A_539 : vector<1x16xf32> to vector<16xf32>
          %add3A_541 = arith.addf %get3A_534, %get3A_540 : vector<16xf32>
          %swap3A_542 = arith.index_cast %add3A_530 : i32 to index
          %swap3A_543 = arith.constant 0 : index
          %swap3A_544 = tpu.vector_load %arg11[%swap3A_542, %swap3A_543] {strides = array<i32>} : memref<512x16xf32, #tpu.memory_space<vmem>>, vector<1x16xf32>,
          %swap3A_545 = vector.shape_cast %swap3A_544 : vector<1x16xf32> to vector<16xf32>
          %swap3A_546 = vector.shape_cast %add3A_541 : vector<16xf32> to vector<1x16xf32>
          tpu.vector_store %arg11[%swap3A_542, %swap3A_543], %swap3A_546 {add = true, strides = array<i32>} : memref<512x16xf32, #tpu.memory_space<vmem>>, vector<1x16xf32>,
          %mul3A_547 = arith.constant 16 : i32
          %mul3A_548 = arith.muli %scan3A_326, %mul3A_547 : i32
          %add3A_549 = arith.constant 11 : i32
          %add3A_550 = arith.addi %mul3A_548, %add3A_549 : i32
          %get3A_551 = arith.index_cast %add3A_550 : i32 to index
          %get3A_552 = arith.constant 0 : index
          %get3A_553 = tpu.vector_load %arg10[%get3A_551, %get3A_552] {strides = array<i32>} : memref<1024x16xf32, #tpu.memory_space<vmem>>, vector<1x16xf32>,
          %get3A_554 = vector.shape_cast %get3A_553 : vector<1x16xf32> to vector<16xf32>
          %add3A_555 = arith.constant 512 : i32
          %add3A_556 = arith.addi %add3A_555, %add3A_550 : i32
          %get3A_557 = arith.index_cast %add3A_556 : i32 to index
          %get3A_558 = arith.constant 0 : index
          %get3A_559 = tpu.vector_load %arg10[%get3A_557, %get3A_558] {strides = array<i32>} : memref<1024x16xf32, #tpu.memory_space<vmem>>, vector<1x16xf32>,
          %get3A_560 = vector.shape_cast %get3A_559 : vector<1x16xf32> to vector<16xf32>
          %add3A_561 = arith.addf %get3A_554, %get3A_560 : vector<16xf32>
          %swap3A_562 = arith.index_cast %add3A_550 : i32 to index
          %swap3A_563 = arith.constant 0 : index
          %swap3A_564 = tpu.vector_load %arg11[%swap3A_562, %swap3A_563] {strides = array<i32>} : memref<512x16xf32, #tpu.memory_space<vmem>>, vector<1x16xf32>,
          %swap3A_565 = vector.shape_cast %swap3A_564 : vector<1x16xf32> to vector<16xf32>
          %swap3A_566 = vector.shape_cast %add3A_561 : vector<16xf32> to vector<1x16xf32>
          tpu.vector_store %arg11[%swap3A_562, %swap3A_563], %swap3A_566 {add = true, strides = array<i32>} : memref<512x16xf32, #tpu.memory_space<vmem>>, vector<1x16xf32>,
          %mul3A_567 = arith.constant 16 : i32
          %mul3A_568 = arith.muli %scan3A_326, %mul3A_567 : i32
          %add3A_569 = arith.constant 12 : i32
          %add3A_570 = arith.addi %mul3A_568, %add3A_569 : i32
          %get3A_571 = arith.index_cast %add3A_570 : i32 to index
          %get3A_572 = arith.constant 0 : index
          %get3A_573 = tpu.vector_load %arg10[%get3A_571, %get3A_572] {strides = array<i32>} : memref<1024x16xf32, #tpu.memory_space<vmem>>, vector<1x16xf32>,
          %get3A_574 = vector.shape_cast %get3A_573 : vector<1x16xf32> to vector<16xf32>
          %add3A_575 = arith.constant 512 : i32
          %add3A_576 = arith.addi %add3A_575, %add3A_570 : i32
          %get3A_577 = arith.index_cast %add3A_576 : i32 to index
          %get3A_578 = arith.constant 0 : index
          %get3A_579 = tpu.vector_load %arg10[%get3A_577, %get3A_578] {strides = array<i32>} : memref<1024x16xf32, #tpu.memory_space<vmem>>, vector<1x16xf32>,
          %get3A_580 = vector.shape_cast %get3A_579 : vector<1x16xf32> to vector<16xf32>
          %add3A_581 = arith.addf %get3A_574, %get3A_580 : vector<16xf32>
          %swap3A_582 = arith.index_cast %add3A_570 : i32 to index
          %swap3A_583 = arith.constant 0 : index
          %swap3A_584 = tpu.vector_load %arg11[%swap3A_582, %swap3A_583] {strides = array<i32>} : memref<512x16xf32, #tpu.memory_space<vmem>>, vector<1x16xf32>,
          %swap3A_585 = vector.shape_cast %swap3A_584 : vector<1x16xf32> to vector<16xf32>
          %swap3A_586 = vector.shape_cast %add3A_581 : vector<16xf32> to vector<1x16xf32>
          tpu.vector_store %arg11[%swap3A_582, %swap3A_583], %swap3A_586 {add = true, strides = array<i32>} : memref<512x16xf32, #tpu.memory_space<vmem>>, vector<1x16xf32>,
          %mul3A_587 = arith.constant 16 : i32
          %mul3A_588 = arith.muli %scan3A_326, %mul3A_587 : i32
          %add3A_589 = arith.constant 13 : i32
          %add3A_590 = arith.addi %mul3A_588, %add3A_589 : i32
          %get3A_591 = arith.index_cast %add3A_590 : i32 to index
          %get3A_592 = arith.constant 0 : index
          %get3A_593 = tpu.vector_load %arg10[%get3A_591, %get3A_592] {strides = array<i32>} : memref<1024x16xf32, #tpu.memory_space<vmem>>, vector<1x16xf32>,
          %get3A_594 = vector.shape_cast %get3A_593 : vector<1x16xf32> to vector<16xf32>
          %add3A_595 = arith.constant 512 : i32
          %add3A_596 = arith.addi %add3A_595, %add3A_590 : i32
          %get3A_597 = arith.index_cast %add3A_596 : i32 to index
          %get3A_598 = arith.constant 0 : index
          %get3A_599 = tpu.vector_load %arg10[%get3A_597, %get3A_598] {strides = array<i32>} : memref<1024x16xf32, #tpu.memory_space<vmem>>, vector<1x16xf32>,
          %get3A_600 = vector.shape_cast %get3A_599 : vector<1x16xf32> to vector<16xf32>
          %add3A_601 = arith.addf %get3A_594, %get3A_600 : vector<16xf32>
          %swap3A_602 = arith.index_cast %add3A_590 : i32 to index
          %swap3A_603 = arith.constant 0 : index
          %swap3A_604 = tpu.vector_load %arg11[%swap3A_602, %swap3A_603] {strides = array<i32>} : memref<512x16xf32, #tpu.memory_space<vmem>>, vector<1x16xf32>,
          %swap3A_605 = vector.shape_cast %swap3A_604 : vector<1x16xf32> to vector<16xf32>
          %swap3A_606 = vector.shape_cast %add3A_601 : vector<16xf32> to vector<1x16xf32>
          tpu.vector_store %arg11[%swap3A_602, %swap3A_603], %swap3A_606 {add = true, strides = array<i32>} : memref<512x16xf32, #tpu.memory_space<vmem>>, vector<1x16xf32>,
          %mul3A_607 = arith.constant 16 : i32
          %mul3A_608 = arith.muli %scan3A_326, %mul3A_607 : i32
          %add3A_609 = arith.constant 14 : i32
          %add3A_610 = arith.addi %mul3A_608, %add3A_609 : i32
          %get3A_611 = arith.index_cast %add3A_610 : i32 to index
          %get3A_612 = arith.constant 0 : index
          %get3A_613 = tpu.vector_load %arg10[%get3A_611, %get3A_612] {strides = array<i32>} : memref<1024x16xf32, #tpu.memory_space<vmem>>, vector<1x16xf32>,
          %get3A_614 = vector.shape_cast %get3A_613 : vector<1x16xf32> to vector<16xf32>
          %add3A_615 = arith.constant 512 : i32
          %add3A_616 = arith.addi %add3A_615, %add3A_610 : i32
          %get3A_617 = arith.index_cast %add3A_616 : i32 to index
          %get3A_618 = arith.constant 0 : index
          %get3A_619 = tpu.vector_load %arg10[%get3A_617, %get3A_618] {strides = array<i32>} : memref<1024x16xf32, #tpu.memory_space<vmem>>, vector<1x16xf32>,
          %get3A_620 = vector.shape_cast %get3A_619 : vector<1x16xf32> to vector<16xf32>
          %add3A_621 = arith.addf %get3A_614, %get3A_620 : vector<16xf32>
          %swap3A_622 = arith.index_cast %add3A_610 : i32 to index
          %swap3A_623 = arith.constant 0 : index
          %swap3A_624 = tpu.vector_load %arg11[%swap3A_622, %swap3A_623] {strides = array<i32>} : memref<512x16xf32, #tpu.memory_space<vmem>>, vector<1x16xf32>,
          %swap3A_625 = vector.shape_cast %swap3A_624 : vector<1x16xf32> to vector<16xf32>
          %swap3A_626 = vector.shape_cast %add3A_621 : vector<16xf32> to vector<1x16xf32>
          tpu.vector_store %arg11[%swap3A_622, %swap3A_623], %swap3A_626 {add = true, strides = array<i32>} : memref<512x16xf32, #tpu.memory_space<vmem>>, vector<1x16xf32>,
          %mul3A_627 = arith.constant 16 : i32
          %mul3A_628 = arith.muli %scan3A_326, %mul3A_627 : i32
          %add3A_629 = arith.constant 15 : i32
          %add3A_630 = arith.addi %mul3A_628, %add3A_629 : i32
          %get3A_631 = arith.index_cast %add3A_630 : i32 to index
          %get3A_632 = arith.constant 0 : index
          %get3A_633 = tpu.vector_load %arg10[%get3A_631, %get3A_632] {strides = array<i32>} : memref<1024x16xf32, #tpu.memory_space<vmem>>, vector<1x16xf32>,
          %get3A_634 = vector.shape_cast %get3A_633 : vector<1x16xf32> to vector<16xf32>
          %add3A_635 = arith.constant 512 : i32
          %add3A_636 = arith.addi %add3A_635, %add3A_630 : i32
          %get3A_637 = arith.index_cast %add3A_636 : i32 to index
          %get3A_638 = arith.constant 0 : index
          %get3A_639 = tpu.vector_load %arg10[%get3A_637, %get3A_638] {strides = array<i32>} : memref<1024x16xf32, #tpu.memory_space<vmem>>, vector<1x16xf32>,
          %get3A_640 = vector.shape_cast %get3A_639 : vector<1x16xf32> to vector<16xf32>
          %add3A_641 = arith.addf %get3A_634, %get3A_640 : vector<16xf32>
          %swap3A_642 = arith.index_cast %add3A_630 : i32 to index
          %swap3A_643 = arith.constant 0 : index
          %swap3A_644 = tpu.vector_load %arg11[%swap3A_642, %swap3A_643] {strides = array<i32>} : memref<512x16xf32, #tpu.memory_space<vmem>>, vector<1x16xf32>,
          %swap3A_645 = vector.shape_cast %swap3A_644 : vector<1x16xf32> to vector<16xf32>
          %swap3A_646 = vector.shape_cast %add3A_641 : vector<16xf32> to vector<1x16xf32>
          tpu.vector_store %arg11[%swap3A_642, %swap3A_643], %swap3A_646 {add = true, strides = array<i32>} : memref<512x16xf32, #tpu.memory_space<vmem>>, vector<1x16xf32>,
          %scan3A_647 = arith.constant 0 : i32
          scf.yield %scan3A_647 : i32
        }
        %scan3A_290 = arith.constant 32 : i32
        %add3A_291 = arith.constant 2 : i32
        %add3A_292 = arith.addi %add3A_276, %add3A_291 : i32
        %dma_start3A_293 = arith.constant 0 : i32
        %dma_start3A_294 = tpu.memref_slice %arg8[%add3A_292, %dma_start3A_293] : memref<25x1024xi32, #tpu.memory_space<vmem>> -> memref<1x1024xi32, #tpu.memory_space<vmem>>
        %dma_start3A_295 = tpu.memref_squeeze %dma_start3A_294 : memref<1x1024xi32, #tpu.memory_space<vmem>> -> memref<1024xi32, #tpu.memory_space<vmem>>
        %dma_start3A_296 = arith.constant 0 : i32
        %dma_start3A_297 = arith.constant 0 : i32
        %dma_start3A_298 = tpu.memref_slice %arg4[%dma_start3A_296, %dma_start3A_297] : memref<1015808x16xf32, #tpu.memory_space<hbm>> -> memref<1015808x16xf32, #tpu.memory_space<hbm>>
        tpu.enqueue_indirect_dma source(%dma_start3A_298 : memref<1015808x16xf32, #tpu.memory_space<hbm>>) target(%arg10 : memref<1024x16xf32, #tpu.memory_space<vmem>>) offsets(%dma_start3A_295 : memref<1024xi32, #tpu.memory_space<vmem>>) semaphore(%arg16 : memref<!tpu.dma_semaphore, #tpu.memory_space<semaphore_mem>>)
        %mul3A_299 = arith.constant 2 : i32
        %mul3A_300 = arith.muli %scan3A_271, %mul3A_299 : i32
        %add3A_301 = arith.constant 1 : i32
        %add3A_302 = arith.addi %mul3A_300, %add3A_301 : i32
        %dma_wait3A_303 = arith.constant 0 : i32
        %dma_wait3A_304 = arith.constant 0 : i32
        %dma_wait3A_305 = tpu.memref_slice %arg7[%dma_wait3A_303, %dma_wait3A_304] : memref<25x1024xi32, #tpu.memory_space<vmem>> -> memref<1x1024xi32, #tpu.memory_space<vmem>>
        %dma_wait3A_306 = tpu.memref_squeeze %dma_wait3A_305 : memref<1x1024xi32, #tpu.memory_space<vmem>> -> memref<1024xi32, #tpu.memory_space<vmem>>
        %dma_wait3A_307 = arith.constant 0 : i32
        %dma_wait3A_308 = arith.constant 0 : i32
        %dma_wait3A_309 = tpu.memref_slice %arg4[%dma_wait3A_307, %dma_wait3A_308] : memref<1015808x16xf32, #tpu.memory_space<hbm>> -> memref<1015808x16xf32, #tpu.memory_space<hbm>>
        tpu.wait_indirect_dma semaphore(%arg15 : memref<!tpu.dma_semaphore, #tpu.memory_space<semaphore_mem>>) src(%dma_wait3A_309 : memref<1015808x16xf32, #tpu.memory_space<hbm>>) dst(%arg9 : memref<1024x16xf32, #tpu.memory_space<vmem>>)
        %scan3A_310 = arith.constant 0 : i32
        %scan3A_311 = arith.constant 0 : i32
        %scan3A_312 = arith.constant 32 : i32
        %scan3A_313 = arith.addi %scan3A_311, %scan3A_312 : i32
        %scan3A_314 = arith.constant 1 : i32
        %scan3A_315 = scf.for %scan3A_326 = %scan3A_311 to %scan3A_313 step %scan3A_314 iter_args(%scan3A_327 = %scan3A_310) -> (i32)  : i32 {
          %mul3A_328 = arith.constant 16 : i32
          %mul3A_329 = arith.muli %scan3A_326, %mul3A_328 : i32
          %add3A_330 = arith.constant 0 : i32
          %add3A_331 = arith.addi %mul3A_329, %add3A_330 : i32
          %get3A_332 = arith.index_cast %add3A_331 : i32 to index
          %get3A_333 = arith.constant 0 : index
          %get3A_334 = tpu.vector_load %arg9[%get3A_332, %get3A_333] {strides = array<i32>} : memref<1024x16xf32, #tpu.memory_space<vmem>>, vector<1x16xf32>,
          %get3A_335 = vector.shape_cast %get3A_334 : vector<1x16xf32> to vector<16xf32>
          %add3A_336 = arith.constant 512 : i32
          %add3A_337 = arith.addi %add3A_336, %add3A_331 : i32
          %get3A_338 = arith.index_cast %add3A_337 : i32 to index
          %get3A_339 = arith.constant 0 : index
          %get3A_340 = tpu.vector_load %arg9[%get3A_338, %get3A_339] {strides = array<i32>} : memref<1024x16xf32, #tpu.memory_space<vmem>>, vector<1x16xf32>,
          %get3A_341 = vector.shape_cast %get3A_340 : vector<1x16xf32> to vector<16xf32>
          %add3A_342 = arith.addf %get3A_335, %get3A_341 : vector<16xf32>
          %swap3A = arith.index_cast %add3A_331 : i32 to index
          %swap3A_343 = arith.constant 0 : index
          %swap3A_344 = tpu.vector_load %arg11[%swap3A, %swap3A_343] {strides = array<i32>} : memref<512x16xf32, #tpu.memory_space<vmem>>, vector<1x16xf32>,
          %swap3A_345 = vector.shape_cast %swap3A_344 : vector<1x16xf32> to vector<16xf32>
          %swap3A_346 = vector.shape_cast %add3A_342 : vector<16xf32> to vector<1x16xf32>
          tpu.vector_store %arg11[%swap3A, %swap3A_343], %swap3A_346 {add = true, strides = array<i32>} : memref<512x16xf32, #tpu.memory_space<vmem>>, vector<1x16xf32>,
          %mul3A_347 = arith.constant 16 : i32
          %mul3A_348 = arith.muli %scan3A_326, %mul3A_347 : i32
          %add3A_349 = arith.constant 1 : i32
          %add3A_350 = arith.addi %mul3A_348, %add3A_349 : i32
          %get3A_351 = arith.index_cast %add3A_350 : i32 to index
          %get3A_352 = arith.constant 0 : index
          %get3A_353 = tpu.vector_load %arg9[%get3A_351, %get3A_352] {strides = array<i32>} : memref<1024x16xf32, #tpu.memory_space<vmem>>, vector<1x16xf32>,
          %get3A_354 = vector.shape_cast %get3A_353 : vector<1x16xf32> to vector<16xf32>
          %add3A_355 = arith.constant 512 : i32
          %add3A_356 = arith.addi %add3A_355, %add3A_350 : i32
          %get3A_357 = arith.index_cast %add3A_356 : i32 to index
          %get3A_358 = arith.constant 0 : index
          %get3A_359 = tpu.vector_load %arg9[%get3A_357, %get3A_358] {strides = array<i32>} : memref<1024x16xf32, #tpu.memory_space<vmem>>, vector<1x16xf32>,
          %get3A_360 = vector.shape_cast %get3A_359 : vector<1x16xf32> to vector<16xf32>
          %add3A_361 = arith.addf %get3A_354, %get3A_360 : vector<16xf32>
          %swap3A_362 = arith.index_cast %add3A_350 : i32 to index
          %swap3A_363 = arith.constant 0 : index
          %swap3A_364 = tpu.vector_load %arg11[%swap3A_362, %swap3A_363] {strides = array<i32>} : memref<512x16xf32, #tpu.memory_space<vmem>>, vector<1x16xf32>,
          %swap3A_365 = vector.shape_cast %swap3A_364 : vector<1x16xf32> to vector<16xf32>
          %swap3A_366 = vector.shape_cast %add3A_361 : vector<16xf32> to vector<1x16xf32>
          tpu.vector_store %arg11[%swap3A_362, %swap3A_363], %swap3A_366 {add = true, strides = array<i32>} : memref<512x16xf32, #tpu.memory_space<vmem>>, vector<1x16xf32>,
          %mul3A_367 = arith.constant 16 : i32
          %mul3A_368 = arith.muli %scan3A_326, %mul3A_367 : i32
          %add3A_369 = arith.constant 2 : i32
          %add3A_370 = arith.addi %mul3A_368, %add3A_369 : i32
          %get3A_371 = arith.index_cast %add3A_370 : i32 to index
          %get3A_372 = arith.constant 0 : index
          %get3A_373 = tpu.vector_load %arg9[%get3A_371, %get3A_372] {strides = array<i32>} : memref<1024x16xf32, #tpu.memory_space<vmem>>, vector<1x16xf32>,
          %get3A_374 = vector.shape_cast %get3A_373 : vector<1x16xf32> to vector<16xf32>
          %add3A_375 = arith.constant 512 : i32
          %add3A_376 = arith.addi %add3A_375, %add3A_370 : i32
          %get3A_377 = arith.index_cast %add3A_376 : i32 to index
          %get3A_378 = arith.constant 0 : index
          %get3A_379 = tpu.vector_load %arg9[%get3A_377, %get3A_378] {strides = array<i32>} : memref<1024x16xf32, #tpu.memory_space<vmem>>, vector<1x16xf32>,
          %get3A_380 = vector.shape_cast %get3A_379 : vector<1x16xf32> to vector<16xf32>
          %add3A_381 = arith.addf %get3A_374, %get3A_380 : vector<16xf32>
          %swap3A_382 = arith.index_cast %add3A_370 : i32 to index
          %swap3A_383 = arith.constant 0 : index
          %swap3A_384 = tpu.vector_load %arg11[%swap3A_382, %swap3A_383] {strides = array<i32>} : memref<512x16xf32, #tpu.memory_space<vmem>>, vector<1x16xf32>,
          %swap3A_385 = vector.shape_cast %swap3A_384 : vector<1x16xf32> to vector<16xf32>
          %swap3A_386 = vector.shape_cast %add3A_381 : vector<16xf32> to vector<1x16xf32>
          tpu.vector_store %arg11[%swap3A_382, %swap3A_383], %swap3A_386 {add = true, strides = array<i32>} : memref<512x16xf32, #tpu.memory_space<vmem>>, vector<1x16xf32>,
          %mul3A_387 = arith.constant 16 : i32
          %mul3A_388 = arith.muli %scan3A_326, %mul3A_387 : i32
          %add3A_389 = arith.constant 3 : i32
          %add3A_390 = arith.addi %mul3A_388, %add3A_389 : i32
          %get3A_391 = arith.index_cast %add3A_390 : i32 to index
          %get3A_392 = arith.constant 0 : index
          %get3A_393 = tpu.vector_load %arg9[%get3A_391, %get3A_392] {strides = array<i32>} : memref<1024x16xf32, #tpu.memory_space<vmem>>, vector<1x16xf32>,
          %get3A_394 = vector.shape_cast %get3A_393 : vector<1x16xf32> to vector<16xf32>
          %add3A_395 = arith.constant 512 : i32
          %add3A_396 = arith.addi %add3A_395, %add3A_390 : i32
          %get3A_397 = arith.index_cast %add3A_396 : i32 to index
          %get3A_398 = arith.constant 0 : index
          %get3A_399 = tpu.vector_load %arg9[%get3A_397, %get3A_398] {strides = array<i32>} : memref<1024x16xf32, #tpu.memory_space<vmem>>, vector<1x16xf32>,
          %get3A_400 = vector.shape_cast %get3A_399 : vector<1x16xf32> to vector<16xf32>
          %add3A_401 = arith.addf %get3A_394, %get3A_400 : vector<16xf32>
          %swap3A_402 = arith.index_cast %add3A_390 : i32 to index
          %swap3A_403 = arith.constant 0 : index
          %swap3A_404 = tpu.vector_load %arg11[%swap3A_402, %swap3A_403] {strides = array<i32>} : memref<512x16xf32, #tpu.memory_space<vmem>>, vector<1x16xf32>,
          %swap3A_405 = vector.shape_cast %swap3A_404 : vector<1x16xf32> to vector<16xf32>
          %swap3A_406 = vector.shape_cast %add3A_401 : vector<16xf32> to vector<1x16xf32>
          tpu.vector_store %arg11[%swap3A_402, %swap3A_403], %swap3A_406 {add = true, strides = array<i32>} : memref<512x16xf32, #tpu.memory_space<vmem>>, vector<1x16xf32>,
          %mul3A_407 = arith.constant 16 : i32
          %mul3A_408 = arith.muli %scan3A_326, %mul3A_407 : i32
          %add3A_409 = arith.constant 4 : i32
          %add3A_410 = arith.addi %mul3A_408, %add3A_409 : i32
          %get3A_411 = arith.index_cast %add3A_410 : i32 to index
          %get3A_412 = arith.constant 0 : index
          %get3A_413 = tpu.vector_load %arg9[%get3A_411, %get3A_412] {strides = array<i32>} : memref<1024x16xf32, #tpu.memory_space<vmem>>, vector<1x16xf32>,
          %get3A_414 = vector.shape_cast %get3A_413 : vector<1x16xf32> to vector<16xf32>
          %add3A_415 = arith.constant 512 : i32
          %add3A_416 = arith.addi %add3A_415, %add3A_410 : i32
          %get3A_417 = arith.index_cast %add3A_416 : i32 to index
          %get3A_418 = arith.constant 0 : index
          %get3A_419 = tpu.vector_load %arg9[%get3A_417, %get3A_418] {strides = array<i32>} : memref<1024x16xf32, #tpu.memory_space<vmem>>, vector<1x16xf32>,
          %get3A_420 = vector.shape_cast %get3A_419 : vector<1x16xf32> to vector<16xf32>
          %add3A_421 = arith.addf %get3A_414, %get3A_420 : vector<16xf32>
          %swap3A_422 = arith.index_cast %add3A_410 : i32 to index
          %swap3A_423 = arith.constant 0 : index
          %swap3A_424 = tpu.vector_load %arg11[%swap3A_422, %swap3A_423] {strides = array<i32>} : memref<512x16xf32, #tpu.memory_space<vmem>>, vector<1x16xf32>,
          %swap3A_425 = vector.shape_cast %swap3A_424 : vector<1x16xf32> to vector<16xf32>
          %swap3A_426 = vector.shape_cast %add3A_421 : vector<16xf32> to vector<1x16xf32>
          tpu.vector_store %arg11[%swap3A_422, %swap3A_423], %swap3A_426 {add = true, strides = array<i32>} : memref<512x16xf32, #tpu.memory_space<vmem>>, vector<1x16xf32>,
          %mul3A_427 = arith.constant 16 : i32
          %mul3A_428 = arith.muli %scan3A_326, %mul3A_427 : i32
          %add3A_429 = arith.constant 5 : i32
          %add3A_430 = arith.addi %mul3A_428, %add3A_429 : i32
          %get3A_431 = arith.index_cast %add3A_430 : i32 to index
          %get3A_432 = arith.constant 0 : index
          %get3A_433 = tpu.vector_load %arg9[%get3A_431, %get3A_432] {strides = array<i32>} : memref<1024x16xf32, #tpu.memory_space<vmem>>, vector<1x16xf32>,
          %get3A_434 = vector.shape_cast %get3A_433 : vector<1x16xf32> to vector<16xf32>
          %add3A_435 = arith.constant 512 : i32
          %add3A_436 = arith.addi %add3A_435, %add3A_430 : i32
          %get3A_437 = arith.index_cast %add3A_436 : i32 to index
          %get3A_438 = arith.constant 0 : index
          %get3A_439 = tpu.vector_load %arg9[%get3A_437, %get3A_438] {strides = array<i32>} : memref<1024x16xf32, #tpu.memory_space<vmem>>, vector<1x16xf32>,
          %get3A_440 = vector.shape_cast %get3A_439 : vector<1x16xf32> to vector<16xf32>
          %add3A_441 = arith.addf %get3A_434, %get3A_440 : vector<16xf32>
          %swap3A_442 = arith.index_cast %add3A_430 : i32 to index
          %swap3A_443 = arith.constant 0 : index
          %swap3A_444 = tpu.vector_load %arg11[%swap3A_442, %swap3A_443] {strides = array<i32>} : memref<512x16xf32, #tpu.memory_space<vmem>>, vector<1x16xf32>,
          %swap3A_445 = vector.shape_cast %swap3A_444 : vector<1x16xf32> to vector<16xf32>
          %swap3A_446 = vector.shape_cast %add3A_441 : vector<16xf32> to vector<1x16xf32>
          tpu.vector_store %arg11[%swap3A_442, %swap3A_443], %swap3A_446 {add = true, strides = array<i32>} : memref<512x16xf32, #tpu.memory_space<vmem>>, vector<1x16xf32>,
          %mul3A_447 = arith.constant 16 : i32
          %mul3A_448 = arith.muli %scan3A_326, %mul3A_447 : i32
          %add3A_449 = arith.constant 6 : i32
          %add3A_450 = arith.addi %mul3A_448, %add3A_449 : i32
          %get3A_451 = arith.index_cast %add3A_450 : i32 to index
          %get3A_452 = arith.constant 0 : index
          %get3A_453 = tpu.vector_load %arg9[%get3A_451, %get3A_452] {strides = array<i32>} : memref<1024x16xf32, #tpu.memory_space<vmem>>, vector<1x16xf32>,
          %get3A_454 = vector.shape_cast %get3A_453 : vector<1x16xf32> to vector<16xf32>
          %add3A_455 = arith.constant 512 : i32
          %add3A_456 = arith.addi %add3A_455, %add3A_450 : i32
          %get3A_457 = arith.index_cast %add3A_456 : i32 to index
          %get3A_458 = arith.constant 0 : index
          %get3A_459 = tpu.vector_load %arg9[%get3A_457, %get3A_458] {strides = array<i32>} : memref<1024x16xf32, #tpu.memory_space<vmem>>, vector<1x16xf32>,
          %get3A_460 = vector.shape_cast %get3A_459 : vector<1x16xf32> to vector<16xf32>
          %add3A_461 = arith.addf %get3A_454, %get3A_460 : vector<16xf32>
          %swap3A_462 = arith.index_cast %add3A_450 : i32 to index
          %swap3A_463 = arith.constant 0 : index
          %swap3A_464 = tpu.vector_load %arg11[%swap3A_462, %swap3A_463] {strides = array<i32>} : memref<512x16xf32, #tpu.memory_space<vmem>>, vector<1x16xf32>,
          %swap3A_465 = vector.shape_cast %swap3A_464 : vector<1x16xf32> to vector<16xf32>
          %swap3A_466 = vector.shape_cast %add3A_461 : vector<16xf32> to vector<1x16xf32>
          tpu.vector_store %arg11[%swap3A_462, %swap3A_463], %swap3A_466 {add = true, strides = array<i32>} : memref<512x16xf32, #tpu.memory_space<vmem>>, vector<1x16xf32>,
          %mul3A_467 = arith.constant 16 : i32
          %mul3A_468 = arith.muli %scan3A_326, %mul3A_467 : i32
          %add3A_469 = arith.constant 7 : i32
          %add3A_470 = arith.addi %mul3A_468, %add3A_469 : i32
          %get3A_471 = arith.index_cast %add3A_470 : i32 to index
          %get3A_472 = arith.constant 0 : index
          %get3A_473 = tpu.vector_load %arg9[%get3A_471, %get3A_472] {strides = array<i32>} : memref<1024x16xf32, #tpu.memory_space<vmem>>, vector<1x16xf32>,
          %get3A_474 = vector.shape_cast %get3A_473 : vector<1x16xf32> to vector<16xf32>
          %add3A_475 = arith.constant 512 : i32
          %add3A_476 = arith.addi %add3A_475, %add3A_470 : i32
          %get3A_477 = arith.index_cast %add3A_476 : i32 to index
          %get3A_478 = arith.constant 0 : index
          %get3A_479 = tpu.vector_load %arg9[%get3A_477, %get3A_478] {strides = array<i32>} : memref<1024x16xf32, #tpu.memory_space<vmem>>, vector<1x16xf32>,
          %get3A_480 = vector.shape_cast %get3A_479 : vector<1x16xf32> to vector<16xf32>
          %add3A_481 = arith.addf %get3A_474, %get3A_480 : vector<16xf32>
          %swap3A_482 = arith.index_cast %add3A_470 : i32 to index
          %swap3A_483 = arith.constant 0 : index
          %swap3A_484 = tpu.vector_load %arg11[%swap3A_482, %swap3A_483] {strides = array<i32>} : memref<512x16xf32, #tpu.memory_space<vmem>>, vector<1x16xf32>,
          %swap3A_485 = vector.shape_cast %swap3A_484 : vector<1x16xf32> to vector<16xf32>
          %swap3A_486 = vector.shape_cast %add3A_481 : vector<16xf32> to vector<1x16xf32>
          tpu.vector_store %arg11[%swap3A_482, %swap3A_483], %swap3A_486 {add = true, strides = array<i32>} : memref<512x16xf32, #tpu.memory_space<vmem>>, vector<1x16xf32>,
          %mul3A_487 = arith.constant 16 : i32
          %mul3A_488 = arith.muli %scan3A_326, %mul3A_487 : i32
          %add3A_489 = arith.constant 8 : i32
          %add3A_490 = arith.addi %mul3A_488, %add3A_489 : i32
          %get3A_491 = arith.index_cast %add3A_490 : i32 to index
          %get3A_492 = arith.constant 0 : index
          %get3A_493 = tpu.vector_load %arg9[%get3A_491, %get3A_492] {strides = array<i32>} : memref<1024x16xf32, #tpu.memory_space<vmem>>, vector<1x16xf32>,
          %get3A_494 = vector.shape_cast %get3A_493 : vector<1x16xf32> to vector<16xf32>
          %add3A_495 = arith.constant 512 : i32
          %add3A_496 = arith.addi %add3A_495, %add3A_490 : i32
          %get3A_497 = arith.index_cast %add3A_496 : i32 to index
          %get3A_498 = arith.constant 0 : index
          %get3A_499 = tpu.vector_load %arg9[%get3A_497, %get3A_498] {strides = array<i32>} : memref<1024x16xf32, #tpu.memory_space<vmem>>, vector<1x16xf32>,
          %get3A_500 = vector.shape_cast %get3A_499 : vector<1x16xf32> to vector<16xf32>
          %add3A_501 = arith.addf %get3A_494, %get3A_500 : vector<16xf32>
          %swap3A_502 = arith.index_cast %add3A_490 : i32 to index
          %swap3A_503 = arith.constant 0 : index
          %swap3A_504 = tpu.vector_load %arg11[%swap3A_502, %swap3A_503] {strides = array<i32>} : memref<512x16xf32, #tpu.memory_space<vmem>>, vector<1x16xf32>,
          %swap3A_505 = vector.shape_cast %swap3A_504 : vector<1x16xf32> to vector<16xf32>
          %swap3A_506 = vector.shape_cast %add3A_501 : vector<16xf32> to vector<1x16xf32>
          tpu.vector_store %arg11[%swap3A_502, %swap3A_503], %swap3A_506 {add = true, strides = array<i32>} : memref<512x16xf32, #tpu.memory_space<vmem>>, vector<1x16xf32>,
          %mul3A_507 = arith.constant 16 : i32
          %mul3A_508 = arith.muli %scan3A_326, %mul3A_507 : i32
          %add3A_509 = arith.constant 9 : i32
          %add3A_510 = arith.addi %mul3A_508, %add3A_509 : i32
          %get3A_511 = arith.index_cast %add3A_510 : i32 to index
          %get3A_512 = arith.constant 0 : index
          %get3A_513 = tpu.vector_load %arg9[%get3A_511, %get3A_512] {strides = array<i32>} : memref<1024x16xf32, #tpu.memory_space<vmem>>, vector<1x16xf32>,
          %get3A_514 = vector.shape_cast %get3A_513 : vector<1x16xf32> to vector<16xf32>
          %add3A_515 = arith.constant 512 : i32
          %add3A_516 = arith.addi %add3A_515, %add3A_510 : i32
          %get3A_517 = arith.index_cast %add3A_516 : i32 to index
          %get3A_518 = arith.constant 0 : index
          %get3A_519 = tpu.vector_load %arg9[%get3A_517, %get3A_518] {strides = array<i32>} : memref<1024x16xf32, #tpu.memory_space<vmem>>, vector<1x16xf32>,
          %get3A_520 = vector.shape_cast %get3A_519 : vector<1x16xf32> to vector<16xf32>
          %add3A_521 = arith.addf %get3A_514, %get3A_520 : vector<16xf32>
          %swap3A_522 = arith.index_cast %add3A_510 : i32 to index
          %swap3A_523 = arith.constant 0 : index
          %swap3A_524 = tpu.vector_load %arg11[%swap3A_522, %swap3A_523] {strides = array<i32>} : memref<512x16xf32, #tpu.memory_space<vmem>>, vector<1x16xf32>,
          %swap3A_525 = vector.shape_cast %swap3A_524 : vector<1x16xf32> to vector<16xf32>
          %swap3A_526 = vector.shape_cast %add3A_521 : vector<16xf32> to vector<1x16xf32>
          tpu.vector_store %arg11[%swap3A_522, %swap3A_523], %swap3A_526 {add = true, strides = array<i32>} : memref<512x16xf32, #tpu.memory_space<vmem>>, vector<1x16xf32>,
          %mul3A_527 = arith.constant 16 : i32
          %mul3A_528 = arith.muli %scan3A_326, %mul3A_527 : i32
          %add3A_529 = arith.constant 10 : i32
          %add3A_530 = arith.addi %mul3A_528, %add3A_529 : i32
          %get3A_531 = arith.index_cast %add3A_530 : i32 to index
          %get3A_532 = arith.constant 0 : index
          %get3A_533 = tpu.vector_load %arg9[%get3A_531, %get3A_532] {strides = array<i32>} : memref<1024x16xf32, #tpu.memory_space<vmem>>, vector<1x16xf32>,
          %get3A_534 = vector.shape_cast %get3A_533 : vector<1x16xf32> to vector<16xf32>
          %add3A_535 = arith.constant 512 : i32
          %add3A_536 = arith.addi %add3A_535, %add3A_530 : i32
          %get3A_537 = arith.index_cast %add3A_536 : i32 to index
          %get3A_538 = arith.constant 0 : index
          %get3A_539 = tpu.vector_load %arg9[%get3A_537, %get3A_538] {strides = array<i32>} : memref<1024x16xf32, #tpu.memory_space<vmem>>, vector<1x16xf32>,
          %get3A_540 = vector.shape_cast %get3A_539 : vector<1x16xf32> to vector<16xf32>
          %add3A_541 = arith.addf %get3A_534, %get3A_540 : vector<16xf32>
          %swap3A_542 = arith.index_cast %add3A_530 : i32 to index
          %swap3A_543 = arith.constant 0 : index
          %swap3A_544 = tpu.vector_load %arg11[%swap3A_542, %swap3A_543] {strides = array<i32>} : memref<512x16xf32, #tpu.memory_space<vmem>>, vector<1x16xf32>,
          %swap3A_545 = vector.shape_cast %swap3A_544 : vector<1x16xf32> to vector<16xf32>
          %swap3A_546 = vector.shape_cast %add3A_541 : vector<16xf32> to vector<1x16xf32>
          tpu.vector_store %arg11[%swap3A_542, %swap3A_543], %swap3A_546 {add = true, strides = array<i32>} : memref<512x16xf32, #tpu.memory_space<vmem>>, vector<1x16xf32>,
          %mul3A_547 = arith.constant 16 : i32
          %mul3A_548 = arith.muli %scan3A_326, %mul3A_547 : i32
          %add3A_549 = arith.constant 11 : i32
          %add3A_550 = arith.addi %mul3A_548, %add3A_549 : i32
          %get3A_551 = arith.index_cast %add3A_550 : i32 to index
          %get3A_552 = arith.constant 0 : index
          %get3A_553 = tpu.vector_load %arg9[%get3A_551, %get3A_552] {strides = array<i32>} : memref<1024x16xf32, #tpu.memory_space<vmem>>, vector<1x16xf32>,
          %get3A_554 = vector.shape_cast %get3A_553 : vector<1x16xf32> to vector<16xf32>
          %add3A_555 = arith.constant 512 : i32
          %add3A_556 = arith.addi %add3A_555, %add3A_550 : i32
          %get3A_557 = arith.index_cast %add3A_556 : i32 to index
          %get3A_558 = arith.constant 0 : index
          %get3A_559 = tpu.vector_load %arg9[%get3A_557, %get3A_558] {strides = array<i32>} : memref<1024x16xf32, #tpu.memory_space<vmem>>, vector<1x16xf32>,
          %get3A_560 = vector.shape_cast %get3A_559 : vector<1x16xf32> to vector<16xf32>
          %add3A_561 = arith.addf %get3A_554, %get3A_560 : vector<16xf32>
          %swap3A_562 = arith.index_cast %add3A_550 : i32 to index
          %swap3A_563 = arith.constant 0 : index
          %swap3A_564 = tpu.vector_load %arg11[%swap3A_562, %swap3A_563] {strides = array<i32>} : memref<512x16xf32, #tpu.memory_space<vmem>>, vector<1x16xf32>,
          %swap3A_565 = vector.shape_cast %swap3A_564 : vector<1x16xf32> to vector<16xf32>
          %swap3A_566 = vector.shape_cast %add3A_561 : vector<16xf32> to vector<1x16xf32>
          tpu.vector_store %arg11[%swap3A_562, %swap3A_563], %swap3A_566 {add = true, strides = array<i32>} : memref<512x16xf32, #tpu.memory_space<vmem>>, vector<1x16xf32>,
          %mul3A_567 = arith.constant 16 : i32
          %mul3A_568 = arith.muli %scan3A_326, %mul3A_567 : i32
          %add3A_569 = arith.constant 12 : i32
          %add3A_570 = arith.addi %mul3A_568, %add3A_569 : i32
          %get3A_571 = arith.index_cast %add3A_570 : i32 to index
          %get3A_572 = arith.constant 0 : index
          %get3A_573 = tpu.vector_load %arg9[%get3A_571, %get3A_572] {strides = array<i32>} : memref<1024x16xf32, #tpu.memory_space<vmem>>, vector<1x16xf32>,
          %get3A_574 = vector.shape_cast %get3A_573 : vector<1x16xf32> to vector<16xf32>
          %add3A_575 = arith.constant 512 : i32
          %add3A_576 = arith.addi %add3A_575, %add3A_570 : i32
          %get3A_577 = arith.index_cast %add3A_576 : i32 to index
          %get3A_578 = arith.constant 0 : index
          %get3A_579 = tpu.vector_load %arg9[%get3A_577, %get3A_578] {strides = array<i32>} : memref<1024x16xf32, #tpu.memory_space<vmem>>, vector<1x16xf32>,
          %get3A_580 = vector.shape_cast %get3A_579 : vector<1x16xf32> to vector<16xf32>
          %add3A_581 = arith.addf %get3A_574, %get3A_580 : vector<16xf32>
          %swap3A_582 = arith.index_cast %add3A_570 : i32 to index
          %swap3A_583 = arith.constant 0 : index
          %swap3A_584 = tpu.vector_load %arg11[%swap3A_582, %swap3A_583] {strides = array<i32>} : memref<512x16xf32, #tpu.memory_space<vmem>>, vector<1x16xf32>,
          %swap3A_585 = vector.shape_cast %swap3A_584 : vector<1x16xf32> to vector<16xf32>
          %swap3A_586 = vector.shape_cast %add3A_581 : vector<16xf32> to vector<1x16xf32>
          tpu.vector_store %arg11[%swap3A_582, %swap3A_583], %swap3A_586 {add = true, strides = array<i32>} : memref<512x16xf32, #tpu.memory_space<vmem>>, vector<1x16xf32>,
          %mul3A_587 = arith.constant 16 : i32
          %mul3A_588 = arith.muli %scan3A_326, %mul3A_587 : i32
          %add3A_589 = arith.constant 13 : i32
          %add3A_590 = arith.addi %mul3A_588, %add3A_589 : i32
          %get3A_591 = arith.index_cast %add3A_590 : i32 to index
          %get3A_592 = arith.constant 0 : index
          %get3A_593 = tpu.vector_load %arg9[%get3A_591, %get3A_592] {strides = array<i32>} : memref<1024x16xf32, #tpu.memory_space<vmem>>, vector<1x16xf32>,
          %get3A_594 = vector.shape_cast %get3A_593 : vector<1x16xf32> to vector<16xf32>
          %add3A_595 = arith.constant 512 : i32
          %add3A_596 = arith.addi %add3A_595, %add3A_590 : i32
          %get3A_597 = arith.index_cast %add3A_596 : i32 to index
          %get3A_598 = arith.constant 0 : index
          %get3A_599 = tpu.vector_load %arg9[%get3A_597, %get3A_598] {strides = array<i32>} : memref<1024x16xf32, #tpu.memory_space<vmem>>, vector<1x16xf32>,
          %get3A_600 = vector.shape_cast %get3A_599 : vector<1x16xf32> to vector<16xf32>
          %add3A_601 = arith.addf %get3A_594, %get3A_600 : vector<16xf32>
          %swap3A_602 = arith.index_cast %add3A_590 : i32 to index
          %swap3A_603 = arith.constant 0 : index
          %swap3A_604 = tpu.vector_load %arg11[%swap3A_602, %swap3A_603] {strides = array<i32>} : memref<512x16xf32, #tpu.memory_space<vmem>>, vector<1x16xf32>,
          %swap3A_605 = vector.shape_cast %swap3A_604 : vector<1x16xf32> to vector<16xf32>
          %swap3A_606 = vector.shape_cast %add3A_601 : vector<16xf32> to vector<1x16xf32>
          tpu.vector_store %arg11[%swap3A_602, %swap3A_603], %swap3A_606 {add = true, strides = array<i32>} : memref<512x16xf32, #tpu.memory_space<vmem>>, vector<1x16xf32>,
          %mul3A_607 = arith.constant 16 : i32
          %mul3A_608 = arith.muli %scan3A_326, %mul3A_607 : i32
          %add3A_609 = arith.constant 14 : i32
          %add3A_610 = arith.addi %mul3A_608, %add3A_609 : i32
          %get3A_611 = arith.index_cast %add3A_610 : i32 to index
          %get3A_612 = arith.constant 0 : index
          %get3A_613 = tpu.vector_load %arg9[%get3A_611, %get3A_612] {strides = array<i32>} : memref<1024x16xf32, #tpu.memory_space<vmem>>, vector<1x16xf32>,
          %get3A_614 = vector.shape_cast %get3A_613 : vector<1x16xf32> to vector<16xf32>
          %add3A_615 = arith.constant 512 : i32
          %add3A_616 = arith.addi %add3A_615, %add3A_610 : i32
          %get3A_617 = arith.index_cast %add3A_616 : i32 to index
          %get3A_618 = arith.constant 0 : index
          %get3A_619 = tpu.vector_load %arg9[%get3A_617, %get3A_618] {strides = array<i32>} : memref<1024x16xf32, #tpu.memory_space<vmem>>, vector<1x16xf32>,
          %get3A_620 = vector.shape_cast %get3A_619 : vector<1x16xf32> to vector<16xf32>
          %add3A_621 = arith.addf %get3A_614, %get3A_620 : vector<16xf32>
          %swap3A_622 = arith.index_cast %add3A_610 : i32 to index
          %swap3A_623 = arith.constant 0 : index
          %swap3A_624 = tpu.vector_load %arg11[%swap3A_622, %swap3A_623] {strides = array<i32>} : memref<512x16xf32, #tpu.memory_space<vmem>>, vector<1x16xf32>,
          %swap3A_625 = vector.shape_cast %swap3A_624 : vector<1x16xf32> to vector<16xf32>
          %swap3A_626 = vector.shape_cast %add3A_621 : vector<16xf32> to vector<1x16xf32>
          tpu.vector_store %arg11[%swap3A_622, %swap3A_623], %swap3A_626 {add = true, strides = array<i32>} : memref<512x16xf32, #tpu.memory_space<vmem>>, vector<1x16xf32>,
          %mul3A_627 = arith.constant 16 : i32
          %mul3A_628 = arith.muli %scan3A_326, %mul3A_627 : i32
          %add3A_629 = arith.constant 15 : i32
          %add3A_630 = arith.addi %mul3A_628, %add3A_629 : i32
          %get3A_631 = arith.index_cast %add3A_630 : i32 to index
          %get3A_632 = arith.constant 0 : index
          %get3A_633 = tpu.vector_load %arg9[%get3A_631, %get3A_632] {strides = array<i32>} : memref<1024x16xf32, #tpu.memory_space<vmem>>, vector<1x16xf32>,
          %get3A_634 = vector.shape_cast %get3A_633 : vector<1x16xf32> to vector<16xf32>
          %add3A_635 = arith.constant 512 : i32
          %add3A_636 = arith.addi %add3A_635, %add3A_630 : i32
          %get3A_637 = arith.index_cast %add3A_636 : i32 to index
          %get3A_638 = arith.constant 0 : index
          %get3A_639 = tpu.vector_load %arg9[%get3A_637, %get3A_638] {strides = array<i32>} : memref<1024x16xf32, #tpu.memory_space<vmem>>, vector<1x16xf32>,
          %get3A_640 = vector.shape_cast %get3A_639 : vector<1x16xf32> to vector<16xf32>
          %add3A_641 = arith.addf %get3A_634, %get3A_640 : vector<16xf32>
          %swap3A_642 = arith.index_cast %add3A_630 : i32 to index
          %swap3A_643 = arith.constant 0 : index
          %swap3A_644 = tpu.vector_load %arg11[%swap3A_642, %swap3A_643] {strides = array<i32>} : memref<512x16xf32, #tpu.memory_space<vmem>>, vector<1x16xf32>,
          %swap3A_645 = vector.shape_cast %swap3A_644 : vector<1x16xf32> to vector<16xf32>
          %swap3A_646 = vector.shape_cast %add3A_641 : vector<16xf32> to vector<1x16xf32>
          tpu.vector_store %arg11[%swap3A_642, %swap3A_643], %swap3A_646 {add = true, strides = array<i32>} : memref<512x16xf32, #tpu.memory_space<vmem>>, vector<1x16xf32>,
          %scan3A_647 = arith.constant 0 : i32
          scf.yield %scan3A_647 : i32
        }
        %scan3A_316 = arith.constant 32 : i32
        %add3A_317 = arith.constant 2 : i32
        %add3A_318 = arith.addi %add3A_302, %add3A_317 : i32
        %dma_start3A_319 = arith.constant 0 : i32
        %dma_start3A_320 = tpu.memref_slice %arg8[%add3A_318, %dma_start3A_319] : memref<25x1024xi32, #tpu.memory_space<vmem>> -> memref<1x1024xi32, #tpu.memory_space<vmem>>
        %dma_start3A_321 = tpu.memref_squeeze %dma_start3A_320 : memref<1x1024xi32, #tpu.memory_space<vmem>> -> memref<1024xi32, #tpu.memory_space<vmem>>
        %dma_start3A_322 = arith.constant 0 : i32
        %dma_start3A_323 = arith.constant 0 : i32
        %dma_start3A_324 = tpu.memref_slice %arg4[%dma_start3A_322, %dma_start3A_323] : memref<1015808x16xf32, #tpu.memory_space<hbm>> -> memref<1015808x16xf32, #tpu.memory_space<hbm>>
        tpu.enqueue_indirect_dma source(%dma_start3A_324 : memref<1015808x16xf32, #tpu.memory_space<hbm>>) target(%arg9 : memref<1024x16xf32, #tpu.memory_space<vmem>>) offsets(%dma_start3A_321 : memref<1024xi32, #tpu.memory_space<vmem>>) semaphore(%arg15 : memref<!tpu.dma_semaphore, #tpu.memory_space<semaphore_mem>>)
        %scan3A_325 = arith.constant 0 : i32
        scf.yield %scan3A_325 : i32
      }
      %scan3A_199 = arith.constant 11 : i32
      %dma_wait3A_200 = arith.constant 0 : i32
      %dma_wait3A_201 = arith.constant 0 : i32
      %dma_wait3A_202 = tpu.memref_slice %arg7[%dma_wait3A_200, %dma_wait3A_201] : memref<25x1024xi32, #tpu.memory_space<vmem>> -> memref<1x1024xi32, #tpu.memory_space<vmem>>
      %dma_wait3A_203 = tpu.memref_squeeze %dma_wait3A_202 : memref<1x1024xi32, #tpu.memory_space<vmem>> -> memref<1024xi32, #tpu.memory_space<vmem>>
      %dma_wait3A_204 = arith.constant 0 : i32
      %dma_wait3A_205 = arith.constant 0 : i32
      %dma_wait3A_206 = tpu.memref_slice %arg4[%dma_wait3A_204, %dma_wait3A_205] : memref<1015808x16xf32, #tpu.memory_space<hbm>> -> memref<1015808x16xf32, #tpu.memory_space<hbm>>
      tpu.wait_indirect_dma semaphore(%arg16 : memref<!tpu.dma_semaphore, #tpu.memory_space<semaphore_mem>>) src(%dma_wait3A_206 : memref<1015808x16xf32, #tpu.memory_space<hbm>>) dst(%arg10 : memref<1024x16xf32, #tpu.memory_space<vmem>>)
      %scan3A_207 = arith.constant 0 : i32
      %scan3A_208 = arith.constant 0 : i32
      %scan3A_209 = arith.constant 32 : i32
      %scan3A_210 = arith.addi %scan3A_208, %scan3A_209 : i32
      %scan3A_211 = arith.constant 1 : i32
      %scan3A_212 = scf.for %scan3A_271 = %scan3A_208 to %scan3A_210 step %scan3A_211 iter_args(%scan3A_272 = %scan3A_207) -> (i32)  : i32 {
        %mul3A_273 = arith.constant 16 : i32
        %mul3A_274 = arith.muli %scan3A_271, %mul3A_273 : i32
        %add3A_275 = arith.constant 0 : i32
        %add3A_276 = arith.addi %mul3A_274, %add3A_275 : i32
        %get3A_277 = arith.index_cast %add3A_276 : i32 to index
        %get3A_278 = arith.constant 0 : index
        %get3A_279 = tpu.vector_load %arg10[%get3A_277, %get3A_278] {strides = array<i32>} : memref<1024x16xf32, #tpu.memory_space<vmem>>, vector<1x16xf32>,
        %get3A_280 = vector.shape_cast %get3A_279 : vector<1x16xf32> to vector<16xf32>
        %add3A_281 = arith.constant 512 : i32
        %add3A_282 = arith.addi %add3A_281, %add3A_276 : i32
        %get3A_283 = arith.index_cast %add3A_282 : i32 to index
        %get3A_284 = arith.constant 0 : index
        %get3A_285 = tpu.vector_load %arg10[%get3A_283, %get3A_284] {strides = array<i32>} : memref<1024x16xf32, #tpu.memory_space<vmem>>, vector<1x16xf32>,
        %get3A_286 = vector.shape_cast %get3A_285 : vector<1x16xf32> to vector<16xf32>
        %add3A_287 = arith.addf %get3A_280, %get3A_286 : vector<16xf32>
        %swap3A = arith.index_cast %add3A_276 : i32 to index
        %swap3A_288 = arith.constant 0 : index
        %swap3A_289 = tpu.vector_load %arg11[%swap3A, %swap3A_288] {strides = array<i32>} : memref<512x16xf32, #tpu.memory_space<vmem>>, vector<1x16xf32>,
        %swap3A_290 = vector.shape_cast %swap3A_289 : vector<1x16xf32> to vector<16xf32>
        %swap3A_291 = vector.shape_cast %add3A_287 : vector<16xf32> to vector<1x16xf32>
        tpu.vector_store %arg11[%swap3A, %swap3A_288], %swap3A_291 {add = true, strides = array<i32>} : memref<512x16xf32, #tpu.memory_space<vmem>>, vector<1x16xf32>,
        %mul3A_292 = arith.constant 16 : i32
        %mul3A_293 = arith.muli %scan3A_271, %mul3A_292 : i32
        %add3A_294 = arith.constant 1 : i32
        %add3A_295 = arith.addi %mul3A_293, %add3A_294 : i32
        %get3A_296 = arith.index_cast %add3A_295 : i32 to index
        %get3A_297 = arith.constant 0 : index
        %get3A_298 = tpu.vector_load %arg10[%get3A_296, %get3A_297] {strides = array<i32>} : memref<1024x16xf32, #tpu.memory_space<vmem>>, vector<1x16xf32>,
        %get3A_299 = vector.shape_cast %get3A_298 : vector<1x16xf32> to vector<16xf32>
        %add3A_300 = arith.constant 512 : i32
        %add3A_301 = arith.addi %add3A_300, %add3A_295 : i32
        %get3A_302 = arith.index_cast %add3A_301 : i32 to index
        %get3A_303 = arith.constant 0 : index
        %get3A_304 = tpu.vector_load %arg10[%get3A_302, %get3A_303] {strides = array<i32>} : memref<1024x16xf32, #tpu.memory_space<vmem>>, vector<1x16xf32>,
        %get3A_305 = vector.shape_cast %get3A_304 : vector<1x16xf32> to vector<16xf32>
        %add3A_306 = arith.addf %get3A_299, %get3A_305 : vector<16xf32>
        %swap3A_307 = arith.index_cast %add3A_295 : i32 to index
        %swap3A_308 = arith.constant 0 : index
        %swap3A_309 = tpu.vector_load %arg11[%swap3A_307, %swap3A_308] {strides = array<i32>} : memref<512x16xf32, #tpu.memory_space<vmem>>, vector<1x16xf32>,
        %swap3A_310 = vector.shape_cast %swap3A_309 : vector<1x16xf32> to vector<16xf32>
        %swap3A_311 = vector.shape_cast %add3A_306 : vector<16xf32> to vector<1x16xf32>
        tpu.vector_store %arg11[%swap3A_307, %swap3A_308], %swap3A_311 {add = true, strides = array<i32>} : memref<512x16xf32, #tpu.memory_space<vmem>>, vector<1x16xf32>,
        %mul3A_312 = arith.constant 16 : i32
        %mul3A_313 = arith.muli %scan3A_271, %mul3A_312 : i32
        %add3A_314 = arith.constant 2 : i32
        %add3A_315 = arith.addi %mul3A_313, %add3A_314 : i32
        %get3A_316 = arith.index_cast %add3A_315 : i32 to index
        %get3A_317 = arith.constant 0 : index
        %get3A_318 = tpu.vector_load %arg10[%get3A_316, %get3A_317] {strides = array<i32>} : memref<1024x16xf32, #tpu.memory_space<vmem>>, vector<1x16xf32>,
        %get3A_319 = vector.shape_cast %get3A_318 : vector<1x16xf32> to vector<16xf32>
        %add3A_320 = arith.constant 512 : i32
        %add3A_321 = arith.addi %add3A_320, %add3A_315 : i32
        %get3A_322 = arith.index_cast %add3A_321 : i32 to index
        %get3A_323 = arith.constant 0 : index
        %get3A_324 = tpu.vector_load %arg10[%get3A_322, %get3A_323] {strides = array<i32>} : memref<1024x16xf32, #tpu.memory_space<vmem>>, vector<1x16xf32>,
        %get3A_325 = vector.shape_cast %get3A_324 : vector<1x16xf32> to vector<16xf32>
        %add3A_326 = arith.addf %get3A_319, %get3A_325 : vector<16xf32>
        %swap3A_327 = arith.index_cast %add3A_315 : i32 to index
        %swap3A_328 = arith.constant 0 : index
        %swap3A_329 = tpu.vector_load %arg11[%swap3A_327, %swap3A_328] {strides = array<i32>} : memref<512x16xf32, #tpu.memory_space<vmem>>, vector<1x16xf32>,
        %swap3A_330 = vector.shape_cast %swap3A_329 : vector<1x16xf32> to vector<16xf32>
        %swap3A_331 = vector.shape_cast %add3A_326 : vector<16xf32> to vector<1x16xf32>
        tpu.vector_store %arg11[%swap3A_327, %swap3A_328], %swap3A_331 {add = true, strides = array<i32>} : memref<512x16xf32, #tpu.memory_space<vmem>>, vector<1x16xf32>,
        %mul3A_332 = arith.constant 16 : i32
        %mul3A_333 = arith.muli %scan3A_271, %mul3A_332 : i32
        %add3A_334 = arith.constant 3 : i32
        %add3A_335 = arith.addi %mul3A_333, %add3A_334 : i32
        %get3A_336 = arith.index_cast %add3A_335 : i32 to index
        %get3A_337 = arith.constant 0 : index
        %get3A_338 = tpu.vector_load %arg10[%get3A_336, %get3A_337] {strides = array<i32>} : memref<1024x16xf32, #tpu.memory_space<vmem>>, vector<1x16xf32>,
        %get3A_339 = vector.shape_cast %get3A_338 : vector<1x16xf32> to vector<16xf32>
        %add3A_340 = arith.constant 512 : i32
        %add3A_341 = arith.addi %add3A_340, %add3A_335 : i32
        %get3A_342 = arith.index_cast %add3A_341 : i32 to index
        %get3A_343 = arith.constant 0 : index
        %get3A_344 = tpu.vector_load %arg10[%get3A_342, %get3A_343] {strides = array<i32>} : memref<1024x16xf32, #tpu.memory_space<vmem>>, vector<1x16xf32>,
        %get3A_345 = vector.shape_cast %get3A_344 : vector<1x16xf32> to vector<16xf32>
        %add3A_346 = arith.addf %get3A_339, %get3A_345 : vector<16xf32>
        %swap3A_347 = arith.index_cast %add3A_335 : i32 to index
        %swap3A_348 = arith.constant 0 : index
        %swap3A_349 = tpu.vector_load %arg11[%swap3A_347, %swap3A_348] {strides = array<i32>} : memref<512x16xf32, #tpu.memory_space<vmem>>, vector<1x16xf32>,
        %swap3A_350 = vector.shape_cast %swap3A_349 : vector<1x16xf32> to vector<16xf32>
        %swap3A_351 = vector.shape_cast %add3A_346 : vector<16xf32> to vector<1x16xf32>
        tpu.vector_store %arg11[%swap3A_347, %swap3A_348], %swap3A_351 {add = true, strides = array<i32>} : memref<512x16xf32, #tpu.memory_space<vmem>>, vector<1x16xf32>,
        %mul3A_352 = arith.constant 16 : i32
        %mul3A_353 = arith.muli %scan3A_271, %mul3A_352 : i32
        %add3A_354 = arith.constant 4 : i32
        %add3A_355 = arith.addi %mul3A_353, %add3A_354 : i32
        %get3A_356 = arith.index_cast %add3A_355 : i32 to index
        %get3A_357 = arith.constant 0 : index
        %get3A_358 = tpu.vector_load %arg10[%get3A_356, %get3A_357] {strides = array<i32>} : memref<1024x16xf32, #tpu.memory_space<vmem>>, vector<1x16xf32>,
        %get3A_359 = vector.shape_cast %get3A_358 : vector<1x16xf32> to vector<16xf32>
        %add3A_360 = arith.constant 512 : i32
        %add3A_361 = arith.addi %add3A_360, %add3A_355 : i32
        %get3A_362 = arith.index_cast %add3A_361 : i32 to index
        %get3A_363 = arith.constant 0 : index
        %get3A_364 = tpu.vector_load %arg10[%get3A_362, %get3A_363] {strides = array<i32>} : memref<1024x16xf32, #tpu.memory_space<vmem>>, vector<1x16xf32>,
        %get3A_365 = vector.shape_cast %get3A_364 : vector<1x16xf32> to vector<16xf32>
        %add3A_366 = arith.addf %get3A_359, %get3A_365 : vector<16xf32>
        %swap3A_367 = arith.index_cast %add3A_355 : i32 to index
        %swap3A_368 = arith.constant 0 : index
        %swap3A_369 = tpu.vector_load %arg11[%swap3A_367, %swap3A_368] {strides = array<i32>} : memref<512x16xf32, #tpu.memory_space<vmem>>, vector<1x16xf32>,
        %swap3A_370 = vector.shape_cast %swap3A_369 : vector<1x16xf32> to vector<16xf32>
        %swap3A_371 = vector.shape_cast %add3A_366 : vector<16xf32> to vector<1x16xf32>
        tpu.vector_store %arg11[%swap3A_367, %swap3A_368], %swap3A_371 {add = true, strides = array<i32>} : memref<512x16xf32, #tpu.memory_space<vmem>>, vector<1x16xf32>,
        %mul3A_372 = arith.constant 16 : i32
        %mul3A_373 = arith.muli %scan3A_271, %mul3A_372 : i32
        %add3A_374 = arith.constant 5 : i32
        %add3A_375 = arith.addi %mul3A_373, %add3A_374 : i32
        %get3A_376 = arith.index_cast %add3A_375 : i32 to index
        %get3A_377 = arith.constant 0 : index
        %get3A_378 = tpu.vector_load %arg10[%get3A_376, %get3A_377] {strides = array<i32>} : memref<1024x16xf32, #tpu.memory_space<vmem>>, vector<1x16xf32>,
        %get3A_379 = vector.shape_cast %get3A_378 : vector<1x16xf32> to vector<16xf32>
        %add3A_380 = arith.constant 512 : i32
        %add3A_381 = arith.addi %add3A_380, %add3A_375 : i32
        %get3A_382 = arith.index_cast %add3A_381 : i32 to index
        %get3A_383 = arith.constant 0 : index
        %get3A_384 = tpu.vector_load %arg10[%get3A_382, %get3A_383] {strides = array<i32>} : memref<1024x16xf32, #tpu.memory_space<vmem>>, vector<1x16xf32>,
        %get3A_385 = vector.shape_cast %get3A_384 : vector<1x16xf32> to vector<16xf32>
        %add3A_386 = arith.addf %get3A_379, %get3A_385 : vector<16xf32>
        %swap3A_387 = arith.index_cast %add3A_375 : i32 to index
        %swap3A_388 = arith.constant 0 : index
        %swap3A_389 = tpu.vector_load %arg11[%swap3A_387, %swap3A_388] {strides = array<i32>} : memref<512x16xf32, #tpu.memory_space<vmem>>, vector<1x16xf32>,
        %swap3A_390 = vector.shape_cast %swap3A_389 : vector<1x16xf32> to vector<16xf32>
        %swap3A_391 = vector.shape_cast %add3A_386 : vector<16xf32> to vector<1x16xf32>
        tpu.vector_store %arg11[%swap3A_387, %swap3A_388], %swap3A_391 {add = true, strides = array<i32>} : memref<512x16xf32, #tpu.memory_space<vmem>>, vector<1x16xf32>,
        %mul3A_392 = arith.constant 16 : i32
        %mul3A_393 = arith.muli %scan3A_271, %mul3A_392 : i32
        %add3A_394 = arith.constant 6 : i32
        %add3A_395 = arith.addi %mul3A_393, %add3A_394 : i32
        %get3A_396 = arith.index_cast %add3A_395 : i32 to index
        %get3A_397 = arith.constant 0 : index
        %get3A_398 = tpu.vector_load %arg10[%get3A_396, %get3A_397] {strides = array<i32>} : memref<1024x16xf32, #tpu.memory_space<vmem>>, vector<1x16xf32>,
        %get3A_399 = vector.shape_cast %get3A_398 : vector<1x16xf32> to vector<16xf32>
        %add3A_400 = arith.constant 512 : i32
        %add3A_401 = arith.addi %add3A_400, %add3A_395 : i32
        %get3A_402 = arith.index_cast %add3A_401 : i32 to index
        %get3A_403 = arith.constant 0 : index
        %get3A_404 = tpu.vector_load %arg10[%get3A_402, %get3A_403] {strides = array<i32>} : memref<1024x16xf32, #tpu.memory_space<vmem>>, vector<1x16xf32>,
        %get3A_405 = vector.shape_cast %get3A_404 : vector<1x16xf32> to vector<16xf32>
        %add3A_406 = arith.addf %get3A_399, %get3A_405 : vector<16xf32>
        %swap3A_407 = arith.index_cast %add3A_395 : i32 to index
        %swap3A_408 = arith.constant 0 : index
        %swap3A_409 = tpu.vector_load %arg11[%swap3A_407, %swap3A_408] {strides = array<i32>} : memref<512x16xf32, #tpu.memory_space<vmem>>, vector<1x16xf32>,
        %swap3A_410 = vector.shape_cast %swap3A_409 : vector<1x16xf32> to vector<16xf32>
        %swap3A_411 = vector.shape_cast %add3A_406 : vector<16xf32> to vector<1x16xf32>
        tpu.vector_store %arg11[%swap3A_407, %swap3A_408], %swap3A_411 {add = true, strides = array<i32>} : memref<512x16xf32, #tpu.memory_space<vmem>>, vector<1x16xf32>,
        %mul3A_412 = arith.constant 16 : i32
        %mul3A_413 = arith.muli %scan3A_271, %mul3A_412 : i32
        %add3A_414 = arith.constant 7 : i32
        %add3A_415 = arith.addi %mul3A_413, %add3A_414 : i32
        %get3A_416 = arith.index_cast %add3A_415 : i32 to index
        %get3A_417 = arith.constant 0 : index
        %get3A_418 = tpu.vector_load %arg10[%get3A_416, %get3A_417] {strides = array<i32>} : memref<1024x16xf32, #tpu.memory_space<vmem>>, vector<1x16xf32>,
        %get3A_419 = vector.shape_cast %get3A_418 : vector<1x16xf32> to vector<16xf32>
        %add3A_420 = arith.constant 512 : i32
        %add3A_421 = arith.addi %add3A_420, %add3A_415 : i32
        %get3A_422 = arith.index_cast %add3A_421 : i32 to index
        %get3A_423 = arith.constant 0 : index
        %get3A_424 = tpu.vector_load %arg10[%get3A_422, %get3A_423] {strides = array<i32>} : memref<1024x16xf32, #tpu.memory_space<vmem>>, vector<1x16xf32>,
        %get3A_425 = vector.shape_cast %get3A_424 : vector<1x16xf32> to vector<16xf32>
        %add3A_426 = arith.addf %get3A_419, %get3A_425 : vector<16xf32>
        %swap3A_427 = arith.index_cast %add3A_415 : i32 to index
        %swap3A_428 = arith.constant 0 : index
        %swap3A_429 = tpu.vector_load %arg11[%swap3A_427, %swap3A_428] {strides = array<i32>} : memref<512x16xf32, #tpu.memory_space<vmem>>, vector<1x16xf32>,
        %swap3A_430 = vector.shape_cast %swap3A_429 : vector<1x16xf32> to vector<16xf32>
        %swap3A_431 = vector.shape_cast %add3A_426 : vector<16xf32> to vector<1x16xf32>
        tpu.vector_store %arg11[%swap3A_427, %swap3A_428], %swap3A_431 {add = true, strides = array<i32>} : memref<512x16xf32, #tpu.memory_space<vmem>>, vector<1x16xf32>,
        %mul3A_432 = arith.constant 16 : i32
        %mul3A_433 = arith.muli %scan3A_271, %mul3A_432 : i32
        %add3A_434 = arith.constant 8 : i32
        %add3A_435 = arith.addi %mul3A_433, %add3A_434 : i32
        %get3A_436 = arith.index_cast %add3A_435 : i32 to index
        %get3A_437 = arith.constant 0 : index
        %get3A_438 = tpu.vector_load %arg10[%get3A_436, %get3A_437] {strides = array<i32>} : memref<1024x16xf32, #tpu.memory_space<vmem>>, vector<1x16xf32>,
        %get3A_439 = vector.shape_cast %get3A_438 : vector<1x16xf32> to vector<16xf32>
        %add3A_440 = arith.constant 512 : i32
        %add3A_441 = arith.addi %add3A_440, %add3A_435 : i32
        %get3A_442 = arith.index_cast %add3A_441 : i32 to index
        %get3A_443 = arith.constant 0 : index
        %get3A_444 = tpu.vector_load %arg10[%get3A_442, %get3A_443] {strides = array<i32>} : memref<1024x16xf32, #tpu.memory_space<vmem>>, vector<1x16xf32>,
        %get3A_445 = vector.shape_cast %get3A_444 : vector<1x16xf32> to vector<16xf32>
        %add3A_446 = arith.addf %get3A_439, %get3A_445 : vector<16xf32>
        %swap3A_447 = arith.index_cast %add3A_435 : i32 to index
        %swap3A_448 = arith.constant 0 : index
        %swap3A_449 = tpu.vector_load %arg11[%swap3A_447, %swap3A_448] {strides = array<i32>} : memref<512x16xf32, #tpu.memory_space<vmem>>, vector<1x16xf32>,
        %swap3A_450 = vector.shape_cast %swap3A_449 : vector<1x16xf32> to vector<16xf32>
        %swap3A_451 = vector.shape_cast %add3A_446 : vector<16xf32> to vector<1x16xf32>
        tpu.vector_store %arg11[%swap3A_447, %swap3A_448], %swap3A_451 {add = true, strides = array<i32>} : memref<512x16xf32, #tpu.memory_space<vmem>>, vector<1x16xf32>,
        %mul3A_452 = arith.constant 16 : i32
        %mul3A_453 = arith.muli %scan3A_271, %mul3A_452 : i32
        %add3A_454 = arith.constant 9 : i32
        %add3A_455 = arith.addi %mul3A_453, %add3A_454 : i32
        %get3A_456 = arith.index_cast %add3A_455 : i32 to index
        %get3A_457 = arith.constant 0 : index
        %get3A_458 = tpu.vector_load %arg10[%get3A_456, %get3A_457] {strides = array<i32>} : memref<1024x16xf32, #tpu.memory_space<vmem>>, vector<1x16xf32>,
        %get3A_459 = vector.shape_cast %get3A_458 : vector<1x16xf32> to vector<16xf32>
        %add3A_460 = arith.constant 512 : i32
        %add3A_461 = arith.addi %add3A_460, %add3A_455 : i32
        %get3A_462 = arith.index_cast %add3A_461 : i32 to index
        %get3A_463 = arith.constant 0 : index
        %get3A_464 = tpu.vector_load %arg10[%get3A_462, %get3A_463] {strides = array<i32>} : memref<1024x16xf32, #tpu.memory_space<vmem>>, vector<1x16xf32>,
        %get3A_465 = vector.shape_cast %get3A_464 : vector<1x16xf32> to vector<16xf32>
        %add3A_466 = arith.addf %get3A_459, %get3A_465 : vector<16xf32>
        %swap3A_467 = arith.index_cast %add3A_455 : i32 to index
        %swap3A_468 = arith.constant 0 : index
        %swap3A_469 = tpu.vector_load %arg11[%swap3A_467, %swap3A_468] {strides = array<i32>} : memref<512x16xf32, #tpu.memory_space<vmem>>, vector<1x16xf32>,
        %swap3A_470 = vector.shape_cast %swap3A_469 : vector<1x16xf32> to vector<16xf32>
        %swap3A_471 = vector.shape_cast %add3A_466 : vector<16xf32> to vector<1x16xf32>
        tpu.vector_store %arg11[%swap3A_467, %swap3A_468], %swap3A_471 {add = true, strides = array<i32>} : memref<512x16xf32, #tpu.memory_space<vmem>>, vector<1x16xf32>,
        %mul3A_472 = arith.constant 16 : i32
        %mul3A_473 = arith.muli %scan3A_271, %mul3A_472 : i32
        %add3A_474 = arith.constant 10 : i32
        %add3A_475 = arith.addi %mul3A_473, %add3A_474 : i32
        %get3A_476 = arith.index_cast %add3A_475 : i32 to index
        %get3A_477 = arith.constant 0 : index
        %get3A_478 = tpu.vector_load %arg10[%get3A_476, %get3A_477] {strides = array<i32>} : memref<1024x16xf32, #tpu.memory_space<vmem>>, vector<1x16xf32>,
        %get3A_479 = vector.shape_cast %get3A_478 : vector<1x16xf32> to vector<16xf32>
        %add3A_480 = arith.constant 512 : i32
        %add3A_481 = arith.addi %add3A_480, %add3A_475 : i32
        %get3A_482 = arith.index_cast %add3A_481 : i32 to index
        %get3A_483 = arith.constant 0 : index
        %get3A_484 = tpu.vector_load %arg10[%get3A_482, %get3A_483] {strides = array<i32>} : memref<1024x16xf32, #tpu.memory_space<vmem>>, vector<1x16xf32>,
        %get3A_485 = vector.shape_cast %get3A_484 : vector<1x16xf32> to vector<16xf32>
        %add3A_486 = arith.addf %get3A_479, %get3A_485 : vector<16xf32>
        %swap3A_487 = arith.index_cast %add3A_475 : i32 to index
        %swap3A_488 = arith.constant 0 : index
        %swap3A_489 = tpu.vector_load %arg11[%swap3A_487, %swap3A_488] {strides = array<i32>} : memref<512x16xf32, #tpu.memory_space<vmem>>, vector<1x16xf32>,
        %swap3A_490 = vector.shape_cast %swap3A_489 : vector<1x16xf32> to vector<16xf32>
        %swap3A_491 = vector.shape_cast %add3A_486 : vector<16xf32> to vector<1x16xf32>
        tpu.vector_store %arg11[%swap3A_487, %swap3A_488], %swap3A_491 {add = true, strides = array<i32>} : memref<512x16xf32, #tpu.memory_space<vmem>>, vector<1x16xf32>,
        %mul3A_492 = arith.constant 16 : i32
        %mul3A_493 = arith.muli %scan3A_271, %mul3A_492 : i32
        %add3A_494 = arith.constant 11 : i32
        %add3A_495 = arith.addi %mul3A_493, %add3A_494 : i32
        %get3A_496 = arith.index_cast %add3A_495 : i32 to index
        %get3A_497 = arith.constant 0 : index
        %get3A_498 = tpu.vector_load %arg10[%get3A_496, %get3A_497] {strides = array<i32>} : memref<1024x16xf32, #tpu.memory_space<vmem>>, vector<1x16xf32>,
        %get3A_499 = vector.shape_cast %get3A_498 : vector<1x16xf32> to vector<16xf32>
        %add3A_500 = arith.constant 512 : i32
        %add3A_501 = arith.addi %add3A_500, %add3A_495 : i32
        %get3A_502 = arith.index_cast %add3A_501 : i32 to index
        %get3A_503 = arith.constant 0 : index
        %get3A_504 = tpu.vector_load %arg10[%get3A_502, %get3A_503] {strides = array<i32>} : memref<1024x16xf32, #tpu.memory_space<vmem>>, vector<1x16xf32>,
        %get3A_505 = vector.shape_cast %get3A_504 : vector<1x16xf32> to vector<16xf32>
        %add3A_506 = arith.addf %get3A_499, %get3A_505 : vector<16xf32>
        %swap3A_507 = arith.index_cast %add3A_495 : i32 to index
        %swap3A_508 = arith.constant 0 : index
        %swap3A_509 = tpu.vector_load %arg11[%swap3A_507, %swap3A_508] {strides = array<i32>} : memref<512x16xf32, #tpu.memory_space<vmem>>, vector<1x16xf32>,
        %swap3A_510 = vector.shape_cast %swap3A_509 : vector<1x16xf32> to vector<16xf32>
        %swap3A_511 = vector.shape_cast %add3A_506 : vector<16xf32> to vector<1x16xf32>
        tpu.vector_store %arg11[%swap3A_507, %swap3A_508], %swap3A_511 {add = true, strides = array<i32>} : memref<512x16xf32, #tpu.memory_space<vmem>>, vector<1x16xf32>,
        %mul3A_512 = arith.constant 16 : i32
        %mul3A_513 = arith.muli %scan3A_271, %mul3A_512 : i32
        %add3A_514 = arith.constant 12 : i32
        %add3A_515 = arith.addi %mul3A_513, %add3A_514 : i32
        %get3A_516 = arith.index_cast %add3A_515 : i32 to index
        %get3A_517 = arith.constant 0 : index
        %get3A_518 = tpu.vector_load %arg10[%get3A_516, %get3A_517] {strides = array<i32>} : memref<1024x16xf32, #tpu.memory_space<vmem>>, vector<1x16xf32>,
        %get3A_519 = vector.shape_cast %get3A_518 : vector<1x16xf32> to vector<16xf32>
        %add3A_520 = arith.constant 512 : i32
        %add3A_521 = arith.addi %add3A_520, %add3A_515 : i32
        %get3A_522 = arith.index_cast %add3A_521 : i32 to index
        %get3A_523 = arith.constant 0 : index
        %get3A_524 = tpu.vector_load %arg10[%get3A_522, %get3A_523] {strides = array<i32>} : memref<1024x16xf32, #tpu.memory_space<vmem>>, vector<1x16xf32>,
        %get3A_525 = vector.shape_cast %get3A_524 : vector<1x16xf32> to vector<16xf32>
        %add3A_526 = arith.addf %get3A_519, %get3A_525 : vector<16xf32>
        %swap3A_527 = arith.index_cast %add3A_515 : i32 to index
        %swap3A_528 = arith.constant 0 : index
        %swap3A_529 = tpu.vector_load %arg11[%swap3A_527, %swap3A_528] {strides = array<i32>} : memref<512x16xf32, #tpu.memory_space<vmem>>, vector<1x16xf32>,
        %swap3A_530 = vector.shape_cast %swap3A_529 : vector<1x16xf32> to vector<16xf32>
        %swap3A_531 = vector.shape_cast %add3A_526 : vector<16xf32> to vector<1x16xf32>
        tpu.vector_store %arg11[%swap3A_527, %swap3A_528], %swap3A_531 {add = true, strides = array<i32>} : memref<512x16xf32, #tpu.memory_space<vmem>>, vector<1x16xf32>,
        %mul3A_532 = arith.constant 16 : i32
        %mul3A_533 = arith.muli %scan3A_271, %mul3A_532 : i32
        %add3A_534 = arith.constant 13 : i32
        %add3A_535 = arith.addi %mul3A_533, %add3A_534 : i32
        %get3A_536 = arith.index_cast %add3A_535 : i32 to index
        %get3A_537 = arith.constant 0 : index
        %get3A_538 = tpu.vector_load %arg10[%get3A_536, %get3A_537] {strides = array<i32>} : memref<1024x16xf32, #tpu.memory_space<vmem>>, vector<1x16xf32>,
        %get3A_539 = vector.shape_cast %get3A_538 : vector<1x16xf32> to vector<16xf32>
        %add3A_540 = arith.constant 512 : i32
        %add3A_541 = arith.addi %add3A_540, %add3A_535 : i32
        %get3A_542 = arith.index_cast %add3A_541 : i32 to index
        %get3A_543 = arith.constant 0 : index
        %get3A_544 = tpu.vector_load %arg10[%get3A_542, %get3A_543] {strides = array<i32>} : memref<1024x16xf32, #tpu.memory_space<vmem>>, vector<1x16xf32>,
        %get3A_545 = vector.shape_cast %get3A_544 : vector<1x16xf32> to vector<16xf32>
        %add3A_546 = arith.addf %get3A_539, %get3A_545 : vector<16xf32>
        %swap3A_547 = arith.index_cast %add3A_535 : i32 to index
        %swap3A_548 = arith.constant 0 : index
        %swap3A_549 = tpu.vector_load %arg11[%swap3A_547, %swap3A_548] {strides = array<i32>} : memref<512x16xf32, #tpu.memory_space<vmem>>, vector<1x16xf32>,
        %swap3A_550 = vector.shape_cast %swap3A_549 : vector<1x16xf32> to vector<16xf32>
        %swap3A_551 = vector.shape_cast %add3A_546 : vector<16xf32> to vector<1x16xf32>
        tpu.vector_store %arg11[%swap3A_547, %swap3A_548], %swap3A_551 {add = true, strides = array<i32>} : memref<512x16xf32, #tpu.memory_space<vmem>>, vector<1x16xf32>,
        %mul3A_552 = arith.constant 16 : i32
        %mul3A_553 = arith.muli %scan3A_271, %mul3A_552 : i32
        %add3A_554 = arith.constant 14 : i32
        %add3A_555 = arith.addi %mul3A_553, %add3A_554 : i32
        %get3A_556 = arith.index_cast %add3A_555 : i32 to index
        %get3A_557 = arith.constant 0 : index
        %get3A_558 = tpu.vector_load %arg10[%get3A_556, %get3A_557] {strides = array<i32>} : memref<1024x16xf32, #tpu.memory_space<vmem>>, vector<1x16xf32>,
        %get3A_559 = vector.shape_cast %get3A_558 : vector<1x16xf32> to vector<16xf32>
        %add3A_560 = arith.constant 512 : i32
        %add3A_561 = arith.addi %add3A_560, %add3A_555 : i32
        %get3A_562 = arith.index_cast %add3A_561 : i32 to index
        %get3A_563 = arith.constant 0 : index
        %get3A_564 = tpu.vector_load %arg10[%get3A_562, %get3A_563] {strides = array<i32>} : memref<1024x16xf32, #tpu.memory_space<vmem>>, vector<1x16xf32>,
        %get3A_565 = vector.shape_cast %get3A_564 : vector<1x16xf32> to vector<16xf32>
        %add3A_566 = arith.addf %get3A_559, %get3A_565 : vector<16xf32>
        %swap3A_567 = arith.index_cast %add3A_555 : i32 to index
        %swap3A_568 = arith.constant 0 : index
        %swap3A_569 = tpu.vector_load %arg11[%swap3A_567, %swap3A_568] {strides = array<i32>} : memref<512x16xf32, #tpu.memory_space<vmem>>, vector<1x16xf32>,
        %swap3A_570 = vector.shape_cast %swap3A_569 : vector<1x16xf32> to vector<16xf32>
        %swap3A_571 = vector.shape_cast %add3A_566 : vector<16xf32> to vector<1x16xf32>
        tpu.vector_store %arg11[%swap3A_567, %swap3A_568], %swap3A_571 {add = true, strides = array<i32>} : memref<512x16xf32, #tpu.memory_space<vmem>>, vector<1x16xf32>,
        %mul3A_572 = arith.constant 16 : i32
        %mul3A_573 = arith.muli %scan3A_271, %mul3A_572 : i32
        %add3A_574 = arith.constant 15 : i32
        %add3A_575 = arith.addi %mul3A_573, %add3A_574 : i32
        %get3A_576 = arith.index_cast %add3A_575 : i32 to index
        %get3A_577 = arith.constant 0 : index
        %get3A_578 = tpu.vector_load %arg10[%get3A_576, %get3A_577] {strides = array<i32>} : memref<1024x16xf32, #tpu.memory_space<vmem>>, vector<1x16xf32>,
        %get3A_579 = vector.shape_cast %get3A_578 : vector<1x16xf32> to vector<16xf32>
        %add3A_580 = arith.constant 512 : i32
        %add3A_581 = arith.addi %add3A_580, %add3A_575 : i32
        %get3A_582 = arith.index_cast %add3A_581 : i32 to index
        %get3A_583 = arith.constant 0 : index
        %get3A_584 = tpu.vector_load %arg10[%get3A_582, %get3A_583] {strides = array<i32>} : memref<1024x16xf32, #tpu.memory_space<vmem>>, vector<1x16xf32>,
        %get3A_585 = vector.shape_cast %get3A_584 : vector<1x16xf32> to vector<16xf32>
        %add3A_586 = arith.addf %get3A_579, %get3A_585 : vector<16xf32>
        %swap3A_587 = arith.index_cast %add3A_575 : i32 to index
        %swap3A_588 = arith.constant 0 : index
        %swap3A_589 = tpu.vector_load %arg11[%swap3A_587, %swap3A_588] {strides = array<i32>} : memref<512x16xf32, #tpu.memory_space<vmem>>, vector<1x16xf32>,
        %swap3A_590 = vector.shape_cast %swap3A_589 : vector<1x16xf32> to vector<16xf32>
        %swap3A_591 = vector.shape_cast %add3A_586 : vector<16xf32> to vector<1x16xf32>
        tpu.vector_store %arg11[%swap3A_587, %swap3A_588], %swap3A_591 {add = true, strides = array<i32>} : memref<512x16xf32, #tpu.memory_space<vmem>>, vector<1x16xf32>,
        %scan3A_592 = arith.constant 0 : i32
        scf.yield %scan3A_592 : i32
      }
      %scan3A_213 = arith.constant 32 : i32
      %dma_start3A_214 = arith.constant 24 : i32
      %dma_start3A_215 = arith.constant 0 : i32
      %dma_start3A_216 = tpu.memref_slice %arg8[%dma_start3A_214, %dma_start3A_215] : memref<25x1024xi32, #tpu.memory_space<vmem>> -> memref<1x1024xi32, #tpu.memory_space<vmem>>
      %dma_start3A_217 = tpu.memref_squeeze %dma_start3A_216 : memref<1x1024xi32, #tpu.memory_space<vmem>> -> memref<1024xi32, #tpu.memory_space<vmem>>
      %dma_start3A_218 = arith.constant 0 : i32
      %dma_start3A_219 = arith.constant 0 : i32
      %dma_start3A_220 = tpu.memref_slice %arg4[%dma_start3A_218, %dma_start3A_219] : memref<1015808x16xf32, #tpu.memory_space<hbm>> -> memref<1015808x16xf32, #tpu.memory_space<hbm>>
      tpu.enqueue_indirect_dma source(%dma_start3A_220 : memref<1015808x16xf32, #tpu.memory_space<hbm>>) target(%arg10 : memref<1024x16xf32, #tpu.memory_space<vmem>>) offsets(%dma_start3A_217 : memref<1024xi32, #tpu.memory_space<vmem>>) semaphore(%arg16 : memref<!tpu.dma_semaphore, #tpu.memory_space<semaphore_mem>>)
      %dma_wait3A_221 = arith.constant 0 : i32
      %dma_wait3A_222 = arith.constant 0 : i32
      %dma_wait3A_223 = tpu.memref_slice %arg7[%dma_wait3A_221, %dma_wait3A_222] : memref<25x1024xi32, #tpu.memory_space<vmem>> -> memref<1x1024xi32, #tpu.memory_space<vmem>>
      %dma_wait3A_224 = tpu.memref_squeeze %dma_wait3A_223 : memref<1x1024xi32, #tpu.memory_space<vmem>> -> memref<1024xi32, #tpu.memory_space<vmem>>
      %dma_wait3A_225 = arith.constant 0 : i32
      %dma_wait3A_226 = arith.constant 0 : i32
      %dma_wait3A_227 = tpu.memref_slice %arg4[%dma_wait3A_225, %dma_wait3A_226] : memref<1015808x16xf32, #tpu.memory_space<hbm>> -> memref<1015808x16xf32, #tpu.memory_space<hbm>>
      tpu.wait_indirect_dma semaphore(%arg15 : memref<!tpu.dma_semaphore, #tpu.memory_space<semaphore_mem>>) src(%dma_wait3A_227 : memref<1015808x16xf32, #tpu.memory_space<hbm>>) dst(%arg9 : memref<1024x16xf32, #tpu.memory_space<vmem>>)
      %scan3A_228 = arith.constant 0 : i32
      %scan3A_229 = arith.constant 0 : i32
      %scan3A_230 = arith.constant 32 : i32
      %scan3A_231 = arith.addi %scan3A_229, %scan3A_230 : i32
      %scan3A_232 = arith.constant 1 : i32
      %scan3A_233 = scf.for %scan3A_271 = %scan3A_229 to %scan3A_231 step %scan3A_232 iter_args(%scan3A_272 = %scan3A_228) -> (i32)  : i32 {
        %mul3A_273 = arith.constant 16 : i32
        %mul3A_274 = arith.muli %scan3A_271, %mul3A_273 : i32
        %add3A_275 = arith.constant 0 : i32
        %add3A_276 = arith.addi %mul3A_274, %add3A_275 : i32
        %get3A_277 = arith.index_cast %add3A_276 : i32 to index
        %get3A_278 = arith.constant 0 : index
        %get3A_279 = tpu.vector_load %arg9[%get3A_277, %get3A_278] {strides = array<i32>} : memref<1024x16xf32, #tpu.memory_space<vmem>>, vector<1x16xf32>,
        %get3A_280 = vector.shape_cast %get3A_279 : vector<1x16xf32> to vector<16xf32>
        %add3A_281 = arith.constant 512 : i32
        %add3A_282 = arith.addi %add3A_281, %add3A_276 : i32
        %get3A_283 = arith.index_cast %add3A_282 : i32 to index
        %get3A_284 = arith.constant 0 : index
        %get3A_285 = tpu.vector_load %arg9[%get3A_283, %get3A_284] {strides = array<i32>} : memref<1024x16xf32, #tpu.memory_space<vmem>>, vector<1x16xf32>,
        %get3A_286 = vector.shape_cast %get3A_285 : vector<1x16xf32> to vector<16xf32>
        %add3A_287 = arith.addf %get3A_280, %get3A_286 : vector<16xf32>
        %swap3A = arith.index_cast %add3A_276 : i32 to index
        %swap3A_288 = arith.constant 0 : index
        %swap3A_289 = tpu.vector_load %arg11[%swap3A, %swap3A_288] {strides = array<i32>} : memref<512x16xf32, #tpu.memory_space<vmem>>, vector<1x16xf32>,
        %swap3A_290 = vector.shape_cast %swap3A_289 : vector<1x16xf32> to vector<16xf32>
        %swap3A_291 = vector.shape_cast %add3A_287 : vector<16xf32> to vector<1x16xf32>
        tpu.vector_store %arg11[%swap3A, %swap3A_288], %swap3A_291 {add = true, strides = array<i32>} : memref<512x16xf32, #tpu.memory_space<vmem>>, vector<1x16xf32>,
        %mul3A_292 = arith.constant 16 : i32
        %mul3A_293 = arith.muli %scan3A_271, %mul3A_292 : i32
        %add3A_294 = arith.constant 1 : i32
        %add3A_295 = arith.addi %mul3A_293, %add3A_294 : i32
        %get3A_296 = arith.index_cast %add3A_295 : i32 to index
        %get3A_297 = arith.constant 0 : index
        %get3A_298 = tpu.vector_load %arg9[%get3A_296, %get3A_297] {strides = array<i32>} : memref<1024x16xf32, #tpu.memory_space<vmem>>, vector<1x16xf32>,
        %get3A_299 = vector.shape_cast %get3A_298 : vector<1x16xf32> to vector<16xf32>
        %add3A_300 = arith.constant 512 : i32
        %add3A_301 = arith.addi %add3A_300, %add3A_295 : i32
        %get3A_302 = arith.index_cast %add3A_301 : i32 to index
        %get3A_303 = arith.constant 0 : index
        %get3A_304 = tpu.vector_load %arg9[%get3A_302, %get3A_303] {strides = array<i32>} : memref<1024x16xf32, #tpu.memory_space<vmem>>, vector<1x16xf32>,
        %get3A_305 = vector.shape_cast %get3A_304 : vector<1x16xf32> to vector<16xf32>
        %add3A_306 = arith.addf %get3A_299, %get3A_305 : vector<16xf32>
        %swap3A_307 = arith.index_cast %add3A_295 : i32 to index
        %swap3A_308 = arith.constant 0 : index
        %swap3A_309 = tpu.vector_load %arg11[%swap3A_307, %swap3A_308] {strides = array<i32>} : memref<512x16xf32, #tpu.memory_space<vmem>>, vector<1x16xf32>,
        %swap3A_310 = vector.shape_cast %swap3A_309 : vector<1x16xf32> to vector<16xf32>
        %swap3A_311 = vector.shape_cast %add3A_306 : vector<16xf32> to vector<1x16xf32>
        tpu.vector_store %arg11[%swap3A_307, %swap3A_308], %swap3A_311 {add = true, strides = array<i32>} : memref<512x16xf32, #tpu.memory_space<vmem>>, vector<1x16xf32>,
        %mul3A_312 = arith.constant 16 : i32
        %mul3A_313 = arith.muli %scan3A_271, %mul3A_312 : i32
        %add3A_314 = arith.constant 2 : i32
        %add3A_315 = arith.addi %mul3A_313, %add3A_314 : i32
        %get3A_316 = arith.index_cast %add3A_315 : i32 to index
        %get3A_317 = arith.constant 0 : index
        %get3A_318 = tpu.vector_load %arg9[%get3A_316, %get3A_317] {strides = array<i32>} : memref<1024x16xf32, #tpu.memory_space<vmem>>, vector<1x16xf32>,
        %get3A_319 = vector.shape_cast %get3A_318 : vector<1x16xf32> to vector<16xf32>
        %add3A_320 = arith.constant 512 : i32
        %add3A_321 = arith.addi %add3A_320, %add3A_315 : i32
        %get3A_322 = arith.index_cast %add3A_321 : i32 to index
        %get3A_323 = arith.constant 0 : index
        %get3A_324 = tpu.vector_load %arg9[%get3A_322, %get3A_323] {strides = array<i32>} : memref<1024x16xf32, #tpu.memory_space<vmem>>, vector<1x16xf32>,
        %get3A_325 = vector.shape_cast %get3A_324 : vector<1x16xf32> to vector<16xf32>
        %add3A_326 = arith.addf %get3A_319, %get3A_325 : vector<16xf32>
        %swap3A_327 = arith.index_cast %add3A_315 : i32 to index
        %swap3A_328 = arith.constant 0 : index
        %swap3A_329 = tpu.vector_load %arg11[%swap3A_327, %swap3A_328] {strides = array<i32>} : memref<512x16xf32, #tpu.memory_space<vmem>>, vector<1x16xf32>,
        %swap3A_330 = vector.shape_cast %swap3A_329 : vector<1x16xf32> to vector<16xf32>
        %swap3A_331 = vector.shape_cast %add3A_326 : vector<16xf32> to vector<1x16xf32>
        tpu.vector_store %arg11[%swap3A_327, %swap3A_328], %swap3A_331 {add = true, strides = array<i32>} : memref<512x16xf32, #tpu.memory_space<vmem>>, vector<1x16xf32>,
        %mul3A_332 = arith.constant 16 : i32
        %mul3A_333 = arith.muli %scan3A_271, %mul3A_332 : i32
        %add3A_334 = arith.constant 3 : i32
        %add3A_335 = arith.addi %mul3A_333, %add3A_334 : i32
        %get3A_336 = arith.index_cast %add3A_335 : i32 to index
        %get3A_337 = arith.constant 0 : index
        %get3A_338 = tpu.vector_load %arg9[%get3A_336, %get3A_337] {strides = array<i32>} : memref<1024x16xf32, #tpu.memory_space<vmem>>, vector<1x16xf32>,
        %get3A_339 = vector.shape_cast %get3A_338 : vector<1x16xf32> to vector<16xf32>
        %add3A_340 = arith.constant 512 : i32
        %add3A_341 = arith.addi %add3A_340, %add3A_335 : i32
        %get3A_342 = arith.index_cast %add3A_341 : i32 to index
        %get3A_343 = arith.constant 0 : index
        %get3A_344 = tpu.vector_load %arg9[%get3A_342, %get3A_343] {strides = array<i32>} : memref<1024x16xf32, #tpu.memory_space<vmem>>, vector<1x16xf32>,
        %get3A_345 = vector.shape_cast %get3A_344 : vector<1x16xf32> to vector<16xf32>
        %add3A_346 = arith.addf %get3A_339, %get3A_345 : vector<16xf32>
        %swap3A_347 = arith.index_cast %add3A_335 : i32 to index
        %swap3A_348 = arith.constant 0 : index
        %swap3A_349 = tpu.vector_load %arg11[%swap3A_347, %swap3A_348] {strides = array<i32>} : memref<512x16xf32, #tpu.memory_space<vmem>>, vector<1x16xf32>,
        %swap3A_350 = vector.shape_cast %swap3A_349 : vector<1x16xf32> to vector<16xf32>
        %swap3A_351 = vector.shape_cast %add3A_346 : vector<16xf32> to vector<1x16xf32>
        tpu.vector_store %arg11[%swap3A_347, %swap3A_348], %swap3A_351 {add = true, strides = array<i32>} : memref<512x16xf32, #tpu.memory_space<vmem>>, vector<1x16xf32>,
        %mul3A_352 = arith.constant 16 : i32
        %mul3A_353 = arith.muli %scan3A_271, %mul3A_352 : i32
        %add3A_354 = arith.constant 4 : i32
        %add3A_355 = arith.addi %mul3A_353, %add3A_354 : i32
        %get3A_356 = arith.index_cast %add3A_355 : i32 to index
        %get3A_357 = arith.constant 0 : index
        %get3A_358 = tpu.vector_load %arg9[%get3A_356, %get3A_357] {strides = array<i32>} : memref<1024x16xf32, #tpu.memory_space<vmem>>, vector<1x16xf32>,
        %get3A_359 = vector.shape_cast %get3A_358 : vector<1x16xf32> to vector<16xf32>
        %add3A_360 = arith.constant 512 : i32
        %add3A_361 = arith.addi %add3A_360, %add3A_355 : i32
        %get3A_362 = arith.index_cast %add3A_361 : i32 to index
        %get3A_363 = arith.constant 0 : index
        %get3A_364 = tpu.vector_load %arg9[%get3A_362, %get3A_363] {strides = array<i32>} : memref<1024x16xf32, #tpu.memory_space<vmem>>, vector<1x16xf32>,
        %get3A_365 = vector.shape_cast %get3A_364 : vector<1x16xf32> to vector<16xf32>
        %add3A_366 = arith.addf %get3A_359, %get3A_365 : vector<16xf32>
        %swap3A_367 = arith.index_cast %add3A_355 : i32 to index
        %swap3A_368 = arith.constant 0 : index
        %swap3A_369 = tpu.vector_load %arg11[%swap3A_367, %swap3A_368] {strides = array<i32>} : memref<512x16xf32, #tpu.memory_space<vmem>>, vector<1x16xf32>,
        %swap3A_370 = vector.shape_cast %swap3A_369 : vector<1x16xf32> to vector<16xf32>
        %swap3A_371 = vector.shape_cast %add3A_366 : vector<16xf32> to vector<1x16xf32>
        tpu.vector_store %arg11[%swap3A_367, %swap3A_368], %swap3A_371 {add = true, strides = array<i32>} : memref<512x16xf32, #tpu.memory_space<vmem>>, vector<1x16xf32>,
        %mul3A_372 = arith.constant 16 : i32
        %mul3A_373 = arith.muli %scan3A_271, %mul3A_372 : i32
        %add3A_374 = arith.constant 5 : i32
        %add3A_375 = arith.addi %mul3A_373, %add3A_374 : i32
        %get3A_376 = arith.index_cast %add3A_375 : i32 to index
        %get3A_377 = arith.constant 0 : index
        %get3A_378 = tpu.vector_load %arg9[%get3A_376, %get3A_377] {strides = array<i32>} : memref<1024x16xf32, #tpu.memory_space<vmem>>, vector<1x16xf32>,
        %get3A_379 = vector.shape_cast %get3A_378 : vector<1x16xf32> to vector<16xf32>
        %add3A_380 = arith.constant 512 : i32
        %add3A_381 = arith.addi %add3A_380, %add3A_375 : i32
        %get3A_382 = arith.index_cast %add3A_381 : i32 to index
        %get3A_383 = arith.constant 0 : index
        %get3A_384 = tpu.vector_load %arg9[%get3A_382, %get3A_383] {strides = array<i32>} : memref<1024x16xf32, #tpu.memory_space<vmem>>, vector<1x16xf32>,
        %get3A_385 = vector.shape_cast %get3A_384 : vector<1x16xf32> to vector<16xf32>
        %add3A_386 = arith.addf %get3A_379, %get3A_385 : vector<16xf32>
        %swap3A_387 = arith.index_cast %add3A_375 : i32 to index
        %swap3A_388 = arith.constant 0 : index
        %swap3A_389 = tpu.vector_load %arg11[%swap3A_387, %swap3A_388] {strides = array<i32>} : memref<512x16xf32, #tpu.memory_space<vmem>>, vector<1x16xf32>,
        %swap3A_390 = vector.shape_cast %swap3A_389 : vector<1x16xf32> to vector<16xf32>
        %swap3A_391 = vector.shape_cast %add3A_386 : vector<16xf32> to vector<1x16xf32>
        tpu.vector_store %arg11[%swap3A_387, %swap3A_388], %swap3A_391 {add = true, strides = array<i32>} : memref<512x16xf32, #tpu.memory_space<vmem>>, vector<1x16xf32>,
        %mul3A_392 = arith.constant 16 : i32
        %mul3A_393 = arith.muli %scan3A_271, %mul3A_392 : i32
        %add3A_394 = arith.constant 6 : i32
        %add3A_395 = arith.addi %mul3A_393, %add3A_394 : i32
        %get3A_396 = arith.index_cast %add3A_395 : i32 to index
        %get3A_397 = arith.constant 0 : index
        %get3A_398 = tpu.vector_load %arg9[%get3A_396, %get3A_397] {strides = array<i32>} : memref<1024x16xf32, #tpu.memory_space<vmem>>, vector<1x16xf32>,
        %get3A_399 = vector.shape_cast %get3A_398 : vector<1x16xf32> to vector<16xf32>
        %add3A_400 = arith.constant 512 : i32
        %add3A_401 = arith.addi %add3A_400, %add3A_395 : i32
        %get3A_402 = arith.index_cast %add3A_401 : i32 to index
        %get3A_403 = arith.constant 0 : index
        %get3A_404 = tpu.vector_load %arg9[%get3A_402, %get3A_403] {strides = array<i32>} : memref<1024x16xf32, #tpu.memory_space<vmem>>, vector<1x16xf32>,
        %get3A_405 = vector.shape_cast %get3A_404 : vector<1x16xf32> to vector<16xf32>
        %add3A_406 = arith.addf %get3A_399, %get3A_405 : vector<16xf32>
        %swap3A_407 = arith.index_cast %add3A_395 : i32 to index
        %swap3A_408 = arith.constant 0 : index
        %swap3A_409 = tpu.vector_load %arg11[%swap3A_407, %swap3A_408] {strides = array<i32>} : memref<512x16xf32, #tpu.memory_space<vmem>>, vector<1x16xf32>,
        %swap3A_410 = vector.shape_cast %swap3A_409 : vector<1x16xf32> to vector<16xf32>
        %swap3A_411 = vector.shape_cast %add3A_406 : vector<16xf32> to vector<1x16xf32>
        tpu.vector_store %arg11[%swap3A_407, %swap3A_408], %swap3A_411 {add = true, strides = array<i32>} : memref<512x16xf32, #tpu.memory_space<vmem>>, vector<1x16xf32>,
        %mul3A_412 = arith.constant 16 : i32
        %mul3A_413 = arith.muli %scan3A_271, %mul3A_412 : i32
        %add3A_414 = arith.constant 7 : i32
        %add3A_415 = arith.addi %mul3A_413, %add3A_414 : i32
        %get3A_416 = arith.index_cast %add3A_415 : i32 to index
        %get3A_417 = arith.constant 0 : index
        %get3A_418 = tpu.vector_load %arg9[%get3A_416, %get3A_417] {strides = array<i32>} : memref<1024x16xf32, #tpu.memory_space<vmem>>, vector<1x16xf32>,
        %get3A_419 = vector.shape_cast %get3A_418 : vector<1x16xf32> to vector<16xf32>
        %add3A_420 = arith.constant 512 : i32
        %add3A_421 = arith.addi %add3A_420, %add3A_415 : i32
        %get3A_422 = arith.index_cast %add3A_421 : i32 to index
        %get3A_423 = arith.constant 0 : index
        %get3A_424 = tpu.vector_load %arg9[%get3A_422, %get3A_423] {strides = array<i32>} : memref<1024x16xf32, #tpu.memory_space<vmem>>, vector<1x16xf32>,
        %get3A_425 = vector.shape_cast %get3A_424 : vector<1x16xf32> to vector<16xf32>
        %add3A_426 = arith.addf %get3A_419, %get3A_425 : vector<16xf32>
        %swap3A_427 = arith.index_cast %add3A_415 : i32 to index
        %swap3A_428 = arith.constant 0 : index
        %swap3A_429 = tpu.vector_load %arg11[%swap3A_427, %swap3A_428] {strides = array<i32>} : memref<512x16xf32, #tpu.memory_space<vmem>>, vector<1x16xf32>,
        %swap3A_430 = vector.shape_cast %swap3A_429 : vector<1x16xf32> to vector<16xf32>
        %swap3A_431 = vector.shape_cast %add3A_426 : vector<16xf32> to vector<1x16xf32>
        tpu.vector_store %arg11[%swap3A_427, %swap3A_428], %swap3A_431 {add = true, strides = array<i32>} : memref<512x16xf32, #tpu.memory_space<vmem>>, vector<1x16xf32>,
        %mul3A_432 = arith.constant 16 : i32
        %mul3A_433 = arith.muli %scan3A_271, %mul3A_432 : i32
        %add3A_434 = arith.constant 8 : i32
        %add3A_435 = arith.addi %mul3A_433, %add3A_434 : i32
        %get3A_436 = arith.index_cast %add3A_435 : i32 to index
        %get3A_437 = arith.constant 0 : index
        %get3A_438 = tpu.vector_load %arg9[%get3A_436, %get3A_437] {strides = array<i32>} : memref<1024x16xf32, #tpu.memory_space<vmem>>, vector<1x16xf32>,
        %get3A_439 = vector.shape_cast %get3A_438 : vector<1x16xf32> to vector<16xf32>
        %add3A_440 = arith.constant 512 : i32
        %add3A_441 = arith.addi %add3A_440, %add3A_435 : i32
        %get3A_442 = arith.index_cast %add3A_441 : i32 to index
        %get3A_443 = arith.constant 0 : index
        %get3A_444 = tpu.vector_load %arg9[%get3A_442, %get3A_443] {strides = array<i32>} : memref<1024x16xf32, #tpu.memory_space<vmem>>, vector<1x16xf32>,
        %get3A_445 = vector.shape_cast %get3A_444 : vector<1x16xf32> to vector<16xf32>
        %add3A_446 = arith.addf %get3A_439, %get3A_445 : vector<16xf32>
        %swap3A_447 = arith.index_cast %add3A_435 : i32 to index
        %swap3A_448 = arith.constant 0 : index
        %swap3A_449 = tpu.vector_load %arg11[%swap3A_447, %swap3A_448] {strides = array<i32>} : memref<512x16xf32, #tpu.memory_space<vmem>>, vector<1x16xf32>,
        %swap3A_450 = vector.shape_cast %swap3A_449 : vector<1x16xf32> to vector<16xf32>
        %swap3A_451 = vector.shape_cast %add3A_446 : vector<16xf32> to vector<1x16xf32>
        tpu.vector_store %arg11[%swap3A_447, %swap3A_448], %swap3A_451 {add = true, strides = array<i32>} : memref<512x16xf32, #tpu.memory_space<vmem>>, vector<1x16xf32>,
        %mul3A_452 = arith.constant 16 : i32
        %mul3A_453 = arith.muli %scan3A_271, %mul3A_452 : i32
        %add3A_454 = arith.constant 9 : i32
        %add3A_455 = arith.addi %mul3A_453, %add3A_454 : i32
        %get3A_456 = arith.index_cast %add3A_455 : i32 to index
        %get3A_457 = arith.constant 0 : index
        %get3A_458 = tpu.vector_load %arg9[%get3A_456, %get3A_457] {strides = array<i32>} : memref<1024x16xf32, #tpu.memory_space<vmem>>, vector<1x16xf32>,
        %get3A_459 = vector.shape_cast %get3A_458 : vector<1x16xf32> to vector<16xf32>
        %add3A_460 = arith.constant 512 : i32
        %add3A_461 = arith.addi %add3A_460, %add3A_455 : i32
        %get3A_462 = arith.index_cast %add3A_461 : i32 to index
        %get3A_463 = arith.constant 0 : index
        %get3A_464 = tpu.vector_load %arg9[%get3A_462, %get3A_463] {strides = array<i32>} : memref<1024x16xf32, #tpu.memory_space<vmem>>, vector<1x16xf32>,
        %get3A_465 = vector.shape_cast %get3A_464 : vector<1x16xf32> to vector<16xf32>
        %add3A_466 = arith.addf %get3A_459, %get3A_465 : vector<16xf32>
        %swap3A_467 = arith.index_cast %add3A_455 : i32 to index
        %swap3A_468 = arith.constant 0 : index
        %swap3A_469 = tpu.vector_load %arg11[%swap3A_467, %swap3A_468] {strides = array<i32>} : memref<512x16xf32, #tpu.memory_space<vmem>>, vector<1x16xf32>,
        %swap3A_470 = vector.shape_cast %swap3A_469 : vector<1x16xf32> to vector<16xf32>
        %swap3A_471 = vector.shape_cast %add3A_466 : vector<16xf32> to vector<1x16xf32>
        tpu.vector_store %arg11[%swap3A_467, %swap3A_468], %swap3A_471 {add = true, strides = array<i32>} : memref<512x16xf32, #tpu.memory_space<vmem>>, vector<1x16xf32>,
        %mul3A_472 = arith.constant 16 : i32
        %mul3A_473 = arith.muli %scan3A_271, %mul3A_472 : i32
        %add3A_474 = arith.constant 10 : i32
        %add3A_475 = arith.addi %mul3A_473, %add3A_474 : i32
        %get3A_476 = arith.index_cast %add3A_475 : i32 to index
        %get3A_477 = arith.constant 0 : index
        %get3A_478 = tpu.vector_load %arg9[%get3A_476, %get3A_477] {strides = array<i32>} : memref<1024x16xf32, #tpu.memory_space<vmem>>, vector<1x16xf32>,
        %get3A_479 = vector.shape_cast %get3A_478 : vector<1x16xf32> to vector<16xf32>
        %add3A_480 = arith.constant 512 : i32
        %add3A_481 = arith.addi %add3A_480, %add3A_475 : i32
        %get3A_482 = arith.index_cast %add3A_481 : i32 to index
        %get3A_483 = arith.constant 0 : index
        %get3A_484 = tpu.vector_load %arg9[%get3A_482, %get3A_483] {strides = array<i32>} : memref<1024x16xf32, #tpu.memory_space<vmem>>, vector<1x16xf32>,
        %get3A_485 = vector.shape_cast %get3A_484 : vector<1x16xf32> to vector<16xf32>
        %add3A_486 = arith.addf %get3A_479, %get3A_485 : vector<16xf32>
        %swap3A_487 = arith.index_cast %add3A_475 : i32 to index
        %swap3A_488 = arith.constant 0 : index
        %swap3A_489 = tpu.vector_load %arg11[%swap3A_487, %swap3A_488] {strides = array<i32>} : memref<512x16xf32, #tpu.memory_space<vmem>>, vector<1x16xf32>,
        %swap3A_490 = vector.shape_cast %swap3A_489 : vector<1x16xf32> to vector<16xf32>
        %swap3A_491 = vector.shape_cast %add3A_486 : vector<16xf32> to vector<1x16xf32>
        tpu.vector_store %arg11[%swap3A_487, %swap3A_488], %swap3A_491 {add = true, strides = array<i32>} : memref<512x16xf32, #tpu.memory_space<vmem>>, vector<1x16xf32>,
        %mul3A_492 = arith.constant 16 : i32
        %mul3A_493 = arith.muli %scan3A_271, %mul3A_492 : i32
        %add3A_494 = arith.constant 11 : i32
        %add3A_495 = arith.addi %mul3A_493, %add3A_494 : i32
        %get3A_496 = arith.index_cast %add3A_495 : i32 to index
        %get3A_497 = arith.constant 0 : index
        %get3A_498 = tpu.vector_load %arg9[%get3A_496, %get3A_497] {strides = array<i32>} : memref<1024x16xf32, #tpu.memory_space<vmem>>, vector<1x16xf32>,
        %get3A_499 = vector.shape_cast %get3A_498 : vector<1x16xf32> to vector<16xf32>
        %add3A_500 = arith.constant 512 : i32
        %add3A_501 = arith.addi %add3A_500, %add3A_495 : i32
        %get3A_502 = arith.index_cast %add3A_501 : i32 to index
        %get3A_503 = arith.constant 0 : index
        %get3A_504 = tpu.vector_load %arg9[%get3A_502, %get3A_503] {strides = array<i32>} : memref<1024x16xf32, #tpu.memory_space<vmem>>, vector<1x16xf32>,
        %get3A_505 = vector.shape_cast %get3A_504 : vector<1x16xf32> to vector<16xf32>
        %add3A_506 = arith.addf %get3A_499, %get3A_505 : vector<16xf32>
        %swap3A_507 = arith.index_cast %add3A_495 : i32 to index
        %swap3A_508 = arith.constant 0 : index
        %swap3A_509 = tpu.vector_load %arg11[%swap3A_507, %swap3A_508] {strides = array<i32>} : memref<512x16xf32, #tpu.memory_space<vmem>>, vector<1x16xf32>,
        %swap3A_510 = vector.shape_cast %swap3A_509 : vector<1x16xf32> to vector<16xf32>
        %swap3A_511 = vector.shape_cast %add3A_506 : vector<16xf32> to vector<1x16xf32>
        tpu.vector_store %arg11[%swap3A_507, %swap3A_508], %swap3A_511 {add = true, strides = array<i32>} : memref<512x16xf32, #tpu.memory_space<vmem>>, vector<1x16xf32>,
        %mul3A_512 = arith.constant 16 : i32
        %mul3A_513 = arith.muli %scan3A_271, %mul3A_512 : i32
        %add3A_514 = arith.constant 12 : i32
        %add3A_515 = arith.addi %mul3A_513, %add3A_514 : i32
        %get3A_516 = arith.index_cast %add3A_515 : i32 to index
        %get3A_517 = arith.constant 0 : index
        %get3A_518 = tpu.vector_load %arg9[%get3A_516, %get3A_517] {strides = array<i32>} : memref<1024x16xf32, #tpu.memory_space<vmem>>, vector<1x16xf32>,
        %get3A_519 = vector.shape_cast %get3A_518 : vector<1x16xf32> to vector<16xf32>
        %add3A_520 = arith.constant 512 : i32
        %add3A_521 = arith.addi %add3A_520, %add3A_515 : i32
        %get3A_522 = arith.index_cast %add3A_521 : i32 to index
        %get3A_523 = arith.constant 0 : index
        %get3A_524 = tpu.vector_load %arg9[%get3A_522, %get3A_523] {strides = array<i32>} : memref<1024x16xf32, #tpu.memory_space<vmem>>, vector<1x16xf32>,
        %get3A_525 = vector.shape_cast %get3A_524 : vector<1x16xf32> to vector<16xf32>
        %add3A_526 = arith.addf %get3A_519, %get3A_525 : vector<16xf32>
        %swap3A_527 = arith.index_cast %add3A_515 : i32 to index
        %swap3A_528 = arith.constant 0 : index
        %swap3A_529 = tpu.vector_load %arg11[%swap3A_527, %swap3A_528] {strides = array<i32>} : memref<512x16xf32, #tpu.memory_space<vmem>>, vector<1x16xf32>,
        %swap3A_530 = vector.shape_cast %swap3A_529 : vector<1x16xf32> to vector<16xf32>
        %swap3A_531 = vector.shape_cast %add3A_526 : vector<16xf32> to vector<1x16xf32>
        tpu.vector_store %arg11[%swap3A_527, %swap3A_528], %swap3A_531 {add = true, strides = array<i32>} : memref<512x16xf32, #tpu.memory_space<vmem>>, vector<1x16xf32>,
        %mul3A_532 = arith.constant 16 : i32
        %mul3A_533 = arith.muli %scan3A_271, %mul3A_532 : i32
        %add3A_534 = arith.constant 13 : i32
        %add3A_535 = arith.addi %mul3A_533, %add3A_534 : i32
        %get3A_536 = arith.index_cast %add3A_535 : i32 to index
        %get3A_537 = arith.constant 0 : index
        %get3A_538 = tpu.vector_load %arg9[%get3A_536, %get3A_537] {strides = array<i32>} : memref<1024x16xf32, #tpu.memory_space<vmem>>, vector<1x16xf32>,
        %get3A_539 = vector.shape_cast %get3A_538 : vector<1x16xf32> to vector<16xf32>
        %add3A_540 = arith.constant 512 : i32
        %add3A_541 = arith.addi %add3A_540, %add3A_535 : i32
        %get3A_542 = arith.index_cast %add3A_541 : i32 to index
        %get3A_543 = arith.constant 0 : index
        %get3A_544 = tpu.vector_load %arg9[%get3A_542, %get3A_543] {strides = array<i32>} : memref<1024x16xf32, #tpu.memory_space<vmem>>, vector<1x16xf32>,
        %get3A_545 = vector.shape_cast %get3A_544 : vector<1x16xf32> to vector<16xf32>
        %add3A_546 = arith.addf %get3A_539, %get3A_545 : vector<16xf32>
        %swap3A_547 = arith.index_cast %add3A_535 : i32 to index
        %swap3A_548 = arith.constant 0 : index
        %swap3A_549 = tpu.vector_load %arg11[%swap3A_547, %swap3A_548] {strides = array<i32>} : memref<512x16xf32, #tpu.memory_space<vmem>>, vector<1x16xf32>,
        %swap3A_550 = vector.shape_cast %swap3A_549 : vector<1x16xf32> to vector<16xf32>
        %swap3A_551 = vector.shape_cast %add3A_546 : vector<16xf32> to vector<1x16xf32>
        tpu.vector_store %arg11[%swap3A_547, %swap3A_548], %swap3A_551 {add = true, strides = array<i32>} : memref<512x16xf32, #tpu.memory_space<vmem>>, vector<1x16xf32>,
        %mul3A_552 = arith.constant 16 : i32
        %mul3A_553 = arith.muli %scan3A_271, %mul3A_552 : i32
        %add3A_554 = arith.constant 14 : i32
        %add3A_555 = arith.addi %mul3A_553, %add3A_554 : i32
        %get3A_556 = arith.index_cast %add3A_555 : i32 to index
        %get3A_557 = arith.constant 0 : index
        %get3A_558 = tpu.vector_load %arg9[%get3A_556, %get3A_557] {strides = array<i32>} : memref<1024x16xf32, #tpu.memory_space<vmem>>, vector<1x16xf32>,
        %get3A_559 = vector.shape_cast %get3A_558 : vector<1x16xf32> to vector<16xf32>
        %add3A_560 = arith.constant 512 : i32
        %add3A_561 = arith.addi %add3A_560, %add3A_555 : i32
        %get3A_562 = arith.index_cast %add3A_561 : i32 to index
        %get3A_563 = arith.constant 0 : index
        %get3A_564 = tpu.vector_load %arg9[%get3A_562, %get3A_563] {strides = array<i32>} : memref<1024x16xf32, #tpu.memory_space<vmem>>, vector<1x16xf32>,
        %get3A_565 = vector.shape_cast %get3A_564 : vector<1x16xf32> to vector<16xf32>
        %add3A_566 = arith.addf %get3A_559, %get3A_565 : vector<16xf32>
        %swap3A_567 = arith.index_cast %add3A_555 : i32 to index
        %swap3A_568 = arith.constant 0 : index
        %swap3A_569 = tpu.vector_load %arg11[%swap3A_567, %swap3A_568] {strides = array<i32>} : memref<512x16xf32, #tpu.memory_space<vmem>>, vector<1x16xf32>,
        %swap3A_570 = vector.shape_cast %swap3A_569 : vector<1x16xf32> to vector<16xf32>
        %swap3A_571 = vector.shape_cast %add3A_566 : vector<16xf32> to vector<1x16xf32>
        tpu.vector_store %arg11[%swap3A_567, %swap3A_568], %swap3A_571 {add = true, strides = array<i32>} : memref<512x16xf32, #tpu.memory_space<vmem>>, vector<1x16xf32>,
        %mul3A_572 = arith.constant 16 : i32
        %mul3A_573 = arith.muli %scan3A_271, %mul3A_572 : i32
        %add3A_574 = arith.constant 15 : i32
        %add3A_575 = arith.addi %mul3A_573, %add3A_574 : i32
        %get3A_576 = arith.index_cast %add3A_575 : i32 to index
        %get3A_577 = arith.constant 0 : index
        %get3A_578 = tpu.vector_load %arg9[%get3A_576, %get3A_577] {strides = array<i32>} : memref<1024x16xf32, #tpu.memory_space<vmem>>, vector<1x16xf32>,
        %get3A_579 = vector.shape_cast %get3A_578 : vector<1x16xf32> to vector<16xf32>
        %add3A_580 = arith.constant 512 : i32
        %add3A_581 = arith.addi %add3A_580, %add3A_575 : i32
        %get3A_582 = arith.index_cast %add3A_581 : i32 to index
        %get3A_583 = arith.constant 0 : index
        %get3A_584 = tpu.vector_load %arg9[%get3A_582, %get3A_583] {strides = array<i32>} : memref<1024x16xf32, #tpu.memory_space<vmem>>, vector<1x16xf32>,
        %get3A_585 = vector.shape_cast %get3A_584 : vector<1x16xf32> to vector<16xf32>
        %add3A_586 = arith.addf %get3A_579, %get3A_585 : vector<16xf32>
        %swap3A_587 = arith.index_cast %add3A_575 : i32 to index
        %swap3A_588 = arith.constant 0 : index
        %swap3A_589 = tpu.vector_load %arg11[%swap3A_587, %swap3A_588] {strides = array<i32>} : memref<512x16xf32, #tpu.memory_space<vmem>>, vector<1x16xf32>,
        %swap3A_590 = vector.shape_cast %swap3A_589 : vector<1x16xf32> to vector<16xf32>
        %swap3A_591 = vector.shape_cast %add3A_586 : vector<16xf32> to vector<1x16xf32>
        tpu.vector_store %arg11[%swap3A_587, %swap3A_588], %swap3A_591 {add = true, strides = array<i32>} : memref<512x16xf32, #tpu.memory_space<vmem>>, vector<1x16xf32>,
        %scan3A_592 = arith.constant 0 : i32
        scf.yield %scan3A_592 : i32
      }
      %scan3A_234 = arith.constant 32 : i32
      %add3A_235 = arith.constant 1 : i32
      %add3A_236 = arith.addi %add3A_192, %add3A_235 : i32
      %lt3A_237 = arith.constant 4 : i32
      %lt3A_238 = arith.cmpi slt, %add3A_236, %lt3A_237 : i32
      %convert_element_type3A_239 = arith.extui %lt3A_238 : i1 to i32
      %cond3A_240 = arith.constant 0 : i32
      %cond3A_241 = arith.cmpi ne, %convert_element_type3A_239, %cond3A_240 : i32
      scf.if %cond3A_241 {
        %add3A_271 = arith.constant 0 : i32
        %add3A_272 = arith.addi %add3A_271, %mul3A_2 : i32
        %dma_wait3A_273 = arith.constant 0 : i32
        %dma_wait3A_274 = arith.constant 0 : i32
        %dma_wait3A_275 = tpu.memref_slice %arg7[%dma_wait3A_273, %dma_wait3A_274] : memref<25x1024xi32, #tpu.memory_space<vmem>> -> memref<25x512xi32, #tpu.memory_space<vmem>>
        %dma_wait3A_276 = arith.constant 0 : i32
        %dma_wait3A_277 = tpu.memref_slice %arg2[%dma_wait3A_276, %add3A_272] : memref<100x32768xi32, #tpu.memory_space<hbm>> -> memref<25x512xi32, #tpu.memory_space<hbm>>
        %dma_wait3A_278 = arith.constant 0 : i32
        %dma_wait3A_279 = arith.constant 0 : i32
        %dma_wait3A_280 = tpu.memref_slice %arg7[%dma_wait3A_278, %dma_wait3A_279] : memref<25x1024xi32, #tpu.memory_space<vmem>> -> memref<25x512xi32, #tpu.memory_space<vmem>>
        %dma_wait3A_281 = arith.constant 0 : i32
        %dma_wait3A_282 = tpu.memref_slice %arg2[%dma_wait3A_281, %add3A_272] : memref<100x32768xi32, #tpu.memory_space<hbm>> -> memref<25x512xi32, #tpu.memory_space<hbm>>
        tpu.wait_dma2 semaphore(%arg17 : memref<!tpu.dma_semaphore, #tpu.memory_space<semaphore_mem>>) src(%dma_wait3A_282 : memref<25x512xi32, #tpu.memory_space<hbm>>) dst(%dma_wait3A_280 : memref<25x512xi32, #tpu.memory_space<vmem>>)
        %add3A_283 = arith.constant 16384 : i32
        %add3A_284 = arith.addi %add3A_283, %mul3A_2 : i32
        %dma_wait3A_285 = arith.constant 0 : i32
        %dma_wait3A_286 = arith.constant 512 : i32
        %dma_wait3A_287 = tpu.memref_slice %arg7[%dma_wait3A_285, %dma_wait3A_286] : memref<25x1024xi32, #tpu.memory_space<vmem>> -> memref<25x512xi32, #tpu.memory_space<vmem>>
        %dma_wait3A_288 = arith.constant 0 : i32
        %dma_wait3A_289 = tpu.memref_slice %arg2[%dma_wait3A_288, %add3A_284] : memref<100x32768xi32, #tpu.memory_space<hbm>> -> memref<25x512xi32, #tpu.memory_space<hbm>>
        %dma_wait3A_290 = arith.constant 0 : i32
        %dma_wait3A_291 = arith.constant 512 : i32
        %dma_wait3A_292 = tpu.memref_slice %arg7[%dma_wait3A_290, %dma_wait3A_291] : memref<25x1024xi32, #tpu.memory_space<vmem>> -> memref<25x512xi32, #tpu.memory_space<vmem>>
        %dma_wait3A_293 = arith.constant 0 : i32
        %dma_wait3A_294 = tpu.memref_slice %arg2[%dma_wait3A_293, %add3A_284] : memref<100x32768xi32, #tpu.memory_space<hbm>> -> memref<25x512xi32, #tpu.memory_space<hbm>>
        tpu.wait_dma2 semaphore(%arg17 : memref<!tpu.dma_semaphore, #tpu.memory_space<semaphore_mem>>) src(%dma_wait3A_294 : memref<25x512xi32, #tpu.memory_space<hbm>>) dst(%dma_wait3A_292 : memref<25x512xi32, #tpu.memory_space<vmem>>)
        %dma_start3A_295 = arith.constant 0 : i32
        %dma_start3A_296 = arith.constant 0 : i32
        %dma_start3A_297 = tpu.memref_slice %arg7[%dma_start3A_295, %dma_start3A_296] : memref<25x1024xi32, #tpu.memory_space<vmem>> -> memref<1x1024xi32, #tpu.memory_space<vmem>>
        %dma_start3A_298 = tpu.memref_squeeze %dma_start3A_297 : memref<1x1024xi32, #tpu.memory_space<vmem>> -> memref<1024xi32, #tpu.memory_space<vmem>>
        %dma_start3A_299 = arith.constant 0 : i32
        %dma_start3A_300 = arith.constant 0 : i32
        %dma_start3A_301 = tpu.memref_slice %arg4[%dma_start3A_299, %dma_start3A_300] : memref<1015808x16xf32, #tpu.memory_space<hbm>> -> memref<1015808x16xf32, #tpu.memory_space<hbm>>
        tpu.enqueue_indirect_dma source(%dma_start3A_301 : memref<1015808x16xf32, #tpu.memory_space<hbm>>) target(%arg9 : memref<1024x16xf32, #tpu.memory_space<vmem>>) offsets(%dma_start3A_298 : memref<1024xi32, #tpu.memory_space<vmem>>) semaphore(%arg15 : memref<!tpu.dma_semaphore, #tpu.memory_space<semaphore_mem>>)
      } else {
      }
      %dma_wait3A_242 = arith.constant 0 : i32
      %dma_wait3A_243 = arith.constant 0 : i32
      %dma_wait3A_244 = tpu.memref_slice %arg7[%dma_wait3A_242, %dma_wait3A_243] : memref<25x1024xi32, #tpu.memory_space<vmem>> -> memref<1x1024xi32, #tpu.memory_space<vmem>>
      %dma_wait3A_245 = tpu.memref_squeeze %dma_wait3A_244 : memref<1x1024xi32, #tpu.memory_space<vmem>> -> memref<1024xi32, #tpu.memory_space<vmem>>
      %dma_wait3A_246 = arith.constant 0 : i32
      %dma_wait3A_247 = arith.constant 0 : i32
      %dma_wait3A_248 = tpu.memref_slice %arg4[%dma_wait3A_246, %dma_wait3A_247] : memref<1015808x16xf32, #tpu.memory_space<hbm>> -> memref<1015808x16xf32, #tpu.memory_space<hbm>>
      tpu.wait_indirect_dma semaphore(%arg16 : memref<!tpu.dma_semaphore, #tpu.memory_space<semaphore_mem>>) src(%dma_wait3A_248 : memref<1015808x16xf32, #tpu.memory_space<hbm>>) dst(%arg10 : memref<1024x16xf32, #tpu.memory_space<vmem>>)
      %scan3A_249 = arith.constant 0 : i32
      %scan3A_250 = arith.constant 0 : i32
      %scan3A_251 = arith.constant 32 : i32
      %scan3A_252 = arith.addi %scan3A_250, %scan3A_251 : i32
      %scan3A_253 = arith.constant 1 : i32
      %scan3A_254 = scf.for %scan3A_271 = %scan3A_250 to %scan3A_252 step %scan3A_253 iter_args(%scan3A_272 = %scan3A_249) -> (i32)  : i32 {
        %mul3A_273 = arith.constant 16 : i32
        %mul3A_274 = arith.muli %scan3A_271, %mul3A_273 : i32
        %add3A_275 = arith.constant 0 : i32
        %add3A_276 = arith.addi %mul3A_274, %add3A_275 : i32
        %get3A_277 = arith.index_cast %add3A_276 : i32 to index
        %get3A_278 = arith.constant 0 : index
        %get3A_279 = tpu.vector_load %arg10[%get3A_277, %get3A_278] {strides = array<i32>} : memref<1024x16xf32, #tpu.memory_space<vmem>>, vector<1x16xf32>,
        %get3A_280 = vector.shape_cast %get3A_279 : vector<1x16xf32> to vector<16xf32>
        %add3A_281 = arith.constant 512 : i32
        %add3A_282 = arith.addi %add3A_281, %add3A_276 : i32
        %get3A_283 = arith.index_cast %add3A_282 : i32 to index
        %get3A_284 = arith.constant 0 : index
        %get3A_285 = tpu.vector_load %arg10[%get3A_283, %get3A_284] {strides = array<i32>} : memref<1024x16xf32, #tpu.memory_space<vmem>>, vector<1x16xf32>,
        %get3A_286 = vector.shape_cast %get3A_285 : vector<1x16xf32> to vector<16xf32>
        %add3A_287 = arith.addf %get3A_280, %get3A_286 : vector<16xf32>
        %swap3A = arith.index_cast %add3A_276 : i32 to index
        %swap3A_288 = arith.constant 0 : index
        %swap3A_289 = tpu.vector_load %arg11[%swap3A, %swap3A_288] {strides = array<i32>} : memref<512x16xf32, #tpu.memory_space<vmem>>, vector<1x16xf32>,
        %swap3A_290 = vector.shape_cast %swap3A_289 : vector<1x16xf32> to vector<16xf32>
        %swap3A_291 = vector.shape_cast %add3A_287 : vector<16xf32> to vector<1x16xf32>
        tpu.vector_store %arg11[%swap3A, %swap3A_288], %swap3A_291 {add = true, strides = array<i32>} : memref<512x16xf32, #tpu.memory_space<vmem>>, vector<1x16xf32>,
        %mul3A_292 = arith.constant 16 : i32
        %mul3A_293 = arith.muli %scan3A_271, %mul3A_292 : i32
        %add3A_294 = arith.constant 1 : i32
        %add3A_295 = arith.addi %mul3A_293, %add3A_294 : i32
        %get3A_296 = arith.index_cast %add3A_295 : i32 to index
        %get3A_297 = arith.constant 0 : index
        %get3A_298 = tpu.vector_load %arg10[%get3A_296, %get3A_297] {strides = array<i32>} : memref<1024x16xf32, #tpu.memory_space<vmem>>, vector<1x16xf32>,
        %get3A_299 = vector.shape_cast %get3A_298 : vector<1x16xf32> to vector<16xf32>
        %add3A_300 = arith.constant 512 : i32
        %add3A_301 = arith.addi %add3A_300, %add3A_295 : i32
        %get3A_302 = arith.index_cast %add3A_301 : i32 to index
        %get3A_303 = arith.constant 0 : index
        %get3A_304 = tpu.vector_load %arg10[%get3A_302, %get3A_303] {strides = array<i32>} : memref<1024x16xf32, #tpu.memory_space<vmem>>, vector<1x16xf32>,
        %get3A_305 = vector.shape_cast %get3A_304 : vector<1x16xf32> to vector<16xf32>
        %add3A_306 = arith.addf %get3A_299, %get3A_305 : vector<16xf32>
        %swap3A_307 = arith.index_cast %add3A_295 : i32 to index
        %swap3A_308 = arith.constant 0 : index
        %swap3A_309 = tpu.vector_load %arg11[%swap3A_307, %swap3A_308] {strides = array<i32>} : memref<512x16xf32, #tpu.memory_space<vmem>>, vector<1x16xf32>,
        %swap3A_310 = vector.shape_cast %swap3A_309 : vector<1x16xf32> to vector<16xf32>
        %swap3A_311 = vector.shape_cast %add3A_306 : vector<16xf32> to vector<1x16xf32>
        tpu.vector_store %arg11[%swap3A_307, %swap3A_308], %swap3A_311 {add = true, strides = array<i32>} : memref<512x16xf32, #tpu.memory_space<vmem>>, vector<1x16xf32>,
        %mul3A_312 = arith.constant 16 : i32
        %mul3A_313 = arith.muli %scan3A_271, %mul3A_312 : i32
        %add3A_314 = arith.constant 2 : i32
        %add3A_315 = arith.addi %mul3A_313, %add3A_314 : i32
        %get3A_316 = arith.index_cast %add3A_315 : i32 to index
        %get3A_317 = arith.constant 0 : index
        %get3A_318 = tpu.vector_load %arg10[%get3A_316, %get3A_317] {strides = array<i32>} : memref<1024x16xf32, #tpu.memory_space<vmem>>, vector<1x16xf32>,
        %get3A_319 = vector.shape_cast %get3A_318 : vector<1x16xf32> to vector<16xf32>
        %add3A_320 = arith.constant 512 : i32
        %add3A_321 = arith.addi %add3A_320, %add3A_315 : i32
        %get3A_322 = arith.index_cast %add3A_321 : i32 to index
        %get3A_323 = arith.constant 0 : index
        %get3A_324 = tpu.vector_load %arg10[%get3A_322, %get3A_323] {strides = array<i32>} : memref<1024x16xf32, #tpu.memory_space<vmem>>, vector<1x16xf32>,
        %get3A_325 = vector.shape_cast %get3A_324 : vector<1x16xf32> to vector<16xf32>
        %add3A_326 = arith.addf %get3A_319, %get3A_325 : vector<16xf32>
        %swap3A_327 = arith.index_cast %add3A_315 : i32 to index
        %swap3A_328 = arith.constant 0 : index
        %swap3A_329 = tpu.vector_load %arg11[%swap3A_327, %swap3A_328] {strides = array<i32>} : memref<512x16xf32, #tpu.memory_space<vmem>>, vector<1x16xf32>,
        %swap3A_330 = vector.shape_cast %swap3A_329 : vector<1x16xf32> to vector<16xf32>
        %swap3A_331 = vector.shape_cast %add3A_326 : vector<16xf32> to vector<1x16xf32>
        tpu.vector_store %arg11[%swap3A_327, %swap3A_328], %swap3A_331 {add = true, strides = array<i32>} : memref<512x16xf32, #tpu.memory_space<vmem>>, vector<1x16xf32>,
        %mul3A_332 = arith.constant 16 : i32
        %mul3A_333 = arith.muli %scan3A_271, %mul3A_332 : i32
        %add3A_334 = arith.constant 3 : i32
        %add3A_335 = arith.addi %mul3A_333, %add3A_334 : i32
        %get3A_336 = arith.index_cast %add3A_335 : i32 to index
        %get3A_337 = arith.constant 0 : index
        %get3A_338 = tpu.vector_load %arg10[%get3A_336, %get3A_337] {strides = array<i32>} : memref<1024x16xf32, #tpu.memory_space<vmem>>, vector<1x16xf32>,
        %get3A_339 = vector.shape_cast %get3A_338 : vector<1x16xf32> to vector<16xf32>
        %add3A_340 = arith.constant 512 : i32
        %add3A_341 = arith.addi %add3A_340, %add3A_335 : i32
        %get3A_342 = arith.index_cast %add3A_341 : i32 to index
        %get3A_343 = arith.constant 0 : index
        %get3A_344 = tpu.vector_load %arg10[%get3A_342, %get3A_343] {strides = array<i32>} : memref<1024x16xf32, #tpu.memory_space<vmem>>, vector<1x16xf32>,
        %get3A_345 = vector.shape_cast %get3A_344 : vector<1x16xf32> to vector<16xf32>
        %add3A_346 = arith.addf %get3A_339, %get3A_345 : vector<16xf32>
        %swap3A_347 = arith.index_cast %add3A_335 : i32 to index
        %swap3A_348 = arith.constant 0 : index
        %swap3A_349 = tpu.vector_load %arg11[%swap3A_347, %swap3A_348] {strides = array<i32>} : memref<512x16xf32, #tpu.memory_space<vmem>>, vector<1x16xf32>,
        %swap3A_350 = vector.shape_cast %swap3A_349 : vector<1x16xf32> to vector<16xf32>
        %swap3A_351 = vector.shape_cast %add3A_346 : vector<16xf32> to vector<1x16xf32>
        tpu.vector_store %arg11[%swap3A_347, %swap3A_348], %swap3A_351 {add = true, strides = array<i32>} : memref<512x16xf32, #tpu.memory_space<vmem>>, vector<1x16xf32>,
        %mul3A_352 = arith.constant 16 : i32
        %mul3A_353 = arith.muli %scan3A_271, %mul3A_352 : i32
        %add3A_354 = arith.constant 4 : i32
        %add3A_355 = arith.addi %mul3A_353, %add3A_354 : i32
        %get3A_356 = arith.index_cast %add3A_355 : i32 to index
        %get3A_357 = arith.constant 0 : index
        %get3A_358 = tpu.vector_load %arg10[%get3A_356, %get3A_357] {strides = array<i32>} : memref<1024x16xf32, #tpu.memory_space<vmem>>, vector<1x16xf32>,
        %get3A_359 = vector.shape_cast %get3A_358 : vector<1x16xf32> to vector<16xf32>
        %add3A_360 = arith.constant 512 : i32
        %add3A_361 = arith.addi %add3A_360, %add3A_355 : i32
        %get3A_362 = arith.index_cast %add3A_361 : i32 to index
        %get3A_363 = arith.constant 0 : index
        %get3A_364 = tpu.vector_load %arg10[%get3A_362, %get3A_363] {strides = array<i32>} : memref<1024x16xf32, #tpu.memory_space<vmem>>, vector<1x16xf32>,
        %get3A_365 = vector.shape_cast %get3A_364 : vector<1x16xf32> to vector<16xf32>
        %add3A_366 = arith.addf %get3A_359, %get3A_365 : vector<16xf32>
        %swap3A_367 = arith.index_cast %add3A_355 : i32 to index
        %swap3A_368 = arith.constant 0 : index
        %swap3A_369 = tpu.vector_load %arg11[%swap3A_367, %swap3A_368] {strides = array<i32>} : memref<512x16xf32, #tpu.memory_space<vmem>>, vector<1x16xf32>,
        %swap3A_370 = vector.shape_cast %swap3A_369 : vector<1x16xf32> to vector<16xf32>
        %swap3A_371 = vector.shape_cast %add3A_366 : vector<16xf32> to vector<1x16xf32>
        tpu.vector_store %arg11[%swap3A_367, %swap3A_368], %swap3A_371 {add = true, strides = array<i32>} : memref<512x16xf32, #tpu.memory_space<vmem>>, vector<1x16xf32>,
        %mul3A_372 = arith.constant 16 : i32
        %mul3A_373 = arith.muli %scan3A_271, %mul3A_372 : i32
        %add3A_374 = arith.constant 5 : i32
        %add3A_375 = arith.addi %mul3A_373, %add3A_374 : i32
        %get3A_376 = arith.index_cast %add3A_375 : i32 to index
        %get3A_377 = arith.constant 0 : index
        %get3A_378 = tpu.vector_load %arg10[%get3A_376, %get3A_377] {strides = array<i32>} : memref<1024x16xf32, #tpu.memory_space<vmem>>, vector<1x16xf32>,
        %get3A_379 = vector.shape_cast %get3A_378 : vector<1x16xf32> to vector<16xf32>
        %add3A_380 = arith.constant 512 : i32
        %add3A_381 = arith.addi %add3A_380, %add3A_375 : i32
        %get3A_382 = arith.index_cast %add3A_381 : i32 to index
        %get3A_383 = arith.constant 0 : index
        %get3A_384 = tpu.vector_load %arg10[%get3A_382, %get3A_383] {strides = array<i32>} : memref<1024x16xf32, #tpu.memory_space<vmem>>, vector<1x16xf32>,
        %get3A_385 = vector.shape_cast %get3A_384 : vector<1x16xf32> to vector<16xf32>
        %add3A_386 = arith.addf %get3A_379, %get3A_385 : vector<16xf32>
        %swap3A_387 = arith.index_cast %add3A_375 : i32 to index
        %swap3A_388 = arith.constant 0 : index
        %swap3A_389 = tpu.vector_load %arg11[%swap3A_387, %swap3A_388] {strides = array<i32>} : memref<512x16xf32, #tpu.memory_space<vmem>>, vector<1x16xf32>,
        %swap3A_390 = vector.shape_cast %swap3A_389 : vector<1x16xf32> to vector<16xf32>
        %swap3A_391 = vector.shape_cast %add3A_386 : vector<16xf32> to vector<1x16xf32>
        tpu.vector_store %arg11[%swap3A_387, %swap3A_388], %swap3A_391 {add = true, strides = array<i32>} : memref<512x16xf32, #tpu.memory_space<vmem>>, vector<1x16xf32>,
        %mul3A_392 = arith.constant 16 : i32
        %mul3A_393 = arith.muli %scan3A_271, %mul3A_392 : i32
        %add3A_394 = arith.constant 6 : i32
        %add3A_395 = arith.addi %mul3A_393, %add3A_394 : i32
        %get3A_396 = arith.index_cast %add3A_395 : i32 to index
        %get3A_397 = arith.constant 0 : index
        %get3A_398 = tpu.vector_load %arg10[%get3A_396, %get3A_397] {strides = array<i32>} : memref<1024x16xf32, #tpu.memory_space<vmem>>, vector<1x16xf32>,
        %get3A_399 = vector.shape_cast %get3A_398 : vector<1x16xf32> to vector<16xf32>
        %add3A_400 = arith.constant 512 : i32
        %add3A_401 = arith.addi %add3A_400, %add3A_395 : i32
        %get3A_402 = arith.index_cast %add3A_401 : i32 to index
        %get3A_403 = arith.constant 0 : index
        %get3A_404 = tpu.vector_load %arg10[%get3A_402, %get3A_403] {strides = array<i32>} : memref<1024x16xf32, #tpu.memory_space<vmem>>, vector<1x16xf32>,
        %get3A_405 = vector.shape_cast %get3A_404 : vector<1x16xf32> to vector<16xf32>
        %add3A_406 = arith.addf %get3A_399, %get3A_405 : vector<16xf32>
        %swap3A_407 = arith.index_cast %add3A_395 : i32 to index
        %swap3A_408 = arith.constant 0 : index
        %swap3A_409 = tpu.vector_load %arg11[%swap3A_407, %swap3A_408] {strides = array<i32>} : memref<512x16xf32, #tpu.memory_space<vmem>>, vector<1x16xf32>,
        %swap3A_410 = vector.shape_cast %swap3A_409 : vector<1x16xf32> to vector<16xf32>
        %swap3A_411 = vector.shape_cast %add3A_406 : vector<16xf32> to vector<1x16xf32>
        tpu.vector_store %arg11[%swap3A_407, %swap3A_408], %swap3A_411 {add = true, strides = array<i32>} : memref<512x16xf32, #tpu.memory_space<vmem>>, vector<1x16xf32>,
        %mul3A_412 = arith.constant 16 : i32
        %mul3A_413 = arith.muli %scan3A_271, %mul3A_412 : i32
        %add3A_414 = arith.constant 7 : i32
        %add3A_415 = arith.addi %mul3A_413, %add3A_414 : i32
        %get3A_416 = arith.index_cast %add3A_415 : i32 to index
        %get3A_417 = arith.constant 0 : index
        %get3A_418 = tpu.vector_load %arg10[%get3A_416, %get3A_417] {strides = array<i32>} : memref<1024x16xf32, #tpu.memory_space<vmem>>, vector<1x16xf32>,
        %get3A_419 = vector.shape_cast %get3A_418 : vector<1x16xf32> to vector<16xf32>
        %add3A_420 = arith.constant 512 : i32
        %add3A_421 = arith.addi %add3A_420, %add3A_415 : i32
        %get3A_422 = arith.index_cast %add3A_421 : i32 to index
        %get3A_423 = arith.constant 0 : index
        %get3A_424 = tpu.vector_load %arg10[%get3A_422, %get3A_423] {strides = array<i32>} : memref<1024x16xf32, #tpu.memory_space<vmem>>, vector<1x16xf32>,
        %get3A_425 = vector.shape_cast %get3A_424 : vector<1x16xf32> to vector<16xf32>
        %add3A_426 = arith.addf %get3A_419, %get3A_425 : vector<16xf32>
        %swap3A_427 = arith.index_cast %add3A_415 : i32 to index
        %swap3A_428 = arith.constant 0 : index
        %swap3A_429 = tpu.vector_load %arg11[%swap3A_427, %swap3A_428] {strides = array<i32>} : memref<512x16xf32, #tpu.memory_space<vmem>>, vector<1x16xf32>,
        %swap3A_430 = vector.shape_cast %swap3A_429 : vector<1x16xf32> to vector<16xf32>
        %swap3A_431 = vector.shape_cast %add3A_426 : vector<16xf32> to vector<1x16xf32>
        tpu.vector_store %arg11[%swap3A_427, %swap3A_428], %swap3A_431 {add = true, strides = array<i32>} : memref<512x16xf32, #tpu.memory_space<vmem>>, vector<1x16xf32>,
        %mul3A_432 = arith.constant 16 : i32
        %mul3A_433 = arith.muli %scan3A_271, %mul3A_432 : i32
        %add3A_434 = arith.constant 8 : i32
        %add3A_435 = arith.addi %mul3A_433, %add3A_434 : i32
        %get3A_436 = arith.index_cast %add3A_435 : i32 to index
        %get3A_437 = arith.constant 0 : index
        %get3A_438 = tpu.vector_load %arg10[%get3A_436, %get3A_437] {strides = array<i32>} : memref<1024x16xf32, #tpu.memory_space<vmem>>, vector<1x16xf32>,
        %get3A_439 = vector.shape_cast %get3A_438 : vector<1x16xf32> to vector<16xf32>
        %add3A_440 = arith.constant 512 : i32
        %add3A_441 = arith.addi %add3A_440, %add3A_435 : i32
        %get3A_442 = arith.index_cast %add3A_441 : i32 to index
        %get3A_443 = arith.constant 0 : index
        %get3A_444 = tpu.vector_load %arg10[%get3A_442, %get3A_443] {strides = array<i32>} : memref<1024x16xf32, #tpu.memory_space<vmem>>, vector<1x16xf32>,
        %get3A_445 = vector.shape_cast %get3A_444 : vector<1x16xf32> to vector<16xf32>
        %add3A_446 = arith.addf %get3A_439, %get3A_445 : vector<16xf32>
        %swap3A_447 = arith.index_cast %add3A_435 : i32 to index
        %swap3A_448 = arith.constant 0 : index
        %swap3A_449 = tpu.vector_load %arg11[%swap3A_447, %swap3A_448] {strides = array<i32>} : memref<512x16xf32, #tpu.memory_space<vmem>>, vector<1x16xf32>,
        %swap3A_450 = vector.shape_cast %swap3A_449 : vector<1x16xf32> to vector<16xf32>
        %swap3A_451 = vector.shape_cast %add3A_446 : vector<16xf32> to vector<1x16xf32>
        tpu.vector_store %arg11[%swap3A_447, %swap3A_448], %swap3A_451 {add = true, strides = array<i32>} : memref<512x16xf32, #tpu.memory_space<vmem>>, vector<1x16xf32>,
        %mul3A_452 = arith.constant 16 : i32
        %mul3A_453 = arith.muli %scan3A_271, %mul3A_452 : i32
        %add3A_454 = arith.constant 9 : i32
        %add3A_455 = arith.addi %mul3A_453, %add3A_454 : i32
        %get3A_456 = arith.index_cast %add3A_455 : i32 to index
        %get3A_457 = arith.constant 0 : index
        %get3A_458 = tpu.vector_load %arg10[%get3A_456, %get3A_457] {strides = array<i32>} : memref<1024x16xf32, #tpu.memory_space<vmem>>, vector<1x16xf32>,
        %get3A_459 = vector.shape_cast %get3A_458 : vector<1x16xf32> to vector<16xf32>
        %add3A_460 = arith.constant 512 : i32
        %add3A_461 = arith.addi %add3A_460, %add3A_455 : i32
        %get3A_462 = arith.index_cast %add3A_461 : i32 to index
        %get3A_463 = arith.constant 0 : index
        %get3A_464 = tpu.vector_load %arg10[%get3A_462, %get3A_463] {strides = array<i32>} : memref<1024x16xf32, #tpu.memory_space<vmem>>, vector<1x16xf32>,
        %get3A_465 = vector.shape_cast %get3A_464 : vector<1x16xf32> to vector<16xf32>
        %add3A_466 = arith.addf %get3A_459, %get3A_465 : vector<16xf32>
        %swap3A_467 = arith.index_cast %add3A_455 : i32 to index
        %swap3A_468 = arith.constant 0 : index
        %swap3A_469 = tpu.vector_load %arg11[%swap3A_467, %swap3A_468] {strides = array<i32>} : memref<512x16xf32, #tpu.memory_space<vmem>>, vector<1x16xf32>,
        %swap3A_470 = vector.shape_cast %swap3A_469 : vector<1x16xf32> to vector<16xf32>
        %swap3A_471 = vector.shape_cast %add3A_466 : vector<16xf32> to vector<1x16xf32>
        tpu.vector_store %arg11[%swap3A_467, %swap3A_468], %swap3A_471 {add = true, strides = array<i32>} : memref<512x16xf32, #tpu.memory_space<vmem>>, vector<1x16xf32>,
        %mul3A_472 = arith.constant 16 : i32
        %mul3A_473 = arith.muli %scan3A_271, %mul3A_472 : i32
        %add3A_474 = arith.constant 10 : i32
        %add3A_475 = arith.addi %mul3A_473, %add3A_474 : i32
        %get3A_476 = arith.index_cast %add3A_475 : i32 to index
        %get3A_477 = arith.constant 0 : index
        %get3A_478 = tpu.vector_load %arg10[%get3A_476, %get3A_477] {strides = array<i32>} : memref<1024x16xf32, #tpu.memory_space<vmem>>, vector<1x16xf32>,
        %get3A_479 = vector.shape_cast %get3A_478 : vector<1x16xf32> to vector<16xf32>
        %add3A_480 = arith.constant 512 : i32
        %add3A_481 = arith.addi %add3A_480, %add3A_475 : i32
        %get3A_482 = arith.index_cast %add3A_481 : i32 to index
        %get3A_483 = arith.constant 0 : index
        %get3A_484 = tpu.vector_load %arg10[%get3A_482, %get3A_483] {strides = array<i32>} : memref<1024x16xf32, #tpu.memory_space<vmem>>, vector<1x16xf32>,
        %get3A_485 = vector.shape_cast %get3A_484 : vector<1x16xf32> to vector<16xf32>
        %add3A_486 = arith.addf %get3A_479, %get3A_485 : vector<16xf32>
        %swap3A_487 = arith.index_cast %add3A_475 : i32 to index
        %swap3A_488 = arith.constant 0 : index
        %swap3A_489 = tpu.vector_load %arg11[%swap3A_487, %swap3A_488] {strides = array<i32>} : memref<512x16xf32, #tpu.memory_space<vmem>>, vector<1x16xf32>,
        %swap3A_490 = vector.shape_cast %swap3A_489 : vector<1x16xf32> to vector<16xf32>
        %swap3A_491 = vector.shape_cast %add3A_486 : vector<16xf32> to vector<1x16xf32>
        tpu.vector_store %arg11[%swap3A_487, %swap3A_488], %swap3A_491 {add = true, strides = array<i32>} : memref<512x16xf32, #tpu.memory_space<vmem>>, vector<1x16xf32>,
        %mul3A_492 = arith.constant 16 : i32
        %mul3A_493 = arith.muli %scan3A_271, %mul3A_492 : i32
        %add3A_494 = arith.constant 11 : i32
        %add3A_495 = arith.addi %mul3A_493, %add3A_494 : i32
        %get3A_496 = arith.index_cast %add3A_495 : i32 to index
        %get3A_497 = arith.constant 0 : index
        %get3A_498 = tpu.vector_load %arg10[%get3A_496, %get3A_497] {strides = array<i32>} : memref<1024x16xf32, #tpu.memory_space<vmem>>, vector<1x16xf32>,
        %get3A_499 = vector.shape_cast %get3A_498 : vector<1x16xf32> to vector<16xf32>
        %add3A_500 = arith.constant 512 : i32
        %add3A_501 = arith.addi %add3A_500, %add3A_495 : i32
        %get3A_502 = arith.index_cast %add3A_501 : i32 to index
        %get3A_503 = arith.constant 0 : index
        %get3A_504 = tpu.vector_load %arg10[%get3A_502, %get3A_503] {strides = array<i32>} : memref<1024x16xf32, #tpu.memory_space<vmem>>, vector<1x16xf32>,
        %get3A_505 = vector.shape_cast %get3A_504 : vector<1x16xf32> to vector<16xf32>
        %add3A_506 = arith.addf %get3A_499, %get3A_505 : vector<16xf32>
        %swap3A_507 = arith.index_cast %add3A_495 : i32 to index
        %swap3A_508 = arith.constant 0 : index
        %swap3A_509 = tpu.vector_load %arg11[%swap3A_507, %swap3A_508] {strides = array<i32>} : memref<512x16xf32, #tpu.memory_space<vmem>>, vector<1x16xf32>,
        %swap3A_510 = vector.shape_cast %swap3A_509 : vector<1x16xf32> to vector<16xf32>
        %swap3A_511 = vector.shape_cast %add3A_506 : vector<16xf32> to vector<1x16xf32>
        tpu.vector_store %arg11[%swap3A_507, %swap3A_508], %swap3A_511 {add = true, strides = array<i32>} : memref<512x16xf32, #tpu.memory_space<vmem>>, vector<1x16xf32>,
        %mul3A_512 = arith.constant 16 : i32
        %mul3A_513 = arith.muli %scan3A_271, %mul3A_512 : i32
        %add3A_514 = arith.constant 12 : i32
        %add3A_515 = arith.addi %mul3A_513, %add3A_514 : i32
        %get3A_516 = arith.index_cast %add3A_515 : i32 to index
        %get3A_517 = arith.constant 0 : index
        %get3A_518 = tpu.vector_load %arg10[%get3A_516, %get3A_517] {strides = array<i32>} : memref<1024x16xf32, #tpu.memory_space<vmem>>, vector<1x16xf32>,
        %get3A_519 = vector.shape_cast %get3A_518 : vector<1x16xf32> to vector<16xf32>
        %add3A_520 = arith.constant 512 : i32
        %add3A_521 = arith.addi %add3A_520, %add3A_515 : i32
        %get3A_522 = arith.index_cast %add3A_521 : i32 to index
        %get3A_523 = arith.constant 0 : index
        %get3A_524 = tpu.vector_load %arg10[%get3A_522, %get3A_523] {strides = array<i32>} : memref<1024x16xf32, #tpu.memory_space<vmem>>, vector<1x16xf32>,
        %get3A_525 = vector.shape_cast %get3A_524 : vector<1x16xf32> to vector<16xf32>
        %add3A_526 = arith.addf %get3A_519, %get3A_525 : vector<16xf32>
        %swap3A_527 = arith.index_cast %add3A_515 : i32 to index
        %swap3A_528 = arith.constant 0 : index
        %swap3A_529 = tpu.vector_load %arg11[%swap3A_527, %swap3A_528] {strides = array<i32>} : memref<512x16xf32, #tpu.memory_space<vmem>>, vector<1x16xf32>,
        %swap3A_530 = vector.shape_cast %swap3A_529 : vector<1x16xf32> to vector<16xf32>
        %swap3A_531 = vector.shape_cast %add3A_526 : vector<16xf32> to vector<1x16xf32>
        tpu.vector_store %arg11[%swap3A_527, %swap3A_528], %swap3A_531 {add = true, strides = array<i32>} : memref<512x16xf32, #tpu.memory_space<vmem>>, vector<1x16xf32>,
        %mul3A_532 = arith.constant 16 : i32
        %mul3A_533 = arith.muli %scan3A_271, %mul3A_532 : i32
        %add3A_534 = arith.constant 13 : i32
        %add3A_535 = arith.addi %mul3A_533, %add3A_534 : i32
        %get3A_536 = arith.index_cast %add3A_535 : i32 to index
        %get3A_537 = arith.constant 0 : index
        %get3A_538 = tpu.vector_load %arg10[%get3A_536, %get3A_537] {strides = array<i32>} : memref<1024x16xf32, #tpu.memory_space<vmem>>, vector<1x16xf32>,
        %get3A_539 = vector.shape_cast %get3A_538 : vector<1x16xf32> to vector<16xf32>
        %add3A_540 = arith.constant 512 : i32
        %add3A_541 = arith.addi %add3A_540, %add3A_535 : i32
        %get3A_542 = arith.index_cast %add3A_541 : i32 to index
        %get3A_543 = arith.constant 0 : index
        %get3A_544 = tpu.vector_load %arg10[%get3A_542, %get3A_543] {strides = array<i32>} : memref<1024x16xf32, #tpu.memory_space<vmem>>, vector<1x16xf32>,
        %get3A_545 = vector.shape_cast %get3A_544 : vector<1x16xf32> to vector<16xf32>
        %add3A_546 = arith.addf %get3A_539, %get3A_545 : vector<16xf32>
        %swap3A_547 = arith.index_cast %add3A_535 : i32 to index
        %swap3A_548 = arith.constant 0 : index
        %swap3A_549 = tpu.vector_load %arg11[%swap3A_547, %swap3A_548] {strides = array<i32>} : memref<512x16xf32, #tpu.memory_space<vmem>>, vector<1x16xf32>,
        %swap3A_550 = vector.shape_cast %swap3A_549 : vector<1x16xf32> to vector<16xf32>
        %swap3A_551 = vector.shape_cast %add3A_546 : vector<16xf32> to vector<1x16xf32>
        tpu.vector_store %arg11[%swap3A_547, %swap3A_548], %swap3A_551 {add = true, strides = array<i32>} : memref<512x16xf32, #tpu.memory_space<vmem>>, vector<1x16xf32>,
        %mul3A_552 = arith.constant 16 : i32
        %mul3A_553 = arith.muli %scan3A_271, %mul3A_552 : i32
        %add3A_554 = arith.constant 14 : i32
        %add3A_555 = arith.addi %mul3A_553, %add3A_554 : i32
        %get3A_556 = arith.index_cast %add3A_555 : i32 to index
        %get3A_557 = arith.constant 0 : index
        %get3A_558 = tpu.vector_load %arg10[%get3A_556, %get3A_557] {strides = array<i32>} : memref<1024x16xf32, #tpu.memory_space<vmem>>, vector<1x16xf32>,
        %get3A_559 = vector.shape_cast %get3A_558 : vector<1x16xf32> to vector<16xf32>
        %add3A_560 = arith.constant 512 : i32
        %add3A_561 = arith.addi %add3A_560, %add3A_555 : i32
        %get3A_562 = arith.index_cast %add3A_561 : i32 to index
        %get3A_563 = arith.constant 0 : index
        %get3A_564 = tpu.vector_load %arg10[%get3A_562, %get3A_563] {strides = array<i32>} : memref<1024x16xf32, #tpu.memory_space<vmem>>, vector<1x16xf32>,
        %get3A_565 = vector.shape_cast %get3A_564 : vector<1x16xf32> to vector<16xf32>
        %add3A_566 = arith.addf %get3A_559, %get3A_565 : vector<16xf32>
        %swap3A_567 = arith.index_cast %add3A_555 : i32 to index
        %swap3A_568 = arith.constant 0 : index
        %swap3A_569 = tpu.vector_load %arg11[%swap3A_567, %swap3A_568] {strides = array<i32>} : memref<512x16xf32, #tpu.memory_space<vmem>>, vector<1x16xf32>,
        %swap3A_570 = vector.shape_cast %swap3A_569 : vector<1x16xf32> to vector<16xf32>
        %swap3A_571 = vector.shape_cast %add3A_566 : vector<16xf32> to vector<1x16xf32>
        tpu.vector_store %arg11[%swap3A_567, %swap3A_568], %swap3A_571 {add = true, strides = array<i32>} : memref<512x16xf32, #tpu.memory_space<vmem>>, vector<1x16xf32>,
        %mul3A_572 = arith.constant 16 : i32
        %mul3A_573 = arith.muli %scan3A_271, %mul3A_572 : i32
        %add3A_574 = arith.constant 15 : i32
        %add3A_575 = arith.addi %mul3A_573, %add3A_574 : i32
        %get3A_576 = arith.index_cast %add3A_575 : i32 to index
        %get3A_577 = arith.constant 0 : index
        %get3A_578 = tpu.vector_load %arg10[%get3A_576, %get3A_577] {strides = array<i32>} : memref<1024x16xf32, #tpu.memory_space<vmem>>, vector<1x16xf32>,
        %get3A_579 = vector.shape_cast %get3A_578 : vector<1x16xf32> to vector<16xf32>
        %add3A_580 = arith.constant 512 : i32
        %add3A_581 = arith.addi %add3A_580, %add3A_575 : i32
        %get3A_582 = arith.index_cast %add3A_581 : i32 to index
        %get3A_583 = arith.constant 0 : index
        %get3A_584 = tpu.vector_load %arg10[%get3A_582, %get3A_583] {strides = array<i32>} : memref<1024x16xf32, #tpu.memory_space<vmem>>, vector<1x16xf32>,
        %get3A_585 = vector.shape_cast %get3A_584 : vector<1x16xf32> to vector<16xf32>
        %add3A_586 = arith.addf %get3A_579, %get3A_585 : vector<16xf32>
        %swap3A_587 = arith.index_cast %add3A_575 : i32 to index
        %swap3A_588 = arith.constant 0 : index
        %swap3A_589 = tpu.vector_load %arg11[%swap3A_587, %swap3A_588] {strides = array<i32>} : memref<512x16xf32, #tpu.memory_space<vmem>>, vector<1x16xf32>,
        %swap3A_590 = vector.shape_cast %swap3A_589 : vector<1x16xf32> to vector<16xf32>
        %swap3A_591 = vector.shape_cast %add3A_586 : vector<16xf32> to vector<1x16xf32>
        tpu.vector_store %arg11[%swap3A_587, %swap3A_588], %swap3A_591 {add = true, strides = array<i32>} : memref<512x16xf32, #tpu.memory_space<vmem>>, vector<1x16xf32>,
        %scan3A_592 = arith.constant 0 : i32
        scf.yield %scan3A_592 : i32
      }
      %scan3A_255 = arith.constant 32 : i32
      %add3A_256 = arith.constant 1 : i32
      %add3A_257 = arith.addi %add3A_192, %add3A_256 : i32
      %lt3A_258 = arith.constant 4 : i32
      %lt3A_259 = arith.cmpi slt, %add3A_257, %lt3A_258 : i32
      %convert_element_type3A_260 = arith.extui %lt3A_259 : i1 to i32
      %cond3A_261 = arith.constant 0 : i32
      %cond3A_262 = arith.cmpi ne, %convert_element_type3A_260, %cond3A_261 : i32
      scf.if %cond3A_262 {
        %dma_start3A_271 = arith.constant 1 : i32
        %dma_start3A_272 = arith.constant 0 : i32
        %dma_start3A_273 = tpu.memref_slice %arg7[%dma_start3A_271, %dma_start3A_272] : memref<25x1024xi32, #tpu.memory_space<vmem>> -> memref<1x1024xi32, #tpu.memory_space<vmem>>
        %dma_start3A_274 = tpu.memref_squeeze %dma_start3A_273 : memref<1x1024xi32, #tpu.memory_space<vmem>> -> memref<1024xi32, #tpu.memory_space<vmem>>
        %dma_start3A_275 = arith.constant 0 : i32
        %dma_start3A_276 = arith.constant 0 : i32
        %dma_start3A_277 = tpu.memref_slice %arg4[%dma_start3A_275, %dma_start3A_276] : memref<1015808x16xf32, #tpu.memory_space<hbm>> -> memref<1015808x16xf32, #tpu.memory_space<hbm>>
        tpu.enqueue_indirect_dma source(%dma_start3A_277 : memref<1015808x16xf32, #tpu.memory_space<hbm>>) target(%arg10 : memref<1024x16xf32, #tpu.memory_space<vmem>>) offsets(%dma_start3A_274 : memref<1024xi32, #tpu.memory_space<vmem>>) semaphore(%arg16 : memref<!tpu.dma_semaphore, #tpu.memory_space<semaphore_mem>>)
      } else {
      }
      %add3A_263 = arith.constant 2 : i32
      %add3A_264 = arith.addi %add3A_192, %add3A_263 : i32
      %lt3A_265 = arith.constant 4 : i32
      %lt3A_266 = arith.cmpi slt, %add3A_264, %lt3A_265 : i32
      %convert_element_type3A_267 = arith.extui %lt3A_266 : i1 to i32
      %cond3A_268 = arith.constant 0 : i32
      %cond3A_269 = arith.cmpi ne, %convert_element_type3A_267, %cond3A_268 : i32
      scf.if %cond3A_269 {
        %add3A_271 = arith.constant 2 : i32
        %add3A_272 = arith.addi %add3A_192, %add3A_271 : i32
        %mul3A_273 = arith.constant 25 : i32
        %mul3A_274 = arith.muli %add3A_272, %mul3A_273 : i32
        %add3A_275 = arith.constant 0 : i32
        %add3A_276 = arith.addi %add3A_275, %mul3A_2 : i32
        %dma_start3A_277 = arith.constant 0 : i32
        %dma_start3A_278 = arith.constant 0 : i32
        %dma_start3A_279 = tpu.memref_slice %arg8[%dma_start3A_277, %dma_start3A_278] : memref<25x1024xi32, #tpu.memory_space<vmem>> -> memref<25x512xi32, #tpu.memory_space<vmem>>
        %dma_start3A_280 = tpu.memref_slice %arg2[%mul3A_274, %add3A_276] : memref<100x32768xi32, #tpu.memory_space<hbm>> -> memref<25x512xi32, #tpu.memory_space<hbm>>
        %dma_start3A_281 = arith.constant 0 : i32
        %dma_start3A_282 = arith.constant 0 : i32
        %dma_start3A_283 = tpu.memref_slice %arg8[%dma_start3A_281, %dma_start3A_282] : memref<25x1024xi32, #tpu.memory_space<vmem>> -> memref<25x512xi32, #tpu.memory_space<vmem>>
        %dma_start3A_284 = tpu.memref_slice %arg2[%mul3A_274, %add3A_276] : memref<100x32768xi32, #tpu.memory_space<hbm>> -> memref<25x512xi32, #tpu.memory_space<hbm>>
        tpu.enqueue_dma source(%dma_start3A_284 : memref<25x512xi32, #tpu.memory_space<hbm>>) target(%dma_start3A_283 : memref<25x512xi32, #tpu.memory_space<vmem>>) target_semaphore(%arg18 : memref<!tpu.dma_semaphore, #tpu.memory_space<semaphore_mem>>)
        %mul3A_285 = arith.constant 25 : i32
        %mul3A_286 = arith.muli %add3A_272, %mul3A_285 : i32
        %add3A_287 = arith.constant 16384 : i32
        %add3A_288 = arith.addi %add3A_287, %mul3A_2 : i32
        %dma_start3A_289 = arith.constant 0 : i32
        %dma_start3A_290 = arith.constant 512 : i32
        %dma_start3A_291 = tpu.memref_slice %arg8[%dma_start3A_289, %dma_start3A_290] : memref<25x1024xi32, #tpu.memory_space<vmem>> -> memref<25x512xi32, #tpu.memory_space<vmem>>
        %dma_start3A_292 = tpu.memref_slice %arg2[%mul3A_286, %add3A_288] : memref<100x32768xi32, #tpu.memory_space<hbm>> -> memref<25x512xi32, #tpu.memory_space<hbm>>
        %dma_start3A_293 = arith.constant 0 : i32
        %dma_start3A_294 = arith.constant 512 : i32
        %dma_start3A_295 = tpu.memref_slice %arg8[%dma_start3A_293, %dma_start3A_294] : memref<25x1024xi32, #tpu.memory_space<vmem>> -> memref<25x512xi32, #tpu.memory_space<vmem>>
        %dma_start3A_296 = tpu.memref_slice %arg2[%mul3A_286, %add3A_288] : memref<100x32768xi32, #tpu.memory_space<hbm>> -> memref<25x512xi32, #tpu.memory_space<hbm>>
        tpu.enqueue_dma source(%dma_start3A_296 : memref<25x512xi32, #tpu.memory_space<hbm>>) target(%dma_start3A_295 : memref<25x512xi32, #tpu.memory_space<vmem>>) target_semaphore(%arg18 : memref<!tpu.dma_semaphore, #tpu.memory_space<semaphore_mem>>)
      } else {
      }
      %scan3A_270 = arith.constant 0 : i32
      scf.yield %scan3A_270 : i32
    }
    %scan3A_101 = arith.constant 2 : i32
    %scan3A_102 = arith.constant 0 : i32
    %scan3A_103 = arith.constant 0 : i32
    %scan3A_104 = arith.constant 128 : i32
    %scan3A_105 = arith.addi %scan3A_103, %scan3A_104 : i32
    %scan3A_106 = arith.constant 1 : i32
    %scan3A_107 = scf.for %scan3A_109 = %scan3A_103 to %scan3A_105 step %scan3A_106 iter_args(%scan3A_110 = %scan3A_102) -> (i32)  : i32 {
      %mul3A_111 = arith.constant 4 : i32
      %mul3A_112 = arith.muli %scan3A_109, %mul3A_111 : i32
      %add3A_113 = arith.constant 0 : i32
      %add3A_114 = arith.addi %mul3A_112, %add3A_113 : i32
      %get3A_115 = arith.index_cast %add3A_114 : i32 to index
      %get3A_116 = arith.constant 0 : index
      %get3A_117 = tpu.vector_load %arg11[%get3A_115, %get3A_116] {strides = array<i32>} : memref<512x16xf32, #tpu.memory_space<vmem>>, vector<1x16xf32>,
      %get3A_118 = vector.shape_cast %get3A_117 : vector<1x16xf32> to vector<16xf32>
      %get3A_119 = arith.index_cast %add3A_114 : i32 to index
      %get3A_120 = arith.constant 0 : index
      %get3A_121 = tpu.vector_load %arg13[%get3A_119, %get3A_120] {strides = array<i32>} : memref<512x16xf32, #tpu.memory_space<vmem>>, vector<1x16xf32>,
      %get3A_122 = vector.shape_cast %get3A_121 : vector<1x16xf32> to vector<16xf32>
      %div3A = arith.divf %get3A_118, %get3A_122 : vector<16xf32>
      %add3A_123 = arith.addf %div3A, %get3A_4 : vector<16xf32>
      %swap3A = arith.index_cast %add3A_114 : i32 to index
      %swap3A_124 = arith.constant 0 : index
      %swap3A_125 = tpu.vector_load %arg12[%swap3A, %swap3A_124] {strides = array<i32>} : memref<512x16xf32, #tpu.memory_space<vmem>>, vector<1x16xf32>,
      %swap3A_126 = vector.shape_cast %swap3A_125 : vector<1x16xf32> to vector<16xf32>
      %swap3A_127 = vector.shape_cast %add3A_123 : vector<16xf32> to vector<1x16xf32>
      tpu.vector_store %arg12[%swap3A, %swap3A_124], %swap3A_127 {strides = array<i32>} : memref<512x16xf32, #tpu.memory_space<vmem>>, vector<1x16xf32>,
      %mul3A_128 = arith.constant 4 : i32
      %mul3A_129 = arith.muli %scan3A_109, %mul3A_128 : i32
      %add3A_130 = arith.constant 1 : i32
      %add3A_131 = arith.addi %mul3A_129, %add3A_130 : i32
      %get3A_132 = arith.index_cast %add3A_131 : i32 to index
      %get3A_133 = arith.constant 0 : index
      %get3A_134 = tpu.vector_load %arg11[%get3A_132, %get3A_133] {strides = array<i32>} : memref<512x16xf32, #tpu.memory_space<vmem>>, vector<1x16xf32>,
      %get3A_135 = vector.shape_cast %get3A_134 : vector<1x16xf32> to vector<16xf32>
      %get3A_136 = arith.index_cast %add3A_131 : i32 to index
      %get3A_137 = arith.constant 0 : index
      %get3A_138 = tpu.vector_load %arg13[%get3A_136, %get3A_137] {strides = array<i32>} : memref<512x16xf32, #tpu.memory_space<vmem>>, vector<1x16xf32>,
      %get3A_139 = vector.shape_cast %get3A_138 : vector<1x16xf32> to vector<16xf32>
      %div3A_140 = arith.divf %get3A_135, %get3A_139 : vector<16xf32>
      %add3A_141 = arith.addf %div3A_140, %get3A_4 : vector<16xf32>
      %swap3A_142 = arith.index_cast %add3A_131 : i32 to index
      %swap3A_143 = arith.constant 0 : index
      %swap3A_144 = tpu.vector_load %arg12[%swap3A_142, %swap3A_143] {strides = array<i32>} : memref<512x16xf32, #tpu.memory_space<vmem>>, vector<1x16xf32>,
      %swap3A_145 = vector.shape_cast %swap3A_144 : vector<1x16xf32> to vector<16xf32>
      %swap3A_146 = vector.shape_cast %add3A_141 : vector<16xf32> to vector<1x16xf32>
      tpu.vector_store %arg12[%swap3A_142, %swap3A_143], %swap3A_146 {strides = array<i32>} : memref<512x16xf32, #tpu.memory_space<vmem>>, vector<1x16xf32>,
      %mul3A_147 = arith.constant 4 : i32
      %mul3A_148 = arith.muli %scan3A_109, %mul3A_147 : i32
      %add3A_149 = arith.constant 2 : i32
      %add3A_150 = arith.addi %mul3A_148, %add3A_149 : i32
      %get3A_151 = arith.index_cast %add3A_150 : i32 to index
      %get3A_152 = arith.constant 0 : index
      %get3A_153 = tpu.vector_load %arg11[%get3A_151, %get3A_152] {strides = array<i32>} : memref<512x16xf32, #tpu.memory_space<vmem>>, vector<1x16xf32>,
      %get3A_154 = vector.shape_cast %get3A_153 : vector<1x16xf32> to vector<16xf32>
      %get3A_155 = arith.index_cast %add3A_150 : i32 to index
      %get3A_156 = arith.constant 0 : index
      %get3A_157 = tpu.vector_load %arg13[%get3A_155, %get3A_156] {strides = array<i32>} : memref<512x16xf32, #tpu.memory_space<vmem>>, vector<1x16xf32>,
      %get3A_158 = vector.shape_cast %get3A_157 : vector<1x16xf32> to vector<16xf32>
      %div3A_159 = arith.divf %get3A_154, %get3A_158 : vector<16xf32>
      %add3A_160 = arith.addf %div3A_159, %get3A_4 : vector<16xf32>
      %swap3A_161 = arith.index_cast %add3A_150 : i32 to index
      %swap3A_162 = arith.constant 0 : index
      %swap3A_163 = tpu.vector_load %arg12[%swap3A_161, %swap3A_162] {strides = array<i32>} : memref<512x16xf32, #tpu.memory_space<vmem>>, vector<1x16xf32>,
      %swap3A_164 = vector.shape_cast %swap3A_163 : vector<1x16xf32> to vector<16xf32>
      %swap3A_165 = vector.shape_cast %add3A_160 : vector<16xf32> to vector<1x16xf32>
      tpu.vector_store %arg12[%swap3A_161, %swap3A_162], %swap3A_165 {strides = array<i32>} : memref<512x16xf32, #tpu.memory_space<vmem>>, vector<1x16xf32>,
      %mul3A_166 = arith.constant 4 : i32
      %mul3A_167 = arith.muli %scan3A_109, %mul3A_166 : i32
      %add3A_168 = arith.constant 3 : i32
      %add3A_169 = arith.addi %mul3A_167, %add3A_168 : i32
      %get3A_170 = arith.index_cast %add3A_169 : i32 to index
      %get3A_171 = arith.constant 0 : index
      %get3A_172 = tpu.vector_load %arg11[%get3A_170, %get3A_171] {strides = array<i32>} : memref<512x16xf32, #tpu.memory_space<vmem>>, vector<1x16xf32>,
      %get3A_173 = vector.shape_cast %get3A_172 : vector<1x16xf32> to vector<16xf32>
      %get3A_174 = arith.index_cast %add3A_169 : i32 to index
      %get3A_175 = arith.constant 0 : index
      %get3A_176 = tpu.vector_load %arg13[%get3A_174, %get3A_175] {strides = array<i32>} : memref<512x16xf32, #tpu.memory_space<vmem>>, vector<1x16xf32>,
      %get3A_177 = vector.shape_cast %get3A_176 : vector<1x16xf32> to vector<16xf32>
      %div3A_178 = arith.divf %get3A_173, %get3A_177 : vector<16xf32>
      %add3A_179 = arith.addf %div3A_178, %get3A_4 : vector<16xf32>
      %swap3A_180 = arith.index_cast %add3A_169 : i32 to index
      %swap3A_181 = arith.constant 0 : index
      %swap3A_182 = tpu.vector_load %arg12[%swap3A_180, %swap3A_181] {strides = array<i32>} : memref<512x16xf32, #tpu.memory_space<vmem>>, vector<1x16xf32>,
      %swap3A_183 = vector.shape_cast %swap3A_182 : vector<1x16xf32> to vector<16xf32>
      %swap3A_184 = vector.shape_cast %add3A_179 : vector<16xf32> to vector<1x16xf32>
      tpu.vector_store %arg12[%swap3A_180, %swap3A_181], %swap3A_184 {strides = array<i32>} : memref<512x16xf32, #tpu.memory_space<vmem>>, vector<1x16xf32>,
      %scan3A_185 = arith.constant 0 : i32
      scf.yield %scan3A_185 : i32
    }
    %scan3A_108 = arith.constant 128 : i32
    "tpu.region"() ({
      %run_scoped3A = tpu.sem_alloc : memref<!tpu.dma_semaphore, #tpu.memory_space<semaphore_mem>>
      %dma_start3A_109 = arith.constant 0 : i32
      %dma_start3A_110 = tpu.memref_slice %arg6[%mul3A_2, %dma_start3A_109] : memref<16384x16xf32, #tpu.memory_space<hbm>> -> memref<512x16xf32, #tpu.memory_space<hbm>>
      %dma_start3A_111 = arith.constant 0 : i32
      %dma_start3A_112 = tpu.memref_slice %arg6[%mul3A_2, %dma_start3A_111] : memref<16384x16xf32, #tpu.memory_space<hbm>> -> memref<512x16xf32, #tpu.memory_space<hbm>>
      tpu.enqueue_dma source(%arg12 : memref<512x16xf32, #tpu.memory_space<vmem>>) target(%dma_start3A_112 : memref<512x16xf32, #tpu.memory_space<hbm>>) target_semaphore(%run_scoped3A : memref<!tpu.dma_semaphore, #tpu.memory_space<semaphore_mem>>)
      %dma_wait3A_113 = arith.constant 0 : i32
      %dma_wait3A_114 = tpu.memref_slice %arg6[%mul3A_2, %dma_wait3A_113] : memref<16384x16xf32, #tpu.memory_space<hbm>> -> memref<512x16xf32, #tpu.memory_space<hbm>>
      %dma_wait3A_115 = arith.constant 0 : i32
      %dma_wait3A_116 = tpu.memref_slice %arg6[%mul3A_2, %dma_wait3A_115] : memref<16384x16xf32, #tpu.memory_space<hbm>> -> memref<512x16xf32, #tpu.memory_space<hbm>>
      tpu.wait_dma2 semaphore(%run_scoped3A : memref<!tpu.dma_semaphore, #tpu.memory_space<semaphore_mem>>) src(%arg12 : memref<512x16xf32, #tpu.memory_space<vmem>>) dst(%dma_wait3A_116 : memref<512x16xf32, #tpu.memory_space<hbm>>)
      tpu.yield
    }) : () -> ()
    return
  }
}

module attributes {stable_mosaic.version = 14 : i64} {
  func.func @_mm_body(%arg0: i32, %arg1: memref<64x16384xf32, #tpu.memory_space<vmem>>, %arg2: memref<64x16xf32, #tpu.memory_space<vmem>>, %arg3: memref<2048x128xf32, #tpu.memory_space<vmem>>) attributes {dimension_semantics = [#tpu.dimension_semantics<arbitrary>], iteration_bounds = array<i64: 62>, scalar_prefetch = 0 : i64, scratch_operands = 0 : i64, tpu.core_type = #tpu.core_type<tc>, window_params = [{transform_indices = @transform_0, window_bounds = array<i64: 64, 16384>}, {pipeline_mode = #tpu.pipeline_mode<synchronous>, transform_indices = @transform_1, window_bounds = array<i64: 64, 16>}, {transform_indices = @transform_2, window_bounds = array<i64: 2048, 128>}]} {
    %get3A = arith.constant 0 : index
    %get3A_0 = arith.constant 0 : index
    %get3A_1 = vector.load %arg1[%get3A, %get3A_0] : memref<64x16384xf32, #tpu.memory_space<vmem>>, vector<64x16384xf32>
    %convert_element_type3A = arith.truncf %get3A_1 : vector<64x16384xf32> to vector<64x16384xbf16>
    %get3A_2 = arith.constant 0 : index
    %get3A_3 = arith.constant 0 : index
    %get3A_4 = vector.load %arg2[%get3A_2, %get3A_3] : memref<64x16xf32, #tpu.memory_space<vmem>>, vector<64x16xf32>
    %convert_element_type3A_5 = arith.truncf %get3A_4 : vector<64x16xf32> to vector<64x16xbf16>
    %dot_general3A = arith.constant dense<0.000000e+00> : vector<16384x16xf32>
    %dot_general3A_6 = tpu.matmul %convert_element_type3A, %convert_element_type3A_5, %dot_general3A {dimension_numbers = #tpu.dot_dimension_numbers<[0], [0], [1], [1], [0, 1, 1, 1], [], []>, transpose_lhs_hint = false} : vector<64x16384xbf16>, vector<64x16xbf16>, vector<16384x16xf32> -> vector<16384x16xf32>
    %slice3A = vector.extract_strided_slice %dot_general3A_6 {offsets = [0, 0], sizes = [2048, 16], strides = [1, 1]} : vector<16384x16xf32> to vector<2048x16xf32>
    %swap3A = arith.constant 0 : index
    %swap3A_7 = arith.constant 0 : index
    %swap3A_8 = vector.load %arg3[%swap3A, %swap3A_7] : memref<2048x128xf32, #tpu.memory_space<vmem>>, vector<2048x16xf32>
    tpu.vector_store %arg3[%swap3A, %swap3A_7], %slice3A {strides = array<i32>} : memref<2048x128xf32, #tpu.memory_space<vmem>>, vector<2048x16xf32>,
    %slice3A_9 = vector.extract_strided_slice %dot_general3A_6 {offsets = [2048, 0], sizes = [2048, 16], strides = [1, 1]} : vector<16384x16xf32> to vector<2048x16xf32>
    %swap3A_10 = arith.constant 0 : index
    %swap3A_11 = arith.constant 16 : index
    %swap3A_12 = vector.load %arg3[%swap3A_10, %swap3A_11] : memref<2048x128xf32, #tpu.memory_space<vmem>>, vector<2048x16xf32>
    tpu.vector_store %arg3[%swap3A_10, %swap3A_11], %slice3A_9 {strides = array<i32>} : memref<2048x128xf32, #tpu.memory_space<vmem>>, vector<2048x16xf32>,
    %slice3A_13 = vector.extract_strided_slice %dot_general3A_6 {offsets = [4096, 0], sizes = [2048, 16], strides = [1, 1]} : vector<16384x16xf32> to vector<2048x16xf32>
    %swap3A_14 = arith.constant 0 : index
    %swap3A_15 = arith.constant 32 : index
    %swap3A_16 = vector.load %arg3[%swap3A_14, %swap3A_15] : memref<2048x128xf32, #tpu.memory_space<vmem>>, vector<2048x16xf32>
    tpu.vector_store %arg3[%swap3A_14, %swap3A_15], %slice3A_13 {strides = array<i32>} : memref<2048x128xf32, #tpu.memory_space<vmem>>, vector<2048x16xf32>,
    %slice3A_17 = vector.extract_strided_slice %dot_general3A_6 {offsets = [6144, 0], sizes = [2048, 16], strides = [1, 1]} : vector<16384x16xf32> to vector<2048x16xf32>
    %swap3A_18 = arith.constant 0 : index
    %swap3A_19 = arith.constant 48 : index
    %swap3A_20 = vector.load %arg3[%swap3A_18, %swap3A_19] : memref<2048x128xf32, #tpu.memory_space<vmem>>, vector<2048x16xf32>
    tpu.vector_store %arg3[%swap3A_18, %swap3A_19], %slice3A_17 {strides = array<i32>} : memref<2048x128xf32, #tpu.memory_space<vmem>>, vector<2048x16xf32>,
    %slice3A_21 = vector.extract_strided_slice %dot_general3A_6 {offsets = [8192, 0], sizes = [2048, 16], strides = [1, 1]} : vector<16384x16xf32> to vector<2048x16xf32>
    %swap3A_22 = arith.constant 0 : index
    %swap3A_23 = arith.constant 64 : index
    %swap3A_24 = vector.load %arg3[%swap3A_22, %swap3A_23] : memref<2048x128xf32, #tpu.memory_space<vmem>>, vector<2048x16xf32>
    tpu.vector_store %arg3[%swap3A_22, %swap3A_23], %slice3A_21 {strides = array<i32>} : memref<2048x128xf32, #tpu.memory_space<vmem>>, vector<2048x16xf32>,
    %slice3A_25 = vector.extract_strided_slice %dot_general3A_6 {offsets = [10240, 0], sizes = [2048, 16], strides = [1, 1]} : vector<16384x16xf32> to vector<2048x16xf32>
    %swap3A_26 = arith.constant 0 : index
    %swap3A_27 = arith.constant 80 : index
    %swap3A_28 = vector.load %arg3[%swap3A_26, %swap3A_27] : memref<2048x128xf32, #tpu.memory_space<vmem>>, vector<2048x16xf32>
    tpu.vector_store %arg3[%swap3A_26, %swap3A_27], %slice3A_25 {strides = array<i32>} : memref<2048x128xf32, #tpu.memory_space<vmem>>, vector<2048x16xf32>,
    %slice3A_29 = vector.extract_strided_slice %dot_general3A_6 {offsets = [12288, 0], sizes = [2048, 16], strides = [1, 1]} : vector<16384x16xf32> to vector<2048x16xf32>
    %swap3A_30 = arith.constant 0 : index
    %swap3A_31 = arith.constant 96 : index
    %swap3A_32 = vector.load %arg3[%swap3A_30, %swap3A_31] : memref<2048x128xf32, #tpu.memory_space<vmem>>, vector<2048x16xf32>
    tpu.vector_store %arg3[%swap3A_30, %swap3A_31], %slice3A_29 {strides = array<i32>} : memref<2048x128xf32, #tpu.memory_space<vmem>>, vector<2048x16xf32>,
    %slice3A_33 = vector.extract_strided_slice %dot_general3A_6 {offsets = [14336, 0], sizes = [2048, 16], strides = [1, 1]} : vector<16384x16xf32> to vector<2048x16xf32>
    %swap3A_34 = arith.constant 0 : index
    %swap3A_35 = arith.constant 112 : index
    %swap3A_36 = vector.load %arg3[%swap3A_34, %swap3A_35] : memref<2048x128xf32, #tpu.memory_space<vmem>>, vector<2048x16xf32>
    tpu.vector_store %arg3[%swap3A_34, %swap3A_35], %slice3A_33 {strides = array<i32>} : memref<2048x128xf32, #tpu.memory_space<vmem>>, vector<2048x16xf32>,
    return
  }
  func.func @transform_0(%arg0: i32) -> (i32, i32) {
    %c0_i32 = arith.constant 0 : i32
    %c0_i32_0 = arith.constant 0 : i32
    return %c0_i32, %arg0 : i32, i32
  }
  func.func @transform_1(%arg0: i32) -> (i32, i32) {
    %c0_i32 = arith.constant 0 : i32
    %c0_i32_0 = arith.constant 0 : i32
    %c0_i32_1 = arith.constant 0 : i32
    return %c0_i32, %c0_i32_0 : i32, i32
  }
  func.func @transform_2(%arg0: i32) -> (i32, i32) {
    %c0_i32 = arith.constant 0 : i32
    %c0_i32_0 = arith.constant 0 : i32
    return %arg0, %c0_i32 : i32, i32
  }
}

</mosaic_0001>

<sc_bundles>
// kernel: kernel.4.cloned.1.call-start
scs
__scs_entry_jumppad:
0x0: {  	(pc) =	sbr.rel $0x88, $3  }
0x1: {  	(tag) =	ssettag $0x0;
	lr =	simm.s32 $0x1  }
0x2: {  	[smem:$0x3F9C] =	sst lr;
	_ =	strace $0xD0000000  }
0x3: {  	_ = 	snop  }
0x4: {  	_ = 	snop  }
0x5: {  	_ = 	snop  }
0x6: {  	_ = 	snop  }
0x7: {  	_ = 	snop  }
__scs_overlays_trampoline_lowered:
0x8: {  	[smem:$0x3FAB] =	sst s0  }
0x9: {  	[smem:$0x3FAC] =	sst s1  }
0xa: {  	[smem:$0x3FAD] =	sst s2  }
0xb: {  	[smem:$0x3FAE] =	sst s3  }
0xc: {  	[smem:$0x3FAF] =	sst s4  }
0xd: {  	[smem:$0x3FB0] =	sst s5  }
0xe: {  	[smem:$0x3FB1] =	sst s6  }
0xf: {  	[smem:$0x3FB2] =	sst s7  }
0x10: {  	[smem:$0x3FB3] =	sst s8  }
0x11: {  	[smem:$0x3FB4] =	sst s9;
	s0 =	simm.s32 @!p0 $0x0  }
0x12: {  	s1 =	sld [smem:$0x3F9A];
	s0 =	simm.s32 @p0 $0x1  }
0x13: {  	[smem:$0x3FB5] =	sst s0;
	s0 =	simm.s32 @!p1 $0x0  }
0x14: {  	s2 =	sld [smem:$0x3F99];
	s0 =	simm.s32 @p1 $0x1  }
0x15: {  	[smem:$0x3FB6] =	sst s0;
	s0 =	simm.s32 @!p2 $0x0  }
0x16: {  	s3 =	sld [smem:$0x3FDB];
	s0 =	simm.s32 @p2 $0x1  }
0x17: {  	s4 =	simm.s32 $0x1BF5;
	[smem:$0x3FB8] =	sst s0  }
0x18: {  	s0 =	sld [smem:$0x3F9B];
	_ =	swait.ge [sflag:s4], $0x0  }
0x19: {  	s7 =	sld [smem:$0x3F9C]  }
0x1a: {  	s8 =	sadd.s32 $0xFFFFE003, lr  }
0x1b: {  	s9 =	sadd.s32 $0xFFFFFEF7, lr;
	s5 =	simm.s32 $0xFFFFFFFF;
	p2 =	slt.u32 s8, $0xFFFFF086  }
0x1c: {  	p1 =	slt.u32 s9, $0xF7A;
	s5 =	simm.s32 @!p2 $0x0  }
0x1d: {  	s5 =	simm.s32 @p1 $0x1;
	p0 =	seq.s32 s7, s2  }
0x1e: {  	s7 =	smul.u32 @!p0 $0xF7A, s2;
	p2 =	seq.s32 @!p0 s5, $0x0  }
0x1f: {  	s9 =	smul.u32 $0xF7A, s1;
	s8 =	simm.s32 @!p0 $0x1BF5;
	p2 =	por !p2, p0  }
0x20: {  	[sflag:s8] =	ssyncset.s32 @!p0 $0xFFFFF086;
	s6 =	sadd.s32 @!p0 s3, s7;
	s7 =	simm.s32 @!p0 $0x108  }
0x21: {  	s3 =	sadd.s32 s3, s9;
	s6 =	sadd.s32 @!p0 $0x88, s6;
	s7 =	simm.s32 @p2 $0x1082  }
0x22: {  	[simem:s7], [sflag:s8] =	dma.local @!p0 [hbm:s6], $0xF7A  }
0x23: {  	s9 =	sor.u32 $0xD0000000, s2;
	s6 =	simm.s32 $0x108;
	_ =	swait.ge @!p0 [sflag:s8], $0x0  }
0x24: {  	s3 =	sadd.s32 $0x88, s3;
	s6 =	simm.s32 @!p1 $0x1082;
	[sflag:s4] =	ssyncset.s32 $0xFFFFF086  }
0x25: {  	[simem:s6], [sflag:s4] =	dma.local [hbm:s3], $0xF7A  }
0x26: {  	[smem:$0x3F9C] =	sst s1;
	(tag) =	ssettag s2;
	_ =	strace s9  }
0x27: {  	s1 =	sld [smem:$0x3FAC]  }
0x28: {  	s2 =	sld [smem:$0x3FAD]  }
0x29: {  	s4 =	sld [smem:$0x3FAF]  }
0x2a: {  	p0 =	seq.s32 s5, $0x0;
	s5 =	sld [smem:$0x3FB0]  }
0x2b: {  	s6 =	sld [smem:$0x3FB1]  }
0x2c: {  	s7 =	sld [smem:$0x3FB2]  }
0x2d: {  	s3 =	simm.s32 $0x108;
	s8 =	sld [smem:$0x3FB3]  }
0x2e: {  	s3 =	simm.s32 @!p0 $0x1082;
	s9 =	sld [smem:$0x3FB4]  }
0x2f: {  	lr =	sadd.s32 s0, s3;
	s0 =	sld [smem:$0x3FAB]  }
0x30: {  	s3 =	sld [smem:$0x3FAE]  }
0x31: {  	[smem:$0x3FB7] =	sst s10  }
0x32: {  	s10 =	sld [smem:$0x3FB5];
	_ =	sdelay $0x3  }
0x33: {  	p0 =	seq.s32 s10, $0x1;
	s10 =	sld [smem:$0x3FB7];
	_ =	sdelay $0x3  }
0x34: {  	[smem:$0x3FB7] =	sst s10  }
0x35: {  	s10 =	sld [smem:$0x3FB6];
	_ =	sdelay $0x3  }
0x36: {  	p1 =	seq.s32 s10, $0x1;
	s10 =	sld [smem:$0x3FB7];
	_ =	sdelay $0x3  }
0x37: {  	[smem:$0x3FB7] =	sst s10  }
0x38: {  	s10 =	sld [smem:$0x3FB8]  }
0x39: {  	_ = 	snop;
	(pc) =	sbr.ind lr, $3  }
0x3a: {  	_ = 	snop  }
0x3b: {  	_ = 	snop  }
0x3c: {  	p2 =	seq.s32 s10, $0x1;
	s10 =	sld [smem:$0x3FB7]  }
0x3d: {  	_ =	shalt  }
0x3e: {  	_ =	shalt  }
0x3f: {  	_ =	shalt  }
0x40: {  	_ =	shalt  }
0x41: {  	_ =	shalt  }
0x42: {  	_ =	shalt  }
0x43: {  	_ =	shalt  }
0x44: {  	_ =	shalt  }
0x45: {  	_ =	shalt  }
0x46: {  	_ =	shalt  }
0x47: {  	_ =	shalt  }
0x48: {  	_ =	shalt  }
0x49: {  	_ =	shalt  }
0x4a: {  	_ =	shalt  }
0x4b: {  	_ =	shalt  }
0x4c: {  	_ =	shalt  }
0x4d: {  	_ =	shalt  }
0x4e: {  	_ =	shalt  }
0x4f: {  	_ =	shalt  }
0x50: {  	_ =	shalt  }
0x51: {  	_ =	shalt  }
0x52: {  	_ =	shalt  }
0x53: {  	_ =	shalt  }
0x54: {  	_ =	shalt  }
0x55: {  	_ =	shalt  }
0x56: {  	_ =	shalt  }
0x57: {  	_ =	shalt  }
0x58: {  	_ =	shalt  }
0x59: {  	_ =	shalt  }
0x5a: {  	_ =	shalt  }
0x5b: {  	_ =	shalt  }
0x5c: {  	_ =	shalt  }
0x5d: {  	_ =	shalt  }
0x5e: {  	_ =	shalt  }
0x5f: {  	_ =	shalt  }
0x60: {  	_ =	shalt  }
0x61: {  	_ =	shalt  }
0x62: {  	_ =	shalt  }
0x63: {  	_ =	shalt  }
0x64: {  	_ =	shalt  }
0x65: {  	_ =	shalt  }
0x66: {  	_ =	shalt  }
0x67: {  	_ =	shalt  }
0x68: {  	_ =	shalt  }
0x69: {  	_ =	shalt  }
0x6a: {  	_ =	shalt  }
0x6b: {  	_ =	shalt  }
0x6c: {  	_ =	shalt  }
0x6d: {  	_ =	shalt  }
0x6e: {  	_ =	shalt  }
0x6f: {  	_ =	shalt  }
0x70: {  	_ =	shalt  }
0x71: {  	_ =	shalt  }
0x72: {  	_ =	shalt  }
0x73: {  	_ =	shalt  }
0x74: {  	_ =	shalt  }
0x75: {  	_ =	shalt  }
0x76: {  	_ =	shalt  }
0x77: {  	_ =	shalt  }
0x78: {  	_ =	shalt  }
0x79: {  	_ =	shalt  }
0x7a: {  	_ =	shalt  }
0x7b: {  	_ =	shalt  }
0x7c: {  	_ =	shalt  }
0x7d: {  	_ =	shalt  }
0x7e: {  	_ =	shalt  }
0x7f: {  	_ =	shalt  }
0x80: {  	_ =	shalt  }
0x81: {  	_ =	shalt  }
0x82: {  	_ =	shalt  }
0x83: {  	_ =	shalt  }
0x84: {  	_ =	shalt  }
0x85: {  	_ =	shalt  }
0x86: {  	_ =	shalt  }
0x87: {  	_ =	shalt  }
.Lfunc_end0:
.L_simem_size_0:
called_computation_lowered:
.L_overlay_start_0:
0x88: {  	s2 =	sld [smem:$0x3FD9]  }
0x89: {  	s3 =	sld [smem:$0x3FFE];
	_ =	sdelay $0x1  }
0x8a: {  	s1 =	srdreg.scid  }
0x8b: {  	s0 =	sand.u32 $0x1, s1  }
0x8c: {  	s17 =	sshll.u32 s0, $0xA;
	s2 =	sadd.s32 s3, s2  }
0x8d: {  	s2 =	sadd.s32 s2, s17  }
0x8e: {  	[smem:$0x3FC3] =	sst s2  }
0x8f: {  	_ = 	snop  }
0x90: {  	s2 =	sld [smem:$0x3FC5]  }
0x91: {  	s18 =	sld [smem:$0x3FD0];
	(tm) =	ssettm $0x1  }
0x92: {  	s4 =	sld [smem:$0x3FFB];
	_ =	sdelay $0x3  }
0x93: {  	_ =	strace s4  }
0x94: {  	s4 =	sld [smem:$0x3FFC];
	_ =	sdelay $0x3  }
0x95: {  	_ =	strace s4  }
0x96: {  	s4 =	sld [smem:$0x3FFD];
	_ =	sdelay $0x3  }
0x97: {  	_ =	strace s4  }
0x98: {  	_ =	strace $0x8FFFFFFF  }
0x99: {  	s19 =	sld [smem:$0x3FDB];
	_ =	sdelay $0x1  }
0x9a: {  	s5 =	simm.s32 $_scs_section_size  }
0x9b: {  	s6 =	simm.s32 $_size__tile_overlayer_lowered;
	s7 =	simm.s32 $_tile_overlayer_lowered  }
0x9c: {  	s22 =	simm.s32 $0x1BFF;
	s21 =	sshll.u32 s7, $0x1;
	s4 =	sadd.s32 s5, s19  }
0x9d: {  	s8 =	simm.s32 $0x0;
	s20 =	sshll.u32 s6, $0x1;
	s6 =	sadd.s32 s21, s4  }
0x9e: {  	[timem:s8], [sflag:s22] =	dma.local [hbm:s6], s20  }
0x9f: {  	_ =	swait.ge [sflag:s22], s20  }
0xa0: {  	s5 =	ssub.s32 $0x0, s20;
	[sflag:s22] =	ssyncset.done $0x0  }
0xa1: {  	[sflag:s22] =	ssyncadd.s32 s5;
	_ =	sdelay $0x1  }
0xa2: {  	s23 =	simm.s32 $0x1B8B  }
0xa3: {  	_ =	swait.ge [sflag:s23], $0x1  }
0xa4: {  	[sflag:s23] =	ssyncset.done $0x0  }
0xa5: {  	s25 =	simm.s32 $0x1B8E;
	s24 =	sld [smem:$0x3FFE];
	[sflag:s23] =	ssyncadd.s32 $0xFFFFFFFF  }
0xa6: {  	s26 =	simm.s32 $execute0_lowered;
	[smem:$0x3FD2] =	sst s25  }
0xa7: {  	s6 =	sshll.u32 s26, $0x1;
	_ =	strace $0x80000046;
	[dreg:$0x1] =	wrdreg $0xFFFFFFFF  }
0xa8: {  	s28 =	simm.s32 $_size_execute0_lowered;
	s4 =	sadd.s32 s4, s6;
	[dreg:$0x0] =	wrdreg $0x0  }
0xa9: {  	s6 =	sshll.u32 s28, $0x1;
	[dreg:$0x2] =	wrdreg s4  }
0xaa: {  	[dreg:$0x3] =	wrdreg s6  }
0xab: {  	[dreg:$0x4] =	wrdreg $0xC0  }
0xac: {  	_ =	task [dreg:s8], $0x5FFFF  }
0xad: {  	[dreg:$0x1] =	wrdreg $0xFFFFFFFF  }
0xae: {  	[dreg:$0x0] =	wrdreg $0x60  }
0xaf: {  	[dreg:$0x2] =	wrdreg s24  }
0xb0: {  	[dreg:$0x3] =	wrdreg s18  }
0xb1: {  	[dreg:$0x4] =	wrdreg s2  }
0xb2: {  	[dreg:$0x5] =	wrdreg $0x9  }
0xb3: {  	_ =	task.clear_ibuf [dreg:s8], $0x6FFFF;
	_ =	strace $0x90000046  }
0xb4: {  	s29 =	simm.s32 $0x9;
	_ =	strace $0x80000048  }
0xb5: {  	_ =	swait.ge [sflag:s29], $0x1  }
0xb6: {  	[sflag:s29] =	ssyncadd.s32 $0xFFFFFFFF  }
0xb7: {  	_ =	strace $0x90000048  }
0xb8: {  	_ =	sfence  }
0xb9: {  	s30 =	sld [smem:$0x0];
	_ =	sdelay $0x2  }
0xba: {  	s31 =	sshll.u32 s1, $0xD;
	s1 =	sshrl.u32 s1, $0x2  }
0xbb: {  	s3 =	sand.u32 $0x4000, s31;
	s1 =	sadd.s32 s1, s30  }
0xbc: {  	s0 =	sor.u32 s3, s0;
	s1 =	sshll.u32 s1, $0x11  }
0xbd: {  	s0 =	sor.u32 s1, s0  }
0xbe: {  	s0 =	sadd.s32 $0x8F2B, s0  }
0xbf: {  	[sflag:s0] =	ssyncadd.remote.s32 $0x1  }
0xc0: {  	_ =	sfence.sel $0xFFFF  }
0xc1: {  	[dreg:$0x0] =	wrdreg $0xFFFFFFFF;
	(pc) =	sbr.abs _section_cstart, $3  }
0xc2: {  	[dreg:$0x1] =	wrdreg $0xFFFFFFFF  }
0xc3: {  	_ =	task.clear_ibuf [dreg:s8], $0x2FFFF;
	_ =	strace $0x9FFFFFFF  }
0xc4: {  	(tm) =	ssettm $0x7FFFFFFF  }
0xc5: {  	_ =	shalt  }
tec
execute0_lowered:
.L_overlay_start_1:
0x0: {  	(tag) =	ssettag $0x1  }
0x1: {  	s0 =	rddreg [dreg:$0x0]  }
0x2: {  	s1 =	rddreg [dreg:$0x1]  }
0x3: {  	s2 =	srdreg.scid;
	s5 =	stileid.u32  }
0x4: {  	s3 =	simm.s32 $0x0;
	s17 =	simm.s32 $0x5;
	s19 =	simm.s32 $0x3  }
0x5: {  	s20 =	simm.s32 $0x400;
	s21 =	simm.s32 $0xC800;
	s22 =	simm.s32 $0x10800  }
0x6: {  	s23 =	simm.s32 $0x1;
	s24 =	simm.s32 $0x2;
	s25 =	simm.s32 $0x6000  }
0x7: {  	s26 =	simm.s32 $0x4;
	s28 =	simm.s32 $0x6400;
	s29 =	simm.s32 $0x6800  }
0x8: {  	s30 =	simm.s32 $0xC400;
	s2 =	sand.u32 $0x1, s2;
	s5 =	sshll.u32 s5, $0x9  }
0x9: {  	[smem:$0x7FF] =	sst s3;
	s4 =	sshll.u32 s2, $0xD;
	s2 =	ssub.s32 $0x2, s2  }
0xa: {  	_ =	strace $0x80000047;
	s4 =	sor.u32 s5, s4;
	s6 =	sshrl.u32 s2, $0x1  }
0xb: {  	s5 =	sshrl.u32 s4, $0x3;
	s31 =	sshll.u32 s4, $0x1;
	s4 =	sadd.s32 $0x64400, s0  }
0xc: {  	s2 =	ssub.s32 s2, s6;
	s13 =	sadd.s32 s5, s0;
	s0 =	sadd.s32 s31, s0  }
0xd: {  	s5 =	sadd.s32 s1, s31;
	s15 =	smax.u32 s2, $0x1;
	s6 =	sadd.s32 $0x400, s13  }
0xe: {  	s7 =	sadd.s32 $0xC00, s13;
	s8 =	sadd.s32 $0x19400, s13;
	s9 =	sadd.s32 $0x19C00, s13  }
0xf: {  	s10 =	sadd.s32 $0x32400, s13;
	s11 =	sadd.s32 $0x32C00, s13;
	s12 =	sadd.s32 $0x4B400, s13  }
0x10: {  	v0 =	vimm.f32 $0.0e+00;
	s13 =	sadd.s32 $0x4BC00, s13;
	s14 =	sadd.s32 $0x254400, s0;
	s0 =	simm.s32 $0x0  }
.LBB2_1:
0x11: {  	s1 =	rddreg [dreg:$0x2];
	s2 =	simm.s32 $0x1A800  }
0x12: {  	[tilespmem:s2], [sflag:$0x5] =	stream.linear.gather [hbm4b:s1+s3], $0x10, $0x38;
	[tilespmem:$0x1A810] =	vst v63  }
0x13: {  	_ =	swait.ge [sflag:s17], $0x10  }
0x14: {  	[sflag:s17] =	ssyncset.done $0x0  }
0x15: {  	s31 =	simm.s32 $0x18800;
	[sflag:s17] =	ssyncadd.s32 $0xFFFFFFF0  }
0x16: {  	[tilespmem:s31], [sflag:$0x5] =	stream.linear.gather [hbm4b:s5+s3], $0x2000, $0x38;
	[tilespmem:$0x1A810] =	vst v63  }
0x17: {  	_ =	swait.ge [sflag:s17], $0x2000  }
0x18: {  	[sflag:s17] =	ssyncset.done $0x0  }
0x19: {  	[sflag:s17] =	ssyncadd.s32 $0xFFFFE000  }
0x1a: {  	v1 =	vld [tilespmem:$0x1A800];
	_ =	sdelay $0x2  }
0x1b: {  	s2 =	simm.s32 $0x100;
	s1 =	simm.s32 $0x0  }
.LBB2_2:
0x1c: {  	p0 =	sne.s32 s2, $0x7F00;
	[tilespmem:s1+$0x14830] =	vst v0;
	s16 =	smov.u32 s2;
	s2 =	sadd.s32 $0x100, s2  }
.Ltmp0:
0x1d: {  	[tilespmem:s1+$0x14820] =	vst v0;
	(pc) =	sbr.rel @p0 .LBB2_2-.Ltmp0, $3  }
0x1e: {  	[tilespmem:s1+$0x14800] =	vst v0  }
0x1f: {  	[tilespmem:s1+$0x14810] =	vst v0;
	_ =	sdelay $0x1  }
0x20: {  	s1 =	sshra.s32 s16, $0x2  }
0x21: {  	[tilespmem:s1+$0x14830] =	vst v0  }
0x22: {  	[tilespmem:s1+$0x14820] =	vst v0  }
0x23: {  	[tilespmem:s1+$0x14800] =	vst v0  }
0x24: {  	[tilespmem:s1+$0x14810] =	vst v0;
	s1 =	simm.s32 $0x1000;
	s2 =	sadd.s32 $0x0, s6;
	s16 =	simm.s32 $0x0  }
.LBB2_4:
0x25: {  	[tilespmem:s16], [sflag:$0x3] =	stream.linear.gather [hbm4b:s2+s3], $0x200, $0x38;
	[tilespmem:$0x1A810] =	vst v63  }
0x26: {  	s16 =	smov.u32 s1;
	p0 =	sne.s32 s1, $0x18000  }
.Ltmp1:
0x27: {  	s1 =	sadd.s32 $0x1000, s1;
	(pc) =	sbr.rel @p0 .LBB2_4-.Ltmp1, $2  }
0x28: {  	_ =	sdelay $0x2  }
0x29: {  	s2 =	sadd.s32 s16, s6;
	s16 =	sshra.s32 s16, $0x2  }
0x2a: {  	[tilespmem:s16], [sflag:$0x3] =	stream.linear.gather [hbm4b:s2+s3], $0x200, $0x38;
	[tilespmem:$0x1A810] =	vst v63  }
0x2b: {  	s1 =	simm.s32 $0x1000;
	s2 =	sadd.s32 $0x0, s7;
	s16 =	simm.s32 $0x200  }
.LBB2_6:
0x2c: {  	[tilespmem:s16], [sflag:$0x3] =	stream.linear.gather [hbm4b:s2+s3], $0x200, $0x38;
	[tilespmem:$0x1A810] =	vst v63  }
0x2d: {  	s2 =	smov.u32 s1;
	p0 =	sne.s32 s1, $0x18000  }
.Ltmp2:
0x2e: {  	s1 =	sadd.s32 $0x1000, s1;
	(pc) =	sbr.rel @p0 .LBB2_6-.Ltmp2, $3  }
0x2f: {  	_ =	sdelay $0x1  }
0x30: {  	s16 =	sshra.s32 s2, $0x2  }
0x31: {  	s2 =	sadd.s32 s2, s7;
	s16 =	sadd.s32 $0x200, s16  }
0x32: {  	[tilespmem:s16], [sflag:$0x3] =	stream.linear.gather [hbm4b:s2+s3], $0x200, $0x38;
	[tilespmem:$0x1A810] =	vst v63  }
0x33: {  	_ =	swait.ge [sflag:s19], $0x3200  }
0x34: {  	[sflag:s19] =	ssyncset.done $0x0  }
0x35: {  	[sflag:s19] =	ssyncadd.s32 $0xFFFFCE00  }
0x36: {  	_ =	swait.ge [sflag:s19], $0x3200  }
0x37: {  	[sflag:s19] =	ssyncset.done $0x0  }
0x38: {  	s1 =	simm.s32 $0x0;
	[sflag:s19] =	ssyncadd.s32 $0xFFFFCE00  }
0x39: {  	[tilespmem:s21], [sflag:$0x1] =	stream.indirect.gather [hbm4b:s4+s20], $0x10, s1, s20, $0xb8;
	[tilespmem:$0x1A810] =	vst v63  }
0x3a: {  	s2 =	sadd.s32 $0x0, s8;
	s16 =	simm.s32 $0x6400;
	s1 =	simm.s32 $0x1000  }
0x3b: {  	[tilespmem:s22], [sflag:$0x2] =	stream.indirect.gather [hbm4b:s4+s20], $0x10, s20, s20, $0xb8;
	[tilespmem:$0x1A810] =	vst v63  }
.LBB2_8:
0x3c: {  	[tilespmem:s16], [sflag:$0x4] =	stream.linear.gather [hbm4b:s2+s3], $0x200, $0x38;
	[tilespmem:$0x1A810] =	vst v63  }
0x3d: {  	s2 =	smov.u32 s1;
	p0 =	sne.s32 s1, $0x18000  }
.Ltmp3:
0x3e: {  	s1 =	sadd.s32 $0x1000, s1;
	(pc) =	sbr.rel @p0 .LBB2_8-.Ltmp3, $3  }
0x3f: {  	_ =	sdelay $0x1  }
0x40: {  	s16 =	sshra.s32 s2, $0x2  }
0x41: {  	s2 =	sadd.s32 s2, s8;
	s16 =	sadd.s32 $0x6400, s16  }
0x42: {  	[tilespmem:s16], [sflag:$0x4] =	stream.linear.gather [hbm4b:s2+s3], $0x200, $0x38;
	[tilespmem:$0x1A810] =	vst v63  }
0x43: {  	s1 =	simm.s32 $0x0  }
.LBB2_10:
0x44: {  	p0 =	sne.s32 s1, $0x18000  }
.Ltmp4:
0x45: {  	_ = 	snop;
	(pc) =	sbr.rel @p0 .LBB2_10-.Ltmp4, $4  }
0x46: {  	_ = 	snop  }
0x47: {  	s2 =	sshra.s32 s1, $0x2  }
0x48: {  	s16 =	sadd.s32 s1, s9;
	s1 =	sadd.s32 $0x1000, s1;
	s2 =	sadd.s32 $0x6600, s2  }
0x49: {  	[tilespmem:s2], [sflag:$0x4] =	stream.linear.gather [hbm4b:s16+s3], $0x200, $0x38;
	[tilespmem:$0x1A810] =	vst v63  }
0x4a: {  	p0 =	por $0x1, $0x1  }
.LBB2_12:
0x4b: {  	s1 =	simm.s32 $0x0  }
.LBB2_13:
0x4c: {  	_ =	swait.ge [sflag:s23], $0x4000  }
0x4d: {  	[sflag:s23] =	ssyncset.done $0x0  }
0x4e: {  	s16 =	simm.s32 $0x0;
	[sflag:s23] =	ssyncadd.s32 $0xFFFFC000  }
0x4f: {  	s2 =	simm.s32 $0x400;
	v2 =	vld [tilespmem:s16+$0xC8F0]  }
.LBB2_14:
0x50: {  	p1 =	sne.s32 s2, $0x7C00;
	v3 =	vld [tilespmem:s16+$0xE8F0]  }
0x51: {  	v4 =	vld [tilespmem:s16+$0xC800]  }
0x52: {  	v5 =	vld [tilespmem:s16+$0xE800]  }
0x53: {  	v6 =	vld [tilespmem:s16+$0xC810]  }
0x54: {  	v7 =	vld [tilespmem:s16+$0xE810]  }
0x55: {  	v8 =	vld [tilespmem:s16+$0xC820];
	v2 =	vadd.f32 v3, v2  }
0x56: {  	v3 =	vld [tilespmem:s16+$0xE820]  }
0x57: {  	v4 =	vadd.f32 v5, v4;
	[tilespmem:s16+$0x148F0] =	vst.add.f32.msk $0xffff, v2  }
0x58: {  	v2 =	vld [tilespmem:s16+$0xC830]  }
0x59: {  	v5 =	vadd.f32 v7, v6;
	v6 =	vld [tilespmem:s16+$0xE830]  }
0x5a: {  	v7 =	vld [tilespmem:s16+$0xC840]  }
0x5b: {  	v3 =	vadd.f32 v3, v8;
	v8 =	vld [tilespmem:s16+$0xE840]  }
0x5c: {  	v9 =	vld [tilespmem:s16+$0xC850]  }
0x5d: {  	v10 =	vld [tilespmem:s16+$0xE850]  }
0x5e: {  	v2 =	vadd.f32 v6, v2;
	v6 =	vld [tilespmem:s16+$0xC860]  }
0x5f: {  	v11 =	vld [tilespmem:s16+$0xE860]  }
0x60: {  	v7 =	vadd.f32 v8, v7;
	v8 =	vld [tilespmem:s16+$0xC870]  }
0x61: {  	v12 =	vld [tilespmem:s16+$0xE870]  }
0x62: {  	v9 =	vadd.f32 v10, v9;
	v10 =	vld [tilespmem:s16+$0xC880]  }
0x63: {  	v13 =	vld [tilespmem:s16+$0xE880]  }
0x64: {  	v6 =	vadd.f32 v11, v6;
	v11 =	vld [tilespmem:s16+$0xC890]  }
0x65: {  	v14 =	vld [tilespmem:s16+$0xE890]  }
0x66: {  	v8 =	vadd.f32 v12, v8;
	v12 =	vld [tilespmem:s16+$0xC8A0]  }
0x67: {  	v15 =	vld [tilespmem:s16+$0xE8A0]  }
0x68: {  	v10 =	vadd.f32 v13, v10;
	v13 =	vld [tilespmem:s16+$0xC8B0]  }
0x69: {  	v16 =	vld [tilespmem:s16+$0xE8B0]  }
0x6a: {  	v11 =	vadd.f32 v14, v11;
	v14 =	vld [tilespmem:s16+$0xC8C0]  }
0x6b: {  	v17 =	vld [tilespmem:s16+$0xE8C0]  }
0x6c: {  	v12 =	vadd.f32 v15, v12;
	v15 =	vld [tilespmem:s16+$0xC8D0]  }
0x6d: {  	v18 =	vld [tilespmem:s16+$0xE8D0]  }
0x6e: {  	v13 =	vadd.f32 v16, v13;
	v16 =	vld [tilespmem:s16+$0xC8E0]  }
0x6f: {  	v19 =	vld [tilespmem:s16+$0xE8E0]  }
0x70: {  	[tilespmem:s16+$0x14800] =	vst.add.f32.msk $0xffff, v4;
	v4 =	vadd.f32 v17, v14  }
0x71: {  	[tilespmem:s16+$0x14810] =	vst.add.f32.msk $0xffff, v5  }
0x72: {  	[tilespmem:s16+$0x14820] =	vst.add.f32.msk $0xffff, v3;
	v3 =	vadd.f32 v18, v15  }
0x73: {  	[tilespmem:s16+$0x14830] =	vst.add.f32.msk $0xffff, v2  }
0x74: {  	[tilespmem:s16+$0x14840] =	vst.add.f32.msk $0xffff, v7;
	v2 =	vadd.f32 v19, v16  }
0x75: {  	[tilespmem:s16+$0x14850] =	vst.add.f32.msk $0xffff, v9  }
0x76: {  	[tilespmem:s16+$0x14860] =	vst.add.f32.msk $0xffff, v6  }
0x77: {  	[tilespmem:s16+$0x14870] =	vst.add.f32.msk $0xffff, v8  }
0x78: {  	[tilespmem:s16+$0x14880] =	vst.add.f32.msk $0xffff, v10  }
0x79: {  	[tilespmem:s16+$0x14890] =	vst.add.f32.msk $0xffff, v11  }
0x7a: {  	[tilespmem:s16+$0x148A0] =	vst.add.f32.msk $0xffff, v12  }
.Ltmp5:
0x7b: {  	[tilespmem:s16+$0x148B0] =	vst.add.f32.msk $0xffff, v13;
	(pc) =	sbr.rel @p1 .LBB2_14-.Ltmp5, $4  }
0x7c: {  	[tilespmem:s16+$0x148C0] =	vst.add.f32.msk $0xffff, v4  }
0x7d: {  	[tilespmem:s16+$0x148D0] =	vst.add.f32.msk $0xffff, v3  }
0x7e: {  	[tilespmem:s16+$0x148E0] =	vst.add.f32.msk $0xffff, v2;
	s16 =	sshra.s32 s2, $0x2  }
0x7f: {  	s2 =	sadd.s32 $0x400, s2;
	v2 =	vld [tilespmem:s16+$0xC8F0]  }
0x80: {  	v3 =	vld [tilespmem:s16+$0xE8F0]  }
0x81: {  	v4 =	vld [tilespmem:s16+$0xC800]  }
0x82: {  	v5 =	vld [tilespmem:s16+$0xE800]  }
0x83: {  	v6 =	vld [tilespmem:s16+$0xC810]  }
0x84: {  	v7 =	vld [tilespmem:s16+$0xE810]  }
0x85: {  	v8 =	vld [tilespmem:s16+$0xC820]  }
0x86: {  	v9 =	vld [tilespmem:s16+$0xE830]  }
0x87: {  	v10 =	vld [tilespmem:s16+$0xC840]  }
0x88: {  	v11 =	vld [tilespmem:s16+$0xE840]  }
0x89: {  	v12 =	vld [tilespmem:s16+$0xC850]  }
0x8a: {  	v13 =	vld [tilespmem:s16+$0xE850]  }
0x8b: {  	v14 =	vld [tilespmem:s16+$0xC860]  }
0x8c: {  	v15 =	vld [tilespmem:s16+$0xE860]  }
0x8d: {  	v16 =	vld [tilespmem:s16+$0xC870]  }
0x8e: {  	v17 =	vld [tilespmem:s16+$0xE870]  }
0x8f: {  	v18 =	vld [tilespmem:s16+$0xC880]  }
0x90: {  	v19 =	vld [tilespmem:s16+$0xE880]  }
0x91: {  	v20 =	vld [tilespmem:s16+$0xC890]  }
0x92: {  	v21 =	vld [tilespmem:s16+$0xE890]  }
0x93: {  	v22 =	vld [tilespmem:s16+$0xC8A0]  }
0x94: {  	v23 =	vld [tilespmem:s16+$0xE8A0]  }
0x95: {  	v24 =	vld [tilespmem:s16+$0xC8B0]  }
0x96: {  	v25 =	vld [tilespmem:s16+$0xE8B0]  }
0x97: {  	v26 =	vld [tilespmem:s16+$0xC8C0]  }
0x98: {  	v27 =	vld [tilespmem:s16+$0xE8C0]  }
0x99: {  	v28 =	vld [tilespmem:s16+$0xC8D0]  }
0x9a: {  	v29 =	vld [tilespmem:s16+$0xE8D0]  }
0x9b: {  	v58 =	vld [tilespmem:s16+$0xC8E0]  }
0x9c: {  	v59 =	vld [tilespmem:s16+$0xE8E0];
	v2 =	vadd.f32 v3, v2  }
0x9d: {  	v3 =	vld [tilespmem:s16+$0xE820]  }
0x9e: {  	v4 =	vadd.f32 v5, v4;
	[tilespmem:s16+$0x148F0] =	vst.add.f32.msk $0xffff, v2  }
0x9f: {  	v6 =	vadd.f32 v7, v6;
	v2 =	vld [tilespmem:s16+$0xC830]  }
0xa0: {  	v60 =	vadd.f32 v11, v10;
	[tilespmem:s16+$0x14800] =	vst.add.f32.msk $0xffff, v4  }
0xa1: {  	v61 =	vadd.f32 v17, v16;
	[tilespmem:s16+$0x14810] =	vst.add.f32.msk $0xffff, v6  }
0xa2: {  	v62 =	vadd.f32 v23, v22;
	[tilespmem:s16+$0x14840] =	vst.add.f32.msk $0xffff, v60  }
0xa3: {  	v63 =	vadd.f32 v29, v28;
	[tilespmem:s16+$0x14870] =	vst.add.f32.msk $0xffff, v61  }
0xa4: {  	[tilespmem:s16+$0x148A0] =	vst.add.f32.msk $0xffff, v62;
	v3 =	vadd.f32 v3, v8  }
0xa5: {  	[tilespmem:s16+$0x148D0] =	vst.add.f32.msk $0xffff, v63;
	v2 =	vadd.f32 v9, v2  }
0xa6: {  	[tilespmem:s16+$0x14820] =	vst.add.f32.msk $0xffff, v3;
	v3 =	vadd.f32 v13, v12  }
0xa7: {  	[tilespmem:s16+$0x14830] =	vst.add.f32.msk $0xffff, v2;
	v2 =	vadd.f32 v15, v14  }
0xa8: {  	[tilespmem:s16+$0x14850] =	vst.add.f32.msk $0xffff, v3;
	v3 =	vadd.f32 v19, v18  }
0xa9: {  	[tilespmem:s16+$0x14860] =	vst.add.f32.msk $0xffff, v2;
	v2 =	vadd.f32 v21, v20  }
0xaa: {  	[tilespmem:s16+$0x14880] =	vst.add.f32.msk $0xffff, v3;
	v3 =	vadd.f32 v25, v24  }
0xab: {  	[tilespmem:s16+$0x14890] =	vst.add.f32.msk $0xffff, v2;
	v2 =	vadd.f32 v27, v26  }
0xac: {  	s2 =	sshll.u32 s1, $0xB;
	[tilespmem:s16+$0x148B0] =	vst.add.f32.msk $0xffff, v3;
	v3 =	vadd.f32 v59, v58  }
0xad: {  	s2 =	sand.u32 $0x3FFFF800, s2;
	[tilespmem:s16+$0x148C0] =	vst.add.f32.msk $0xffff, v2  }
0xae: {  	s31 =	sadd.s32 $0x800, s2;
	[tilespmem:s16+$0x148E0] =	vst.add.f32.msk $0xffff, v3  }
0xaf: {  	[tilespmem:s21], [sflag:$0x1] =	stream.indirect.gather [hbm4b:s4+s20], $0x10, s31, s20, $0xb8;
	[tilespmem:$0x1A810] =	vst v63  }
0xb0: {  	_ =	swait.ge [sflag:s24], $0x4000  }
0xb1: {  	[sflag:s24] =	ssyncset.done $0x0  }
0xb2: {  	s16 =	simm.s32 $0x0;
	[sflag:s24] =	ssyncadd.s32 $0xFFFFC000  }
0xb3: {  	s18 =	simm.s32 $0x400;
	v2 =	vld [tilespmem:s16+$0x108F0]  }
.LBB2_16:
0xb4: {  	p1 =	sne.s32 s18, $0x7C00;
	v3 =	vld [tilespmem:s16+$0x128F0]  }
0xb5: {  	v4 =	vld [tilespmem:s16+$0x10800]  }
0xb6: {  	v5 =	vld [tilespmem:s16+$0x12800]  }
0xb7: {  	v6 =	vld [tilespmem:s16+$0x10810]  }
0xb8: {  	v7 =	vld [tilespmem:s16+$0x12810]  }
0xb9: {  	v8 =	vld [tilespmem:s16+$0x10820];
	v2 =	vadd.f32 v3, v2  }
0xba: {  	v3 =	vld [tilespmem:s16+$0x12820]  }
0xbb: {  	v4 =	vadd.f32 v5, v4;
	[tilespmem:s16+$0x148F0] =	vst.add.f32.msk $0xffff, v2  }
0xbc: {  	v2 =	vld [tilespmem:s16+$0x10830]  }
0xbd: {  	v5 =	vadd.f32 v7, v6;
	v6 =	vld [tilespmem:s16+$0x12830]  }
0xbe: {  	v7 =	vld [tilespmem:s16+$0x10840]  }
0xbf: {  	v3 =	vadd.f32 v3, v8;
	v8 =	vld [tilespmem:s16+$0x12840]  }
0xc0: {  	v9 =	vld [tilespmem:s16+$0x10850]  }
0xc1: {  	v10 =	vld [tilespmem:s16+$0x12850]  }
0xc2: {  	v2 =	vadd.f32 v6, v2;
	v6 =	vld [tilespmem:s16+$0x10860]  }
0xc3: {  	v11 =	vld [tilespmem:s16+$0x12860]  }
0xc4: {  	v7 =	vadd.f32 v8, v7;
	v8 =	vld [tilespmem:s16+$0x10870]  }
0xc5: {  	v12 =	vld [tilespmem:s16+$0x12870]  }
0xc6: {  	v9 =	vadd.f32 v10, v9;
	v10 =	vld [tilespmem:s16+$0x10880]  }
0xc7: {  	v13 =	vld [tilespmem:s16+$0x12880]  }
0xc8: {  	v6 =	vadd.f32 v11, v6;
	v11 =	vld [tilespmem:s16+$0x10890]  }
0xc9: {  	v14 =	vld [tilespmem:s16+$0x12890]  }
0xca: {  	v8 =	vadd.f32 v12, v8;
	v12 =	vld [tilespmem:s16+$0x108A0]  }
0xcb: {  	v15 =	vld [tilespmem:s16+$0x128A0]  }
0xcc: {  	v10 =	vadd.f32 v13, v10;
	v13 =	vld [tilespmem:s16+$0x108B0]  }
0xcd: {  	v16 =	vld [tilespmem:s16+$0x128B0]  }
0xce: {  	v11 =	vadd.f32 v14, v11;
	v14 =	vld [tilespmem:s16+$0x108C0]  }
0xcf: {  	v17 =	vld [tilespmem:s16+$0x128C0]  }
0xd0: {  	v12 =	vadd.f32 v15, v12;
	v15 =	vld [tilespmem:s16+$0x108D0]  }
0xd1: {  	v18 =	vld [tilespmem:s16+$0x128D0]  }
0xd2: {  	v13 =	vadd.f32 v16, v13;
	v16 =	vld [tilespmem:s16+$0x108E0]  }
0xd3: {  	v19 =	vld [tilespmem:s16+$0x128E0]  }
0xd4: {  	[tilespmem:s16+$0x14800] =	vst.add.f32.msk $0xffff, v4;
	v4 =	vadd.f32 v17, v14  }
0xd5: {  	[tilespmem:s16+$0x14810] =	vst.add.f32.msk $0xffff, v5  }
0xd6: {  	[tilespmem:s16+$0x14820] =	vst.add.f32.msk $0xffff, v3;
	v3 =	vadd.f32 v18, v15  }
0xd7: {  	[tilespmem:s16+$0x14830] =	vst.add.f32.msk $0xffff, v2  }
0xd8: {  	[tilespmem:s16+$0x14840] =	vst.add.f32.msk $0xffff, v7;
	v2 =	vadd.f32 v19, v16  }
0xd9: {  	[tilespmem:s16+$0x14850] =	vst.add.f32.msk $0xffff, v9  }
0xda: {  	[tilespmem:s16+$0x14860] =	vst.add.f32.msk $0xffff, v6  }
0xdb: {  	[tilespmem:s16+$0x14870] =	vst.add.f32.msk $0xffff, v8  }
0xdc: {  	[tilespmem:s16+$0x14880] =	vst.add.f32.msk $0xffff, v10  }
0xdd: {  	[tilespmem:s16+$0x14890] =	vst.add.f32.msk $0xffff, v11  }
0xde: {  	[tilespmem:s16+$0x148A0] =	vst.add.f32.msk $0xffff, v12  }
.Ltmp6:
0xdf: {  	[tilespmem:s16+$0x148B0] =	vst.add.f32.msk $0xffff, v13;
	(pc) =	sbr.rel @p1 .LBB2_16-.Ltmp6, $4  }
0xe0: {  	[tilespmem:s16+$0x148C0] =	vst.add.f32.msk $0xffff, v4  }
0xe1: {  	[tilespmem:s16+$0x148D0] =	vst.add.f32.msk $0xffff, v3  }
0xe2: {  	[tilespmem:s16+$0x148E0] =	vst.add.f32.msk $0xffff, v2;
	s16 =	sshra.s32 s18, $0x2  }
0xe3: {  	s18 =	sadd.s32 $0x400, s18;
	v2 =	vld [tilespmem:s16+$0x108F0]  }
0xe4: {  	v3 =	vld [tilespmem:s16+$0x128F0]  }
0xe5: {  	v4 =	vld [tilespmem:s16+$0x10800]  }
0xe6: {  	v5 =	vld [tilespmem:s16+$0x12800]  }
0xe7: {  	v6 =	vld [tilespmem:s16+$0x10810]  }
0xe8: {  	v7 =	vld [tilespmem:s16+$0x12810]  }
0xe9: {  	v8 =	vld [tilespmem:s16+$0x10820]  }
0xea: {  	v9 =	vld [tilespmem:s16+$0x12830]  }
0xeb: {  	v10 =	vld [tilespmem:s16+$0x10840]  }
0xec: {  	v11 =	vld [tilespmem:s16+$0x12840]  }
0xed: {  	v12 =	vld [tilespmem:s16+$0x10850]  }
0xee: {  	v13 =	vld [tilespmem:s16+$0x12850]  }
0xef: {  	v14 =	vld [tilespmem:s16+$0x10860]  }
0xf0: {  	v15 =	vld [tilespmem:s16+$0x12860]  }
0xf1: {  	v16 =	vld [tilespmem:s16+$0x10870]  }
0xf2: {  	v17 =	vld [tilespmem:s16+$0x12870]  }
0xf3: {  	v18 =	vld [tilespmem:s16+$0x10880]  }
0xf4: {  	v19 =	vld [tilespmem:s16+$0x12880]  }
0xf5: {  	v20 =	vld [tilespmem:s16+$0x10890]  }
0xf6: {  	v21 =	vld [tilespmem:s16+$0x12890]  }
0xf7: {  	v22 =	vld [tilespmem:s16+$0x108A0]  }
0xf8: {  	v23 =	vld [tilespmem:s16+$0x128A0]  }
0xf9: {  	v24 =	vld [tilespmem:s16+$0x108B0]  }
0xfa: {  	v25 =	vld [tilespmem:s16+$0x128B0]  }
0xfb: {  	v26 =	vld [tilespmem:s16+$0x108C0]  }
0xfc: {  	v27 =	vld [tilespmem:s16+$0x128C0]  }
0xfd: {  	v28 =	vld [tilespmem:s16+$0x108D0]  }
0xfe: {  	v29 =	vld [tilespmem:s16+$0x128D0]  }
0xff: {  	v58 =	vld [tilespmem:s16+$0x108E0]  }
0x100: {  	v59 =	vld [tilespmem:s16+$0x128E0];
	v2 =	vadd.f32 v3, v2  }
0x101: {  	v3 =	vld [tilespmem:s16+$0x12820]  }
0x102: {  	v4 =	vadd.f32 v5, v4;
	[tilespmem:s16+$0x148F0] =	vst.add.f32.msk $0xffff, v2  }
0x103: {  	v6 =	vadd.f32 v7, v6;
	v2 =	vld [tilespmem:s16+$0x10830]  }
0x104: {  	v60 =	vadd.f32 v11, v10;
	[tilespmem:s16+$0x14800] =	vst.add.f32.msk $0xffff, v4  }
0x105: {  	v61 =	vadd.f32 v17, v16;
	[tilespmem:s16+$0x14810] =	vst.add.f32.msk $0xffff, v6  }
0x106: {  	v62 =	vadd.f32 v23, v22;
	[tilespmem:s16+$0x14840] =	vst.add.f32.msk $0xffff, v60  }
0x107: {  	v63 =	vadd.f32 v29, v28;
	[tilespmem:s16+$0x14870] =	vst.add.f32.msk $0xffff, v61  }
0x108: {  	[tilespmem:s16+$0x148A0] =	vst.add.f32.msk $0xffff, v62;
	v3 =	vadd.f32 v3, v8  }
0x109: {  	[tilespmem:s16+$0x148D0] =	vst.add.f32.msk $0xffff, v63;
	v2 =	vadd.f32 v9, v2  }
0x10a: {  	[tilespmem:s16+$0x14820] =	vst.add.f32.msk $0xffff, v3;
	v3 =	vadd.f32 v13, v12  }
0x10b: {  	[tilespmem:s16+$0x14830] =	vst.add.f32.msk $0xffff, v2;
	v2 =	vadd.f32 v15, v14  }
0x10c: {  	[tilespmem:s16+$0x14850] =	vst.add.f32.msk $0xffff, v3;
	v3 =	vadd.f32 v19, v18  }
0x10d: {  	s1 =	sadd.s32 $0x1, s1;
	[tilespmem:s16+$0x14860] =	vst.add.f32.msk $0xffff, v2;
	v2 =	vadd.f32 v21, v20  }
0x10e: {  	p1 =	sne.s32 s1, $0xB;
	[tilespmem:s16+$0x14880] =	vst.add.f32.msk $0xffff, v3;
	v3 =	vadd.f32 v25, v24  }
.Ltmp7:
0x10f: {  	[tilespmem:s16+$0x14890] =	vst.add.f32.msk $0xffff, v2;
	v2 =	vadd.f32 v27, v26;
	(pc) =	sbr.rel @p1 .LBB2_13-.Ltmp7, $4  }
0x110: {  	[tilespmem:s16+$0x148B0] =	vst.add.f32.msk $0xffff, v3;
	v3 =	vadd.f32 v59, v58  }
0x111: {  	[tilespmem:s16+$0x148C0] =	vst.add.f32.msk $0xffff, v2  }
0x112: {  	s2 =	sadd.s32 $0xC00, s2;
	[tilespmem:s16+$0x148E0] =	vst.add.f32.msk $0xffff, v3  }
0x113: {  	[tilespmem:s22], [sflag:$0x2] =	stream.indirect.gather [hbm4b:s4+s20], $0x10, s2, s20, $0xb8;
	[tilespmem:$0x1A810] =	vst v63  }
0x114: {  	_ =	swait.ge [sflag:s23], $0x4000  }
0x115: {  	[sflag:s23] =	ssyncset.done $0x0  }
0x116: {  	s1 =	simm.s32 $0x0;
	[sflag:s23] =	ssyncadd.s32 $0xFFFFC000  }
0x117: {  	s2 =	simm.s32 $0x400;
	v2 =	vld [tilespmem:s1+$0xC8F0]  }
.LBB2_19:
0x118: {  	p1 =	sne.s32 s2, $0x7C00;
	v3 =	vld [tilespmem:s1+$0xE8F0]  }
0x119: {  	v4 =	vld [tilespmem:s1+$0xC800]  }
0x11a: {  	v5 =	vld [tilespmem:s1+$0xE800]  }
0x11b: {  	v6 =	vld [tilespmem:s1+$0xC810]  }
0x11c: {  	v7 =	vld [tilespmem:s1+$0xE810]  }
0x11d: {  	v8 =	vld [tilespmem:s1+$0xC820];
	v2 =	vadd.f32 v3, v2  }
0x11e: {  	v3 =	vld [tilespmem:s1+$0xE820]  }
0x11f: {  	v4 =	vadd.f32 v5, v4;
	[tilespmem:s1+$0x148F0] =	vst.add.f32.msk $0xffff, v2  }
0x120: {  	v2 =	vld [tilespmem:s1+$0xC830]  }
0x121: {  	v5 =	vadd.f32 v7, v6;
	v6 =	vld [tilespmem:s1+$0xE830]  }
0x122: {  	v7 =	vld [tilespmem:s1+$0xC840]  }
0x123: {  	v3 =	vadd.f32 v3, v8;
	v8 =	vld [tilespmem:s1+$0xE840]  }
0x124: {  	v9 =	vld [tilespmem:s1+$0xC850]  }
0x125: {  	v10 =	vld [tilespmem:s1+$0xE850]  }
0x126: {  	v2 =	vadd.f32 v6, v2;
	v6 =	vld [tilespmem:s1+$0xC860]  }
0x127: {  	v11 =	vld [tilespmem:s1+$0xE860]  }
0x128: {  	v7 =	vadd.f32 v8, v7;
	v8 =	vld [tilespmem:s1+$0xC870]  }
0x129: {  	v12 =	vld [tilespmem:s1+$0xE870]  }
0x12a: {  	v9 =	vadd.f32 v10, v9;
	v10 =	vld [tilespmem:s1+$0xC880]  }
0x12b: {  	v13 =	vld [tilespmem:s1+$0xE880]  }
0x12c: {  	v6 =	vadd.f32 v11, v6;
	v11 =	vld [tilespmem:s1+$0xC890]  }
0x12d: {  	v14 =	vld [tilespmem:s1+$0xE890]  }
0x12e: {  	v8 =	vadd.f32 v12, v8;
	v12 =	vld [tilespmem:s1+$0xC8A0]  }
0x12f: {  	v15 =	vld [tilespmem:s1+$0xE8A0]  }
0x130: {  	v10 =	vadd.f32 v13, v10;
	v13 =	vld [tilespmem:s1+$0xC8B0]  }
0x131: {  	v16 =	vld [tilespmem:s1+$0xE8B0]  }
0x132: {  	v11 =	vadd.f32 v14, v11;
	v14 =	vld [tilespmem:s1+$0xC8C0]  }
0x133: {  	v17 =	vld [tilespmem:s1+$0xE8C0]  }
0x134: {  	v12 =	vadd.f32 v15, v12;
	v15 =	vld [tilespmem:s1+$0xC8D0]  }
0x135: {  	v18 =	vld [tilespmem:s1+$0xE8D0]  }
0x136: {  	v13 =	vadd.f32 v16, v13;
	v16 =	vld [tilespmem:s1+$0xC8E0]  }
0x137: {  	v19 =	vld [tilespmem:s1+$0xE8E0]  }
0x138: {  	[tilespmem:s1+$0x14800] =	vst.add.f32.msk $0xffff, v4;
	v4 =	vadd.f32 v17, v14  }
0x139: {  	[tilespmem:s1+$0x14810] =	vst.add.f32.msk $0xffff, v5  }
0x13a: {  	[tilespmem:s1+$0x14820] =	vst.add.f32.msk $0xffff, v3;
	v3 =	vadd.f32 v18, v15  }
0x13b: {  	[tilespmem:s1+$0x14830] =	vst.add.f32.msk $0xffff, v2  }
0x13c: {  	[tilespmem:s1+$0x14840] =	vst.add.f32.msk $0xffff, v7;
	v2 =	vadd.f32 v19, v16  }
0x13d: {  	[tilespmem:s1+$0x14850] =	vst.add.f32.msk $0xffff, v9  }
0x13e: {  	[tilespmem:s1+$0x14860] =	vst.add.f32.msk $0xffff, v6  }
0x13f: {  	[tilespmem:s1+$0x14870] =	vst.add.f32.msk $0xffff, v8  }
0x140: {  	[tilespmem:s1+$0x14880] =	vst.add.f32.msk $0xffff, v10  }
0x141: {  	[tilespmem:s1+$0x14890] =	vst.add.f32.msk $0xffff, v11  }
0x142: {  	[tilespmem:s1+$0x148A0] =	vst.add.f32.msk $0xffff, v12  }
.Ltmp8:
0x143: {  	[tilespmem:s1+$0x148B0] =	vst.add.f32.msk $0xffff, v13;
	(pc) =	sbr.rel @p1 .LBB2_19-.Ltmp8, $4  }
0x144: {  	[tilespmem:s1+$0x148C0] =	vst.add.f32.msk $0xffff, v4  }
0x145: {  	[tilespmem:s1+$0x148D0] =	vst.add.f32.msk $0xffff, v3  }
0x146: {  	[tilespmem:s1+$0x148E0] =	vst.add.f32.msk $0xffff, v2;
	s1 =	sshra.s32 s2, $0x2  }
0x147: {  	s2 =	sadd.s32 $0x400, s2;
	v2 =	vld [tilespmem:s1+$0xC8F0]  }
0x148: {  	v3 =	vld [tilespmem:s1+$0xE8F0]  }
0x149: {  	v4 =	vld [tilespmem:s1+$0xC800]  }
0x14a: {  	v5 =	vld [tilespmem:s1+$0xE800]  }
0x14b: {  	v6 =	vld [tilespmem:s1+$0xC810]  }
0x14c: {  	v7 =	vld [tilespmem:s1+$0xE810]  }
0x14d: {  	v8 =	vld [tilespmem:s1+$0xC820]  }
0x14e: {  	v9 =	vld [tilespmem:s1+$0xE830]  }
0x14f: {  	v10 =	vld [tilespmem:s1+$0xC840]  }
0x150: {  	v11 =	vld [tilespmem:s1+$0xE840]  }
0x151: {  	v12 =	vld [tilespmem:s1+$0xC850]  }
0x152: {  	v13 =	vld [tilespmem:s1+$0xE850]  }
0x153: {  	v14 =	vld [tilespmem:s1+$0xC860]  }
0x154: {  	v15 =	vld [tilespmem:s1+$0xE860]  }
0x155: {  	v16 =	vld [tilespmem:s1+$0xC870]  }
0x156: {  	v17 =	vld [tilespmem:s1+$0xE870]  }
0x157: {  	v18 =	vld [tilespmem:s1+$0xC880]  }
0x158: {  	v19 =	vld [tilespmem:s1+$0xE880]  }
0x159: {  	v20 =	vld [tilespmem:s1+$0xC890]  }
0x15a: {  	v21 =	vld [tilespmem:s1+$0xE890]  }
0x15b: {  	v22 =	vld [tilespmem:s1+$0xC8A0]  }
0x15c: {  	v23 =	vld [tilespmem:s1+$0xE8A0]  }
0x15d: {  	v24 =	vld [tilespmem:s1+$0xC8B0]  }
0x15e: {  	v25 =	vld [tilespmem:s1+$0xE8B0]  }
0x15f: {  	v26 =	vld [tilespmem:s1+$0xC8C0]  }
0x160: {  	v27 =	vld [tilespmem:s1+$0xE8C0]  }
0x161: {  	v28 =	vld [tilespmem:s1+$0xC8D0]  }
0x162: {  	v29 =	vld [tilespmem:s1+$0xE8D0]  }
0x163: {  	v58 =	vld [tilespmem:s1+$0xC8E0]  }
0x164: {  	v59 =	vld [tilespmem:s1+$0xE8E0];
	v2 =	vadd.f32 v3, v2  }
0x165: {  	v3 =	vld [tilespmem:s1+$0xE820]  }
0x166: {  	v4 =	vadd.f32 v5, v4;
	[tilespmem:s1+$0x148F0] =	vst.add.f32.msk $0xffff, v2  }
0x167: {  	v6 =	vadd.f32 v7, v6;
	v2 =	vld [tilespmem:s1+$0xC830]  }
0x168: {  	v60 =	vadd.f32 v11, v10;
	[tilespmem:s1+$0x14800] =	vst.add.f32.msk $0xffff, v4  }
0x169: {  	v61 =	vadd.f32 v17, v16;
	[tilespmem:s1+$0x14810] =	vst.add.f32.msk $0xffff, v6  }
0x16a: {  	v62 =	vadd.f32 v23, v22;
	[tilespmem:s1+$0x14840] =	vst.add.f32.msk $0xffff, v60  }
0x16b: {  	v63 =	vadd.f32 v29, v28;
	[tilespmem:s1+$0x14870] =	vst.add.f32.msk $0xffff, v61  }
0x16c: {  	[tilespmem:s1+$0x148A0] =	vst.add.f32.msk $0xffff, v62;
	v3 =	vadd.f32 v3, v8  }
0x16d: {  	[tilespmem:s1+$0x148D0] =	vst.add.f32.msk $0xffff, v63;
	v2 =	vadd.f32 v9, v2  }
0x16e: {  	[tilespmem:s1+$0x14820] =	vst.add.f32.msk $0xffff, v3;
	v3 =	vadd.f32 v13, v12  }
0x16f: {  	[tilespmem:s1+$0x14830] =	vst.add.f32.msk $0xffff, v2;
	v2 =	vadd.f32 v15, v14  }
0x170: {  	[tilespmem:s1+$0x14850] =	vst.add.f32.msk $0xffff, v3;
	v3 =	vadd.f32 v19, v18  }
0x171: {  	[tilespmem:s1+$0x14860] =	vst.add.f32.msk $0xffff, v2;
	v2 =	vadd.f32 v21, v20  }
0x172: {  	[tilespmem:s1+$0x14880] =	vst.add.f32.msk $0xffff, v3;
	v3 =	vadd.f32 v25, v24  }
0x173: {  	[tilespmem:s1+$0x14890] =	vst.add.f32.msk $0xffff, v2;
	v2 =	vadd.f32 v27, v26  }
0x174: {  	[tilespmem:s1+$0x148B0] =	vst.add.f32.msk $0xffff, v3;
	v3 =	vadd.f32 v59, v58  }
0x175: {  	[tilespmem:s1+$0x148C0] =	vst.add.f32.msk $0xffff, v2  }
0x176: {  	[tilespmem:s1+$0x148E0] =	vst.add.f32.msk $0xffff, v3  }
0x177: {  	[tilespmem:s21], [sflag:$0x1] =	stream.indirect.gather [hbm4b:s4+s20], $0x10, s25, s20, $0xb8;
	[tilespmem:$0x1A810] =	vst v63  }
0x178: {  	_ =	swait.ge [sflag:s24], $0x4000  }
0x179: {  	[sflag:s24] =	ssyncset.done $0x0  }
0x17a: {  	s1 =	simm.s32 $0x0;
	[sflag:s24] =	ssyncadd.s32 $0xFFFFC000  }
0x17b: {  	s2 =	simm.s32 $0x400;
	v2 =	vld [tilespmem:s1+$0x108F0]  }
.LBB2_21:
0x17c: {  	p1 =	sne.s32 s2, $0x7C00;
	v3 =	vld [tilespmem:s1+$0x128F0]  }
0x17d: {  	v4 =	vld [tilespmem:s1+$0x10800]  }
0x17e: {  	v5 =	vld [tilespmem:s1+$0x12800]  }
0x17f: {  	v6 =	vld [tilespmem:s1+$0x10810]  }
0x180: {  	v7 =	vld [tilespmem:s1+$0x12810]  }
0x181: {  	v8 =	vld [tilespmem:s1+$0x10820];
	v2 =	vadd.f32 v3, v2  }
0x182: {  	v3 =	vld [tilespmem:s1+$0x12820]  }
0x183: {  	v4 =	vadd.f32 v5, v4;
	[tilespmem:s1+$0x148F0] =	vst.add.f32.msk $0xffff, v2  }
0x184: {  	v2 =	vld [tilespmem:s1+$0x10830]  }
0x185: {  	v5 =	vadd.f32 v7, v6;
	v6 =	vld [tilespmem:s1+$0x12830]  }
0x186: {  	v7 =	vld [tilespmem:s1+$0x10840]  }
0x187: {  	v3 =	vadd.f32 v3, v8;
	v8 =	vld [tilespmem:s1+$0x12840]  }
0x188: {  	v9 =	vld [tilespmem:s1+$0x10850]  }
0x189: {  	v10 =	vld [tilespmem:s1+$0x12850]  }
0x18a: {  	v2 =	vadd.f32 v6, v2;
	v6 =	vld [tilespmem:s1+$0x10860]  }
0x18b: {  	v11 =	vld [tilespmem:s1+$0x12860]  }
0x18c: {  	v7 =	vadd.f32 v8, v7;
	v8 =	vld [tilespmem:s1+$0x10870]  }
0x18d: {  	v12 =	vld [tilespmem:s1+$0x12870]  }
0x18e: {  	v9 =	vadd.f32 v10, v9;
	v10 =	vld [tilespmem:s1+$0x10880]  }
0x18f: {  	v13 =	vld [tilespmem:s1+$0x12880]  }
0x190: {  	v6 =	vadd.f32 v11, v6;
	v11 =	vld [tilespmem:s1+$0x10890]  }
0x191: {  	v14 =	vld [tilespmem:s1+$0x12890]  }
0x192: {  	v8 =	vadd.f32 v12, v8;
	v12 =	vld [tilespmem:s1+$0x108A0]  }
0x193: {  	v15 =	vld [tilespmem:s1+$0x128A0]  }
0x194: {  	v10 =	vadd.f32 v13, v10;
	v13 =	vld [tilespmem:s1+$0x108B0]  }
0x195: {  	v16 =	vld [tilespmem:s1+$0x128B0]  }
0x196: {  	v11 =	vadd.f32 v14, v11;
	v14 =	vld [tilespmem:s1+$0x108C0]  }
0x197: {  	v17 =	vld [tilespmem:s1+$0x128C0]  }
0x198: {  	v12 =	vadd.f32 v15, v12;
	v15 =	vld [tilespmem:s1+$0x108D0]  }
0x199: {  	v18 =	vld [tilespmem:s1+$0x128D0]  }
0x19a: {  	v13 =	vadd.f32 v16, v13;
	v16 =	vld [tilespmem:s1+$0x108E0]  }
0x19b: {  	v19 =	vld [tilespmem:s1+$0x128E0]  }
0x19c: {  	[tilespmem:s1+$0x14800] =	vst.add.f32.msk $0xffff, v4;
	v4 =	vadd.f32 v17, v14  }
0x19d: {  	[tilespmem:s1+$0x14810] =	vst.add.f32.msk $0xffff, v5  }
0x19e: {  	[tilespmem:s1+$0x14820] =	vst.add.f32.msk $0xffff, v3;
	v3 =	vadd.f32 v18, v15  }
0x19f: {  	[tilespmem:s1+$0x14830] =	vst.add.f32.msk $0xffff, v2  }
0x1a0: {  	[tilespmem:s1+$0x14840] =	vst.add.f32.msk $0xffff, v7;
	v2 =	vadd.f32 v19, v16  }
0x1a1: {  	[tilespmem:s1+$0x14850] =	vst.add.f32.msk $0xffff, v9  }
0x1a2: {  	[tilespmem:s1+$0x14860] =	vst.add.f32.msk $0xffff, v6  }
0x1a3: {  	[tilespmem:s1+$0x14870] =	vst.add.f32.msk $0xffff, v8  }
0x1a4: {  	[tilespmem:s1+$0x14880] =	vst.add.f32.msk $0xffff, v10  }
0x1a5: {  	[tilespmem:s1+$0x14890] =	vst.add.f32.msk $0xffff, v11  }
0x1a6: {  	[tilespmem:s1+$0x148A0] =	vst.add.f32.msk $0xffff, v12  }
.Ltmp9:
0x1a7: {  	[tilespmem:s1+$0x148B0] =	vst.add.f32.msk $0xffff, v13;
	(pc) =	sbr.rel @p1 .LBB2_21-.Ltmp9, $4  }
0x1a8: {  	[tilespmem:s1+$0x148C0] =	vst.add.f32.msk $0xffff, v4  }
0x1a9: {  	[tilespmem:s1+$0x148D0] =	vst.add.f32.msk $0xffff, v3  }
0x1aa: {  	[tilespmem:s1+$0x148E0] =	vst.add.f32.msk $0xffff, v2;
	s1 =	sshra.s32 s2, $0x2  }
0x1ab: {  	s2 =	sadd.s32 $0x400, s2;
	v2 =	vld [tilespmem:s1+$0x108F0]  }
0x1ac: {  	v3 =	vld [tilespmem:s1+$0x128F0]  }
0x1ad: {  	v4 =	vld [tilespmem:s1+$0x10800]  }
0x1ae: {  	v5 =	vld [tilespmem:s1+$0x12800]  }
0x1af: {  	v6 =	vld [tilespmem:s1+$0x10810]  }
0x1b0: {  	v7 =	vld [tilespmem:s1+$0x12810]  }
0x1b1: {  	v8 =	vld [tilespmem:s1+$0x10820]  }
0x1b2: {  	v9 =	vld [tilespmem:s1+$0x12830]  }
0x1b3: {  	v10 =	vld [tilespmem:s1+$0x10840]  }
0x1b4: {  	v11 =	vld [tilespmem:s1+$0x12840]  }
0x1b5: {  	v12 =	vld [tilespmem:s1+$0x10850]  }
0x1b6: {  	v13 =	vld [tilespmem:s1+$0x12850]  }
0x1b7: {  	v14 =	vld [tilespmem:s1+$0x10860]  }
0x1b8: {  	v15 =	vld [tilespmem:s1+$0x12860]  }
0x1b9: {  	v16 =	vld [tilespmem:s1+$0x10870]  }
0x1ba: {  	v17 =	vld [tilespmem:s1+$0x12870]  }
0x1bb: {  	v18 =	vld [tilespmem:s1+$0x10880]  }
0x1bc: {  	v19 =	vld [tilespmem:s1+$0x12880]  }
0x1bd: {  	v20 =	vld [tilespmem:s1+$0x10890]  }
0x1be: {  	v21 =	vld [tilespmem:s1+$0x12890]  }
0x1bf: {  	v22 =	vld [tilespmem:s1+$0x108A0]  }
0x1c0: {  	v23 =	vld [tilespmem:s1+$0x128A0]  }
0x1c1: {  	v24 =	vld [tilespmem:s1+$0x108B0]  }
0x1c2: {  	v25 =	vld [tilespmem:s1+$0x128B0]  }
0x1c3: {  	v26 =	vld [tilespmem:s1+$0x108C0]  }
0x1c4: {  	v27 =	vld [tilespmem:s1+$0x128C0]  }
0x1c5: {  	v28 =	vld [tilespmem:s1+$0x108D0]  }
0x1c6: {  	v29 =	vld [tilespmem:s1+$0x128D0]  }
0x1c7: {  	v58 =	vld [tilespmem:s1+$0x108E0]  }
0x1c8: {  	v59 =	vld [tilespmem:s1+$0x128E0];
	v2 =	vadd.f32 v3, v2  }
0x1c9: {  	v3 =	vld [tilespmem:s1+$0x12820]  }
0x1ca: {  	v4 =	vadd.f32 v5, v4;
	[tilespmem:s1+$0x148F0] =	vst.add.f32.msk $0xffff, v2  }
0x1cb: {  	v6 =	vadd.f32 v7, v6;
	v2 =	vld [tilespmem:s1+$0x10830]  }
0x1cc: {  	v60 =	vadd.f32 v11, v10;
	[tilespmem:s1+$0x14800] =	vst.add.f32.msk $0xffff, v4  }
0x1cd: {  	v61 =	vadd.f32 v17, v16;
	[tilespmem:s1+$0x14810] =	vst.add.f32.msk $0xffff, v6  }
0x1ce: {  	v62 =	vadd.f32 v23, v22;
	[tilespmem:s1+$0x14840] =	vst.add.f32.msk $0xffff, v60  }
0x1cf: {  	v63 =	vadd.f32 v29, v28;
	[tilespmem:s1+$0x14870] =	vst.add.f32.msk $0xffff, v61  }
0x1d0: {  	[tilespmem:s1+$0x148A0] =	vst.add.f32.msk $0xffff, v62;
	v3 =	vadd.f32 v3, v8  }
0x1d1: {  	[tilespmem:s1+$0x148D0] =	vst.add.f32.msk $0xffff, v63;
	v2 =	vadd.f32 v9, v2  }
0x1d2: {  	[tilespmem:s1+$0x14820] =	vst.add.f32.msk $0xffff, v3;
	v3 =	vadd.f32 v13, v12  }
0x1d3: {  	[tilespmem:s1+$0x14830] =	vst.add.f32.msk $0xffff, v2;
	v2 =	vadd.f32 v15, v14  }
0x1d4: {  	[tilespmem:s1+$0x14850] =	vst.add.f32.msk $0xffff, v3;
	v3 =	vadd.f32 v19, v18  }
0x1d5: {  	[tilespmem:s1+$0x14860] =	vst.add.f32.msk $0xffff, v2;
	v2 =	vadd.f32 v21, v20  }
0x1d6: {  	[tilespmem:s1+$0x14880] =	vst.add.f32.msk $0xffff, v3;
	v3 =	vadd.f32 v25, v24  }
0x1d7: {  	[tilespmem:s1+$0x14890] =	vst.add.f32.msk $0xffff, v2;
	v2 =	vadd.f32 v27, v26  }
0x1d8: {  	[tilespmem:s1+$0x148B0] =	vst.add.f32.msk $0xffff, v3;
	v3 =	vadd.f32 v59, v58  }
0x1d9: {  	[tilespmem:s1+$0x148C0] =	vst.add.f32.msk $0xffff, v2  }
0x1da: {  	[tilespmem:s1+$0x148E0] =	vst.add.f32.msk $0xffff, v3  }
0x1db: {  	_ =	swait.ge [sflag:s26], $0x3200  }
0x1dc: {  	[sflag:s26] =	ssyncset.done $0x0  }
0x1dd: {  	[sflag:s26] =	ssyncadd.s32 $0xFFFFCE00  }
0x1de: {  	_ =	swait.ge [sflag:s26], $0x3200  }
0x1df: {  	[sflag:s26] =	ssyncset.done $0x0  }
0x1e0: {  	[sflag:s26] =	ssyncadd.s32 $0xFFFFCE00  }
0x1e1: {  	[tilespmem:s22], [sflag:$0x2] =	stream.indirect.gather [hbm4b:s4+s20], $0x10, s28, s20, $0xb8;
	[tilespmem:$0x1A810] =	vst v63  }
0x1e2: {  	_ =	swait.ge [sflag:s23], $0x4000  }
0x1e3: {  	[sflag:s23] =	ssyncset.done $0x0  }
0x1e4: {  	s1 =	simm.s32 $0x0;
	[sflag:s23] =	ssyncadd.s32 $0xFFFFC000  }
0x1e5: {  	s2 =	simm.s32 $0x400;
	v2 =	vld [tilespmem:s1+$0xC8F0]  }
.LBB2_23:
0x1e6: {  	p1 =	sne.s32 s2, $0x7C00;
	v3 =	vld [tilespmem:s1+$0xE8F0]  }
0x1e7: {  	v4 =	vld [tilespmem:s1+$0xC800]  }
0x1e8: {  	v5 =	vld [tilespmem:s1+$0xE800]  }
0x1e9: {  	v6 =	vld [tilespmem:s1+$0xC810]  }
0x1ea: {  	v7 =	vld [tilespmem:s1+$0xE810]  }
0x1eb: {  	v8 =	vld [tilespmem:s1+$0xC820];
	v2 =	vadd.f32 v3, v2  }
0x1ec: {  	v3 =	vld [tilespmem:s1+$0xE820]  }
0x1ed: {  	v4 =	vadd.f32 v5, v4;
	[tilespmem:s1+$0x148F0] =	vst.add.f32.msk $0xffff, v2  }
0x1ee: {  	v2 =	vld [tilespmem:s1+$0xC830]  }
0x1ef: {  	v5 =	vadd.f32 v7, v6;
	v6 =	vld [tilespmem:s1+$0xE830]  }
0x1f0: {  	v7 =	vld [tilespmem:s1+$0xC840]  }
0x1f1: {  	v3 =	vadd.f32 v3, v8;
	v8 =	vld [tilespmem:s1+$0xE840]  }
0x1f2: {  	v9 =	vld [tilespmem:s1+$0xC850]  }
0x1f3: {  	v10 =	vld [tilespmem:s1+$0xE850]  }
0x1f4: {  	v2 =	vadd.f32 v6, v2;
	v6 =	vld [tilespmem:s1+$0xC860]  }
0x1f5: {  	v11 =	vld [tilespmem:s1+$0xE860]  }
0x1f6: {  	v7 =	vadd.f32 v8, v7;
	v8 =	vld [tilespmem:s1+$0xC870]  }
0x1f7: {  	v12 =	vld [tilespmem:s1+$0xE870]  }
0x1f8: {  	v9 =	vadd.f32 v10, v9;
	v10 =	vld [tilespmem:s1+$0xC880]  }
0x1f9: {  	v13 =	vld [tilespmem:s1+$0xE880]  }
0x1fa: {  	v6 =	vadd.f32 v11, v6;
	v11 =	vld [tilespmem:s1+$0xC890]  }
0x1fb: {  	v14 =	vld [tilespmem:s1+$0xE890]  }
0x1fc: {  	v8 =	vadd.f32 v12, v8;
	v12 =	vld [tilespmem:s1+$0xC8A0]  }
0x1fd: {  	v15 =	vld [tilespmem:s1+$0xE8A0]  }
0x1fe: {  	v10 =	vadd.f32 v13, v10;
	v13 =	vld [tilespmem:s1+$0xC8B0]  }
0x1ff: {  	v16 =	vld [tilespmem:s1+$0xE8B0]  }
0x200: {  	v11 =	vadd.f32 v14, v11;
	v14 =	vld [tilespmem:s1+$0xC8C0]  }
0x201: {  	v17 =	vld [tilespmem:s1+$0xE8C0]  }
0x202: {  	v12 =	vadd.f32 v15, v12;
	v15 =	vld [tilespmem:s1+$0xC8D0]  }
0x203: {  	v18 =	vld [tilespmem:s1+$0xE8D0]  }
0x204: {  	v13 =	vadd.f32 v16, v13;
	v16 =	vld [tilespmem:s1+$0xC8E0]  }
0x205: {  	v19 =	vld [tilespmem:s1+$0xE8E0]  }
0x206: {  	[tilespmem:s1+$0x14800] =	vst.add.f32.msk $0xffff, v4;
	v4 =	vadd.f32 v17, v14  }
0x207: {  	[tilespmem:s1+$0x14810] =	vst.add.f32.msk $0xffff, v5  }
0x208: {  	[tilespmem:s1+$0x14820] =	vst.add.f32.msk $0xffff, v3;
	v3 =	vadd.f32 v18, v15  }
0x209: {  	[tilespmem:s1+$0x14830] =	vst.add.f32.msk $0xffff, v2  }
0x20a: {  	[tilespmem:s1+$0x14840] =	vst.add.f32.msk $0xffff, v7;
	v2 =	vadd.f32 v19, v16  }
0x20b: {  	[tilespmem:s1+$0x14850] =	vst.add.f32.msk $0xffff, v9  }
0x20c: {  	[tilespmem:s1+$0x14860] =	vst.add.f32.msk $0xffff, v6  }
0x20d: {  	[tilespmem:s1+$0x14870] =	vst.add.f32.msk $0xffff, v8  }
0x20e: {  	[tilespmem:s1+$0x14880] =	vst.add.f32.msk $0xffff, v10  }
0x20f: {  	[tilespmem:s1+$0x14890] =	vst.add.f32.msk $0xffff, v11  }
0x210: {  	[tilespmem:s1+$0x148A0] =	vst.add.f32.msk $0xffff, v12  }
.Ltmp10:
0x211: {  	[tilespmem:s1+$0x148B0] =	vst.add.f32.msk $0xffff, v13;
	(pc) =	sbr.rel @p1 .LBB2_23-.Ltmp10, $4  }
0x212: {  	[tilespmem:s1+$0x148C0] =	vst.add.f32.msk $0xffff, v4  }
0x213: {  	[tilespmem:s1+$0x148D0] =	vst.add.f32.msk $0xffff, v3  }
0x214: {  	[tilespmem:s1+$0x148E0] =	vst.add.f32.msk $0xffff, v2;
	s1 =	sshra.s32 s2, $0x2  }
0x215: {  	s2 =	sadd.s32 $0x400, s2;
	v2 =	vld [tilespmem:s1+$0xC8F0]  }
0x216: {  	v3 =	vld [tilespmem:s1+$0xE8F0]  }
0x217: {  	v4 =	vld [tilespmem:s1+$0xC800]  }
0x218: {  	v5 =	vld [tilespmem:s1+$0xE800]  }
0x219: {  	v6 =	vld [tilespmem:s1+$0xC810]  }
0x21a: {  	v7 =	vld [tilespmem:s1+$0xE810]  }
0x21b: {  	v8 =	vld [tilespmem:s1+$0xC820]  }
0x21c: {  	v9 =	vld [tilespmem:s1+$0xE830]  }
0x21d: {  	v10 =	vld [tilespmem:s1+$0xC840]  }
0x21e: {  	v11 =	vld [tilespmem:s1+$0xE840]  }
0x21f: {  	v12 =	vld [tilespmem:s1+$0xC850]  }
0x220: {  	v13 =	vld [tilespmem:s1+$0xE850]  }
0x221: {  	v14 =	vld [tilespmem:s1+$0xC860]  }
0x222: {  	v15 =	vld [tilespmem:s1+$0xE860]  }
0x223: {  	v16 =	vld [tilespmem:s1+$0xC870]  }
0x224: {  	v17 =	vld [tilespmem:s1+$0xE870]  }
0x225: {  	v18 =	vld [tilespmem:s1+$0xC880]  }
0x226: {  	v19 =	vld [tilespmem:s1+$0xE880]  }
0x227: {  	v20 =	vld [tilespmem:s1+$0xC890]  }
0x228: {  	v21 =	vld [tilespmem:s1+$0xE890]  }
0x229: {  	v22 =	vld [tilespmem:s1+$0xC8A0]  }
0x22a: {  	v23 =	vld [tilespmem:s1+$0xE8A0]  }
0x22b: {  	v24 =	vld [tilespmem:s1+$0xC8B0]  }
0x22c: {  	v25 =	vld [tilespmem:s1+$0xE8B0]  }
0x22d: {  	v26 =	vld [tilespmem:s1+$0xC8C0]  }
0x22e: {  	v27 =	vld [tilespmem:s1+$0xE8C0]  }
0x22f: {  	v28 =	vld [tilespmem:s1+$0xC8D0]  }
0x230: {  	v29 =	vld [tilespmem:s1+$0xE8D0]  }
0x231: {  	v58 =	vld [tilespmem:s1+$0xC8E0]  }
0x232: {  	v59 =	vld [tilespmem:s1+$0xE8E0];
	v2 =	vadd.f32 v3, v2  }
0x233: {  	v3 =	vld [tilespmem:s1+$0xE820]  }
0x234: {  	v4 =	vadd.f32 v5, v4;
	[tilespmem:s1+$0x148F0] =	vst.add.f32.msk $0xffff, v2  }
0x235: {  	v6 =	vadd.f32 v7, v6;
	v2 =	vld [tilespmem:s1+$0xC830]  }
0x236: {  	v60 =	vadd.f32 v11, v10;
	[tilespmem:s1+$0x14800] =	vst.add.f32.msk $0xffff, v4  }
0x237: {  	v61 =	vadd.f32 v17, v16;
	[tilespmem:s1+$0x14810] =	vst.add.f32.msk $0xffff, v6  }
0x238: {  	v62 =	vadd.f32 v23, v22;
	[tilespmem:s1+$0x14840] =	vst.add.f32.msk $0xffff, v60  }
0x239: {  	v63 =	vadd.f32 v29, v28;
	[tilespmem:s1+$0x14870] =	vst.add.f32.msk $0xffff, v61  }
0x23a: {  	[tilespmem:s1+$0x148A0] =	vst.add.f32.msk $0xffff, v62;
	v3 =	vadd.f32 v3, v8  }
0x23b: {  	[tilespmem:s1+$0x148D0] =	vst.add.f32.msk $0xffff, v63;
	v2 =	vadd.f32 v9, v2  }
0x23c: {  	[tilespmem:s1+$0x14820] =	vst.add.f32.msk $0xffff, v3;
	v3 =	vadd.f32 v13, v12  }
0x23d: {  	[tilespmem:s1+$0x14830] =	vst.add.f32.msk $0xffff, v2;
	v2 =	vadd.f32 v15, v14  }
0x23e: {  	[tilespmem:s1+$0x14850] =	vst.add.f32.msk $0xffff, v3;
	v3 =	vadd.f32 v19, v18  }
0x23f: {  	[tilespmem:s1+$0x14860] =	vst.add.f32.msk $0xffff, v2;
	v2 =	vadd.f32 v21, v20  }
0x240: {  	[tilespmem:s1+$0x14880] =	vst.add.f32.msk $0xffff, v3;
	v3 =	vadd.f32 v25, v24  }
.Ltmp11:
0x241: {  	[tilespmem:s1+$0x14890] =	vst.add.f32.msk $0xffff, v2;
	v2 =	vadd.f32 v27, v26;
	(pc) =	sbr.rel @!p0 .LBB2_30-.Ltmp11, $4  }
0x242: {  	[tilespmem:s1+$0x148B0] =	vst.add.f32.msk $0xffff, v3;
	v3 =	vadd.f32 v59, v58  }
0x243: {  	[tilespmem:s1+$0x148C0] =	vst.add.f32.msk $0xffff, v2  }
0x244: {  	[tilespmem:s1+$0x148E0] =	vst.add.f32.msk $0xffff, v3  }
0x245: {  	[tilespmem:s21], [sflag:$0x1] =	stream.indirect.gather [hbm4b:s4+s20], $0x10, s29, s20, $0xb8;
	[tilespmem:$0x1A810] =	vst v63  }
0x246: {  	s1 =	simm.s32 $0x1000;
	s2 =	sadd.s32 $0x0, s10;
	s16 =	simm.s32 $0x0  }
.LBB2_26:
0x247: {  	[tilespmem:s16], [sflag:$0x3] =	stream.linear.gather [hbm4b:s2+s3], $0x200, $0x38;
	[tilespmem:$0x1A810] =	vst v63  }
0x248: {  	s16 =	smov.u32 s1;
	p1 =	sne.s32 s1, $0x18000  }
.Ltmp12:
0x249: {  	s1 =	sadd.s32 $0x1000, s1;
	(pc) =	sbr.rel @p1 .LBB2_26-.Ltmp12, $2  }
0x24a: {  	_ =	sdelay $0x2  }
0x24b: {  	s2 =	sadd.s32 s16, s10;
	s16 =	sshra.s32 s16, $0x2  }
0x24c: {  	[tilespmem:s16], [sflag:$0x3] =	stream.linear.gather [hbm4b:s2+s3], $0x200, $0x38;
	[tilespmem:$0x1A810] =	vst v63  }
0x24d: {  	s1 =	simm.s32 $0x1000;
	s2 =	sadd.s32 $0x0, s11;
	s16 =	simm.s32 $0x200  }
.LBB2_28:
0x24e: {  	[tilespmem:s16], [sflag:$0x3] =	stream.linear.gather [hbm4b:s2+s3], $0x200, $0x38;
	[tilespmem:$0x1A810] =	vst v63  }
0x24f: {  	s2 =	smov.u32 s1;
	p1 =	sne.s32 s1, $0x18000  }
.Ltmp13:
0x250: {  	s1 =	sadd.s32 $0x1000, s1;
	(pc) =	sbr.rel @p1 .LBB2_28-.Ltmp13, $3  }
0x251: {  	_ =	sdelay $0x1  }
0x252: {  	s16 =	sshra.s32 s2, $0x2  }
0x253: {  	s2 =	sadd.s32 s2, s11;
	s16 =	sadd.s32 $0x200, s16  }
0x254: {  	[tilespmem:s16], [sflag:$0x3] =	stream.linear.gather [hbm4b:s2+s3], $0x200, $0x38;
	[tilespmem:$0x1A810] =	vst v63  }
.LBB2_30:
0x255: {  	s1 =	simm.s32 $0x0  }
.LBB2_31:
0x256: {  	_ =	swait.ge [sflag:s24], $0x4000  }
0x257: {  	[sflag:s24] =	ssyncset.done $0x0  }
0x258: {  	s16 =	simm.s32 $0x0;
	[sflag:s24] =	ssyncadd.s32 $0xFFFFC000  }
0x259: {  	s2 =	simm.s32 $0x400;
	v2 =	vld [tilespmem:s16+$0x108F0]  }
.LBB2_32:
0x25a: {  	p1 =	sne.s32 s2, $0x7C00;
	v3 =	vld [tilespmem:s16+$0x128F0]  }
0x25b: {  	v4 =	vld [tilespmem:s16+$0x10800]  }
0x25c: {  	v5 =	vld [tilespmem:s16+$0x12800]  }
0x25d: {  	v6 =	vld [tilespmem:s16+$0x10810]  }
0x25e: {  	v7 =	vld [tilespmem:s16+$0x12810]  }
0x25f: {  	v8 =	vld [tilespmem:s16+$0x10820];
	v2 =	vadd.f32 v3, v2  }
0x260: {  	v3 =	vld [tilespmem:s16+$0x12820]  }
0x261: {  	v4 =	vadd.f32 v5, v4;
	[tilespmem:s16+$0x148F0] =	vst.add.f32.msk $0xffff, v2  }
0x262: {  	v2 =	vld [tilespmem:s16+$0x10830]  }
0x263: {  	v5 =	vadd.f32 v7, v6;
	v6 =	vld [tilespmem:s16+$0x12830]  }
0x264: {  	v7 =	vld [tilespmem:s16+$0x10840]  }
0x265: {  	v3 =	vadd.f32 v3, v8;
	v8 =	vld [tilespmem:s16+$0x12840]  }
0x266: {  	v9 =	vld [tilespmem:s16+$0x10850]  }
0x267: {  	v10 =	vld [tilespmem:s16+$0x12850]  }
0x268: {  	v2 =	vadd.f32 v6, v2;
	v6 =	vld [tilespmem:s16+$0x10860]  }
0x269: {  	v11 =	vld [tilespmem:s16+$0x12860]  }
0x26a: {  	v7 =	vadd.f32 v8, v7;
	v8 =	vld [tilespmem:s16+$0x10870]  }
0x26b: {  	v12 =	vld [tilespmem:s16+$0x12870]  }
0x26c: {  	v9 =	vadd.f32 v10, v9;
	v10 =	vld [tilespmem:s16+$0x10880]  }
0x26d: {  	v13 =	vld [tilespmem:s16+$0x12880]  }
0x26e: {  	v6 =	vadd.f32 v11, v6;
	v11 =	vld [tilespmem:s16+$0x10890]  }
0x26f: {  	v14 =	vld [tilespmem:s16+$0x12890]  }
0x270: {  	v8 =	vadd.f32 v12, v8;
	v12 =	vld [tilespmem:s16+$0x108A0]  }
0x271: {  	v15 =	vld [tilespmem:s16+$0x128A0]  }
0x272: {  	v10 =	vadd.f32 v13, v10;
	v13 =	vld [tilespmem:s16+$0x108B0]  }
0x273: {  	v16 =	vld [tilespmem:s16+$0x128B0]  }
0x274: {  	v11 =	vadd.f32 v14, v11;
	v14 =	vld [tilespmem:s16+$0x108C0]  }
0x275: {  	v17 =	vld [tilespmem:s16+$0x128C0]  }
0x276: {  	v12 =	vadd.f32 v15, v12;
	v15 =	vld [tilespmem:s16+$0x108D0]  }
0x277: {  	v18 =	vld [tilespmem:s16+$0x128D0]  }
0x278: {  	v13 =	vadd.f32 v16, v13;
	v16 =	vld [tilespmem:s16+$0x108E0]  }
0x279: {  	v19 =	vld [tilespmem:s16+$0x128E0]  }
0x27a: {  	[tilespmem:s16+$0x14800] =	vst.add.f32.msk $0xffff, v4;
	v4 =	vadd.f32 v17, v14  }
0x27b: {  	[tilespmem:s16+$0x14810] =	vst.add.f32.msk $0xffff, v5  }
0x27c: {  	[tilespmem:s16+$0x14820] =	vst.add.f32.msk $0xffff, v3;
	v3 =	vadd.f32 v18, v15  }
0x27d: {  	[tilespmem:s16+$0x14830] =	vst.add.f32.msk $0xffff, v2  }
0x27e: {  	[tilespmem:s16+$0x14840] =	vst.add.f32.msk $0xffff, v7;
	v2 =	vadd.f32 v19, v16  }
0x27f: {  	[tilespmem:s16+$0x14850] =	vst.add.f32.msk $0xffff, v9  }
0x280: {  	[tilespmem:s16+$0x14860] =	vst.add.f32.msk $0xffff, v6  }
0x281: {  	[tilespmem:s16+$0x14870] =	vst.add.f32.msk $0xffff, v8  }
0x282: {  	[tilespmem:s16+$0x14880] =	vst.add.f32.msk $0xffff, v10  }
0x283: {  	[tilespmem:s16+$0x14890] =	vst.add.f32.msk $0xffff, v11  }
0x284: {  	[tilespmem:s16+$0x148A0] =	vst.add.f32.msk $0xffff, v12  }
.Ltmp14:
0x285: {  	[tilespmem:s16+$0x148B0] =	vst.add.f32.msk $0xffff, v13;
	(pc) =	sbr.rel @p1 .LBB2_32-.Ltmp14, $4  }
0x286: {  	[tilespmem:s16+$0x148C0] =	vst.add.f32.msk $0xffff, v4  }
0x287: {  	[tilespmem:s16+$0x148D0] =	vst.add.f32.msk $0xffff, v3  }
0x288: {  	[tilespmem:s16+$0x148E0] =	vst.add.f32.msk $0xffff, v2;
	s16 =	sshra.s32 s2, $0x2  }
0x289: {  	s2 =	sadd.s32 $0x400, s2;
	v2 =	vld [tilespmem:s16+$0x108F0]  }
0x28a: {  	v3 =	vld [tilespmem:s16+$0x128F0]  }
0x28b: {  	v4 =	vld [tilespmem:s16+$0x10800]  }
0x28c: {  	v5 =	vld [tilespmem:s16+$0x12800]  }
0x28d: {  	v6 =	vld [tilespmem:s16+$0x10810]  }
0x28e: {  	v7 =	vld [tilespmem:s16+$0x12810]  }
0x28f: {  	v8 =	vld [tilespmem:s16+$0x10820]  }
0x290: {  	v9 =	vld [tilespmem:s16+$0x12830]  }
0x291: {  	v10 =	vld [tilespmem:s16+$0x10840]  }
0x292: {  	v11 =	vld [tilespmem:s16+$0x12840]  }
0x293: {  	v12 =	vld [tilespmem:s16+$0x10850]  }
0x294: {  	v13 =	vld [tilespmem:s16+$0x12850]  }
0x295: {  	v14 =	vld [tilespmem:s16+$0x10860]  }
0x296: {  	v15 =	vld [tilespmem:s16+$0x12860]  }
0x297: {  	v16 =	vld [tilespmem:s16+$0x10870]  }
0x298: {  	v17 =	vld [tilespmem:s16+$0x12870]  }
0x299: {  	v18 =	vld [tilespmem:s16+$0x10880]  }
0x29a: {  	v19 =	vld [tilespmem:s16+$0x12880]  }
0x29b: {  	v20 =	vld [tilespmem:s16+$0x10890]  }
0x29c: {  	v21 =	vld [tilespmem:s16+$0x12890]  }
0x29d: {  	v22 =	vld [tilespmem:s16+$0x108A0]  }
0x29e: {  	v23 =	vld [tilespmem:s16+$0x128A0]  }
0x29f: {  	v24 =	vld [tilespmem:s16+$0x108B0]  }
0x2a0: {  	v25 =	vld [tilespmem:s16+$0x128B0]  }
0x2a1: {  	v26 =	vld [tilespmem:s16+$0x108C0]  }
0x2a2: {  	v27 =	vld [tilespmem:s16+$0x128C0]  }
0x2a3: {  	v28 =	vld [tilespmem:s16+$0x108D0]  }
0x2a4: {  	v29 =	vld [tilespmem:s16+$0x128D0]  }
0x2a5: {  	v58 =	vld [tilespmem:s16+$0x108E0]  }
0x2a6: {  	v59 =	vld [tilespmem:s16+$0x128E0];
	v2 =	vadd.f32 v3, v2  }
0x2a7: {  	v3 =	vld [tilespmem:s16+$0x12820]  }
0x2a8: {  	v4 =	vadd.f32 v5, v4;
	[tilespmem:s16+$0x148F0] =	vst.add.f32.msk $0xffff, v2  }
0x2a9: {  	v6 =	vadd.f32 v7, v6;
	v2 =	vld [tilespmem:s16+$0x10830]  }
0x2aa: {  	v60 =	vadd.f32 v11, v10;
	[tilespmem:s16+$0x14800] =	vst.add.f32.msk $0xffff, v4  }
0x2ab: {  	v61 =	vadd.f32 v17, v16;
	[tilespmem:s16+$0x14810] =	vst.add.f32.msk $0xffff, v6  }
0x2ac: {  	v62 =	vadd.f32 v23, v22;
	[tilespmem:s16+$0x14840] =	vst.add.f32.msk $0xffff, v60  }
0x2ad: {  	v63 =	vadd.f32 v29, v28;
	[tilespmem:s16+$0x14870] =	vst.add.f32.msk $0xffff, v61  }
0x2ae: {  	[tilespmem:s16+$0x148A0] =	vst.add.f32.msk $0xffff, v62;
	v3 =	vadd.f32 v3, v8  }
0x2af: {  	[tilespmem:s16+$0x148D0] =	vst.add.f32.msk $0xffff, v63;
	v2 =	vadd.f32 v9, v2  }
0x2b0: {  	[tilespmem:s16+$0x14820] =	vst.add.f32.msk $0xffff, v3;
	v3 =	vadd.f32 v13, v12  }
0x2b1: {  	[tilespmem:s16+$0x14830] =	vst.add.f32.msk $0xffff, v2;
	v2 =	vadd.f32 v15, v14  }
0x2b2: {  	[tilespmem:s16+$0x14850] =	vst.add.f32.msk $0xffff, v3;
	v3 =	vadd.f32 v19, v18  }
0x2b3: {  	[tilespmem:s16+$0x14860] =	vst.add.f32.msk $0xffff, v2;
	v2 =	vadd.f32 v21, v20  }
0x2b4: {  	[tilespmem:s16+$0x14880] =	vst.add.f32.msk $0xffff, v3;
	v3 =	vadd.f32 v25, v24  }
0x2b5: {  	[tilespmem:s16+$0x14890] =	vst.add.f32.msk $0xffff, v2;
	v2 =	vadd.f32 v27, v26  }
0x2b6: {  	s2 =	sshll.u32 s1, $0xB;
	[tilespmem:s16+$0x148B0] =	vst.add.f32.msk $0xffff, v3;
	v3 =	vadd.f32 v59, v58  }
0x2b7: {  	s2 =	sand.u32 $0x3FFFF800, s2;
	[tilespmem:s16+$0x148C0] =	vst.add.f32.msk $0xffff, v2  }
0x2b8: {  	s31 =	sadd.s32 $0x6C00, s2;
	[tilespmem:s16+$0x148E0] =	vst.add.f32.msk $0xffff, v3  }
0x2b9: {  	[tilespmem:s22], [sflag:$0x2] =	stream.indirect.gather [hbm4b:s4+s20], $0x10, s31, s20, $0xb8;
	[tilespmem:$0x1A810] =	vst v63  }
0x2ba: {  	_ =	swait.ge [sflag:s23], $0x4000  }
0x2bb: {  	[sflag:s23] =	ssyncset.done $0x0  }
0x2bc: {  	s16 =	simm.s32 $0x0;
	[sflag:s23] =	ssyncadd.s32 $0xFFFFC000  }
0x2bd: {  	s18 =	simm.s32 $0x400;
	v2 =	vld [tilespmem:s16+$0xC8F0]  }
.LBB2_34:
0x2be: {  	p1 =	sne.s32 s18, $0x7C00;
	v3 =	vld [tilespmem:s16+$0xE8F0]  }
0x2bf: {  	v4 =	vld [tilespmem:s16+$0xC800]  }
0x2c0: {  	v5 =	vld [tilespmem:s16+$0xE800]  }
0x2c1: {  	v6 =	vld [tilespmem:s16+$0xC810]  }
0x2c2: {  	v7 =	vld [tilespmem:s16+$0xE810]  }
0x2c3: {  	v8 =	vld [tilespmem:s16+$0xC820];
	v2 =	vadd.f32 v3, v2  }
0x2c4: {  	v3 =	vld [tilespmem:s16+$0xE820]  }
0x2c5: {  	v4 =	vadd.f32 v5, v4;
	[tilespmem:s16+$0x148F0] =	vst.add.f32.msk $0xffff, v2  }
0x2c6: {  	v2 =	vld [tilespmem:s16+$0xC830]  }
0x2c7: {  	v5 =	vadd.f32 v7, v6;
	v6 =	vld [tilespmem:s16+$0xE830]  }
0x2c8: {  	v7 =	vld [tilespmem:s16+$0xC840]  }
0x2c9: {  	v3 =	vadd.f32 v3, v8;
	v8 =	vld [tilespmem:s16+$0xE840]  }
0x2ca: {  	v9 =	vld [tilespmem:s16+$0xC850]  }
0x2cb: {  	v10 =	vld [tilespmem:s16+$0xE850]  }
0x2cc: {  	v2 =	vadd.f32 v6, v2;
	v6 =	vld [tilespmem:s16+$0xC860]  }
0x2cd: {  	v11 =	vld [tilespmem:s16+$0xE860]  }
0x2ce: {  	v7 =	vadd.f32 v8, v7;
	v8 =	vld [tilespmem:s16+$0xC870]  }
0x2cf: {  	v12 =	vld [tilespmem:s16+$0xE870]  }
0x2d0: {  	v9 =	vadd.f32 v10, v9;
	v10 =	vld [tilespmem:s16+$0xC880]  }
0x2d1: {  	v13 =	vld [tilespmem:s16+$0xE880]  }
0x2d2: {  	v6 =	vadd.f32 v11, v6;
	v11 =	vld [tilespmem:s16+$0xC890]  }
0x2d3: {  	v14 =	vld [tilespmem:s16+$0xE890]  }
0x2d4: {  	v8 =	vadd.f32 v12, v8;
	v12 =	vld [tilespmem:s16+$0xC8A0]  }
0x2d5: {  	v15 =	vld [tilespmem:s16+$0xE8A0]  }
0x2d6: {  	v10 =	vadd.f32 v13, v10;
	v13 =	vld [tilespmem:s16+$0xC8B0]  }
0x2d7: {  	v16 =	vld [tilespmem:s16+$0xE8B0]  }
0x2d8: {  	v11 =	vadd.f32 v14, v11;
	v14 =	vld [tilespmem:s16+$0xC8C0]  }
0x2d9: {  	v17 =	vld [tilespmem:s16+$0xE8C0]  }
0x2da: {  	v12 =	vadd.f32 v15, v12;
	v15 =	vld [tilespmem:s16+$0xC8D0]  }
0x2db: {  	v18 =	vld [tilespmem:s16+$0xE8D0]  }
0x2dc: {  	v13 =	vadd.f32 v16, v13;
	v16 =	vld [tilespmem:s16+$0xC8E0]  }
0x2dd: {  	v19 =	vld [tilespmem:s16+$0xE8E0]  }
0x2de: {  	[tilespmem:s16+$0x14800] =	vst.add.f32.msk $0xffff, v4;
	v4 =	vadd.f32 v17, v14  }
0x2df: {  	[tilespmem:s16+$0x14810] =	vst.add.f32.msk $0xffff, v5  }
0x2e0: {  	[tilespmem:s16+$0x14820] =	vst.add.f32.msk $0xffff, v3;
	v3 =	vadd.f32 v18, v15  }
0x2e1: {  	[tilespmem:s16+$0x14830] =	vst.add.f32.msk $0xffff, v2  }
0x2e2: {  	[tilespmem:s16+$0x14840] =	vst.add.f32.msk $0xffff, v7;
	v2 =	vadd.f32 v19, v16  }
0x2e3: {  	[tilespmem:s16+$0x14850] =	vst.add.f32.msk $0xffff, v9  }
0x2e4: {  	[tilespmem:s16+$0x14860] =	vst.add.f32.msk $0xffff, v6  }
0x2e5: {  	[tilespmem:s16+$0x14870] =	vst.add.f32.msk $0xffff, v8  }
0x2e6: {  	[tilespmem:s16+$0x14880] =	vst.add.f32.msk $0xffff, v10  }
0x2e7: {  	[tilespmem:s16+$0x14890] =	vst.add.f32.msk $0xffff, v11  }
0x2e8: {  	[tilespmem:s16+$0x148A0] =	vst.add.f32.msk $0xffff, v12  }
.Ltmp15:
0x2e9: {  	[tilespmem:s16+$0x148B0] =	vst.add.f32.msk $0xffff, v13;
	(pc) =	sbr.rel @p1 .LBB2_34-.Ltmp15, $4  }
0x2ea: {  	[tilespmem:s16+$0x148C0] =	vst.add.f32.msk $0xffff, v4  }
0x2eb: {  	[tilespmem:s16+$0x148D0] =	vst.add.f32.msk $0xffff, v3  }
0x2ec: {  	[tilespmem:s16+$0x148E0] =	vst.add.f32.msk $0xffff, v2;
	s16 =	sshra.s32 s18, $0x2  }
0x2ed: {  	s18 =	sadd.s32 $0x400, s18;
	v2 =	vld [tilespmem:s16+$0xC8F0]  }
0x2ee: {  	v3 =	vld [tilespmem:s16+$0xE8F0]  }
0x2ef: {  	v4 =	vld [tilespmem:s16+$0xC800]  }
0x2f0: {  	v5 =	vld [tilespmem:s16+$0xE800]  }
0x2f1: {  	v6 =	vld [tilespmem:s16+$0xC810]  }
0x2f2: {  	v7 =	vld [tilespmem:s16+$0xE810]  }
0x2f3: {  	v8 =	vld [tilespmem:s16+$0xC820]  }
0x2f4: {  	v9 =	vld [tilespmem:s16+$0xE830]  }
0x2f5: {  	v10 =	vld [tilespmem:s16+$0xC840]  }
0x2f6: {  	v11 =	vld [tilespmem:s16+$0xE840]  }
0x2f7: {  	v12 =	vld [tilespmem:s16+$0xC850]  }
0x2f8: {  	v13 =	vld [tilespmem:s16+$0xE850]  }
0x2f9: {  	v14 =	vld [tilespmem:s16+$0xC860]  }
0x2fa: {  	v15 =	vld [tilespmem:s16+$0xE860]  }
0x2fb: {  	v16 =	vld [tilespmem:s16+$0xC870]  }
0x2fc: {  	v17 =	vld [tilespmem:s16+$0xE870]  }
0x2fd: {  	v18 =	vld [tilespmem:s16+$0xC880]  }
0x2fe: {  	v19 =	vld [tilespmem:s16+$0xE880]  }
0x2ff: {  	v20 =	vld [tilespmem:s16+$0xC890]  }
0x300: {  	v21 =	vld [tilespmem:s16+$0xE890]  }
0x301: {  	v22 =	vld [tilespmem:s16+$0xC8A0]  }
0x302: {  	v23 =	vld [tilespmem:s16+$0xE8A0]  }
0x303: {  	v24 =	vld [tilespmem:s16+$0xC8B0]  }
0x304: {  	v25 =	vld [tilespmem:s16+$0xE8B0]  }
0x305: {  	v26 =	vld [tilespmem:s16+$0xC8C0]  }
0x306: {  	v27 =	vld [tilespmem:s16+$0xE8C0]  }
0x307: {  	v28 =	vld [tilespmem:s16+$0xC8D0]  }
0x308: {  	v29 =	vld [tilespmem:s16+$0xE8D0]  }
0x309: {  	v58 =	vld [tilespmem:s16+$0xC8E0]  }
0x30a: {  	v59 =	vld [tilespmem:s16+$0xE8E0];
	v2 =	vadd.f32 v3, v2  }
0x30b: {  	v3 =	vld [tilespmem:s16+$0xE820]  }
0x30c: {  	v4 =	vadd.f32 v5, v4;
	[tilespmem:s16+$0x148F0] =	vst.add.f32.msk $0xffff, v2  }
0x30d: {  	v6 =	vadd.f32 v7, v6;
	v2 =	vld [tilespmem:s16+$0xC830]  }
0x30e: {  	v60 =	vadd.f32 v11, v10;
	[tilespmem:s16+$0x14800] =	vst.add.f32.msk $0xffff, v4  }
0x30f: {  	v61 =	vadd.f32 v17, v16;
	[tilespmem:s16+$0x14810] =	vst.add.f32.msk $0xffff, v6  }
0x310: {  	v62 =	vadd.f32 v23, v22;
	[tilespmem:s16+$0x14840] =	vst.add.f32.msk $0xffff, v60  }
0x311: {  	v63 =	vadd.f32 v29, v28;
	[tilespmem:s16+$0x14870] =	vst.add.f32.msk $0xffff, v61  }
0x312: {  	[tilespmem:s16+$0x148A0] =	vst.add.f32.msk $0xffff, v62;
	v3 =	vadd.f32 v3, v8  }
0x313: {  	[tilespmem:s16+$0x148D0] =	vst.add.f32.msk $0xffff, v63;
	v2 =	vadd.f32 v9, v2  }
0x314: {  	[tilespmem:s16+$0x14820] =	vst.add.f32.msk $0xffff, v3;
	v3 =	vadd.f32 v13, v12  }
0x315: {  	[tilespmem:s16+$0x14830] =	vst.add.f32.msk $0xffff, v2;
	v2 =	vadd.f32 v15, v14  }
0x316: {  	[tilespmem:s16+$0x14850] =	vst.add.f32.msk $0xffff, v3;
	v3 =	vadd.f32 v19, v18  }
0x317: {  	s1 =	sadd.s32 $0x1, s1;
	[tilespmem:s16+$0x14860] =	vst.add.f32.msk $0xffff, v2;
	v2 =	vadd.f32 v21, v20  }
0x318: {  	p1 =	sne.s32 s1, $0xB;
	[tilespmem:s16+$0x14880] =	vst.add.f32.msk $0xffff, v3;
	v3 =	vadd.f32 v25, v24  }
.Ltmp16:
0x319: {  	[tilespmem:s16+$0x14890] =	vst.add.f32.msk $0xffff, v2;
	v2 =	vadd.f32 v27, v26;
	(pc) =	sbr.rel @p1 .LBB2_31-.Ltmp16, $4  }
0x31a: {  	[tilespmem:s16+$0x148B0] =	vst.add.f32.msk $0xffff, v3;
	v3 =	vadd.f32 v59, v58  }
0x31b: {  	[tilespmem:s16+$0x148C0] =	vst.add.f32.msk $0xffff, v2  }
0x31c: {  	s2 =	sadd.s32 $0x7000, s2;
	[tilespmem:s16+$0x148E0] =	vst.add.f32.msk $0xffff, v3  }
0x31d: {  	[tilespmem:s21], [sflag:$0x1] =	stream.indirect.gather [hbm4b:s4+s20], $0x10, s2, s20, $0xb8;
	[tilespmem:$0x1A810] =	vst v63  }
0x31e: {  	_ =	swait.ge [sflag:s24], $0x4000  }
0x31f: {  	[sflag:s24] =	ssyncset.done $0x0  }
0x320: {  	s1 =	simm.s32 $0x0;
	[sflag:s24] =	ssyncadd.s32 $0xFFFFC000  }
0x321: {  	s2 =	simm.s32 $0x400;
	v2 =	vld [tilespmem:s1+$0x108F0]  }
.LBB2_37:
0x322: {  	p1 =	sne.s32 s2, $0x7C00;
	v3 =	vld [tilespmem:s1+$0x128F0]  }
0x323: {  	v4 =	vld [tilespmem:s1+$0x10800]  }
0x324: {  	v5 =	vld [tilespmem:s1+$0x12800]  }
0x325: {  	v6 =	vld [tilespmem:s1+$0x10810]  }
0x326: {  	v7 =	vld [tilespmem:s1+$0x12810]  }
0x327: {  	v8 =	vld [tilespmem:s1+$0x10820];
	v2 =	vadd.f32 v3, v2  }
0x328: {  	v3 =	vld [tilespmem:s1+$0x12820]  }
0x329: {  	v4 =	vadd.f32 v5, v4;
	[tilespmem:s1+$0x148F0] =	vst.add.f32.msk $0xffff, v2  }
0x32a: {  	v2 =	vld [tilespmem:s1+$0x10830]  }
0x32b: {  	v5 =	vadd.f32 v7, v6;
	v6 =	vld [tilespmem:s1+$0x12830]  }
0x32c: {  	v7 =	vld [tilespmem:s1+$0x10840]  }
0x32d: {  	v3 =	vadd.f32 v3, v8;
	v8 =	vld [tilespmem:s1+$0x12840]  }
0x32e: {  	v9 =	vld [tilespmem:s1+$0x10850]  }
0x32f: {  	v10 =	vld [tilespmem:s1+$0x12850]  }
0x330: {  	v2 =	vadd.f32 v6, v2;
	v6 =	vld [tilespmem:s1+$0x10860]  }
0x331: {  	v11 =	vld [tilespmem:s1+$0x12860]  }
0x332: {  	v7 =	vadd.f32 v8, v7;
	v8 =	vld [tilespmem:s1+$0x10870]  }
0x333: {  	v12 =	vld [tilespmem:s1+$0x12870]  }
0x334: {  	v9 =	vadd.f32 v10, v9;
	v10 =	vld [tilespmem:s1+$0x10880]  }
0x335: {  	v13 =	vld [tilespmem:s1+$0x12880]  }
0x336: {  	v6 =	vadd.f32 v11, v6;
	v11 =	vld [tilespmem:s1+$0x10890]  }
0x337: {  	v14 =	vld [tilespmem:s1+$0x12890]  }
0x338: {  	v8 =	vadd.f32 v12, v8;
	v12 =	vld [tilespmem:s1+$0x108A0]  }
0x339: {  	v15 =	vld [tilespmem:s1+$0x128A0]  }
0x33a: {  	v10 =	vadd.f32 v13, v10;
	v13 =	vld [tilespmem:s1+$0x108B0]  }
0x33b: {  	v16 =	vld [tilespmem:s1+$0x128B0]  }
0x33c: {  	v11 =	vadd.f32 v14, v11;
	v14 =	vld [tilespmem:s1+$0x108C0]  }
0x33d: {  	v17 =	vld [tilespmem:s1+$0x128C0]  }
0x33e: {  	v12 =	vadd.f32 v15, v12;
	v15 =	vld [tilespmem:s1+$0x108D0]  }
0x33f: {  	v18 =	vld [tilespmem:s1+$0x128D0]  }
0x340: {  	v13 =	vadd.f32 v16, v13;
	v16 =	vld [tilespmem:s1+$0x108E0]  }
0x341: {  	v19 =	vld [tilespmem:s1+$0x128E0]  }
0x342: {  	[tilespmem:s1+$0x14800] =	vst.add.f32.msk $0xffff, v4;
	v4 =	vadd.f32 v17, v14  }
0x343: {  	[tilespmem:s1+$0x14810] =	vst.add.f32.msk $0xffff, v5  }
0x344: {  	[tilespmem:s1+$0x14820] =	vst.add.f32.msk $0xffff, v3;
	v3 =	vadd.f32 v18, v15  }
0x345: {  	[tilespmem:s1+$0x14830] =	vst.add.f32.msk $0xffff, v2  }
0x346: {  	[tilespmem:s1+$0x14840] =	vst.add.f32.msk $0xffff, v7;
	v2 =	vadd.f32 v19, v16  }
0x347: {  	[tilespmem:s1+$0x14850] =	vst.add.f32.msk $0xffff, v9  }
0x348: {  	[tilespmem:s1+$0x14860] =	vst.add.f32.msk $0xffff, v6  }
0x349: {  	[tilespmem:s1+$0x14870] =	vst.add.f32.msk $0xffff, v8  }
0x34a: {  	[tilespmem:s1+$0x14880] =	vst.add.f32.msk $0xffff, v10  }
0x34b: {  	[tilespmem:s1+$0x14890] =	vst.add.f32.msk $0xffff, v11  }
0x34c: {  	[tilespmem:s1+$0x148A0] =	vst.add.f32.msk $0xffff, v12  }
.Ltmp17:
0x34d: {  	[tilespmem:s1+$0x148B0] =	vst.add.f32.msk $0xffff, v13;
	(pc) =	sbr.rel @p1 .LBB2_37-.Ltmp17, $4  }
0x34e: {  	[tilespmem:s1+$0x148C0] =	vst.add.f32.msk $0xffff, v4  }
0x34f: {  	[tilespmem:s1+$0x148D0] =	vst.add.f32.msk $0xffff, v3  }
0x350: {  	[tilespmem:s1+$0x148E0] =	vst.add.f32.msk $0xffff, v2;
	s1 =	sshra.s32 s2, $0x2  }
0x351: {  	s2 =	sadd.s32 $0x400, s2;
	v2 =	vld [tilespmem:s1+$0x108F0]  }
0x352: {  	v3 =	vld [tilespmem:s1+$0x128F0]  }
0x353: {  	v4 =	vld [tilespmem:s1+$0x10800]  }
0x354: {  	v5 =	vld [tilespmem:s1+$0x12800]  }
0x355: {  	v6 =	vld [tilespmem:s1+$0x10810]  }
0x356: {  	v7 =	vld [tilespmem:s1+$0x12810]  }
0x357: {  	v8 =	vld [tilespmem:s1+$0x10820]  }
0x358: {  	v9 =	vld [tilespmem:s1+$0x12830]  }
0x359: {  	v10 =	vld [tilespmem:s1+$0x10840]  }
0x35a: {  	v11 =	vld [tilespmem:s1+$0x12840]  }
0x35b: {  	v12 =	vld [tilespmem:s1+$0x10850]  }
0x35c: {  	v13 =	vld [tilespmem:s1+$0x12850]  }
0x35d: {  	v14 =	vld [tilespmem:s1+$0x10860]  }
0x35e: {  	v15 =	vld [tilespmem:s1+$0x12860]  }
0x35f: {  	v16 =	vld [tilespmem:s1+$0x10870]  }
0x360: {  	v17 =	vld [tilespmem:s1+$0x12870]  }
0x361: {  	v18 =	vld [tilespmem:s1+$0x10880]  }
0x362: {  	v19 =	vld [tilespmem:s1+$0x12880]  }
0x363: {  	v20 =	vld [tilespmem:s1+$0x10890]  }
0x364: {  	v21 =	vld [tilespmem:s1+$0x12890]  }
0x365: {  	v22 =	vld [tilespmem:s1+$0x108A0]  }
0x366: {  	v23 =	vld [tilespmem:s1+$0x128A0]  }
0x367: {  	v24 =	vld [tilespmem:s1+$0x108B0]  }
0x368: {  	v25 =	vld [tilespmem:s1+$0x128B0]  }
0x369: {  	v26 =	vld [tilespmem:s1+$0x108C0]  }
0x36a: {  	v27 =	vld [tilespmem:s1+$0x128C0]  }
0x36b: {  	v28 =	vld [tilespmem:s1+$0x108D0]  }
0x36c: {  	v29 =	vld [tilespmem:s1+$0x128D0]  }
0x36d: {  	v58 =	vld [tilespmem:s1+$0x108E0]  }
0x36e: {  	v59 =	vld [tilespmem:s1+$0x128E0];
	v2 =	vadd.f32 v3, v2  }
0x36f: {  	v3 =	vld [tilespmem:s1+$0x12820]  }
0x370: {  	v4 =	vadd.f32 v5, v4;
	[tilespmem:s1+$0x148F0] =	vst.add.f32.msk $0xffff, v2  }
0x371: {  	v6 =	vadd.f32 v7, v6;
	v2 =	vld [tilespmem:s1+$0x10830]  }
0x372: {  	v60 =	vadd.f32 v11, v10;
	[tilespmem:s1+$0x14800] =	vst.add.f32.msk $0xffff, v4  }
0x373: {  	v61 =	vadd.f32 v17, v16;
	[tilespmem:s1+$0x14810] =	vst.add.f32.msk $0xffff, v6  }
0x374: {  	v62 =	vadd.f32 v23, v22;
	[tilespmem:s1+$0x14840] =	vst.add.f32.msk $0xffff, v60  }
0x375: {  	v63 =	vadd.f32 v29, v28;
	[tilespmem:s1+$0x14870] =	vst.add.f32.msk $0xffff, v61  }
0x376: {  	[tilespmem:s1+$0x148A0] =	vst.add.f32.msk $0xffff, v62;
	v3 =	vadd.f32 v3, v8  }
0x377: {  	[tilespmem:s1+$0x148D0] =	vst.add.f32.msk $0xffff, v63;
	v2 =	vadd.f32 v9, v2  }
0x378: {  	[tilespmem:s1+$0x14820] =	vst.add.f32.msk $0xffff, v3;
	v3 =	vadd.f32 v13, v12  }
0x379: {  	[tilespmem:s1+$0x14830] =	vst.add.f32.msk $0xffff, v2;
	v2 =	vadd.f32 v15, v14  }
0x37a: {  	[tilespmem:s1+$0x14850] =	vst.add.f32.msk $0xffff, v3;
	v3 =	vadd.f32 v19, v18  }
0x37b: {  	[tilespmem:s1+$0x14860] =	vst.add.f32.msk $0xffff, v2;
	v2 =	vadd.f32 v21, v20  }
0x37c: {  	[tilespmem:s1+$0x14880] =	vst.add.f32.msk $0xffff, v3;
	v3 =	vadd.f32 v25, v24  }
0x37d: {  	[tilespmem:s1+$0x14890] =	vst.add.f32.msk $0xffff, v2;
	v2 =	vadd.f32 v27, v26  }
0x37e: {  	[tilespmem:s1+$0x148B0] =	vst.add.f32.msk $0xffff, v3;
	v3 =	vadd.f32 v59, v58  }
0x37f: {  	[tilespmem:s1+$0x148C0] =	vst.add.f32.msk $0xffff, v2  }
0x380: {  	[tilespmem:s1+$0x148E0] =	vst.add.f32.msk $0xffff, v3  }
0x381: {  	[tilespmem:s22], [sflag:$0x2] =	stream.indirect.gather [hbm4b:s4+s20], $0x10, s30, s20, $0xb8;
	[tilespmem:$0x1A810] =	vst v63  }
0x382: {  	_ =	swait.ge [sflag:s23], $0x4000  }
0x383: {  	[sflag:s23] =	ssyncset.done $0x0  }
0x384: {  	s1 =	simm.s32 $0x0;
	[sflag:s23] =	ssyncadd.s32 $0xFFFFC000  }
0x385: {  	s2 =	simm.s32 $0x400;
	v2 =	vld [tilespmem:s1+$0xC8F0]  }
.LBB2_39:
0x386: {  	p1 =	sne.s32 s2, $0x7C00;
	v3 =	vld [tilespmem:s1+$0xE8F0]  }
0x387: {  	v4 =	vld [tilespmem:s1+$0xC800]  }
0x388: {  	v5 =	vld [tilespmem:s1+$0xE800]  }
0x389: {  	v6 =	vld [tilespmem:s1+$0xC810]  }
0x38a: {  	v7 =	vld [tilespmem:s1+$0xE810]  }
0x38b: {  	v8 =	vld [tilespmem:s1+$0xC820];
	v2 =	vadd.f32 v3, v2  }
0x38c: {  	v3 =	vld [tilespmem:s1+$0xE820]  }
0x38d: {  	v4 =	vadd.f32 v5, v4;
	[tilespmem:s1+$0x148F0] =	vst.add.f32.msk $0xffff, v2  }
0x38e: {  	v2 =	vld [tilespmem:s1+$0xC830]  }
0x38f: {  	v5 =	vadd.f32 v7, v6;
	v6 =	vld [tilespmem:s1+$0xE830]  }
0x390: {  	v7 =	vld [tilespmem:s1+$0xC840]  }
0x391: {  	v3 =	vadd.f32 v3, v8;
	v8 =	vld [tilespmem:s1+$0xE840]  }
0x392: {  	v9 =	vld [tilespmem:s1+$0xC850]  }
0x393: {  	v10 =	vld [tilespmem:s1+$0xE850]  }
0x394: {  	v2 =	vadd.f32 v6, v2;
	v6 =	vld [tilespmem:s1+$0xC860]  }
0x395: {  	v11 =	vld [tilespmem:s1+$0xE860]  }
0x396: {  	v7 =	vadd.f32 v8, v7;
	v8 =	vld [tilespmem:s1+$0xC870]  }
0x397: {  	v12 =	vld [tilespmem:s1+$0xE870]  }
0x398: {  	v9 =	vadd.f32 v10, v9;
	v10 =	vld [tilespmem:s1+$0xC880]  }
0x399: {  	v13 =	vld [tilespmem:s1+$0xE880]  }
0x39a: {  	v6 =	vadd.f32 v11, v6;
	v11 =	vld [tilespmem:s1+$0xC890]  }
0x39b: {  	v14 =	vld [tilespmem:s1+$0xE890]  }
0x39c: {  	v8 =	vadd.f32 v12, v8;
	v12 =	vld [tilespmem:s1+$0xC8A0]  }
0x39d: {  	v15 =	vld [tilespmem:s1+$0xE8A0]  }
0x39e: {  	v10 =	vadd.f32 v13, v10;
	v13 =	vld [tilespmem:s1+$0xC8B0]  }
0x39f: {  	v16 =	vld [tilespmem:s1+$0xE8B0]  }
0x3a0: {  	v11 =	vadd.f32 v14, v11;
	v14 =	vld [tilespmem:s1+$0xC8C0]  }
0x3a1: {  	v17 =	vld [tilespmem:s1+$0xE8C0]  }
0x3a2: {  	v12 =	vadd.f32 v15, v12;
	v15 =	vld [tilespmem:s1+$0xC8D0]  }
0x3a3: {  	v18 =	vld [tilespmem:s1+$0xE8D0]  }
0x3a4: {  	v13 =	vadd.f32 v16, v13;
	v16 =	vld [tilespmem:s1+$0xC8E0]  }
0x3a5: {  	v19 =	vld [tilespmem:s1+$0xE8E0]  }
0x3a6: {  	[tilespmem:s1+$0x14800] =	vst.add.f32.msk $0xffff, v4;
	v4 =	vadd.f32 v17, v14  }
0x3a7: {  	[tilespmem:s1+$0x14810] =	vst.add.f32.msk $0xffff, v5  }
0x3a8: {  	[tilespmem:s1+$0x14820] =	vst.add.f32.msk $0xffff, v3;
	v3 =	vadd.f32 v18, v15  }
0x3a9: {  	[tilespmem:s1+$0x14830] =	vst.add.f32.msk $0xffff, v2  }
0x3aa: {  	[tilespmem:s1+$0x14840] =	vst.add.f32.msk $0xffff, v7;
	v2 =	vadd.f32 v19, v16  }
0x3ab: {  	[tilespmem:s1+$0x14850] =	vst.add.f32.msk $0xffff, v9  }
0x3ac: {  	[tilespmem:s1+$0x14860] =	vst.add.f32.msk $0xffff, v6  }
0x3ad: {  	[tilespmem:s1+$0x14870] =	vst.add.f32.msk $0xffff, v8  }
0x3ae: {  	[tilespmem:s1+$0x14880] =	vst.add.f32.msk $0xffff, v10  }
0x3af: {  	[tilespmem:s1+$0x14890] =	vst.add.f32.msk $0xffff, v11  }
0x3b0: {  	[tilespmem:s1+$0x148A0] =	vst.add.f32.msk $0xffff, v12  }
.Ltmp18:
0x3b1: {  	[tilespmem:s1+$0x148B0] =	vst.add.f32.msk $0xffff, v13;
	(pc) =	sbr.rel @p1 .LBB2_39-.Ltmp18, $4  }
0x3b2: {  	[tilespmem:s1+$0x148C0] =	vst.add.f32.msk $0xffff, v4  }
0x3b3: {  	[tilespmem:s1+$0x148D0] =	vst.add.f32.msk $0xffff, v3  }
0x3b4: {  	[tilespmem:s1+$0x148E0] =	vst.add.f32.msk $0xffff, v2;
	s1 =	sshra.s32 s2, $0x2  }
0x3b5: {  	s2 =	sadd.s32 $0x400, s2;
	v2 =	vld [tilespmem:s1+$0xC8F0]  }
0x3b6: {  	v3 =	vld [tilespmem:s1+$0xE8F0]  }
0x3b7: {  	v4 =	vld [tilespmem:s1+$0xC800]  }
0x3b8: {  	v5 =	vld [tilespmem:s1+$0xE800]  }
0x3b9: {  	v6 =	vld [tilespmem:s1+$0xC810]  }
0x3ba: {  	v7 =	vld [tilespmem:s1+$0xE810]  }
0x3bb: {  	v8 =	vld [tilespmem:s1+$0xC820]  }
0x3bc: {  	v9 =	vld [tilespmem:s1+$0xE830]  }
0x3bd: {  	v10 =	vld [tilespmem:s1+$0xC840]  }
0x3be: {  	v11 =	vld [tilespmem:s1+$0xE840]  }
0x3bf: {  	v12 =	vld [tilespmem:s1+$0xC850]  }
0x3c0: {  	v13 =	vld [tilespmem:s1+$0xE850]  }
0x3c1: {  	v14 =	vld [tilespmem:s1+$0xC860]  }
0x3c2: {  	v15 =	vld [tilespmem:s1+$0xE860]  }
0x3c3: {  	v16 =	vld [tilespmem:s1+$0xC870]  }
0x3c4: {  	v17 =	vld [tilespmem:s1+$0xE870]  }
0x3c5: {  	v18 =	vld [tilespmem:s1+$0xC880]  }
0x3c6: {  	v19 =	vld [tilespmem:s1+$0xE880]  }
0x3c7: {  	v20 =	vld [tilespmem:s1+$0xC890]  }
0x3c8: {  	v21 =	vld [tilespmem:s1+$0xE890]  }
0x3c9: {  	v22 =	vld [tilespmem:s1+$0xC8A0]  }
0x3ca: {  	v23 =	vld [tilespmem:s1+$0xE8A0]  }
0x3cb: {  	v24 =	vld [tilespmem:s1+$0xC8B0]  }
0x3cc: {  	v25 =	vld [tilespmem:s1+$0xE8B0]  }
0x3cd: {  	v26 =	vld [tilespmem:s1+$0xC8C0]  }
0x3ce: {  	v27 =	vld [tilespmem:s1+$0xE8C0]  }
0x3cf: {  	v28 =	vld [tilespmem:s1+$0xC8D0]  }
0x3d0: {  	v29 =	vld [tilespmem:s1+$0xE8D0]  }
0x3d1: {  	v58 =	vld [tilespmem:s1+$0xC8E0]  }
0x3d2: {  	v59 =	vld [tilespmem:s1+$0xE8E0];
	v2 =	vadd.f32 v3, v2  }
0x3d3: {  	v3 =	vld [tilespmem:s1+$0xE820]  }
0x3d4: {  	v4 =	vadd.f32 v5, v4;
	[tilespmem:s1+$0x148F0] =	vst.add.f32.msk $0xffff, v2  }
0x3d5: {  	v6 =	vadd.f32 v7, v6;
	v2 =	vld [tilespmem:s1+$0xC830]  }
0x3d6: {  	v60 =	vadd.f32 v11, v10;
	[tilespmem:s1+$0x14800] =	vst.add.f32.msk $0xffff, v4  }
0x3d7: {  	v61 =	vadd.f32 v17, v16;
	[tilespmem:s1+$0x14810] =	vst.add.f32.msk $0xffff, v6  }
0x3d8: {  	v62 =	vadd.f32 v23, v22;
	[tilespmem:s1+$0x14840] =	vst.add.f32.msk $0xffff, v60  }
0x3d9: {  	v63 =	vadd.f32 v29, v28;
	[tilespmem:s1+$0x14870] =	vst.add.f32.msk $0xffff, v61  }
0x3da: {  	[tilespmem:s1+$0x148A0] =	vst.add.f32.msk $0xffff, v62;
	v3 =	vadd.f32 v3, v8  }
0x3db: {  	[tilespmem:s1+$0x148D0] =	vst.add.f32.msk $0xffff, v63;
	v2 =	vadd.f32 v9, v2  }
0x3dc: {  	[tilespmem:s1+$0x14820] =	vst.add.f32.msk $0xffff, v3;
	v3 =	vadd.f32 v13, v12  }
0x3dd: {  	[tilespmem:s1+$0x14830] =	vst.add.f32.msk $0xffff, v2;
	v2 =	vadd.f32 v15, v14  }
0x3de: {  	[tilespmem:s1+$0x14850] =	vst.add.f32.msk $0xffff, v3;
	v3 =	vadd.f32 v19, v18  }
0x3df: {  	[tilespmem:s1+$0x14860] =	vst.add.f32.msk $0xffff, v2;
	v2 =	vadd.f32 v21, v20  }
0x3e0: {  	[tilespmem:s1+$0x14880] =	vst.add.f32.msk $0xffff, v3;
	v3 =	vadd.f32 v25, v24  }
0x3e1: {  	[tilespmem:s1+$0x14890] =	vst.add.f32.msk $0xffff, v2;
	v2 =	vadd.f32 v27, v26  }
0x3e2: {  	[tilespmem:s1+$0x148B0] =	vst.add.f32.msk $0xffff, v3;
	v3 =	vadd.f32 v59, v58  }
0x3e3: {  	[tilespmem:s1+$0x148C0] =	vst.add.f32.msk $0xffff, v2  }
0x3e4: {  	[tilespmem:s1+$0x148E0] =	vst.add.f32.msk $0xffff, v3;
	s1 =	simm.s32 @p0 $0x3  }
0x3e5: {  	_ =	swait.ge @p0 [sflag:s1], $0x3200  }
0x3e6: {  	[sflag:s1] =	ssyncset.done @p0 $0x0  }
0x3e7: {  	[sflag:s1] =	ssyncadd.s32 @p0 $0xFFFFCE00  }
0x3e8: {  	_ =	swait.ge @p0 [sflag:s1], $0x3200  }
0x3e9: {  	s2 =	simm.s32 @p0 $0x0;
	[sflag:s1] =	ssyncset.done @p0 $0x0  }
0x3ea: {  	s16 =	simm.s32 @p0 $0xC800;
	[sflag:s1] =	ssyncadd.s32 @p0 $0xFFFFCE00;
	s1 =	simm.s32 @p0 $0x400  }
0x3eb: {  	[tilespmem:s16], [sflag:$0x1] =	stream.indirect.gather @p0 [hbm4b:s4+s1], $0x10, s2, s1, $0xb8;
	[tilespmem:$0x1A810] =	vst v63  }
0x3ec: {  	_ =	swait.ge [sflag:s24], $0x4000  }
0x3ed: {  	[sflag:s24] =	ssyncset.done $0x0  }
0x3ee: {  	s1 =	simm.s32 $0x0;
	[sflag:s24] =	ssyncadd.s32 $0xFFFFC000  }
0x3ef: {  	s2 =	simm.s32 $0x400;
	v2 =	vld [tilespmem:s1+$0x108F0]  }
.LBB2_41:
0x3f0: {  	p1 =	sne.s32 s2, $0x7C00;
	v3 =	vld [tilespmem:s1+$0x128F0]  }
0x3f1: {  	v4 =	vld [tilespmem:s1+$0x10800]  }
0x3f2: {  	v5 =	vld [tilespmem:s1+$0x12800]  }
0x3f3: {  	v6 =	vld [tilespmem:s1+$0x10810]  }
0x3f4: {  	v7 =	vld [tilespmem:s1+$0x12810]  }
0x3f5: {  	v8 =	vld [tilespmem:s1+$0x10820];
	v2 =	vadd.f32 v3, v2  }
0x3f6: {  	v3 =	vld [tilespmem:s1+$0x12820]  }
0x3f7: {  	v4 =	vadd.f32 v5, v4;
	[tilespmem:s1+$0x148F0] =	vst.add.f32.msk $0xffff, v2  }
0x3f8: {  	v2 =	vld [tilespmem:s1+$0x10830]  }
0x3f9: {  	v5 =	vadd.f32 v7, v6;
	v6 =	vld [tilespmem:s1+$0x12830]  }
0x3fa: {  	v7 =	vld [tilespmem:s1+$0x10840]  }
0x3fb: {  	v3 =	vadd.f32 v3, v8;
	v8 =	vld [tilespmem:s1+$0x12840]  }
0x3fc: {  	v9 =	vld [tilespmem:s1+$0x10850]  }
0x3fd: {  	v10 =	vld [tilespmem:s1+$0x12850]  }
0x3fe: {  	v2 =	vadd.f32 v6, v2;
	v6 =	vld [tilespmem:s1+$0x10860]  }
0x3ff: {  	v11 =	vld [tilespmem:s1+$0x12860]  }
0x400: {  	v7 =	vadd.f32 v8, v7;
	v8 =	vld [tilespmem:s1+$0x10870]  }
0x401: {  	v12 =	vld [tilespmem:s1+$0x12870]  }
0x402: {  	v9 =	vadd.f32 v10, v9;
	v10 =	vld [tilespmem:s1+$0x10880]  }
0x403: {  	v13 =	vld [tilespmem:s1+$0x12880]  }
0x404: {  	v6 =	vadd.f32 v11, v6;
	v11 =	vld [tilespmem:s1+$0x10890]  }
0x405: {  	v14 =	vld [tilespmem:s1+$0x12890]  }
0x406: {  	v8 =	vadd.f32 v12, v8;
	v12 =	vld [tilespmem:s1+$0x108A0]  }
0x407: {  	v15 =	vld [tilespmem:s1+$0x128A0]  }
0x408: {  	v10 =	vadd.f32 v13, v10;
	v13 =	vld [tilespmem:s1+$0x108B0]  }
0x409: {  	v16 =	vld [tilespmem:s1+$0x128B0]  }
0x40a: {  	v11 =	vadd.f32 v14, v11;
	v14 =	vld [tilespmem:s1+$0x108C0]  }
0x40b: {  	v17 =	vld [tilespmem:s1+$0x128C0]  }
0x40c: {  	v12 =	vadd.f32 v15, v12;
	v15 =	vld [tilespmem:s1+$0x108D0]  }
0x40d: {  	v18 =	vld [tilespmem:s1+$0x128D0]  }
0x40e: {  	v13 =	vadd.f32 v16, v13;
	v16 =	vld [tilespmem:s1+$0x108E0]  }
0x40f: {  	v19 =	vld [tilespmem:s1+$0x128E0]  }
0x410: {  	[tilespmem:s1+$0x14800] =	vst.add.f32.msk $0xffff, v4;
	v4 =	vadd.f32 v17, v14  }
0x411: {  	[tilespmem:s1+$0x14810] =	vst.add.f32.msk $0xffff, v5  }
0x412: {  	[tilespmem:s1+$0x14820] =	vst.add.f32.msk $0xffff, v3;
	v3 =	vadd.f32 v18, v15  }
0x413: {  	[tilespmem:s1+$0x14830] =	vst.add.f32.msk $0xffff, v2  }
0x414: {  	[tilespmem:s1+$0x14840] =	vst.add.f32.msk $0xffff, v7;
	v2 =	vadd.f32 v19, v16  }
0x415: {  	[tilespmem:s1+$0x14850] =	vst.add.f32.msk $0xffff, v9  }
0x416: {  	[tilespmem:s1+$0x14860] =	vst.add.f32.msk $0xffff, v6  }
0x417: {  	[tilespmem:s1+$0x14870] =	vst.add.f32.msk $0xffff, v8  }
0x418: {  	[tilespmem:s1+$0x14880] =	vst.add.f32.msk $0xffff, v10  }
0x419: {  	[tilespmem:s1+$0x14890] =	vst.add.f32.msk $0xffff, v11  }
0x41a: {  	[tilespmem:s1+$0x148A0] =	vst.add.f32.msk $0xffff, v12  }
.Ltmp19:
0x41b: {  	[tilespmem:s1+$0x148B0] =	vst.add.f32.msk $0xffff, v13;
	(pc) =	sbr.rel @p1 .LBB2_41-.Ltmp19, $4  }
0x41c: {  	[tilespmem:s1+$0x148C0] =	vst.add.f32.msk $0xffff, v4  }
0x41d: {  	[tilespmem:s1+$0x148D0] =	vst.add.f32.msk $0xffff, v3  }
0x41e: {  	[tilespmem:s1+$0x148E0] =	vst.add.f32.msk $0xffff, v2;
	s1 =	sshra.s32 s2, $0x2  }
0x41f: {  	s2 =	sadd.s32 $0x400, s2;
	v2 =	vld [tilespmem:s1+$0x108F0]  }
0x420: {  	v3 =	vld [tilespmem:s1+$0x128F0]  }
0x421: {  	v4 =	vld [tilespmem:s1+$0x10800]  }
0x422: {  	v5 =	vld [tilespmem:s1+$0x12800]  }
0x423: {  	v6 =	vld [tilespmem:s1+$0x10810]  }
0x424: {  	v7 =	vld [tilespmem:s1+$0x12810]  }
0x425: {  	v8 =	vld [tilespmem:s1+$0x10820]  }
0x426: {  	v9 =	vld [tilespmem:s1+$0x12830]  }
0x427: {  	v10 =	vld [tilespmem:s1+$0x10840]  }
0x428: {  	v11 =	vld [tilespmem:s1+$0x12840]  }
0x429: {  	v12 =	vld [tilespmem:s1+$0x10850]  }
0x42a: {  	v13 =	vld [tilespmem:s1+$0x12850]  }
0x42b: {  	v14 =	vld [tilespmem:s1+$0x10860]  }
0x42c: {  	v15 =	vld [tilespmem:s1+$0x12860]  }
0x42d: {  	v16 =	vld [tilespmem:s1+$0x10870]  }
0x42e: {  	v17 =	vld [tilespmem:s1+$0x12870]  }
0x42f: {  	v18 =	vld [tilespmem:s1+$0x10880]  }
0x430: {  	v19 =	vld [tilespmem:s1+$0x12880]  }
0x431: {  	v20 =	vld [tilespmem:s1+$0x10890]  }
0x432: {  	v21 =	vld [tilespmem:s1+$0x12890]  }
0x433: {  	v22 =	vld [tilespmem:s1+$0x108A0]  }
0x434: {  	v23 =	vld [tilespmem:s1+$0x128A0]  }
0x435: {  	v24 =	vld [tilespmem:s1+$0x108B0]  }
0x436: {  	v25 =	vld [tilespmem:s1+$0x128B0]  }
0x437: {  	v26 =	vld [tilespmem:s1+$0x108C0]  }
0x438: {  	v27 =	vld [tilespmem:s1+$0x128C0]  }
0x439: {  	v28 =	vld [tilespmem:s1+$0x108D0]  }
0x43a: {  	v29 =	vld [tilespmem:s1+$0x128D0]  }
0x43b: {  	v58 =	vld [tilespmem:s1+$0x108E0]  }
0x43c: {  	v59 =	vld [tilespmem:s1+$0x128E0];
	v2 =	vadd.f32 v3, v2  }
0x43d: {  	v3 =	vld [tilespmem:s1+$0x12820]  }
0x43e: {  	v4 =	vadd.f32 v5, v4;
	[tilespmem:s1+$0x148F0] =	vst.add.f32.msk $0xffff, v2  }
0x43f: {  	v6 =	vadd.f32 v7, v6;
	v2 =	vld [tilespmem:s1+$0x10830]  }
0x440: {  	v60 =	vadd.f32 v11, v10;
	[tilespmem:s1+$0x14800] =	vst.add.f32.msk $0xffff, v4  }
0x441: {  	v61 =	vadd.f32 v17, v16;
	[tilespmem:s1+$0x14810] =	vst.add.f32.msk $0xffff, v6  }
0x442: {  	v62 =	vadd.f32 v23, v22;
	[tilespmem:s1+$0x14840] =	vst.add.f32.msk $0xffff, v60  }
0x443: {  	v63 =	vadd.f32 v29, v28;
	[tilespmem:s1+$0x14870] =	vst.add.f32.msk $0xffff, v61  }
0x444: {  	[tilespmem:s1+$0x148A0] =	vst.add.f32.msk $0xffff, v62;
	v3 =	vadd.f32 v3, v8  }
0x445: {  	[tilespmem:s1+$0x148D0] =	vst.add.f32.msk $0xffff, v63;
	v2 =	vadd.f32 v9, v2  }
0x446: {  	[tilespmem:s1+$0x14820] =	vst.add.f32.msk $0xffff, v3;
	v3 =	vadd.f32 v13, v12  }
0x447: {  	[tilespmem:s1+$0x14830] =	vst.add.f32.msk $0xffff, v2;
	v2 =	vadd.f32 v15, v14  }
0x448: {  	[tilespmem:s1+$0x14850] =	vst.add.f32.msk $0xffff, v3;
	v3 =	vadd.f32 v19, v18  }
0x449: {  	[tilespmem:s1+$0x14860] =	vst.add.f32.msk $0xffff, v2;
	v2 =	vadd.f32 v21, v20  }
.Ltmp20:
0x44a: {  	[tilespmem:s1+$0x14880] =	vst.add.f32.msk $0xffff, v3;
	v3 =	vadd.f32 v25, v24;
	(pc) =	sbr.rel @!p0 .LBB2_48-.Ltmp20, $4  }
0x44b: {  	[tilespmem:s1+$0x14890] =	vst.add.f32.msk $0xffff, v2;
	v2 =	vadd.f32 v27, v26  }
0x44c: {  	[tilespmem:s1+$0x148B0] =	vst.add.f32.msk $0xffff, v3;
	v3 =	vadd.f32 v59, v58  }
0x44d: {  	[tilespmem:s1+$0x148C0] =	vst.add.f32.msk $0xffff, v2  }
0x44e: {  	[tilespmem:s1+$0x148E0] =	vst.add.f32.msk $0xffff, v3  }
0x44f: {  	[tilespmem:s22], [sflag:$0x2] =	stream.indirect.gather [hbm4b:s4+s20], $0x10, s20, s20, $0xb8;
	[tilespmem:$0x1A810] =	vst v63  }
0x450: {  	s1 =	simm.s32 $0x1000;
	s2 =	sadd.s32 $0x0, s12;
	s16 =	simm.s32 $0x6400  }
.LBB2_44:
0x451: {  	[tilespmem:s16], [sflag:$0x4] =	stream.linear.gather [hbm4b:s2+s3], $0x200, $0x38;
	[tilespmem:$0x1A810] =	vst v63  }
0x452: {  	s2 =	smov.u32 s1;
	p0 =	sne.s32 s1, $0x18000  }
.Ltmp21:
0x453: {  	s1 =	sadd.s32 $0x1000, s1;
	(pc) =	sbr.rel @p0 .LBB2_44-.Ltmp21, $3  }
0x454: {  	_ =	sdelay $0x1  }
0x455: {  	s16 =	sshra.s32 s2, $0x2  }
0x456: {  	s2 =	sadd.s32 s2, s12;
	s16 =	sadd.s32 $0x6400, s16  }
0x457: {  	[tilespmem:s16], [sflag:$0x4] =	stream.linear.gather [hbm4b:s2+s3], $0x200, $0x38;
	[tilespmem:$0x1A810] =	vst v63  }
0x458: {  	s1 =	simm.s32 $0x0  }
.LBB2_46:
0x459: {  	p0 =	seq.s32 s1, $0x18000  }
.Ltmp22:
0x45a: {  	_ = 	snop;
	(pc) =	sbr.rel @!p0 .LBB2_46-.Ltmp22, $4  }
0x45b: {  	_ = 	snop  }
0x45c: {  	s2 =	sshra.s32 s1, $0x2  }
0x45d: {  	s16 =	sadd.s32 s1, s13;
	s1 =	sadd.s32 $0x1000, s1;
	s2 =	sadd.s32 $0x6600, s2  }
0x45e: {  	[tilespmem:s2], [sflag:$0x4] =	stream.linear.gather [hbm4b:s16+s3], $0x200, $0x38;
	[tilespmem:$0x1A810] =	vst v63  }
.Ltmp23:
0x45f: {  	(pc) =	sbr.rel .LBB2_12-.Ltmp23, $2  }
0x460: {  	_ =	sdelay $0x2  }
0x461: {  	p0 =	por $0x0, $0x0  }
.LBB2_48:
0x462: {  	s2 =	simm.s32 $0x0  }
0x463: {  	v2 =	vld [tilespmem:s2+$0x18830]  }
0x464: {  	v3 =	vld [tilespmem:s2+$0x18800];
	_ =	sdelay $0x1  }
0x465: {  	v4 =	vld [tilespmem:s2+$0x18810]  }
0x466: {  	v10 =	vld [tilespmem:s2+$0x18820]  }
0x467: {  	v7 =	vld [tilespmem:s2+$0x14800];
	(erf) = vrcp.f32 v2  }
0x468: {  	v6 =	vld [tilespmem:s2+$0x14810];
	(erf) = vrcp.f32 v3  }
0x469: {  	s1 =	simm.s32 $0x40;
	v5 =	vld [tilespmem:s2+$0x14820]  }
0x46a: {  	v2 =	vld [tilespmem:s1+$0x18830];
	(erf) = vrcp.f32 v4  }
0x46b: {  	v11 =	vld [tilespmem:s1+$0x18800];
	(erf) = vrcp.f32 v10  }
0x46c: {  	v12 =	vld [tilespmem:s2+$0x14830]  }
0x46d: {  	v9 =	vld [tilespmem:s1+$0x18810]  }
0x46e: {  	v8 =	vld [tilespmem:s1+$0x18820]  }
0x46f: {  	v3 =	vld [tilespmem:s1+$0x14800];
	(erf) = vrcp.f32 v2  }
0x470: {  	v2 =	vld [tilespmem:s1+$0x14810];
	v10 =	vpop (erf);
	(erf) = vrcp.f32 v11  }
0x471: {  	s16 =	simm.s32 $0x80;
	s18 =	simm.s32 $0x300;
	v4 =	vld [tilespmem:s1+$0x14820];
	v10 =	vmul.f32 v10, v12;
	v11 =	vpop (erf)  }
.LBB2_49:
0x472: {  	p0 =	sne.s32 s18, $0x7F00;
	v12 =	vld [tilespmem:s16+$0x18830];
	(erf) = vrcp.f32 v9;
	v15 =	vmul.f32 v11, v7;
	s31 =	smov.u32 s1;
	s1 =	smov.u32 s16  }
0x473: {  	v11 =	vld [tilespmem:s1+$0x18800];
	(erf) = vrcp.f32 v8;
	v8 =	vadd.f32 v10, v1;
	v9 =	vpop (erf)  }
0x474: {  	v10 =	vld [tilespmem:s31+$0x14830];
	v13 =	vadd.f32 v15, v1;
	v14 =	vmul.f32 v9, v6;
	v6 =	vpop (erf);
	v7 =	vmov v3  }
.Ltmp24:
0x475: {  	v9 =	vld [tilespmem:s1+$0x18810];
	v15 =	vmul.f32 v6, v5;
	[tilespmem:s2+$0x16830] =	vst v8;
	v6 =	vmov v2;
	(pc) =	sbr.rel @p0 .LBB2_49-.Ltmp24, $4  }
0x476: {  	v8 =	vld [tilespmem:s1+$0x18820];
	[tilespmem:s2+$0x16800] =	vst v13;
	v13 =	vadd.f32 v14, v1;
	v5 =	vmov v4  }
0x477: {  	v3 =	vld [tilespmem:s1+$0x14800];
	(erf) = vrcp.f32 v12;
	v12 =	vadd.f32 v15, v1  }
0x478: {  	v2 =	vld [tilespmem:s1+$0x14810];
	(erf) = vrcp.f32 v11;
	v11 =	vpop (erf);
	[tilespmem:s2+$0x16810] =	vst v13  }
0x479: {  	s16 =	sshra.s32 s18, $0x2;
	s18 =	sadd.s32 $0x100, s18;
	v4 =	vld [tilespmem:s1+$0x14820];
	v10 =	vmul.f32 v11, v10;
	v11 =	vpop (erf);
	[tilespmem:s2+$0x16820] =	vst v12;
	s2 =	smov.u32 s31  }
0x47a: {  	v12 =	vld [tilespmem:s16+$0x18830]  }
0x47b: {  	v13 =	vld [tilespmem:s16+$0x18800];
	v10 =	vadd.f32 v10, v1  }
0x47c: {  	v46 =	vld [tilespmem:s1+$0x14830]  }
0x47d: {  	v7 =	vmul.f32 v11, v7;
	v14 =	vld [tilespmem:s16+$0x18810];
	[tilespmem:s2+$0x16830] =	vst v10  }
0x47e: {  	v47 =	vpop (erf);
	(erf) = vrcp.f32 v9;
	v48 =	vld [tilespmem:s16+$0x18820]  }
0x47f: {  	v7 =	vadd.f32 v7, v1;
	v6 =	vmul.f32 v47, v6;
	(erf) = vrcp.f32 v8;
	v49 =	vpop (erf)  }
0x480: {  	v5 =	vmul.f32 v49, v5;
	(erf) = vrcp.f32 v12  }
0x481: {  	[tilespmem:s2+$0x16800] =	vst v7;
	v6 =	vadd.f32 v6, v1;
	(erf) = vrcp.f32 v13  }
0x482: {  	v7 =	vld [tilespmem:s16+$0x14800];
	v5 =	vadd.f32 v5, v1;
	(erf) = vrcp.f32 v14  }
0x483: {  	v50 =	vld [tilespmem:s16+$0x14810];
	[tilespmem:s2+$0x16810] =	vst v6;
	(erf) = vrcp.f32 v48  }
0x484: {  	v6 =	vld [tilespmem:s16+$0x14820];
	[tilespmem:s2+$0x16820] =	vst v5  }
0x485: {  	v51 =	vpop (erf);
	v52 =	vld [tilespmem:s16+$0x14830]  }
0x486: {  	v53 =	vpop (erf);
	v5 =	vmul.f32 v51, v46  }
0x487: {  	v3 =	vmul.f32 v53, v3;
	v54 =	vpop (erf)  }
0x488: {  	v5 =	vadd.f32 v5, v1;
	v2 =	vmul.f32 v54, v2;
	v55 =	vpop (erf)  }
0x489: {  	v3 =	vadd.f32 v3, v1;
	v4 =	vmul.f32 v55, v4;
	v56 =	vpop (erf)  }
0x48a: {  	[tilespmem:s1+$0x16830] =	vst v5;
	v2 =	vadd.f32 v2, v1;
	v57 =	vmul.f32 v56, v52;
	v58 =	vpop (erf)  }
0x48b: {  	[tilespmem:s1+$0x16800] =	vst v3;
	v3 =	vadd.f32 v4, v1;
	v59 =	vmul.f32 v58, v7;
	v60 =	vpop (erf)  }
0x48c: {  	[tilespmem:s1+$0x16810] =	vst v2;
	v2 =	vadd.f32 v57, v1;
	v61 =	vmul.f32 v60, v50;
	v62 =	vpop (erf)  }
0x48d: {  	[tilespmem:s1+$0x16820] =	vst v3;
	v3 =	vadd.f32 v59, v1;
	v63 =	vmul.f32 v62, v6  }
0x48e: {  	[tilespmem:s16+$0x16830] =	vst v2;
	v2 =	vadd.f32 v61, v1  }
0x48f: {  	s0 =	sadd.s32 $0x1, s0;
	[tilespmem:s16+$0x16800] =	vst v3;
	v1 =	vadd.f32 v63, v1  }
0x490: {  	p0 =	sne.s32 s0, s15;
	[tilespmem:s16+$0x16810] =	vst v2  }
.Ltmp25:
0x491: {  	s31 =	simm.s32 $0x16800;
	[tilespmem:s16+$0x16820] =	vst v1;
	(pc) =	sbr.rel @p0 .LBB2_1-.Ltmp25, $4  }
0x492: {  	[hbm4b:s14+s3] =	stream.linear.scatter [tilespmem:s31], [sflag:$0x5], $0x2000, $0x38;
	[tilespmem:$0x1A810] =	vst v63  }
0x493: {  	_ =	swait.ge [sflag:s17], $0x2000  }
0x494: {  	[sflag:s17] =	ssyncset.done $0x0  }
0x495: {  	[sflag:s17] =	ssyncadd.s32 $0xFFFFE000  }
0x496: {  	_ =	sfence.sel $0x180000  }
0x497: {  	[bflag:$0x0] =	sbarrier.arrive $0xFFFF  }
0x498: {  	_ =	strace $0x90000047  }
0x499: {  	s0 =	stileid.u32;
	[bflag:$0x2] =	sbarrier.arrive $0xFFFF  }
0x49a: {  	p0 =	sne.s32 s0, $0x0;
	s0 =	rddreg [dreg:$0x3]  }
0x49b: {  	s0 =	sadd.s32 @!p0 $0x100000, s0  }
0x49c: {  	[sflag:s0] =	ssyncadd.tile.s32 @!p0 $0x1;
	_ =	shalt  }
.Lfunc_end2:
_tile_overlayer_lowered:
.L_overlay_start_2:
0x49d: {  	(tag) =	ssettag $0x2  }
0x49e: {  	s0 =	rddreg [dreg:$0x0];
	s2 =	stileid.u32  }
0x49f: {  	s1 =	rddreg [dreg:$0x1];
	p0 =	sne.s32 s2, $0x0  }
0x4a0: {  	s3 =	rddreg [dreg:$0x2];
	[bflag:$0x3] =	sbarrier.arrive $0xFFFF;
	s2 =	simm.s32 @!p0 $0x1C05  }
0x4a1: {  	[timem:s3], [sflag:s2] =	dma.local @!p0 [hbm:s0], s1  }
0x4a2: {  	s0 =	simm.s32 @!p0 $0x5  }
0x4a3: {  	_ =	swait.ge @!p0 [sflag:s0], s1  }
0x4a4: {  	s1 =	ssub.s32 @!p0 $0x0, s1;
	[sflag:s0] =	ssyncset.done @!p0 $0x0  }
0x4a5: {  	[sflag:s0] =	ssyncadd.s32 @!p0 s1  }
0x4a6: {  	[bflag:$0x3] =	sbarrier.arrive $0xFFFF  }
0x4a7: {  	_ =	shalt  }

</sc_bundles>
